<compile_context>
chip_gen: v7x
topology: tpu7x:2x2x1
jax: 0.10.2.dev20260603
libtpu: 0.0.44.dev20260713+nightly
codegen_flags: <defaults>
</compile_context>

<pallas_src>
import functools

import jax
import jax.numpy as jnp
from jax import lax
from jax.experimental import pallas as pl
from jax.experimental.pallas import tpu as pltpu
from jax.experimental.pallas import tpu_sc as plsc

_N = 10000
_E = 320000
_D = 128
_CH = 128
_NW = 32
_NCHUNK = _E // _CH
_CPW = 80
_EPAD_ROWS = _NW * _CPW
_ACC_ROWS = 10016
_ZOFF = 624
_ZWIN = 656
_NPH = 2
_CPP = _CPW // _NPH

_mesh = plsc.VectorSubcoreMesh(
    core_axis_name="c", subcore_axis_name="s", num_cores=2, num_subcores=16
)


_NBUF = 2


_UNROLL = 8


def _emit_pass(gather, vals_hbm, src_hbm, dst_hbm, out_hbm,
               src_v, dst_v, bufs, acc, sems, cid, sid, zero_wait=None):
    wid = cid * 16 + sid

    for p in range(_NPH):
        pbase = wid * _CPW + p * _CPP
        if gather:
            pltpu.sync_copy(src_hbm.at[pl.ds(pbase, _CPP)], src_v)
        pltpu.sync_copy(dst_hbm.at[pl.ds(pbase, _CPP)], dst_v)

        if p == 0 and zero_wait is not None:
            zero_wait()
            plsc.subcore_barrier()

        def _fire(j, b, pbase=pbase):
            if gather:
                pltpu.make_async_copy(
                    vals_hbm.at[src_v.at[j]], bufs[b], sems[b]).start()
            else:
                row0 = jnp.minimum(pbase + j, _NCHUNK - 1) * _CH
                pltpu.make_async_copy(
                    vals_hbm.at[pl.ds(row0, _CH)], bufs[b], sems[b]).start()

        def _wait(b):
            pltpu.make_async_copy(
                vals_hbm.at[pl.ds(0, _CH)], bufs[b], sems[b]).wait()

        for b in range(_NBUF):
            _fire(b, b)

        def body(jj, carry):
            for t in range(_UNROLL):
                j = jj * _UNROLL + t
                b = t % _NBUF
                _wait(b)
                pltpu.sync_copy(bufs[b], acc.at[dst_v.at[j]], add=True)

                @pl.when(j + _NBUF < _CPP)
                def _():
                    _fire(j + _NBUF, b)
            return carry

        lax.fori_loop(0, _CPP // _UNROLL, body, 0)

    plsc.subcore_barrier()
    pltpu.sync_copy(acc.at[pl.ds(sid * _ZOFF, _ZWIN)],
                    out_hbm.at[cid, pl.ds(sid * _ZOFF, _ZWIN)])


def _zero_acc_start(zeros_hbm, acc, sid, sems):
    plsc.subcore_barrier()
    cp = pltpu.make_async_copy(zeros_hbm.at[pl.ds(sid * _ZOFF, _ZWIN)],
                               acc.at[pl.ds(sid * _ZOFF, _ZWIN)], sems[0])
    cp.start()
    return cp.wait


_scratch = [
    pltpu.VMEM((_CPP, _CH), jnp.int32),
    pltpu.VMEM((_CPP, _CH), jnp.int32),
    [pltpu.VMEM((_CH, _D), jnp.float32) for _ in range(_NBUF)],
    pltpu.VMEM_SHARED((_ACC_ROWS, _D), jnp.float32),
    [pltpu.SemaphoreType.DMA for _ in range(_NBUF)],
]

_out_t = jax.ShapeDtypeStruct((2, _ACC_ROWS, _D), jnp.float32)


@functools.partial(pl.kernel, out_type=(_out_t, _out_t), mesh=_mesh,
                   scratch_types=_scratch)
def _sc_layer0(ea_hbm, x_hbm, src_hbm, dst_hbm, zeros_hbm, ae_out, y0_out,
               src_v, dst_v, bufs, acc, sems):
    cid = lax.axis_index("c")
    sid = lax.axis_index("s")
    zw = _zero_acc_start(zeros_hbm, acc, sid, sems)
    _emit_pass(False, ea_hbm, src_hbm, dst_hbm, ae_out,
               src_v, dst_v, bufs, acc, sems, cid, sid, zero_wait=zw)
    zw = _zero_acc_start(zeros_hbm, acc, sid, sems)
    _emit_pass(True, x_hbm, src_hbm, dst_hbm, y0_out,
               src_v, dst_v, bufs, acc, sems, cid, sid, zero_wait=zw)


@functools.partial(pl.kernel, out_type=_out_t, mesh=_mesh,
                   scratch_types=_scratch)
def _sc_gather_scatter(vals_hbm, src_hbm, dst_hbm, zeros_hbm, out_hbm,
                       src_v, dst_v, bufs, acc, sems):
    cid = lax.axis_index("c")
    sid = lax.axis_index("s")
    zw = _zero_acc_start(zeros_hbm, acc, sid, sems)
    _emit_pass(True, vals_hbm, src_hbm, dst_hbm, out_hbm,
               src_v, dst_v, bufs, acc, sems, cid, sid, zero_wait=zw)


def _mlp_body(ae_ref, y_ref, h_ref, w1a_ref, w1b_ref, w2_ref, b1_ref, b2_ref,
              o_ref, *, relu_out):
    ae = ae_ref[0] + ae_ref[1]
    y = y_ref[0] + y_ref[1] + h_ref[...]
    hid = (jnp.dot(ae, w1a_ref[...], preferred_element_type=jnp.float32)
           + jnp.dot(y, w1b_ref[...], preferred_element_type=jnp.float32)
           + b1_ref[...])
    hid = jnp.maximum(hid, 0.0)
    out = jnp.dot(hid, w2_ref[...], preferred_element_type=jnp.float32) + b2_ref[...]
    if relu_out:
        out = jnp.maximum(out, 0.0)
    o_ref[...] = out


def _mlp(ae2, y2, h, W1, b1, W2, b2, relu_out):
    B = 2000
    W1a = W1[:_D]
    W1b = W1[_D:]
    b1e = (b1 + W1[_D - 1]).reshape(1, 2 * _D)
    b2r = b2.reshape(1, _D)
    return pl.pallas_call(
        functools.partial(_mlp_body, relu_out=relu_out),
        grid=(_N // B,),
        in_specs=[
            pl.BlockSpec((2, B, _D), lambda i: (0, i, 0)),
            pl.BlockSpec((2, B, _D), lambda i: (0, i, 0)),
            pl.BlockSpec((B, _D), lambda i: (i, 0)),
            pl.BlockSpec((_D, 2 * _D), lambda i: (0, 0)),
            pl.BlockSpec((_D, 2 * _D), lambda i: (0, 0)),
            pl.BlockSpec((2 * _D, _D), lambda i: (0, 0)),
            pl.BlockSpec((1, 2 * _D), lambda i: (0, 0)),
            pl.BlockSpec((1, _D), lambda i: (0, 0)),
        ],
        out_specs=pl.BlockSpec((B, _D), lambda i: (i, 0)),
        out_shape=jax.ShapeDtypeStruct((_N, _D), jnp.float32),
    )(ae2, y2, h, W1a, W1b, W2, b1e, b2r)


def kernel(x, edge_index, edge_attr,
           W1_0, b1_0, W2_0, b2_0,
           W1_1, b1_1, W2_1, b2_1):
    src = edge_index[0]
    dst = edge_index[1]
    npad = _EPAD_ROWS * _CH - _E
    pad_src = jnp.arange(npad, dtype=jnp.int32) % _N
    srcP = jnp.concatenate([src, pad_src]).reshape(_EPAD_ROWS, _CH)
    dstP = jnp.concatenate([dst, jnp.full((npad,), _N, jnp.int32)]).reshape(_EPAD_ROWS, _CH)
    zeros_nd = jnp.zeros((_ACC_ROWS, _D), jnp.float32)

    ae2, y0 = _sc_layer0(edge_attr, x, srcP, dstP, zeros_nd)
    h1 = _mlp(ae2, y0, x, W1_0, b1_0, W2_0, b2_0, relu_out=True)
    y1 = _sc_gather_scatter(h1, srcP, dstP, zeros_nd)
    h2 = _mlp(ae2, y1, h1, W1_1, b1_1, W2_1, b2_1, relu_out=False)
    return h2

# --- scband reference (transcript-rebuilt; emitter-appended) ---
"""Pipeline reference for scband-gnn-85787676770949 (READ-ONLY COPY).

The authoritative reference and input builder live on the scoring server;
editing this copy changes nothing except your own understanding.
"""

import jax, jax.numpy as jnp
import numpy as np

N = 10000
E = 320000
NODE_DIM = 128
EDGE_DIM = 128
EMB_DIM = 128
GRAPH_WIDTH = 128
NUM_LAYER = 2


def setup_inputs(seed: int = 0) -> dict:
    key = jax.random.key(seed)
    ks = jax.random.split(key, 16)
    x = jax.random.normal(ks[0], (N, NODE_DIM), dtype=jnp.float32)
    edge_index = jax.random.randint(ks[1], (2, E), 0, N, dtype=jnp.int32)
    edge_attr = jax.random.normal(ks[2], (E, EDGE_DIM), dtype=jnp.float32)
    inp = {"x": x, "edge_index": edge_index, "edge_attr": edge_attr}
    # MLP params per layer: Linear(2*node_dim -> 2*emb_dim), ReLU, Dropout(eval=identity), Linear(2*emb_dim -> graph_width)
    for layer in range(NUM_LAYER):
        k = jax.random.split(ks[3 + layer], 4)
        inp[f"W1_{layer}"] = jax.random.normal(k[0], (2 * NODE_DIM, 2 * EMB_DIM), dtype=jnp.float32) * 0.02
        inp[f"b1_{layer}"] = jnp.zeros((2 * EMB_DIM,), dtype=jnp.float32)
        inp[f"W2_{layer}"] = jax.random.normal(k[1], (2 * EMB_DIM, GRAPH_WIDTH), dtype=jnp.float32) * 0.02
        inp[f"b2_{layer}"] = jnp.zeros((GRAPH_WIDTH,), dtype=jnp.float32)
    return inp


def _gin_conv(h, edge_index, edge_attr, W1, b1, W2, b2):
    n = h.shape[0]
    loop = jnp.arange(n, dtype=edge_index.dtype)
    ei = jnp.concatenate([edge_index, jnp.stack([loop, loop], axis=0)], axis=1)
    self_loop_attr = jnp.zeros((n, EDGE_DIM), dtype=h.dtype).at[:, EDGE_DIM - 1].set(1.0)
    ea = jnp.concatenate([edge_attr, self_loop_attr], axis=0)
    src = ei[0]
    dst = ei[1]
    # message: concat([edge_attr, x_j]) where x_j = x[src]
    msg = jnp.concatenate([ea, h[src]], axis=1)
    # aggr='add': scatter-add messages at dst nodes
    aggr = jax.ops.segment_sum(msg, dst, num_segments=n)
    # update: MLP (dropout is identity at inference)
    hidden = jnp.maximum(aggr @ W1 + b1, 0.0)
    return hidden @ W2 + b2


def reference(x, edge_index, edge_attr,
              W1_0, b1_0, W2_0, b2_0,
              W1_1, b1_1, W2_1, b2_1):
    params = [(W1_0, b1_0, W2_0, b2_0), (W1_1, b1_1, W2_1, b2_1)]
    h = x
    for layer in range(NUM_LAYER):
        W1, b1, W2, b2 = params[layer]
        h = _gin_conv(h, edge_index, edge_attr, W1, b1, W2, b2)
        if layer != NUM_LAYER - 1:
            h = jnp.maximum(h, 0.0)
        # F.dropout with drop_ratio=0 -> identity
    # JK == 'last'
    return h

if __name__ == "__main__":
    import jax
    _d = setup_inputs()
    print(jax.jit(kernel)(*tuple(_d.values())))

</pallas_src>

<mosaic_0001>
#map = affine_map<(d0, d1) -> (0, 0)>
#map1 = affine_map<(d0, d1) -> (0, 0, 0)>
module attributes {stable_mosaic.version = 14 : i64} {
  func.func @_sc_gather_scatter(%arg0: i32, %arg1: i32, %arg2: memref<10000x128xf32, #tpu.memory_space<hbm>>, %arg3: memref<2560x128xi32, #tpu.memory_space<hbm>>, %arg4: memref<2560x128xi32, #tpu.memory_space<hbm>>, %arg5: memref<10016x128xf32, #tpu.memory_space<hbm>>, %arg6: memref<2x10016x128xf32, #tpu.memory_space<hbm>>, %arg7: memref<40x128xi32, #tpu.memory_space<vmem>>, %arg8: memref<40x128xi32, #tpu.memory_space<vmem>>, %arg9: memref<128x128xf32, #tpu.memory_space<vmem>>, %arg10: memref<128x128xf32, #tpu.memory_space<vmem>>, %arg11: memref<10016x128xf32, #tpu.memory_space<vmem_shared>>, %arg12: memref<!tpu.dma_semaphore, #tpu.memory_space<semaphore_mem>>, %arg13: memref<!tpu.dma_semaphore, #tpu.memory_space<semaphore_mem>>) attributes {dimension_semantics = [#tpu.dimension_semantics<core_parallel>, #tpu.dimension_semantics<subcore_parallel>], iteration_bounds = array<i64: 2, 16>, scalar_prefetch = 0 : i64, scratch_operands = 7 : i64, tpu.core_type = #tpu.core_type<sc_vector_subcore>, window_params = [{transform_indices = #map}, {transform_indices = #map}, {transform_indices = #map}, {transform_indices = #map}, {transform_indices = #map1}]} {
    %barrier3A = arith.constant 0 : index
    tpu.barrier barrier_id(%barrier3A)
    %mul3A = arith.constant 624 : i32
    %mul3A_0 = arith.muli %arg1, %mul3A : i32
    %mul3A_1 = arith.constant 624 : i32
    %mul3A_2 = arith.muli %arg1, %mul3A_1 : i32
    %dma_start3A = arith.constant 0 : i32
    %dma_start3A_3 = tpu.memref_slice %arg11[%mul3A_2, %dma_start3A] : memref<10016x128xf32, #tpu.memory_space<vmem_shared>> -> memref<656x128xf32, #tpu.memory_space<vmem_shared>>
    %dma_start3A_4 = arith.constant 0 : i32
    %dma_start3A_5 = tpu.memref_slice %arg5[%mul3A_0, %dma_start3A_4] : memref<10016x128xf32, #tpu.memory_space<hbm>> -> memref<656x128xf32, #tpu.memory_space<hbm>>
    tpu.enqueue_dma source(%dma_start3A_5 : memref<656x128xf32, #tpu.memory_space<hbm>>) target(%dma_start3A_3 : memref<656x128xf32, #tpu.memory_space<vmem_shared>>) target_semaphore(%arg12 : memref<!tpu.dma_semaphore, #tpu.memory_space<semaphore_mem>>)
    %mul3A_6 = arith.constant 16 : i32
    %mul3A_7 = arith.muli %arg0, %mul3A_6 : i32
    %add3A = arith.addi %mul3A_7, %arg1 : i32
    %mul3A_8 = arith.constant 80 : i32
    %mul3A_9 = arith.muli %add3A, %mul3A_8 : i32
    %add3A_10 = arith.constant 0 : i32
    %add3A_11 = arith.addi %mul3A_9, %add3A_10 : i32
    "tpu.region"() ({
      %run_scoped3A = tpu.sem_alloc : memref<!tpu.dma_semaphore, #tpu.memory_space<semaphore_mem>>
      %dma_start3A_64 = arith.constant 0 : i32
      %dma_start3A_65 = tpu.memref_slice %arg3[%add3A_11, %dma_start3A_64] : memref<2560x128xi32, #tpu.memory_space<hbm>> -> memref<40x128xi32, #tpu.memory_space<hbm>>
      %dma_start3A_66 = arith.constant 0 : i32
      %dma_start3A_67 = tpu.memref_slice %arg3[%add3A_11, %dma_start3A_66] : memref<2560x128xi32, #tpu.memory_space<hbm>> -> memref<40x128xi32, #tpu.memory_space<hbm>>
      tpu.enqueue_dma source(%dma_start3A_67 : memref<40x128xi32, #tpu.memory_space<hbm>>) target(%arg7 : memref<40x128xi32, #tpu.memory_space<vmem>>) target_semaphore(%run_scoped3A : memref<!tpu.dma_semaphore, #tpu.memory_space<semaphore_mem>>)
      %dma_wait3A_68 = arith.constant 0 : i32
      %dma_wait3A_69 = tpu.memref_slice %arg3[%add3A_11, %dma_wait3A_68] : memref<2560x128xi32, #tpu.memory_space<hbm>> -> memref<40x128xi32, #tpu.memory_space<hbm>>
      %dma_wait3A_70 = arith.constant 0 : i32
      %dma_wait3A_71 = tpu.memref_slice %arg3[%add3A_11, %dma_wait3A_70] : memref<2560x128xi32, #tpu.memory_space<hbm>> -> memref<40x128xi32, #tpu.memory_space<hbm>>
      tpu.wait_dma2 semaphore(%run_scoped3A : memref<!tpu.dma_semaphore, #tpu.memory_space<semaphore_mem>>) src(%dma_wait3A_71 : memref<40x128xi32, #tpu.memory_space<hbm>>) dst(%arg7 : memref<40x128xi32, #tpu.memory_space<vmem>>)
      tpu.yield
    }) : () -> ()
    "tpu.region"() ({
      %run_scoped3A = tpu.sem_alloc : memref<!tpu.dma_semaphore, #tpu.memory_space<semaphore_mem>>
      %dma_start3A_64 = arith.constant 0 : i32
      %dma_start3A_65 = tpu.memref_slice %arg4[%add3A_11, %dma_start3A_64] : memref<2560x128xi32, #tpu.memory_space<hbm>> -> memref<40x128xi32, #tpu.memory_space<hbm>>
      %dma_start3A_66 = arith.constant 0 : i32
      %dma_start3A_67 = tpu.memref_slice %arg4[%add3A_11, %dma_start3A_66] : memref<2560x128xi32, #tpu.memory_space<hbm>> -> memref<40x128xi32, #tpu.memory_space<hbm>>
      tpu.enqueue_dma source(%dma_start3A_67 : memref<40x128xi32, #tpu.memory_space<hbm>>) target(%arg8 : memref<40x128xi32, #tpu.memory_space<vmem>>) target_semaphore(%run_scoped3A : memref<!tpu.dma_semaphore, #tpu.memory_space<semaphore_mem>>)
      %dma_wait3A_68 = arith.constant 0 : i32
      %dma_wait3A_69 = tpu.memref_slice %arg4[%add3A_11, %dma_wait3A_68] : memref<2560x128xi32, #tpu.memory_space<hbm>> -> memref<40x128xi32, #tpu.memory_space<hbm>>
      %dma_wait3A_70 = arith.constant 0 : i32
      %dma_wait3A_71 = tpu.memref_slice %arg4[%add3A_11, %dma_wait3A_70] : memref<2560x128xi32, #tpu.memory_space<hbm>> -> memref<40x128xi32, #tpu.memory_space<hbm>>
      tpu.wait_dma2 semaphore(%run_scoped3A : memref<!tpu.dma_semaphore, #tpu.memory_space<semaphore_mem>>) src(%dma_wait3A_71 : memref<40x128xi32, #tpu.memory_space<hbm>>) dst(%arg8 : memref<40x128xi32, #tpu.memory_space<vmem>>)
      tpu.yield
    }) : () -> ()
    %dma_wait3A = arith.constant 0 : i32
    %dma_wait3A_12 = tpu.memref_slice %arg11[%mul3A_2, %dma_wait3A] : memref<10016x128xf32, #tpu.memory_space<vmem_shared>> -> memref<656x128xf32, #tpu.memory_space<vmem_shared>>
    %dma_wait3A_13 = arith.constant 0 : i32
    %dma_wait3A_14 = tpu.memref_slice %arg5[%mul3A_0, %dma_wait3A_13] : memref<10016x128xf32, #tpu.memory_space<hbm>> -> memref<656x128xf32, #tpu.memory_space<hbm>>
    tpu.wait_dma2 semaphore(%arg12 : memref<!tpu.dma_semaphore, #tpu.memory_space<semaphore_mem>>) src(%dma_wait3A_14 : memref<656x128xf32, #tpu.memory_space<hbm>>) dst(%dma_wait3A_12 : memref<656x128xf32, #tpu.memory_space<vmem_shared>>)
    %barrier3A_15 = arith.constant 0 : index
    tpu.barrier barrier_id(%barrier3A_15)
    %dma_start3A_16 = arith.constant 0 : i32
    %dma_start3A_17 = arith.constant 0 : i32
    %dma_start3A_18 = tpu.memref_slice %arg7[%dma_start3A_16, %dma_start3A_17] : memref<40x128xi32, #tpu.memory_space<vmem>> -> memref<1x128xi32, #tpu.memory_space<vmem>>
    %dma_start3A_19 = tpu.memref_squeeze %dma_start3A_18 : memref<1x128xi32, #tpu.memory_space<vmem>> -> memref<128xi32, #tpu.memory_space<vmem>>
    %dma_start3A_20 = arith.constant 0 : i32
    %dma_start3A_21 = arith.constant 0 : i32
    %dma_start3A_22 = tpu.memref_slice %arg2[%dma_start3A_20, %dma_start3A_21] : memref<10000x128xf32, #tpu.memory_space<hbm>> -> memref<10000x128xf32, #tpu.memory_space<hbm>>
    tpu.enqueue_indirect_dma source(%dma_start3A_22 : memref<10000x128xf32, #tpu.memory_space<hbm>>) target(%arg9 : memref<128x128xf32, #tpu.memory_space<vmem>>) offsets(%dma_start3A_19 : memref<128xi32, #tpu.memory_space<vmem>>) semaphore(%arg12 : memref<!tpu.dma_semaphore, #tpu.memory_space<semaphore_mem>>)
    %dma_start3A_23 = arith.constant 1 : i32
    %dma_start3A_24 = arith.constant 0 : i32
    %dma_start3A_25 = tpu.memref_slice %arg7[%dma_start3A_23, %dma_start3A_24] : memref<40x128xi32, #tpu.memory_space<vmem>> -> memref<1x128xi32, #tpu.memory_space<vmem>>
    %dma_start3A_26 = tpu.memref_squeeze %dma_start3A_25 : memref<1x128xi32, #tpu.memory_space<vmem>> -> memref<128xi32, #tpu.memory_space<vmem>>
    %dma_start3A_27 = arith.constant 0 : i32
    %dma_start3A_28 = arith.constant 0 : i32
    %dma_start3A_29 = tpu.memref_slice %arg2[%dma_start3A_27, %dma_start3A_28] : memref<10000x128xf32, #tpu.memory_space<hbm>> -> memref<10000x128xf32, #tpu.memory_space<hbm>>
    tpu.enqueue_indirect_dma source(%dma_start3A_29 : memref<10000x128xf32, #tpu.memory_space<hbm>>) target(%arg10 : memref<128x128xf32, #tpu.memory_space<vmem>>) offsets(%dma_start3A_26 : memref<128xi32, #tpu.memory_space<vmem>>) semaphore(%arg13 : memref<!tpu.dma_semaphore, #tpu.memory_space<semaphore_mem>>)
    %scan3A = arith.constant 0 : i32
    %scan3A_30 = arith.constant 0 : i32
    %scan3A_31 = arith.constant 5 : i32
    %scan3A_32 = arith.addi %scan3A_30, %scan3A_31 : i32
    %scan3A_33 = arith.constant 1 : i32
    scf.for %scan3A_64 = %scan3A_30 to %scan3A_32 step %scan3A_33  : i32 {
      %mul3A_65 = arith.constant 8 : i32
      %mul3A_66 = arith.muli %scan3A_64, %mul3A_65 : i32
      %add3A_67 = arith.constant 0 : i32
      %add3A_68 = arith.addi %mul3A_66, %add3A_67 : i32
      %dma_wait3A_69 = arith.constant 0 : i32
      %dma_wait3A_70 = arith.constant 0 : i32
      %dma_wait3A_71 = tpu.memref_slice %arg2[%dma_wait3A_69, %dma_wait3A_70] : memref<10000x128xf32, #tpu.memory_space<hbm>> -> memref<128x128xf32, #tpu.memory_space<hbm>>
      %dma_wait3A_72 = arith.constant 0 : i32
      %dma_wait3A_73 = arith.constant 0 : i32
      %dma_wait3A_74 = tpu.memref_slice %arg2[%dma_wait3A_72, %dma_wait3A_73] : memref<10000x128xf32, #tpu.memory_space<hbm>> -> memref<128x128xf32, #tpu.memory_space<hbm>>
      tpu.wait_dma2 semaphore(%arg12 : memref<!tpu.dma_semaphore, #tpu.memory_space<semaphore_mem>>) src(%dma_wait3A_74 : memref<128x128xf32, #tpu.memory_space<hbm>>) dst(%arg9 : memref<128x128xf32, #tpu.memory_space<vmem>>)
      "tpu.region"() ({
        %run_scoped3A = tpu.sem_alloc : memref<!tpu.dma_semaphore, #tpu.memory_space<semaphore_mem>>
        %dma_start3A_198 = arith.constant 0 : i32
        %dma_start3A_199 = tpu.memref_slice %arg8[%add3A_68, %dma_start3A_198] : memref<40x128xi32, #tpu.memory_space<vmem>> -> memref<1x128xi32, #tpu.memory_space<vmem>>
        %dma_start3A_200 = tpu.memref_squeeze %dma_start3A_199 : memref<1x128xi32, #tpu.memory_space<vmem>> -> memref<128xi32, #tpu.memory_space<vmem>>
        %dma_start3A_201 = arith.constant 0 : i32
        %dma_start3A_202 = arith.constant 0 : i32
        %dma_start3A_203 = tpu.memref_slice %arg11[%dma_start3A_201, %dma_start3A_202] : memref<10016x128xf32, #tpu.memory_space<vmem_shared>> -> memref<10016x128xf32, #tpu.memory_space<vmem_shared>>
        tpu.enqueue_indirect_dma source(%arg9 : memref<128x128xf32, #tpu.memory_space<vmem>>) target(%dma_start3A_203 : memref<10016x128xf32, #tpu.memory_space<vmem_shared>>) offsets(%dma_start3A_200 : memref<128xi32, #tpu.memory_space<vmem>>) semaphore(%run_scoped3A : memref<!tpu.dma_semaphore, #tpu.memory_space<semaphore_mem>>) {add = true}
        %dma_wait3A_204 = arith.constant 0 : i32
        %dma_wait3A_205 = tpu.memref_slice %arg8[%add3A_68, %dma_wait3A_204] : memref<40x128xi32, #tpu.memory_space<vmem>> -> memref<1x128xi32, #tpu.memory_space<vmem>>
        %dma_wait3A_206 = tpu.memref_squeeze %dma_wait3A_205 : memref<1x128xi32, #tpu.memory_space<vmem>> -> memref<128xi32, #tpu.memory_space<vmem>>
        %dma_wait3A_207 = arith.constant 0 : i32
        %dma_wait3A_208 = arith.constant 0 : i32
        %dma_wait3A_209 = tpu.memref_slice %arg11[%dma_wait3A_207, %dma_wait3A_208] : memref<10016x128xf32, #tpu.memory_space<vmem_shared>> -> memref<10016x128xf32, #tpu.memory_space<vmem_shared>>
        tpu.wait_indirect_dma semaphore(%run_scoped3A : memref<!tpu.dma_semaphore, #tpu.memory_space<semaphore_mem>>) src(%arg9 : memref<128x128xf32, #tpu.memory_space<vmem>>) dst(%dma_wait3A_209 : memref<10016x128xf32, #tpu.memory_space<vmem_shared>>)
        tpu.yield
      }) : () -> ()
      %add3A_75 = arith.constant 2 : i32
      %add3A_76 = arith.addi %add3A_68, %add3A_75 : i32
      %lt3A = arith.constant 40 : i32
      %lt3A_77 = arith.cmpi slt, %add3A_76, %lt3A : i32
      %convert_element_type3A = arith.extui %lt3A_77 : i1 to i32
      %cond3A = arith.constant 0 : i32
      %cond3A_78 = arith.cmpi ne, %convert_element_type3A, %cond3A : i32
      scf.if %cond3A_78 {
        %add3A_198 = arith.constant 2 : i32
        %add3A_199 = arith.addi %add3A_68, %add3A_198 : i32
        %dma_start3A_200 = arith.constant 0 : i32
        %dma_start3A_201 = tpu.memref_slice %arg7[%add3A_199, %dma_start3A_200] : memref<40x128xi32, #tpu.memory_space<vmem>> -> memref<1x128xi32, #tpu.memory_space<vmem>>
        %dma_start3A_202 = tpu.memref_squeeze %dma_start3A_201 : memref<1x128xi32, #tpu.memory_space<vmem>> -> memref<128xi32, #tpu.memory_space<vmem>>
        %dma_start3A_203 = arith.constant 0 : i32
        %dma_start3A_204 = arith.constant 0 : i32
        %dma_start3A_205 = tpu.memref_slice %arg2[%dma_start3A_203, %dma_start3A_204] : memref<10000x128xf32, #tpu.memory_space<hbm>> -> memref<10000x128xf32, #tpu.memory_space<hbm>>
        tpu.enqueue_indirect_dma source(%dma_start3A_205 : memref<10000x128xf32, #tpu.memory_space<hbm>>) target(%arg9 : memref<128x128xf32, #tpu.memory_space<vmem>>) offsets(%dma_start3A_202 : memref<128xi32, #tpu.memory_space<vmem>>) semaphore(%arg12 : memref<!tpu.dma_semaphore, #tpu.memory_space<semaphore_mem>>)
      } else {
      }
      %mul3A_79 = arith.constant 8 : i32
      %mul3A_80 = arith.muli %scan3A_64, %mul3A_79 : i32
      %add3A_81 = arith.constant 1 : i32
      %add3A_82 = arith.addi %mul3A_80, %add3A_81 : i32
      %dma_wait3A_83 = arith.constant 0 : i32
      %dma_wait3A_84 = arith.constant 0 : i32
      %dma_wait3A_85 = tpu.memref_slice %arg2[%dma_wait3A_83, %dma_wait3A_84] : memref<10000x128xf32, #tpu.memory_space<hbm>> -> memref<128x128xf32, #tpu.memory_space<hbm>>
      %dma_wait3A_86 = arith.constant 0 : i32
      %dma_wait3A_87 = arith.constant 0 : i32
      %dma_wait3A_88 = tpu.memref_slice %arg2[%dma_wait3A_86, %dma_wait3A_87] : memref<10000x128xf32, #tpu.memory_space<hbm>> -> memref<128x128xf32, #tpu.memory_space<hbm>>
      tpu.wait_dma2 semaphore(%arg13 : memref<!tpu.dma_semaphore, #tpu.memory_space<semaphore_mem>>) src(%dma_wait3A_88 : memref<128x128xf32, #tpu.memory_space<hbm>>) dst(%arg10 : memref<128x128xf32, #tpu.memory_space<vmem>>)
      "tpu.region"() ({
        %run_scoped3A = tpu.sem_alloc : memref<!tpu.dma_semaphore, #tpu.memory_space<semaphore_mem>>
        %dma_start3A_198 = arith.constant 0 : i32
        %dma_start3A_199 = tpu.memref_slice %arg8[%add3A_82, %dma_start3A_198] : memref<40x128xi32, #tpu.memory_space<vmem>> -> memref<1x128xi32, #tpu.memory_space<vmem>>
        %dma_start3A_200 = tpu.memref_squeeze %dma_start3A_199 : memref<1x128xi32, #tpu.memory_space<vmem>> -> memref<128xi32, #tpu.memory_space<vmem>>
        %dma_start3A_201 = arith.constant 0 : i32
        %dma_start3A_202 = arith.constant 0 : i32
        %dma_start3A_203 = tpu.memref_slice %arg11[%dma_start3A_201, %dma_start3A_202] : memref<10016x128xf32, #tpu.memory_space<vmem_shared>> -> memref<10016x128xf32, #tpu.memory_space<vmem_shared>>
        tpu.enqueue_indirect_dma source(%arg10 : memref<128x128xf32, #tpu.memory_space<vmem>>) target(%dma_start3A_203 : memref<10016x128xf32, #tpu.memory_space<vmem_shared>>) offsets(%dma_start3A_200 : memref<128xi32, #tpu.memory_space<vmem>>) semaphore(%run_scoped3A : memref<!tpu.dma_semaphore, #tpu.memory_space<semaphore_mem>>) {add = true}
        %dma_wait3A_204 = arith.constant 0 : i32
        %dma_wait3A_205 = tpu.memref_slice %arg8[%add3A_82, %dma_wait3A_204] : memref<40x128xi32, #tpu.memory_space<vmem>> -> memref<1x128xi32, #tpu.memory_space<vmem>>
        %dma_wait3A_206 = tpu.memref_squeeze %dma_wait3A_205 : memref<1x128xi32, #tpu.memory_space<vmem>> -> memref<128xi32, #tpu.memory_space<vmem>>
        %dma_wait3A_207 = arith.constant 0 : i32
        %dma_wait3A_208 = arith.constant 0 : i32
        %dma_wait3A_209 = tpu.memref_slice %arg11[%dma_wait3A_207, %dma_wait3A_208] : memref<10016x128xf32, #tpu.memory_space<vmem_shared>> -> memref<10016x128xf32, #tpu.memory_space<vmem_shared>>
        tpu.wait_indirect_dma semaphore(%run_scoped3A : memref<!tpu.dma_semaphore, #tpu.memory_space<semaphore_mem>>) src(%arg10 : memref<128x128xf32, #tpu.memory_space<vmem>>) dst(%dma_wait3A_209 : memref<10016x128xf32, #tpu.memory_space<vmem_shared>>)
        tpu.yield
      }) : () -> ()
      %add3A_89 = arith.constant 2 : i32
      %add3A_90 = arith.addi %add3A_82, %add3A_89 : i32
      %lt3A_91 = arith.constant 40 : i32
      %lt3A_92 = arith.cmpi slt, %add3A_90, %lt3A_91 : i32
      %convert_element_type3A_93 = arith.extui %lt3A_92 : i1 to i32
      %cond3A_94 = arith.constant 0 : i32
      %cond3A_95 = arith.cmpi ne, %convert_element_type3A_93, %cond3A_94 : i32
      scf.if %cond3A_95 {
        %add3A_198 = arith.constant 2 : i32
        %add3A_199 = arith.addi %add3A_82, %add3A_198 : i32
        %dma_start3A_200 = arith.constant 0 : i32
        %dma_start3A_201 = tpu.memref_slice %arg7[%add3A_199, %dma_start3A_200] : memref<40x128xi32, #tpu.memory_space<vmem>> -> memref<1x128xi32, #tpu.memory_space<vmem>>
        %dma_start3A_202 = tpu.memref_squeeze %dma_start3A_201 : memref<1x128xi32, #tpu.memory_space<vmem>> -> memref<128xi32, #tpu.memory_space<vmem>>
        %dma_start3A_203 = arith.constant 0 : i32
        %dma_start3A_204 = arith.constant 0 : i32
        %dma_start3A_205 = tpu.memref_slice %arg2[%dma_start3A_203, %dma_start3A_204] : memref<10000x128xf32, #tpu.memory_space<hbm>> -> memref<10000x128xf32, #tpu.memory_space<hbm>>
        tpu.enqueue_indirect_dma source(%dma_start3A_205 : memref<10000x128xf32, #tpu.memory_space<hbm>>) target(%arg10 : memref<128x128xf32, #tpu.memory_space<vmem>>) offsets(%dma_start3A_202 : memref<128xi32, #tpu.memory_space<vmem>>) semaphore(%arg13 : memref<!tpu.dma_semaphore, #tpu.memory_space<semaphore_mem>>)
      } else {
      }
      %mul3A_96 = arith.constant 8 : i32
      %mul3A_97 = arith.muli %scan3A_64, %mul3A_96 : i32
      %add3A_98 = arith.constant 2 : i32
      %add3A_99 = arith.addi %mul3A_97, %add3A_98 : i32
      %dma_wait3A_100 = arith.constant 0 : i32
      %dma_wait3A_101 = arith.constant 0 : i32
      %dma_wait3A_102 = tpu.memref_slice %arg2[%dma_wait3A_100, %dma_wait3A_101] : memref<10000x128xf32, #tpu.memory_space<hbm>> -> memref<128x128xf32, #tpu.memory_space<hbm>>
      %dma_wait3A_103 = arith.constant 0 : i32
      %dma_wait3A_104 = arith.constant 0 : i32
      %dma_wait3A_105 = tpu.memref_slice %arg2[%dma_wait3A_103, %dma_wait3A_104] : memref<10000x128xf32, #tpu.memory_space<hbm>> -> memref<128x128xf32, #tpu.memory_space<hbm>>
      tpu.wait_dma2 semaphore(%arg12 : memref<!tpu.dma_semaphore, #tpu.memory_space<semaphore_mem>>) src(%dma_wait3A_105 : memref<128x128xf32, #tpu.memory_space<hbm>>) dst(%arg9 : memref<128x128xf32, #tpu.memory_space<vmem>>)
      "tpu.region"() ({
        %run_scoped3A = tpu.sem_alloc : memref<!tpu.dma_semaphore, #tpu.memory_space<semaphore_mem>>
        %dma_start3A_198 = arith.constant 0 : i32
        %dma_start3A_199 = tpu.memref_slice %arg8[%add3A_99, %dma_start3A_198] : memref<40x128xi32, #tpu.memory_space<vmem>> -> memref<1x128xi32, #tpu.memory_space<vmem>>
        %dma_start3A_200 = tpu.memref_squeeze %dma_start3A_199 : memref<1x128xi32, #tpu.memory_space<vmem>> -> memref<128xi32, #tpu.memory_space<vmem>>
        %dma_start3A_201 = arith.constant 0 : i32
        %dma_start3A_202 = arith.constant 0 : i32
        %dma_start3A_203 = tpu.memref_slice %arg11[%dma_start3A_201, %dma_start3A_202] : memref<10016x128xf32, #tpu.memory_space<vmem_shared>> -> memref<10016x128xf32, #tpu.memory_space<vmem_shared>>
        tpu.enqueue_indirect_dma source(%arg9 : memref<128x128xf32, #tpu.memory_space<vmem>>) target(%dma_start3A_203 : memref<10016x128xf32, #tpu.memory_space<vmem_shared>>) offsets(%dma_start3A_200 : memref<128xi32, #tpu.memory_space<vmem>>) semaphore(%run_scoped3A : memref<!tpu.dma_semaphore, #tpu.memory_space<semaphore_mem>>) {add = true}
        %dma_wait3A_204 = arith.constant 0 : i32
        %dma_wait3A_205 = tpu.memref_slice %arg8[%add3A_99, %dma_wait3A_204] : memref<40x128xi32, #tpu.memory_space<vmem>> -> memref<1x128xi32, #tpu.memory_space<vmem>>
        %dma_wait3A_206 = tpu.memref_squeeze %dma_wait3A_205 : memref<1x128xi32, #tpu.memory_space<vmem>> -> memref<128xi32, #tpu.memory_space<vmem>>
        %dma_wait3A_207 = arith.constant 0 : i32
        %dma_wait3A_208 = arith.constant 0 : i32
        %dma_wait3A_209 = tpu.memref_slice %arg11[%dma_wait3A_207, %dma_wait3A_208] : memref<10016x128xf32, #tpu.memory_space<vmem_shared>> -> memref<10016x128xf32, #tpu.memory_space<vmem_shared>>
        tpu.wait_indirect_dma semaphore(%run_scoped3A : memref<!tpu.dma_semaphore, #tpu.memory_space<semaphore_mem>>) src(%arg9 : memref<128x128xf32, #tpu.memory_space<vmem>>) dst(%dma_wait3A_209 : memref<10016x128xf32, #tpu.memory_space<vmem_shared>>)
        tpu.yield
      }) : () -> ()
      %add3A_106 = arith.constant 2 : i32
      %add3A_107 = arith.addi %add3A_99, %add3A_106 : i32
      %lt3A_108 = arith.constant 40 : i32
      %lt3A_109 = arith.cmpi slt, %add3A_107, %lt3A_108 : i32
      %convert_element_type3A_110 = arith.extui %lt3A_109 : i1 to i32
      %cond3A_111 = arith.constant 0 : i32
      %cond3A_112 = arith.cmpi ne, %convert_element_type3A_110, %cond3A_111 : i32
      scf.if %cond3A_112 {
        %add3A_198 = arith.constant 2 : i32
        %add3A_199 = arith.addi %add3A_99, %add3A_198 : i32
        %dma_start3A_200 = arith.constant 0 : i32
        %dma_start3A_201 = tpu.memref_slice %arg7[%add3A_199, %dma_start3A_200] : memref<40x128xi32, #tpu.memory_space<vmem>> -> memref<1x128xi32, #tpu.memory_space<vmem>>
        %dma_start3A_202 = tpu.memref_squeeze %dma_start3A_201 : memref<1x128xi32, #tpu.memory_space<vmem>> -> memref<128xi32, #tpu.memory_space<vmem>>
        %dma_start3A_203 = arith.constant 0 : i32
        %dma_start3A_204 = arith.constant 0 : i32
        %dma_start3A_205 = tpu.memref_slice %arg2[%dma_start3A_203, %dma_start3A_204] : memref<10000x128xf32, #tpu.memory_space<hbm>> -> memref<10000x128xf32, #tpu.memory_space<hbm>>
        tpu.enqueue_indirect_dma source(%dma_start3A_205 : memref<10000x128xf32, #tpu.memory_space<hbm>>) target(%arg9 : memref<128x128xf32, #tpu.memory_space<vmem>>) offsets(%dma_start3A_202 : memref<128xi32, #tpu.memory_space<vmem>>) semaphore(%arg12 : memref<!tpu.dma_semaphore, #tpu.memory_space<semaphore_mem>>)
      } else {
      }
      %mul3A_113 = arith.constant 8 : i32
      %mul3A_114 = arith.muli %scan3A_64, %mul3A_113 : i32
      %add3A_115 = arith.constant 3 : i32
      %add3A_116 = arith.addi %mul3A_114, %add3A_115 : i32
      %dma_wait3A_117 = arith.constant 0 : i32
      %dma_wait3A_118 = arith.constant 0 : i32
      %dma_wait3A_119 = tpu.memref_slice %arg2[%dma_wait3A_117, %dma_wait3A_118] : memref<10000x128xf32, #tpu.memory_space<hbm>> -> memref<128x128xf32, #tpu.memory_space<hbm>>
      %dma_wait3A_120 = arith.constant 0 : i32
      %dma_wait3A_121 = arith.constant 0 : i32
      %dma_wait3A_122 = tpu.memref_slice %arg2[%dma_wait3A_120, %dma_wait3A_121] : memref<10000x128xf32, #tpu.memory_space<hbm>> -> memref<128x128xf32, #tpu.memory_space<hbm>>
      tpu.wait_dma2 semaphore(%arg13 : memref<!tpu.dma_semaphore, #tpu.memory_space<semaphore_mem>>) src(%dma_wait3A_122 : memref<128x128xf32, #tpu.memory_space<hbm>>) dst(%arg10 : memref<128x128xf32, #tpu.memory_space<vmem>>)
      "tpu.region"() ({
        %run_scoped3A = tpu.sem_alloc : memref<!tpu.dma_semaphore, #tpu.memory_space<semaphore_mem>>
        %dma_start3A_198 = arith.constant 0 : i32
        %dma_start3A_199 = tpu.memref_slice %arg8[%add3A_116, %dma_start3A_198] : memref<40x128xi32, #tpu.memory_space<vmem>> -> memref<1x128xi32, #tpu.memory_space<vmem>>
        %dma_start3A_200 = tpu.memref_squeeze %dma_start3A_199 : memref<1x128xi32, #tpu.memory_space<vmem>> -> memref<128xi32, #tpu.memory_space<vmem>>
        %dma_start3A_201 = arith.constant 0 : i32
        %dma_start3A_202 = arith.constant 0 : i32
        %dma_start3A_203 = tpu.memref_slice %arg11[%dma_start3A_201, %dma_start3A_202] : memref<10016x128xf32, #tpu.memory_space<vmem_shared>> -> memref<10016x128xf32, #tpu.memory_space<vmem_shared>>
        tpu.enqueue_indirect_dma source(%arg10 : memref<128x128xf32, #tpu.memory_space<vmem>>) target(%dma_start3A_203 : memref<10016x128xf32, #tpu.memory_space<vmem_shared>>) offsets(%dma_start3A_200 : memref<128xi32, #tpu.memory_space<vmem>>) semaphore(%run_scoped3A : memref<!tpu.dma_semaphore, #tpu.memory_space<semaphore_mem>>) {add = true}
        %dma_wait3A_204 = arith.constant 0 : i32
        %dma_wait3A_205 = tpu.memref_slice %arg8[%add3A_116, %dma_wait3A_204] : memref<40x128xi32, #tpu.memory_space<vmem>> -> memref<1x128xi32, #tpu.memory_space<vmem>>
        %dma_wait3A_206 = tpu.memref_squeeze %dma_wait3A_205 : memref<1x128xi32, #tpu.memory_space<vmem>> -> memref<128xi32, #tpu.memory_space<vmem>>
        %dma_wait3A_207 = arith.constant 0 : i32
        %dma_wait3A_208 = arith.constant 0 : i32
        %dma_wait3A_209 = tpu.memref_slice %arg11[%dma_wait3A_207, %dma_wait3A_208] : memref<10016x128xf32, #tpu.memory_space<vmem_shared>> -> memref<10016x128xf32, #tpu.memory_space<vmem_shared>>
        tpu.wait_indirect_dma semaphore(%run_scoped3A : memref<!tpu.dma_semaphore, #tpu.memory_space<semaphore_mem>>) src(%arg10 : memref<128x128xf32, #tpu.memory_space<vmem>>) dst(%dma_wait3A_209 : memref<10016x128xf32, #tpu.memory_space<vmem_shared>>)
        tpu.yield
      }) : () -> ()
      %add3A_123 = arith.constant 2 : i32
      %add3A_124 = arith.addi %add3A_116, %add3A_123 : i32
      %lt3A_125 = arith.constant 40 : i32
      %lt3A_126 = arith.cmpi slt, %add3A_124, %lt3A_125 : i32
      %convert_element_type3A_127 = arith.extui %lt3A_126 : i1 to i32
      %cond3A_128 = arith.constant 0 : i32
      %cond3A_129 = arith.cmpi ne, %convert_element_type3A_127, %cond3A_128 : i32
      scf.if %cond3A_129 {
        %add3A_198 = arith.constant 2 : i32
        %add3A_199 = arith.addi %add3A_116, %add3A_198 : i32
        %dma_start3A_200 = arith.constant 0 : i32
        %dma_start3A_201 = tpu.memref_slice %arg7[%add3A_199, %dma_start3A_200] : memref<40x128xi32, #tpu.memory_space<vmem>> -> memref<1x128xi32, #tpu.memory_space<vmem>>
        %dma_start3A_202 = tpu.memref_squeeze %dma_start3A_201 : memref<1x128xi32, #tpu.memory_space<vmem>> -> memref<128xi32, #tpu.memory_space<vmem>>
        %dma_start3A_203 = arith.constant 0 : i32
        %dma_start3A_204 = arith.constant 0 : i32
        %dma_start3A_205 = tpu.memref_slice %arg2[%dma_start3A_203, %dma_start3A_204] : memref<10000x128xf32, #tpu.memory_space<hbm>> -> memref<10000x128xf32, #tpu.memory_space<hbm>>
        tpu.enqueue_indirect_dma source(%dma_start3A_205 : memref<10000x128xf32, #tpu.memory_space<hbm>>) target(%arg10 : memref<128x128xf32, #tpu.memory_space<vmem>>) offsets(%dma_start3A_202 : memref<128xi32, #tpu.memory_space<vmem>>) semaphore(%arg13 : memref<!tpu.dma_semaphore, #tpu.memory_space<semaphore_mem>>)
      } else {
      }
      %mul3A_130 = arith.constant 8 : i32
      %mul3A_131 = arith.muli %scan3A_64, %mul3A_130 : i32
      %add3A_132 = arith.constant 4 : i32
      %add3A_133 = arith.addi %mul3A_131, %add3A_132 : i32
      %dma_wait3A_134 = arith.constant 0 : i32
      %dma_wait3A_135 = arith.constant 0 : i32
      %dma_wait3A_136 = tpu.memref_slice %arg2[%dma_wait3A_134, %dma_wait3A_135] : memref<10000x128xf32, #tpu.memory_space<hbm>> -> memref<128x128xf32, #tpu.memory_space<hbm>>
      %dma_wait3A_137 = arith.constant 0 : i32
      %dma_wait3A_138 = arith.constant 0 : i32
      %dma_wait3A_139 = tpu.memref_slice %arg2[%dma_wait3A_137, %dma_wait3A_138] : memref<10000x128xf32, #tpu.memory_space<hbm>> -> memref<128x128xf32, #tpu.memory_space<hbm>>
      tpu.wait_dma2 semaphore(%arg12 : memref<!tpu.dma_semaphore, #tpu.memory_space<semaphore_mem>>) src(%dma_wait3A_139 : memref<128x128xf32, #tpu.memory_space<hbm>>) dst(%arg9 : memref<128x128xf32, #tpu.memory_space<vmem>>)
      "tpu.region"() ({
        %run_scoped3A = tpu.sem_alloc : memref<!tpu.dma_semaphore, #tpu.memory_space<semaphore_mem>>
        %dma_start3A_198 = arith.constant 0 : i32
        %dma_start3A_199 = tpu.memref_slice %arg8[%add3A_133, %dma_start3A_198] : memref<40x128xi32, #tpu.memory_space<vmem>> -> memref<1x128xi32, #tpu.memory_space<vmem>>
        %dma_start3A_200 = tpu.memref_squeeze %dma_start3A_199 : memref<1x128xi32, #tpu.memory_space<vmem>> -> memref<128xi32, #tpu.memory_space<vmem>>
        %dma_start3A_201 = arith.constant 0 : i32
        %dma_start3A_202 = arith.constant 0 : i32
        %dma_start3A_203 = tpu.memref_slice %arg11[%dma_start3A_201, %dma_start3A_202] : memref<10016x128xf32, #tpu.memory_space<vmem_shared>> -> memref<10016x128xf32, #tpu.memory_space<vmem_shared>>
        tpu.enqueue_indirect_dma source(%arg9 : memref<128x128xf32, #tpu.memory_space<vmem>>) target(%dma_start3A_203 : memref<10016x128xf32, #tpu.memory_space<vmem_shared>>) offsets(%dma_start3A_200 : memref<128xi32, #tpu.memory_space<vmem>>) semaphore(%run_scoped3A : memref<!tpu.dma_semaphore, #tpu.memory_space<semaphore_mem>>) {add = true}
        %dma_wait3A_204 = arith.constant 0 : i32
        %dma_wait3A_205 = tpu.memref_slice %arg8[%add3A_133, %dma_wait3A_204] : memref<40x128xi32, #tpu.memory_space<vmem>> -> memref<1x128xi32, #tpu.memory_space<vmem>>
        %dma_wait3A_206 = tpu.memref_squeeze %dma_wait3A_205 : memref<1x128xi32, #tpu.memory_space<vmem>> -> memref<128xi32, #tpu.memory_space<vmem>>
        %dma_wait3A_207 = arith.constant 0 : i32
        %dma_wait3A_208 = arith.constant 0 : i32
        %dma_wait3A_209 = tpu.memref_slice %arg11[%dma_wait3A_207, %dma_wait3A_208] : memref<10016x128xf32, #tpu.memory_space<vmem_shared>> -> memref<10016x128xf32, #tpu.memory_space<vmem_shared>>
        tpu.wait_indirect_dma semaphore(%run_scoped3A : memref<!tpu.dma_semaphore, #tpu.memory_space<semaphore_mem>>) src(%arg9 : memref<128x128xf32, #tpu.memory_space<vmem>>) dst(%dma_wait3A_209 : memref<10016x128xf32, #tpu.memory_space<vmem_shared>>)
        tpu.yield
      }) : () -> ()
      %add3A_140 = arith.constant 2 : i32
      %add3A_141 = arith.addi %add3A_133, %add3A_140 : i32
      %lt3A_142 = arith.constant 40 : i32
      %lt3A_143 = arith.cmpi slt, %add3A_141, %lt3A_142 : i32
      %convert_element_type3A_144 = arith.extui %lt3A_143 : i1 to i32
      %cond3A_145 = arith.constant 0 : i32
      %cond3A_146 = arith.cmpi ne, %convert_element_type3A_144, %cond3A_145 : i32
      scf.if %cond3A_146 {
        %add3A_198 = arith.constant 2 : i32
        %add3A_199 = arith.addi %add3A_133, %add3A_198 : i32
        %dma_start3A_200 = arith.constant 0 : i32
        %dma_start3A_201 = tpu.memref_slice %arg7[%add3A_199, %dma_start3A_200] : memref<40x128xi32, #tpu.memory_space<vmem>> -> memref<1x128xi32, #tpu.memory_space<vmem>>
        %dma_start3A_202 = tpu.memref_squeeze %dma_start3A_201 : memref<1x128xi32, #tpu.memory_space<vmem>> -> memref<128xi32, #tpu.memory_space<vmem>>
        %dma_start3A_203 = arith.constant 0 : i32
        %dma_start3A_204 = arith.constant 0 : i32
        %dma_start3A_205 = tpu.memref_slice %arg2[%dma_start3A_203, %dma_start3A_204] : memref<10000x128xf32, #tpu.memory_space<hbm>> -> memref<10000x128xf32, #tpu.memory_space<hbm>>
        tpu.enqueue_indirect_dma source(%dma_start3A_205 : memref<10000x128xf32, #tpu.memory_space<hbm>>) target(%arg9 : memref<128x128xf32, #tpu.memory_space<vmem>>) offsets(%dma_start3A_202 : memref<128xi32, #tpu.memory_space<vmem>>) semaphore(%arg12 : memref<!tpu.dma_semaphore, #tpu.memory_space<semaphore_mem>>)
      } else {
      }
      %mul3A_147 = arith.constant 8 : i32
      %mul3A_148 = arith.muli %scan3A_64, %mul3A_147 : i32
      %add3A_149 = arith.constant 5 : i32
      %add3A_150 = arith.addi %mul3A_148, %add3A_149 : i32
      %dma_wait3A_151 = arith.constant 0 : i32
      %dma_wait3A_152 = arith.constant 0 : i32
      %dma_wait3A_153 = tpu.memref_slice %arg2[%dma_wait3A_151, %dma_wait3A_152] : memref<10000x128xf32, #tpu.memory_space<hbm>> -> memref<128x128xf32, #tpu.memory_space<hbm>>
      %dma_wait3A_154 = arith.constant 0 : i32
      %dma_wait3A_155 = arith.constant 0 : i32
      %dma_wait3A_156 = tpu.memref_slice %arg2[%dma_wait3A_154, %dma_wait3A_155] : memref<10000x128xf32, #tpu.memory_space<hbm>> -> memref<128x128xf32, #tpu.memory_space<hbm>>
      tpu.wait_dma2 semaphore(%arg13 : memref<!tpu.dma_semaphore, #tpu.memory_space<semaphore_mem>>) src(%dma_wait3A_156 : memref<128x128xf32, #tpu.memory_space<hbm>>) dst(%arg10 : memref<128x128xf32, #tpu.memory_space<vmem>>)
      "tpu.region"() ({
        %run_scoped3A = tpu.sem_alloc : memref<!tpu.dma_semaphore, #tpu.memory_space<semaphore_mem>>
        %dma_start3A_198 = arith.constant 0 : i32
        %dma_start3A_199 = tpu.memref_slice %arg8[%add3A_150, %dma_start3A_198] : memref<40x128xi32, #tpu.memory_space<vmem>> -> memref<1x128xi32, #tpu.memory_space<vmem>>
        %dma_start3A_200 = tpu.memref_squeeze %dma_start3A_199 : memref<1x128xi32, #tpu.memory_space<vmem>> -> memref<128xi32, #tpu.memory_space<vmem>>
        %dma_start3A_201 = arith.constant 0 : i32
        %dma_start3A_202 = arith.constant 0 : i32
        %dma_start3A_203 = tpu.memref_slice %arg11[%dma_start3A_201, %dma_start3A_202] : memref<10016x128xf32, #tpu.memory_space<vmem_shared>> -> memref<10016x128xf32, #tpu.memory_space<vmem_shared>>
        tpu.enqueue_indirect_dma source(%arg10 : memref<128x128xf32, #tpu.memory_space<vmem>>) target(%dma_start3A_203 : memref<10016x128xf32, #tpu.memory_space<vmem_shared>>) offsets(%dma_start3A_200 : memref<128xi32, #tpu.memory_space<vmem>>) semaphore(%run_scoped3A : memref<!tpu.dma_semaphore, #tpu.memory_space<semaphore_mem>>) {add = true}
        %dma_wait3A_204 = arith.constant 0 : i32
        %dma_wait3A_205 = tpu.memref_slice %arg8[%add3A_150, %dma_wait3A_204] : memref<40x128xi32, #tpu.memory_space<vmem>> -> memref<1x128xi32, #tpu.memory_space<vmem>>
        %dma_wait3A_206 = tpu.memref_squeeze %dma_wait3A_205 : memref<1x128xi32, #tpu.memory_space<vmem>> -> memref<128xi32, #tpu.memory_space<vmem>>
        %dma_wait3A_207 = arith.constant 0 : i32
        %dma_wait3A_208 = arith.constant 0 : i32
        %dma_wait3A_209 = tpu.memref_slice %arg11[%dma_wait3A_207, %dma_wait3A_208] : memref<10016x128xf32, #tpu.memory_space<vmem_shared>> -> memref<10016x128xf32, #tpu.memory_space<vmem_shared>>
        tpu.wait_indirect_dma semaphore(%run_scoped3A : memref<!tpu.dma_semaphore, #tpu.memory_space<semaphore_mem>>) src(%arg10 : memref<128x128xf32, #tpu.memory_space<vmem>>) dst(%dma_wait3A_209 : memref<10016x128xf32, #tpu.memory_space<vmem_shared>>)
        tpu.yield
      }) : () -> ()
      %add3A_157 = arith.constant 2 : i32
      %add3A_158 = arith.addi %add3A_150, %add3A_157 : i32
      %lt3A_159 = arith.constant 40 : i32
      %lt3A_160 = arith.cmpi slt, %add3A_158, %lt3A_159 : i32
      %convert_element_type3A_161 = arith.extui %lt3A_160 : i1 to i32
      %cond3A_162 = arith.constant 0 : i32
      %cond3A_163 = arith.cmpi ne, %convert_element_type3A_161, %cond3A_162 : i32
      scf.if %cond3A_163 {
        %add3A_198 = arith.constant 2 : i32
        %add3A_199 = arith.addi %add3A_150, %add3A_198 : i32
        %dma_start3A_200 = arith.constant 0 : i32
        %dma_start3A_201 = tpu.memref_slice %arg7[%add3A_199, %dma_start3A_200] : memref<40x128xi32, #tpu.memory_space<vmem>> -> memref<1x128xi32, #tpu.memory_space<vmem>>
        %dma_start3A_202 = tpu.memref_squeeze %dma_start3A_201 : memref<1x128xi32, #tpu.memory_space<vmem>> -> memref<128xi32, #tpu.memory_space<vmem>>
        %dma_start3A_203 = arith.constant 0 : i32
        %dma_start3A_204 = arith.constant 0 : i32
        %dma_start3A_205 = tpu.memref_slice %arg2[%dma_start3A_203, %dma_start3A_204] : memref<10000x128xf32, #tpu.memory_space<hbm>> -> memref<10000x128xf32, #tpu.memory_space<hbm>>
        tpu.enqueue_indirect_dma source(%dma_start3A_205 : memref<10000x128xf32, #tpu.memory_space<hbm>>) target(%arg10 : memref<128x128xf32, #tpu.memory_space<vmem>>) offsets(%dma_start3A_202 : memref<128xi32, #tpu.memory_space<vmem>>) semaphore(%arg13 : memref<!tpu.dma_semaphore, #tpu.memory_space<semaphore_mem>>)
      } else {
      }
      %mul3A_164 = arith.constant 8 : i32
      %mul3A_165 = arith.muli %scan3A_64, %mul3A_164 : i32
      %add3A_166 = arith.constant 6 : i32
      %add3A_167 = arith.addi %mul3A_165, %add3A_166 : i32
      %dma_wait3A_168 = arith.constant 0 : i32
      %dma_wait3A_169 = arith.constant 0 : i32
      %dma_wait3A_170 = tpu.memref_slice %arg2[%dma_wait3A_168, %dma_wait3A_169] : memref<10000x128xf32, #tpu.memory_space<hbm>> -> memref<128x128xf32, #tpu.memory_space<hbm>>
      %dma_wait3A_171 = arith.constant 0 : i32
      %dma_wait3A_172 = arith.constant 0 : i32
      %dma_wait3A_173 = tpu.memref_slice %arg2[%dma_wait3A_171, %dma_wait3A_172] : memref<10000x128xf32, #tpu.memory_space<hbm>> -> memref<128x128xf32, #tpu.memory_space<hbm>>
      tpu.wait_dma2 semaphore(%arg12 : memref<!tpu.dma_semaphore, #tpu.memory_space<semaphore_mem>>) src(%dma_wait3A_173 : memref<128x128xf32, #tpu.memory_space<hbm>>) dst(%arg9 : memref<128x128xf32, #tpu.memory_space<vmem>>)
      "tpu.region"() ({
        %run_scoped3A = tpu.sem_alloc : memref<!tpu.dma_semaphore, #tpu.memory_space<semaphore_mem>>
        %dma_start3A_198 = arith.constant 0 : i32
        %dma_start3A_199 = tpu.memref_slice %arg8[%add3A_167, %dma_start3A_198] : memref<40x128xi32, #tpu.memory_space<vmem>> -> memref<1x128xi32, #tpu.memory_space<vmem>>
        %dma_start3A_200 = tpu.memref_squeeze %dma_start3A_199 : memref<1x128xi32, #tpu.memory_space<vmem>> -> memref<128xi32, #tpu.memory_space<vmem>>
        %dma_start3A_201 = arith.constant 0 : i32
        %dma_start3A_202 = arith.constant 0 : i32
        %dma_start3A_203 = tpu.memref_slice %arg11[%dma_start3A_201, %dma_start3A_202] : memref<10016x128xf32, #tpu.memory_space<vmem_shared>> -> memref<10016x128xf32, #tpu.memory_space<vmem_shared>>
        tpu.enqueue_indirect_dma source(%arg9 : memref<128x128xf32, #tpu.memory_space<vmem>>) target(%dma_start3A_203 : memref<10016x128xf32, #tpu.memory_space<vmem_shared>>) offsets(%dma_start3A_200 : memref<128xi32, #tpu.memory_space<vmem>>) semaphore(%run_scoped3A : memref<!tpu.dma_semaphore, #tpu.memory_space<semaphore_mem>>) {add = true}
        %dma_wait3A_204 = arith.constant 0 : i32
        %dma_wait3A_205 = tpu.memref_slice %arg8[%add3A_167, %dma_wait3A_204] : memref<40x128xi32, #tpu.memory_space<vmem>> -> memref<1x128xi32, #tpu.memory_space<vmem>>
        %dma_wait3A_206 = tpu.memref_squeeze %dma_wait3A_205 : memref<1x128xi32, #tpu.memory_space<vmem>> -> memref<128xi32, #tpu.memory_space<vmem>>
        %dma_wait3A_207 = arith.constant 0 : i32
        %dma_wait3A_208 = arith.constant 0 : i32
        %dma_wait3A_209 = tpu.memref_slice %arg11[%dma_wait3A_207, %dma_wait3A_208] : memref<10016x128xf32, #tpu.memory_space<vmem_shared>> -> memref<10016x128xf32, #tpu.memory_space<vmem_shared>>
        tpu.wait_indirect_dma semaphore(%run_scoped3A : memref<!tpu.dma_semaphore, #tpu.memory_space<semaphore_mem>>) src(%arg9 : memref<128x128xf32, #tpu.memory_space<vmem>>) dst(%dma_wait3A_209 : memref<10016x128xf32, #tpu.memory_space<vmem_shared>>)
        tpu.yield
      }) : () -> ()
      %add3A_174 = arith.constant 2 : i32
      %add3A_175 = arith.addi %add3A_167, %add3A_174 : i32
      %lt3A_176 = arith.constant 40 : i32
      %lt3A_177 = arith.cmpi slt, %add3A_175, %lt3A_176 : i32
      %convert_element_type3A_178 = arith.extui %lt3A_177 : i1 to i32
      %cond3A_179 = arith.constant 0 : i32
      %cond3A_180 = arith.cmpi ne, %convert_element_type3A_178, %cond3A_179 : i32
      scf.if %cond3A_180 {
        %add3A_198 = arith.constant 2 : i32
        %add3A_199 = arith.addi %add3A_167, %add3A_198 : i32
        %dma_start3A_200 = arith.constant 0 : i32
        %dma_start3A_201 = tpu.memref_slice %arg7[%add3A_199, %dma_start3A_200] : memref<40x128xi32, #tpu.memory_space<vmem>> -> memref<1x128xi32, #tpu.memory_space<vmem>>
        %dma_start3A_202 = tpu.memref_squeeze %dma_start3A_201 : memref<1x128xi32, #tpu.memory_space<vmem>> -> memref<128xi32, #tpu.memory_space<vmem>>
        %dma_start3A_203 = arith.constant 0 : i32
        %dma_start3A_204 = arith.constant 0 : i32
        %dma_start3A_205 = tpu.memref_slice %arg2[%dma_start3A_203, %dma_start3A_204] : memref<10000x128xf32, #tpu.memory_space<hbm>> -> memref<10000x128xf32, #tpu.memory_space<hbm>>
        tpu.enqueue_indirect_dma source(%dma_start3A_205 : memref<10000x128xf32, #tpu.memory_space<hbm>>) target(%arg9 : memref<128x128xf32, #tpu.memory_space<vmem>>) offsets(%dma_start3A_202 : memref<128xi32, #tpu.memory_space<vmem>>) semaphore(%arg12 : memref<!tpu.dma_semaphore, #tpu.memory_space<semaphore_mem>>)
      } else {
      }
      %mul3A_181 = arith.constant 8 : i32
      %mul3A_182 = arith.muli %scan3A_64, %mul3A_181 : i32
      %add3A_183 = arith.constant 7 : i32
      %add3A_184 = arith.addi %mul3A_182, %add3A_183 : i32
      %dma_wait3A_185 = arith.constant 0 : i32
      %dma_wait3A_186 = arith.constant 0 : i32
      %dma_wait3A_187 = tpu.memref_slice %arg2[%dma_wait3A_185, %dma_wait3A_186] : memref<10000x128xf32, #tpu.memory_space<hbm>> -> memref<128x128xf32, #tpu.memory_space<hbm>>
      %dma_wait3A_188 = arith.constant 0 : i32
      %dma_wait3A_189 = arith.constant 0 : i32
      %dma_wait3A_190 = tpu.memref_slice %arg2[%dma_wait3A_188, %dma_wait3A_189] : memref<10000x128xf32, #tpu.memory_space<hbm>> -> memref<128x128xf32, #tpu.memory_space<hbm>>
      tpu.wait_dma2 semaphore(%arg13 : memref<!tpu.dma_semaphore, #tpu.memory_space<semaphore_mem>>) src(%dma_wait3A_190 : memref<128x128xf32, #tpu.memory_space<hbm>>) dst(%arg10 : memref<128x128xf32, #tpu.memory_space<vmem>>)
      "tpu.region"() ({
        %run_scoped3A = tpu.sem_alloc : memref<!tpu.dma_semaphore, #tpu.memory_space<semaphore_mem>>
        %dma_start3A_198 = arith.constant 0 : i32
        %dma_start3A_199 = tpu.memref_slice %arg8[%add3A_184, %dma_start3A_198] : memref<40x128xi32, #tpu.memory_space<vmem>> -> memref<1x128xi32, #tpu.memory_space<vmem>>
        %dma_start3A_200 = tpu.memref_squeeze %dma_start3A_199 : memref<1x128xi32, #tpu.memory_space<vmem>> -> memref<128xi32, #tpu.memory_space<vmem>>
        %dma_start3A_201 = arith.constant 0 : i32
        %dma_start3A_202 = arith.constant 0 : i32
        %dma_start3A_203 = tpu.memref_slice %arg11[%dma_start3A_201, %dma_start3A_202] : memref<10016x128xf32, #tpu.memory_space<vmem_shared>> -> memref<10016x128xf32, #tpu.memory_space<vmem_shared>>
        tpu.enqueue_indirect_dma source(%arg10 : memref<128x128xf32, #tpu.memory_space<vmem>>) target(%dma_start3A_203 : memref<10016x128xf32, #tpu.memory_space<vmem_shared>>) offsets(%dma_start3A_200 : memref<128xi32, #tpu.memory_space<vmem>>) semaphore(%run_scoped3A : memref<!tpu.dma_semaphore, #tpu.memory_space<semaphore_mem>>) {add = true}
        %dma_wait3A_204 = arith.constant 0 : i32
        %dma_wait3A_205 = tpu.memref_slice %arg8[%add3A_184, %dma_wait3A_204] : memref<40x128xi32, #tpu.memory_space<vmem>> -> memref<1x128xi32, #tpu.memory_space<vmem>>
        %dma_wait3A_206 = tpu.memref_squeeze %dma_wait3A_205 : memref<1x128xi32, #tpu.memory_space<vmem>> -> memref<128xi32, #tpu.memory_space<vmem>>
        %dma_wait3A_207 = arith.constant 0 : i32
        %dma_wait3A_208 = arith.constant 0 : i32
        %dma_wait3A_209 = tpu.memref_slice %arg11[%dma_wait3A_207, %dma_wait3A_208] : memref<10016x128xf32, #tpu.memory_space<vmem_shared>> -> memref<10016x128xf32, #tpu.memory_space<vmem_shared>>
        tpu.wait_indirect_dma semaphore(%run_scoped3A : memref<!tpu.dma_semaphore, #tpu.memory_space<semaphore_mem>>) src(%arg10 : memref<128x128xf32, #tpu.memory_space<vmem>>) dst(%dma_wait3A_209 : memref<10016x128xf32, #tpu.memory_space<vmem_shared>>)
        tpu.yield
      }) : () -> ()
      %add3A_191 = arith.constant 2 : i32
      %add3A_192 = arith.addi %add3A_184, %add3A_191 : i32
      %lt3A_193 = arith.constant 40 : i32
      %lt3A_194 = arith.cmpi slt, %add3A_192, %lt3A_193 : i32
      %convert_element_type3A_195 = arith.extui %lt3A_194 : i1 to i32
      %cond3A_196 = arith.constant 0 : i32
      %cond3A_197 = arith.cmpi ne, %convert_element_type3A_195, %cond3A_196 : i32
      scf.if %cond3A_197 {
        %add3A_198 = arith.constant 2 : i32
        %add3A_199 = arith.addi %add3A_184, %add3A_198 : i32
        %dma_start3A_200 = arith.constant 0 : i32
        %dma_start3A_201 = tpu.memref_slice %arg7[%add3A_199, %dma_start3A_200] : memref<40x128xi32, #tpu.memory_space<vmem>> -> memref<1x128xi32, #tpu.memory_space<vmem>>
        %dma_start3A_202 = tpu.memref_squeeze %dma_start3A_201 : memref<1x128xi32, #tpu.memory_space<vmem>> -> memref<128xi32, #tpu.memory_space<vmem>>
        %dma_start3A_203 = arith.constant 0 : i32
        %dma_start3A_204 = arith.constant 0 : i32
        %dma_start3A_205 = tpu.memref_slice %arg2[%dma_start3A_203, %dma_start3A_204] : memref<10000x128xf32, #tpu.memory_space<hbm>> -> memref<10000x128xf32, #tpu.memory_space<hbm>>
        tpu.enqueue_indirect_dma source(%dma_start3A_205 : memref<10000x128xf32, #tpu.memory_space<hbm>>) target(%arg10 : memref<128x128xf32, #tpu.memory_space<vmem>>) offsets(%dma_start3A_202 : memref<128xi32, #tpu.memory_space<vmem>>) semaphore(%arg13 : memref<!tpu.dma_semaphore, #tpu.memory_space<semaphore_mem>>)
      } else {
      }
    }
    %scan3A_34 = arith.constant 5 : i32
    %mul3A_35 = arith.constant 80 : i32
    %mul3A_36 = arith.muli %add3A, %mul3A_35 : i32
    %add3A_37 = arith.constant 40 : i32
    %add3A_38 = arith.addi %mul3A_36, %add3A_37 : i32
    "tpu.region"() ({
      %run_scoped3A = tpu.sem_alloc : memref<!tpu.dma_semaphore, #tpu.memory_space<semaphore_mem>>
      %dma_start3A_64 = arith.constant 0 : i32
      %dma_start3A_65 = tpu.memref_slice %arg3[%add3A_38, %dma_start3A_64] : memref<2560x128xi32, #tpu.memory_space<hbm>> -> memref<40x128xi32, #tpu.memory_space<hbm>>
      %dma_start3A_66 = arith.constant 0 : i32
      %dma_start3A_67 = tpu.memref_slice %arg3[%add3A_38, %dma_start3A_66] : memref<2560x128xi32, #tpu.memory_space<hbm>> -> memref<40x128xi32, #tpu.memory_space<hbm>>
      tpu.enqueue_dma source(%dma_start3A_67 : memref<40x128xi32, #tpu.memory_space<hbm>>) target(%arg7 : memref<40x128xi32, #tpu.memory_space<vmem>>) target_semaphore(%run_scoped3A : memref<!tpu.dma_semaphore, #tpu.memory_space<semaphore_mem>>)
      %dma_wait3A_68 = arith.constant 0 : i32
      %dma_wait3A_69 = tpu.memref_slice %arg3[%add3A_38, %dma_wait3A_68] : memref<2560x128xi32, #tpu.memory_space<hbm>> -> memref<40x128xi32, #tpu.memory_space<hbm>>
      %dma_wait3A_70 = arith.constant 0 : i32
      %dma_wait3A_71 = tpu.memref_slice %arg3[%add3A_38, %dma_wait3A_70] : memref<2560x128xi32, #tpu.memory_space<hbm>> -> memref<40x128xi32, #tpu.memory_space<hbm>>
      tpu.wait_dma2 semaphore(%run_scoped3A : memref<!tpu.dma_semaphore, #tpu.memory_space<semaphore_mem>>) src(%dma_wait3A_71 : memref<40x128xi32, #tpu.memory_space<hbm>>) dst(%arg7 : memref<40x128xi32, #tpu.memory_space<vmem>>)
      tpu.yield
    }) : () -> ()
    "tpu.region"() ({
      %run_scoped3A = tpu.sem_alloc : memref<!tpu.dma_semaphore, #tpu.memory_space<semaphore_mem>>
      %dma_start3A_64 = arith.constant 0 : i32
      %dma_start3A_65 = tpu.memref_slice %arg4[%add3A_38, %dma_start3A_64] : memref<2560x128xi32, #tpu.memory_space<hbm>> -> memref<40x128xi32, #tpu.memory_space<hbm>>
      %dma_start3A_66 = arith.constant 0 : i32
      %dma_start3A_67 = tpu.memref_slice %arg4[%add3A_38, %dma_start3A_66] : memref<2560x128xi32, #tpu.memory_space<hbm>> -> memref<40x128xi32, #tpu.memory_space<hbm>>
      tpu.enqueue_dma source(%dma_start3A_67 : memref<40x128xi32, #tpu.memory_space<hbm>>) target(%arg8 : memref<40x128xi32, #tpu.memory_space<vmem>>) target_semaphore(%run_scoped3A : memref<!tpu.dma_semaphore, #tpu.memory_space<semaphore_mem>>)
      %dma_wait3A_68 = arith.constant 0 : i32
      %dma_wait3A_69 = tpu.memref_slice %arg4[%add3A_38, %dma_wait3A_68] : memref<2560x128xi32, #tpu.memory_space<hbm>> -> memref<40x128xi32, #tpu.memory_space<hbm>>
      %dma_wait3A_70 = arith.constant 0 : i32
      %dma_wait3A_71 = tpu.memref_slice %arg4[%add3A_38, %dma_wait3A_70] : memref<2560x128xi32, #tpu.memory_space<hbm>> -> memref<40x128xi32, #tpu.memory_space<hbm>>
      tpu.wait_dma2 semaphore(%run_scoped3A : memref<!tpu.dma_semaphore, #tpu.memory_space<semaphore_mem>>) src(%dma_wait3A_71 : memref<40x128xi32, #tpu.memory_space<hbm>>) dst(%arg8 : memref<40x128xi32, #tpu.memory_space<vmem>>)
      tpu.yield
    }) : () -> ()
    %dma_start3A_39 = arith.constant 0 : i32
    %dma_start3A_40 = arith.constant 0 : i32
    %dma_start3A_41 = tpu.memref_slice %arg7[%dma_start3A_39, %dma_start3A_40] : memref<40x128xi32, #tpu.memory_space<vmem>> -> memref<1x128xi32, #tpu.memory_space<vmem>>
    %dma_start3A_42 = tpu.memref_squeeze %dma_start3A_41 : memref<1x128xi32, #tpu.memory_space<vmem>> -> memref<128xi32, #tpu.memory_space<vmem>>
    %dma_start3A_43 = arith.constant 0 : i32
    %dma_start3A_44 = arith.constant 0 : i32
    %dma_start3A_45 = tpu.memref_slice %arg2[%dma_start3A_43, %dma_start3A_44] : memref<10000x128xf32, #tpu.memory_space<hbm>> -> memref<10000x128xf32, #tpu.memory_space<hbm>>
    tpu.enqueue_indirect_dma source(%dma_start3A_45 : memref<10000x128xf32, #tpu.memory_space<hbm>>) target(%arg9 : memref<128x128xf32, #tpu.memory_space<vmem>>) offsets(%dma_start3A_42 : memref<128xi32, #tpu.memory_space<vmem>>) semaphore(%arg12 : memref<!tpu.dma_semaphore, #tpu.memory_space<semaphore_mem>>)
    %dma_start3A_46 = arith.constant 1 : i32
    %dma_start3A_47 = arith.constant 0 : i32
    %dma_start3A_48 = tpu.memref_slice %arg7[%dma_start3A_46, %dma_start3A_47] : memref<40x128xi32, #tpu.memory_space<vmem>> -> memref<1x128xi32, #tpu.memory_space<vmem>>
    %dma_start3A_49 = tpu.memref_squeeze %dma_start3A_48 : memref<1x128xi32, #tpu.memory_space<vmem>> -> memref<128xi32, #tpu.memory_space<vmem>>
    %dma_start3A_50 = arith.constant 0 : i32
    %dma_start3A_51 = arith.constant 0 : i32
    %dma_start3A_52 = tpu.memref_slice %arg2[%dma_start3A_50, %dma_start3A_51] : memref<10000x128xf32, #tpu.memory_space<hbm>> -> memref<10000x128xf32, #tpu.memory_space<hbm>>
    tpu.enqueue_indirect_dma source(%dma_start3A_52 : memref<10000x128xf32, #tpu.memory_space<hbm>>) target(%arg10 : memref<128x128xf32, #tpu.memory_space<vmem>>) offsets(%dma_start3A_49 : memref<128xi32, #tpu.memory_space<vmem>>) semaphore(%arg13 : memref<!tpu.dma_semaphore, #tpu.memory_space<semaphore_mem>>)
    %scan3A_53 = arith.constant 0 : i32
    %scan3A_54 = arith.constant 0 : i32
    %scan3A_55 = arith.constant 5 : i32
    %scan3A_56 = arith.addi %scan3A_54, %scan3A_55 : i32
    %scan3A_57 = arith.constant 1 : i32
    scf.for %scan3A_64 = %scan3A_54 to %scan3A_56 step %scan3A_57  : i32 {
      %mul3A_65 = arith.constant 8 : i32
      %mul3A_66 = arith.muli %scan3A_64, %mul3A_65 : i32
      %add3A_67 = arith.constant 0 : i32
      %add3A_68 = arith.addi %mul3A_66, %add3A_67 : i32
      %dma_wait3A_69 = arith.constant 0 : i32
      %dma_wait3A_70 = arith.constant 0 : i32
      %dma_wait3A_71 = tpu.memref_slice %arg2[%dma_wait3A_69, %dma_wait3A_70] : memref<10000x128xf32, #tpu.memory_space<hbm>> -> memref<128x128xf32, #tpu.memory_space<hbm>>
      %dma_wait3A_72 = arith.constant 0 : i32
      %dma_wait3A_73 = arith.constant 0 : i32
      %dma_wait3A_74 = tpu.memref_slice %arg2[%dma_wait3A_72, %dma_wait3A_73] : memref<10000x128xf32, #tpu.memory_space<hbm>> -> memref<128x128xf32, #tpu.memory_space<hbm>>
      tpu.wait_dma2 semaphore(%arg12 : memref<!tpu.dma_semaphore, #tpu.memory_space<semaphore_mem>>) src(%dma_wait3A_74 : memref<128x128xf32, #tpu.memory_space<hbm>>) dst(%arg9 : memref<128x128xf32, #tpu.memory_space<vmem>>)
      "tpu.region"() ({
        %run_scoped3A = tpu.sem_alloc : memref<!tpu.dma_semaphore, #tpu.memory_space<semaphore_mem>>
        %dma_start3A_198 = arith.constant 0 : i32
        %dma_start3A_199 = tpu.memref_slice %arg8[%add3A_68, %dma_start3A_198] : memref<40x128xi32, #tpu.memory_space<vmem>> -> memref<1x128xi32, #tpu.memory_space<vmem>>
        %dma_start3A_200 = tpu.memref_squeeze %dma_start3A_199 : memref<1x128xi32, #tpu.memory_space<vmem>> -> memref<128xi32, #tpu.memory_space<vmem>>
        %dma_start3A_201 = arith.constant 0 : i32
        %dma_start3A_202 = arith.constant 0 : i32
        %dma_start3A_203 = tpu.memref_slice %arg11[%dma_start3A_201, %dma_start3A_202] : memref<10016x128xf32, #tpu.memory_space<vmem_shared>> -> memref<10016x128xf32, #tpu.memory_space<vmem_shared>>
        tpu.enqueue_indirect_dma source(%arg9 : memref<128x128xf32, #tpu.memory_space<vmem>>) target(%dma_start3A_203 : memref<10016x128xf32, #tpu.memory_space<vmem_shared>>) offsets(%dma_start3A_200 : memref<128xi32, #tpu.memory_space<vmem>>) semaphore(%run_scoped3A : memref<!tpu.dma_semaphore, #tpu.memory_space<semaphore_mem>>) {add = true}
        %dma_wait3A_204 = arith.constant 0 : i32
        %dma_wait3A_205 = tpu.memref_slice %arg8[%add3A_68, %dma_wait3A_204] : memref<40x128xi32, #tpu.memory_space<vmem>> -> memref<1x128xi32, #tpu.memory_space<vmem>>
        %dma_wait3A_206 = tpu.memref_squeeze %dma_wait3A_205 : memref<1x128xi32, #tpu.memory_space<vmem>> -> memref<128xi32, #tpu.memory_space<vmem>>
        %dma_wait3A_207 = arith.constant 0 : i32
        %dma_wait3A_208 = arith.constant 0 : i32
        %dma_wait3A_209 = tpu.memref_slice %arg11[%dma_wait3A_207, %dma_wait3A_208] : memref<10016x128xf32, #tpu.memory_space<vmem_shared>> -> memref<10016x128xf32, #tpu.memory_space<vmem_shared>>
        tpu.wait_indirect_dma semaphore(%run_scoped3A : memref<!tpu.dma_semaphore, #tpu.memory_space<semaphore_mem>>) src(%arg9 : memref<128x128xf32, #tpu.memory_space<vmem>>) dst(%dma_wait3A_209 : memref<10016x128xf32, #tpu.memory_space<vmem_shared>>)
        tpu.yield
      }) : () -> ()
      %add3A_75 = arith.constant 2 : i32
      %add3A_76 = arith.addi %add3A_68, %add3A_75 : i32
      %lt3A = arith.constant 40 : i32
      %lt3A_77 = arith.cmpi slt, %add3A_76, %lt3A : i32
      %convert_element_type3A = arith.extui %lt3A_77 : i1 to i32
      %cond3A = arith.constant 0 : i32
      %cond3A_78 = arith.cmpi ne, %convert_element_type3A, %cond3A : i32
      scf.if %cond3A_78 {
        %add3A_198 = arith.constant 2 : i32
        %add3A_199 = arith.addi %add3A_68, %add3A_198 : i32
        %dma_start3A_200 = arith.constant 0 : i32
        %dma_start3A_201 = tpu.memref_slice %arg7[%add3A_199, %dma_start3A_200] : memref<40x128xi32, #tpu.memory_space<vmem>> -> memref<1x128xi32, #tpu.memory_space<vmem>>
        %dma_start3A_202 = tpu.memref_squeeze %dma_start3A_201 : memref<1x128xi32, #tpu.memory_space<vmem>> -> memref<128xi32, #tpu.memory_space<vmem>>
        %dma_start3A_203 = arith.constant 0 : i32
        %dma_start3A_204 = arith.constant 0 : i32
        %dma_start3A_205 = tpu.memref_slice %arg2[%dma_start3A_203, %dma_start3A_204] : memref<10000x128xf32, #tpu.memory_space<hbm>> -> memref<10000x128xf32, #tpu.memory_space<hbm>>
        tpu.enqueue_indirect_dma source(%dma_start3A_205 : memref<10000x128xf32, #tpu.memory_space<hbm>>) target(%arg9 : memref<128x128xf32, #tpu.memory_space<vmem>>) offsets(%dma_start3A_202 : memref<128xi32, #tpu.memory_space<vmem>>) semaphore(%arg12 : memref<!tpu.dma_semaphore, #tpu.memory_space<semaphore_mem>>)
      } else {
      }
      %mul3A_79 = arith.constant 8 : i32
      %mul3A_80 = arith.muli %scan3A_64, %mul3A_79 : i32
      %add3A_81 = arith.constant 1 : i32
      %add3A_82 = arith.addi %mul3A_80, %add3A_81 : i32
      %dma_wait3A_83 = arith.constant 0 : i32
      %dma_wait3A_84 = arith.constant 0 : i32
      %dma_wait3A_85 = tpu.memref_slice %arg2[%dma_wait3A_83, %dma_wait3A_84] : memref<10000x128xf32, #tpu.memory_space<hbm>> -> memref<128x128xf32, #tpu.memory_space<hbm>>
      %dma_wait3A_86 = arith.constant 0 : i32
      %dma_wait3A_87 = arith.constant 0 : i32
      %dma_wait3A_88 = tpu.memref_slice %arg2[%dma_wait3A_86, %dma_wait3A_87] : memref<10000x128xf32, #tpu.memory_space<hbm>> -> memref<128x128xf32, #tpu.memory_space<hbm>>
      tpu.wait_dma2 semaphore(%arg13 : memref<!tpu.dma_semaphore, #tpu.memory_space<semaphore_mem>>) src(%dma_wait3A_88 : memref<128x128xf32, #tpu.memory_space<hbm>>) dst(%arg10 : memref<128x128xf32, #tpu.memory_space<vmem>>)
      "tpu.region"() ({
        %run_scoped3A = tpu.sem_alloc : memref<!tpu.dma_semaphore, #tpu.memory_space<semaphore_mem>>
        %dma_start3A_198 = arith.constant 0 : i32
        %dma_start3A_199 = tpu.memref_slice %arg8[%add3A_82, %dma_start3A_198] : memref<40x128xi32, #tpu.memory_space<vmem>> -> memref<1x128xi32, #tpu.memory_space<vmem>>
        %dma_start3A_200 = tpu.memref_squeeze %dma_start3A_199 : memref<1x128xi32, #tpu.memory_space<vmem>> -> memref<128xi32, #tpu.memory_space<vmem>>
        %dma_start3A_201 = arith.constant 0 : i32
        %dma_start3A_202 = arith.constant 0 : i32
        %dma_start3A_203 = tpu.memref_slice %arg11[%dma_start3A_201, %dma_start3A_202] : memref<10016x128xf32, #tpu.memory_space<vmem_shared>> -> memref<10016x128xf32, #tpu.memory_space<vmem_shared>>
        tpu.enqueue_indirect_dma source(%arg10 : memref<128x128xf32, #tpu.memory_space<vmem>>) target(%dma_start3A_203 : memref<10016x128xf32, #tpu.memory_space<vmem_shared>>) offsets(%dma_start3A_200 : memref<128xi32, #tpu.memory_space<vmem>>) semaphore(%run_scoped3A : memref<!tpu.dma_semaphore, #tpu.memory_space<semaphore_mem>>) {add = true}
        %dma_wait3A_204 = arith.constant 0 : i32
        %dma_wait3A_205 = tpu.memref_slice %arg8[%add3A_82, %dma_wait3A_204] : memref<40x128xi32, #tpu.memory_space<vmem>> -> memref<1x128xi32, #tpu.memory_space<vmem>>
        %dma_wait3A_206 = tpu.memref_squeeze %dma_wait3A_205 : memref<1x128xi32, #tpu.memory_space<vmem>> -> memref<128xi32, #tpu.memory_space<vmem>>
        %dma_wait3A_207 = arith.constant 0 : i32
        %dma_wait3A_208 = arith.constant 0 : i32
        %dma_wait3A_209 = tpu.memref_slice %arg11[%dma_wait3A_207, %dma_wait3A_208] : memref<10016x128xf32, #tpu.memory_space<vmem_shared>> -> memref<10016x128xf32, #tpu.memory_space<vmem_shared>>
        tpu.wait_indirect_dma semaphore(%run_scoped3A : memref<!tpu.dma_semaphore, #tpu.memory_space<semaphore_mem>>) src(%arg10 : memref<128x128xf32, #tpu.memory_space<vmem>>) dst(%dma_wait3A_209 : memref<10016x128xf32, #tpu.memory_space<vmem_shared>>)
        tpu.yield
      }) : () -> ()
      %add3A_89 = arith.constant 2 : i32
      %add3A_90 = arith.addi %add3A_82, %add3A_89 : i32
      %lt3A_91 = arith.constant 40 : i32
      %lt3A_92 = arith.cmpi slt, %add3A_90, %lt3A_91 : i32
      %convert_element_type3A_93 = arith.extui %lt3A_92 : i1 to i32
      %cond3A_94 = arith.constant 0 : i32
      %cond3A_95 = arith.cmpi ne, %convert_element_type3A_93, %cond3A_94 : i32
      scf.if %cond3A_95 {
        %add3A_198 = arith.constant 2 : i32
        %add3A_199 = arith.addi %add3A_82, %add3A_198 : i32
        %dma_start3A_200 = arith.constant 0 : i32
        %dma_start3A_201 = tpu.memref_slice %arg7[%add3A_199, %dma_start3A_200] : memref<40x128xi32, #tpu.memory_space<vmem>> -> memref<1x128xi32, #tpu.memory_space<vmem>>
        %dma_start3A_202 = tpu.memref_squeeze %dma_start3A_201 : memref<1x128xi32, #tpu.memory_space<vmem>> -> memref<128xi32, #tpu.memory_space<vmem>>
        %dma_start3A_203 = arith.constant 0 : i32
        %dma_start3A_204 = arith.constant 0 : i32
        %dma_start3A_205 = tpu.memref_slice %arg2[%dma_start3A_203, %dma_start3A_204] : memref<10000x128xf32, #tpu.memory_space<hbm>> -> memref<10000x128xf32, #tpu.memory_space<hbm>>
        tpu.enqueue_indirect_dma source(%dma_start3A_205 : memref<10000x128xf32, #tpu.memory_space<hbm>>) target(%arg10 : memref<128x128xf32, #tpu.memory_space<vmem>>) offsets(%dma_start3A_202 : memref<128xi32, #tpu.memory_space<vmem>>) semaphore(%arg13 : memref<!tpu.dma_semaphore, #tpu.memory_space<semaphore_mem>>)
      } else {
      }
      %mul3A_96 = arith.constant 8 : i32
      %mul3A_97 = arith.muli %scan3A_64, %mul3A_96 : i32
      %add3A_98 = arith.constant 2 : i32
      %add3A_99 = arith.addi %mul3A_97, %add3A_98 : i32
      %dma_wait3A_100 = arith.constant 0 : i32
      %dma_wait3A_101 = arith.constant 0 : i32
      %dma_wait3A_102 = tpu.memref_slice %arg2[%dma_wait3A_100, %dma_wait3A_101] : memref<10000x128xf32, #tpu.memory_space<hbm>> -> memref<128x128xf32, #tpu.memory_space<hbm>>
      %dma_wait3A_103 = arith.constant 0 : i32
      %dma_wait3A_104 = arith.constant 0 : i32
      %dma_wait3A_105 = tpu.memref_slice %arg2[%dma_wait3A_103, %dma_wait3A_104] : memref<10000x128xf32, #tpu.memory_space<hbm>> -> memref<128x128xf32, #tpu.memory_space<hbm>>
      tpu.wait_dma2 semaphore(%arg12 : memref<!tpu.dma_semaphore, #tpu.memory_space<semaphore_mem>>) src(%dma_wait3A_105 : memref<128x128xf32, #tpu.memory_space<hbm>>) dst(%arg9 : memref<128x128xf32, #tpu.memory_space<vmem>>)
      "tpu.region"() ({
        %run_scoped3A = tpu.sem_alloc : memref<!tpu.dma_semaphore, #tpu.memory_space<semaphore_mem>>
        %dma_start3A_198 = arith.constant 0 : i32
        %dma_start3A_199 = tpu.memref_slice %arg8[%add3A_99, %dma_start3A_198] : memref<40x128xi32, #tpu.memory_space<vmem>> -> memref<1x128xi32, #tpu.memory_space<vmem>>
        %dma_start3A_200 = tpu.memref_squeeze %dma_start3A_199 : memref<1x128xi32, #tpu.memory_space<vmem>> -> memref<128xi32, #tpu.memory_space<vmem>>
        %dma_start3A_201 = arith.constant 0 : i32
        %dma_start3A_202 = arith.constant 0 : i32
        %dma_start3A_203 = tpu.memref_slice %arg11[%dma_start3A_201, %dma_start3A_202] : memref<10016x128xf32, #tpu.memory_space<vmem_shared>> -> memref<10016x128xf32, #tpu.memory_space<vmem_shared>>
        tpu.enqueue_indirect_dma source(%arg9 : memref<128x128xf32, #tpu.memory_space<vmem>>) target(%dma_start3A_203 : memref<10016x128xf32, #tpu.memory_space<vmem_shared>>) offsets(%dma_start3A_200 : memref<128xi32, #tpu.memory_space<vmem>>) semaphore(%run_scoped3A : memref<!tpu.dma_semaphore, #tpu.memory_space<semaphore_mem>>) {add = true}
        %dma_wait3A_204 = arith.constant 0 : i32
        %dma_wait3A_205 = tpu.memref_slice %arg8[%add3A_99, %dma_wait3A_204] : memref<40x128xi32, #tpu.memory_space<vmem>> -> memref<1x128xi32, #tpu.memory_space<vmem>>
        %dma_wait3A_206 = tpu.memref_squeeze %dma_wait3A_205 : memref<1x128xi32, #tpu.memory_space<vmem>> -> memref<128xi32, #tpu.memory_space<vmem>>
        %dma_wait3A_207 = arith.constant 0 : i32
        %dma_wait3A_208 = arith.constant 0 : i32
        %dma_wait3A_209 = tpu.memref_slice %arg11[%dma_wait3A_207, %dma_wait3A_208] : memref<10016x128xf32, #tpu.memory_space<vmem_shared>> -> memref<10016x128xf32, #tpu.memory_space<vmem_shared>>
        tpu.wait_indirect_dma semaphore(%run_scoped3A : memref<!tpu.dma_semaphore, #tpu.memory_space<semaphore_mem>>) src(%arg9 : memref<128x128xf32, #tpu.memory_space<vmem>>) dst(%dma_wait3A_209 : memref<10016x128xf32, #tpu.memory_space<vmem_shared>>)
        tpu.yield
      }) : () -> ()
      %add3A_106 = arith.constant 2 : i32
      %add3A_107 = arith.addi %add3A_99, %add3A_106 : i32
      %lt3A_108 = arith.constant 40 : i32
      %lt3A_109 = arith.cmpi slt, %add3A_107, %lt3A_108 : i32
      %convert_element_type3A_110 = arith.extui %lt3A_109 : i1 to i32
      %cond3A_111 = arith.constant 0 : i32
      %cond3A_112 = arith.cmpi ne, %convert_element_type3A_110, %cond3A_111 : i32
      scf.if %cond3A_112 {
        %add3A_198 = arith.constant 2 : i32
        %add3A_199 = arith.addi %add3A_99, %add3A_198 : i32
        %dma_start3A_200 = arith.constant 0 : i32
        %dma_start3A_201 = tpu.memref_slice %arg7[%add3A_199, %dma_start3A_200] : memref<40x128xi32, #tpu.memory_space<vmem>> -> memref<1x128xi32, #tpu.memory_space<vmem>>
        %dma_start3A_202 = tpu.memref_squeeze %dma_start3A_201 : memref<1x128xi32, #tpu.memory_space<vmem>> -> memref<128xi32, #tpu.memory_space<vmem>>
        %dma_start3A_203 = arith.constant 0 : i32
        %dma_start3A_204 = arith.constant 0 : i32
        %dma_start3A_205 = tpu.memref_slice %arg2[%dma_start3A_203, %dma_start3A_204] : memref<10000x128xf32, #tpu.memory_space<hbm>> -> memref<10000x128xf32, #tpu.memory_space<hbm>>
        tpu.enqueue_indirect_dma source(%dma_start3A_205 : memref<10000x128xf32, #tpu.memory_space<hbm>>) target(%arg9 : memref<128x128xf32, #tpu.memory_space<vmem>>) offsets(%dma_start3A_202 : memref<128xi32, #tpu.memory_space<vmem>>) semaphore(%arg12 : memref<!tpu.dma_semaphore, #tpu.memory_space<semaphore_mem>>)
      } else {
      }
      %mul3A_113 = arith.constant 8 : i32
      %mul3A_114 = arith.muli %scan3A_64, %mul3A_113 : i32
      %add3A_115 = arith.constant 3 : i32
      %add3A_116 = arith.addi %mul3A_114, %add3A_115 : i32
      %dma_wait3A_117 = arith.constant 0 : i32
      %dma_wait3A_118 = arith.constant 0 : i32
      %dma_wait3A_119 = tpu.memref_slice %arg2[%dma_wait3A_117, %dma_wait3A_118] : memref<10000x128xf32, #tpu.memory_space<hbm>> -> memref<128x128xf32, #tpu.memory_space<hbm>>
      %dma_wait3A_120 = arith.constant 0 : i32
      %dma_wait3A_121 = arith.constant 0 : i32
      %dma_wait3A_122 = tpu.memref_slice %arg2[%dma_wait3A_120, %dma_wait3A_121] : memref<10000x128xf32, #tpu.memory_space<hbm>> -> memref<128x128xf32, #tpu.memory_space<hbm>>
      tpu.wait_dma2 semaphore(%arg13 : memref<!tpu.dma_semaphore, #tpu.memory_space<semaphore_mem>>) src(%dma_wait3A_122 : memref<128x128xf32, #tpu.memory_space<hbm>>) dst(%arg10 : memref<128x128xf32, #tpu.memory_space<vmem>>)
      "tpu.region"() ({
        %run_scoped3A = tpu.sem_alloc : memref<!tpu.dma_semaphore, #tpu.memory_space<semaphore_mem>>
        %dma_start3A_198 = arith.constant 0 : i32
        %dma_start3A_199 = tpu.memref_slice %arg8[%add3A_116, %dma_start3A_198] : memref<40x128xi32, #tpu.memory_space<vmem>> -> memref<1x128xi32, #tpu.memory_space<vmem>>
        %dma_start3A_200 = tpu.memref_squeeze %dma_start3A_199 : memref<1x128xi32, #tpu.memory_space<vmem>> -> memref<128xi32, #tpu.memory_space<vmem>>
        %dma_start3A_201 = arith.constant 0 : i32
        %dma_start3A_202 = arith.constant 0 : i32
        %dma_start3A_203 = tpu.memref_slice %arg11[%dma_start3A_201, %dma_start3A_202] : memref<10016x128xf32, #tpu.memory_space<vmem_shared>> -> memref<10016x128xf32, #tpu.memory_space<vmem_shared>>
        tpu.enqueue_indirect_dma source(%arg10 : memref<128x128xf32, #tpu.memory_space<vmem>>) target(%dma_start3A_203 : memref<10016x128xf32, #tpu.memory_space<vmem_shared>>) offsets(%dma_start3A_200 : memref<128xi32, #tpu.memory_space<vmem>>) semaphore(%run_scoped3A : memref<!tpu.dma_semaphore, #tpu.memory_space<semaphore_mem>>) {add = true}
        %dma_wait3A_204 = arith.constant 0 : i32
        %dma_wait3A_205 = tpu.memref_slice %arg8[%add3A_116, %dma_wait3A_204] : memref<40x128xi32, #tpu.memory_space<vmem>> -> memref<1x128xi32, #tpu.memory_space<vmem>>
        %dma_wait3A_206 = tpu.memref_squeeze %dma_wait3A_205 : memref<1x128xi32, #tpu.memory_space<vmem>> -> memref<128xi32, #tpu.memory_space<vmem>>
        %dma_wait3A_207 = arith.constant 0 : i32
        %dma_wait3A_208 = arith.constant 0 : i32
        %dma_wait3A_209 = tpu.memref_slice %arg11[%dma_wait3A_207, %dma_wait3A_208] : memref<10016x128xf32, #tpu.memory_space<vmem_shared>> -> memref<10016x128xf32, #tpu.memory_space<vmem_shared>>
        tpu.wait_indirect_dma semaphore(%run_scoped3A : memref<!tpu.dma_semaphore, #tpu.memory_space<semaphore_mem>>) src(%arg10 : memref<128x128xf32, #tpu.memory_space<vmem>>) dst(%dma_wait3A_209 : memref<10016x128xf32, #tpu.memory_space<vmem_shared>>)
        tpu.yield
      }) : () -> ()
      %add3A_123 = arith.constant 2 : i32
      %add3A_124 = arith.addi %add3A_116, %add3A_123 : i32
      %lt3A_125 = arith.constant 40 : i32
      %lt3A_126 = arith.cmpi slt, %add3A_124, %lt3A_125 : i32
      %convert_element_type3A_127 = arith.extui %lt3A_126 : i1 to i32
      %cond3A_128 = arith.constant 0 : i32
      %cond3A_129 = arith.cmpi ne, %convert_element_type3A_127, %cond3A_128 : i32
      scf.if %cond3A_129 {
        %add3A_198 = arith.constant 2 : i32
        %add3A_199 = arith.addi %add3A_116, %add3A_198 : i32
        %dma_start3A_200 = arith.constant 0 : i32
        %dma_start3A_201 = tpu.memref_slice %arg7[%add3A_199, %dma_start3A_200] : memref<40x128xi32, #tpu.memory_space<vmem>> -> memref<1x128xi32, #tpu.memory_space<vmem>>
        %dma_start3A_202 = tpu.memref_squeeze %dma_start3A_201 : memref<1x128xi32, #tpu.memory_space<vmem>> -> memref<128xi32, #tpu.memory_space<vmem>>
        %dma_start3A_203 = arith.constant 0 : i32
        %dma_start3A_204 = arith.constant 0 : i32
        %dma_start3A_205 = tpu.memref_slice %arg2[%dma_start3A_203, %dma_start3A_204] : memref<10000x128xf32, #tpu.memory_space<hbm>> -> memref<10000x128xf32, #tpu.memory_space<hbm>>
        tpu.enqueue_indirect_dma source(%dma_start3A_205 : memref<10000x128xf32, #tpu.memory_space<hbm>>) target(%arg10 : memref<128x128xf32, #tpu.memory_space<vmem>>) offsets(%dma_start3A_202 : memref<128xi32, #tpu.memory_space<vmem>>) semaphore(%arg13 : memref<!tpu.dma_semaphore, #tpu.memory_space<semaphore_mem>>)
      } else {
      }
      %mul3A_130 = arith.constant 8 : i32
      %mul3A_131 = arith.muli %scan3A_64, %mul3A_130 : i32
      %add3A_132 = arith.constant 4 : i32
      %add3A_133 = arith.addi %mul3A_131, %add3A_132 : i32
      %dma_wait3A_134 = arith.constant 0 : i32
      %dma_wait3A_135 = arith.constant 0 : i32
      %dma_wait3A_136 = tpu.memref_slice %arg2[%dma_wait3A_134, %dma_wait3A_135] : memref<10000x128xf32, #tpu.memory_space<hbm>> -> memref<128x128xf32, #tpu.memory_space<hbm>>
      %dma_wait3A_137 = arith.constant 0 : i32
      %dma_wait3A_138 = arith.constant 0 : i32
      %dma_wait3A_139 = tpu.memref_slice %arg2[%dma_wait3A_137, %dma_wait3A_138] : memref<10000x128xf32, #tpu.memory_space<hbm>> -> memref<128x128xf32, #tpu.memory_space<hbm>>
      tpu.wait_dma2 semaphore(%arg12 : memref<!tpu.dma_semaphore, #tpu.memory_space<semaphore_mem>>) src(%dma_wait3A_139 : memref<128x128xf32, #tpu.memory_space<hbm>>) dst(%arg9 : memref<128x128xf32, #tpu.memory_space<vmem>>)
      "tpu.region"() ({
        %run_scoped3A = tpu.sem_alloc : memref<!tpu.dma_semaphore, #tpu.memory_space<semaphore_mem>>
        %dma_start3A_198 = arith.constant 0 : i32
        %dma_start3A_199 = tpu.memref_slice %arg8[%add3A_133, %dma_start3A_198] : memref<40x128xi32, #tpu.memory_space<vmem>> -> memref<1x128xi32, #tpu.memory_space<vmem>>
        %dma_start3A_200 = tpu.memref_squeeze %dma_start3A_199 : memref<1x128xi32, #tpu.memory_space<vmem>> -> memref<128xi32, #tpu.memory_space<vmem>>
        %dma_start3A_201 = arith.constant 0 : i32
        %dma_start3A_202 = arith.constant 0 : i32
        %dma_start3A_203 = tpu.memref_slice %arg11[%dma_start3A_201, %dma_start3A_202] : memref<10016x128xf32, #tpu.memory_space<vmem_shared>> -> memref<10016x128xf32, #tpu.memory_space<vmem_shared>>
        tpu.enqueue_indirect_dma source(%arg9 : memref<128x128xf32, #tpu.memory_space<vmem>>) target(%dma_start3A_203 : memref<10016x128xf32, #tpu.memory_space<vmem_shared>>) offsets(%dma_start3A_200 : memref<128xi32, #tpu.memory_space<vmem>>) semaphore(%run_scoped3A : memref<!tpu.dma_semaphore, #tpu.memory_space<semaphore_mem>>) {add = true}
        %dma_wait3A_204 = arith.constant 0 : i32
        %dma_wait3A_205 = tpu.memref_slice %arg8[%add3A_133, %dma_wait3A_204] : memref<40x128xi32, #tpu.memory_space<vmem>> -> memref<1x128xi32, #tpu.memory_space<vmem>>
        %dma_wait3A_206 = tpu.memref_squeeze %dma_wait3A_205 : memref<1x128xi32, #tpu.memory_space<vmem>> -> memref<128xi32, #tpu.memory_space<vmem>>
        %dma_wait3A_207 = arith.constant 0 : i32
        %dma_wait3A_208 = arith.constant 0 : i32
        %dma_wait3A_209 = tpu.memref_slice %arg11[%dma_wait3A_207, %dma_wait3A_208] : memref<10016x128xf32, #tpu.memory_space<vmem_shared>> -> memref<10016x128xf32, #tpu.memory_space<vmem_shared>>
        tpu.wait_indirect_dma semaphore(%run_scoped3A : memref<!tpu.dma_semaphore, #tpu.memory_space<semaphore_mem>>) src(%arg9 : memref<128x128xf32, #tpu.memory_space<vmem>>) dst(%dma_wait3A_209 : memref<10016x128xf32, #tpu.memory_space<vmem_shared>>)
        tpu.yield
      }) : () -> ()
      %add3A_140 = arith.constant 2 : i32
      %add3A_141 = arith.addi %add3A_133, %add3A_140 : i32
      %lt3A_142 = arith.constant 40 : i32
      %lt3A_143 = arith.cmpi slt, %add3A_141, %lt3A_142 : i32
      %convert_element_type3A_144 = arith.extui %lt3A_143 : i1 to i32
      %cond3A_145 = arith.constant 0 : i32
      %cond3A_146 = arith.cmpi ne, %convert_element_type3A_144, %cond3A_145 : i32
      scf.if %cond3A_146 {
        %add3A_198 = arith.constant 2 : i32
        %add3A_199 = arith.addi %add3A_133, %add3A_198 : i32
        %dma_start3A_200 = arith.constant 0 : i32
        %dma_start3A_201 = tpu.memref_slice %arg7[%add3A_199, %dma_start3A_200] : memref<40x128xi32, #tpu.memory_space<vmem>> -> memref<1x128xi32, #tpu.memory_space<vmem>>
        %dma_start3A_202 = tpu.memref_squeeze %dma_start3A_201 : memref<1x128xi32, #tpu.memory_space<vmem>> -> memref<128xi32, #tpu.memory_space<vmem>>
        %dma_start3A_203 = arith.constant 0 : i32
        %dma_start3A_204 = arith.constant 0 : i32
        %dma_start3A_205 = tpu.memref_slice %arg2[%dma_start3A_203, %dma_start3A_204] : memref<10000x128xf32, #tpu.memory_space<hbm>> -> memref<10000x128xf32, #tpu.memory_space<hbm>>
        tpu.enqueue_indirect_dma source(%dma_start3A_205 : memref<10000x128xf32, #tpu.memory_space<hbm>>) target(%arg9 : memref<128x128xf32, #tpu.memory_space<vmem>>) offsets(%dma_start3A_202 : memref<128xi32, #tpu.memory_space<vmem>>) semaphore(%arg12 : memref<!tpu.dma_semaphore, #tpu.memory_space<semaphore_mem>>)
      } else {
      }
      %mul3A_147 = arith.constant 8 : i32
      %mul3A_148 = arith.muli %scan3A_64, %mul3A_147 : i32
      %add3A_149 = arith.constant 5 : i32
      %add3A_150 = arith.addi %mul3A_148, %add3A_149 : i32
      %dma_wait3A_151 = arith.constant 0 : i32
      %dma_wait3A_152 = arith.constant 0 : i32
      %dma_wait3A_153 = tpu.memref_slice %arg2[%dma_wait3A_151, %dma_wait3A_152] : memref<10000x128xf32, #tpu.memory_space<hbm>> -> memref<128x128xf32, #tpu.memory_space<hbm>>
      %dma_wait3A_154 = arith.constant 0 : i32
      %dma_wait3A_155 = arith.constant 0 : i32
      %dma_wait3A_156 = tpu.memref_slice %arg2[%dma_wait3A_154, %dma_wait3A_155] : memref<10000x128xf32, #tpu.memory_space<hbm>> -> memref<128x128xf32, #tpu.memory_space<hbm>>
      tpu.wait_dma2 semaphore(%arg13 : memref<!tpu.dma_semaphore, #tpu.memory_space<semaphore_mem>>) src(%dma_wait3A_156 : memref<128x128xf32, #tpu.memory_space<hbm>>) dst(%arg10 : memref<128x128xf32, #tpu.memory_space<vmem>>)
      "tpu.region"() ({
        %run_scoped3A = tpu.sem_alloc : memref<!tpu.dma_semaphore, #tpu.memory_space<semaphore_mem>>
        %dma_start3A_198 = arith.constant 0 : i32
        %dma_start3A_199 = tpu.memref_slice %arg8[%add3A_150, %dma_start3A_198] : memref<40x128xi32, #tpu.memory_space<vmem>> -> memref<1x128xi32, #tpu.memory_space<vmem>>
        %dma_start3A_200 = tpu.memref_squeeze %dma_start3A_199 : memref<1x128xi32, #tpu.memory_space<vmem>> -> memref<128xi32, #tpu.memory_space<vmem>>
        %dma_start3A_201 = arith.constant 0 : i32
        %dma_start3A_202 = arith.constant 0 : i32
        %dma_start3A_203 = tpu.memref_slice %arg11[%dma_start3A_201, %dma_start3A_202] : memref<10016x128xf32, #tpu.memory_space<vmem_shared>> -> memref<10016x128xf32, #tpu.memory_space<vmem_shared>>
        tpu.enqueue_indirect_dma source(%arg10 : memref<128x128xf32, #tpu.memory_space<vmem>>) target(%dma_start3A_203 : memref<10016x128xf32, #tpu.memory_space<vmem_shared>>) offsets(%dma_start3A_200 : memref<128xi32, #tpu.memory_space<vmem>>) semaphore(%run_scoped3A : memref<!tpu.dma_semaphore, #tpu.memory_space<semaphore_mem>>) {add = true}
        %dma_wait3A_204 = arith.constant 0 : i32
        %dma_wait3A_205 = tpu.memref_slice %arg8[%add3A_150, %dma_wait3A_204] : memref<40x128xi32, #tpu.memory_space<vmem>> -> memref<1x128xi32, #tpu.memory_space<vmem>>
        %dma_wait3A_206 = tpu.memref_squeeze %dma_wait3A_205 : memref<1x128xi32, #tpu.memory_space<vmem>> -> memref<128xi32, #tpu.memory_space<vmem>>
        %dma_wait3A_207 = arith.constant 0 : i32
        %dma_wait3A_208 = arith.constant 0 : i32
        %dma_wait3A_209 = tpu.memref_slice %arg11[%dma_wait3A_207, %dma_wait3A_208] : memref<10016x128xf32, #tpu.memory_space<vmem_shared>> -> memref<10016x128xf32, #tpu.memory_space<vmem_shared>>
        tpu.wait_indirect_dma semaphore(%run_scoped3A : memref<!tpu.dma_semaphore, #tpu.memory_space<semaphore_mem>>) src(%arg10 : memref<128x128xf32, #tpu.memory_space<vmem>>) dst(%dma_wait3A_209 : memref<10016x128xf32, #tpu.memory_space<vmem_shared>>)
        tpu.yield
      }) : () -> ()
      %add3A_157 = arith.constant 2 : i32
      %add3A_158 = arith.addi %add3A_150, %add3A_157 : i32
      %lt3A_159 = arith.constant 40 : i32
      %lt3A_160 = arith.cmpi slt, %add3A_158, %lt3A_159 : i32
      %convert_element_type3A_161 = arith.extui %lt3A_160 : i1 to i32
      %cond3A_162 = arith.constant 0 : i32
      %cond3A_163 = arith.cmpi ne, %convert_element_type3A_161, %cond3A_162 : i32
      scf.if %cond3A_163 {
        %add3A_198 = arith.constant 2 : i32
        %add3A_199 = arith.addi %add3A_150, %add3A_198 : i32
        %dma_start3A_200 = arith.constant 0 : i32
        %dma_start3A_201 = tpu.memref_slice %arg7[%add3A_199, %dma_start3A_200] : memref<40x128xi32, #tpu.memory_space<vmem>> -> memref<1x128xi32, #tpu.memory_space<vmem>>
        %dma_start3A_202 = tpu.memref_squeeze %dma_start3A_201 : memref<1x128xi32, #tpu.memory_space<vmem>> -> memref<128xi32, #tpu.memory_space<vmem>>
        %dma_start3A_203 = arith.constant 0 : i32
        %dma_start3A_204 = arith.constant 0 : i32
        %dma_start3A_205 = tpu.memref_slice %arg2[%dma_start3A_203, %dma_start3A_204] : memref<10000x128xf32, #tpu.memory_space<hbm>> -> memref<10000x128xf32, #tpu.memory_space<hbm>>
        tpu.enqueue_indirect_dma source(%dma_start3A_205 : memref<10000x128xf32, #tpu.memory_space<hbm>>) target(%arg10 : memref<128x128xf32, #tpu.memory_space<vmem>>) offsets(%dma_start3A_202 : memref<128xi32, #tpu.memory_space<vmem>>) semaphore(%arg13 : memref<!tpu.dma_semaphore, #tpu.memory_space<semaphore_mem>>)
      } else {
      }
      %mul3A_164 = arith.constant 8 : i32
      %mul3A_165 = arith.muli %scan3A_64, %mul3A_164 : i32
      %add3A_166 = arith.constant 6 : i32
      %add3A_167 = arith.addi %mul3A_165, %add3A_166 : i32
      %dma_wait3A_168 = arith.constant 0 : i32
      %dma_wait3A_169 = arith.constant 0 : i32
      %dma_wait3A_170 = tpu.memref_slice %arg2[%dma_wait3A_168, %dma_wait3A_169] : memref<10000x128xf32, #tpu.memory_space<hbm>> -> memref<128x128xf32, #tpu.memory_space<hbm>>
      %dma_wait3A_171 = arith.constant 0 : i32
      %dma_wait3A_172 = arith.constant 0 : i32
      %dma_wait3A_173 = tpu.memref_slice %arg2[%dma_wait3A_171, %dma_wait3A_172] : memref<10000x128xf32, #tpu.memory_space<hbm>> -> memref<128x128xf32, #tpu.memory_space<hbm>>
      tpu.wait_dma2 semaphore(%arg12 : memref<!tpu.dma_semaphore, #tpu.memory_space<semaphore_mem>>) src(%dma_wait3A_173 : memref<128x128xf32, #tpu.memory_space<hbm>>) dst(%arg9 : memref<128x128xf32, #tpu.memory_space<vmem>>)
      "tpu.region"() ({
        %run_scoped3A = tpu.sem_alloc : memref<!tpu.dma_semaphore, #tpu.memory_space<semaphore_mem>>
        %dma_start3A_198 = arith.constant 0 : i32
        %dma_start3A_199 = tpu.memref_slice %arg8[%add3A_167, %dma_start3A_198] : memref<40x128xi32, #tpu.memory_space<vmem>> -> memref<1x128xi32, #tpu.memory_space<vmem>>
        %dma_start3A_200 = tpu.memref_squeeze %dma_start3A_199 : memref<1x128xi32, #tpu.memory_space<vmem>> -> memref<128xi32, #tpu.memory_space<vmem>>
        %dma_start3A_201 = arith.constant 0 : i32
        %dma_start3A_202 = arith.constant 0 : i32
        %dma_start3A_203 = tpu.memref_slice %arg11[%dma_start3A_201, %dma_start3A_202] : memref<10016x128xf32, #tpu.memory_space<vmem_shared>> -> memref<10016x128xf32, #tpu.memory_space<vmem_shared>>
        tpu.enqueue_indirect_dma source(%arg9 : memref<128x128xf32, #tpu.memory_space<vmem>>) target(%dma_start3A_203 : memref<10016x128xf32, #tpu.memory_space<vmem_shared>>) offsets(%dma_start3A_200 : memref<128xi32, #tpu.memory_space<vmem>>) semaphore(%run_scoped3A : memref<!tpu.dma_semaphore, #tpu.memory_space<semaphore_mem>>) {add = true}
        %dma_wait3A_204 = arith.constant 0 : i32
        %dma_wait3A_205 = tpu.memref_slice %arg8[%add3A_167, %dma_wait3A_204] : memref<40x128xi32, #tpu.memory_space<vmem>> -> memref<1x128xi32, #tpu.memory_space<vmem>>
        %dma_wait3A_206 = tpu.memref_squeeze %dma_wait3A_205 : memref<1x128xi32, #tpu.memory_space<vmem>> -> memref<128xi32, #tpu.memory_space<vmem>>
        %dma_wait3A_207 = arith.constant 0 : i32
        %dma_wait3A_208 = arith.constant 0 : i32
        %dma_wait3A_209 = tpu.memref_slice %arg11[%dma_wait3A_207, %dma_wait3A_208] : memref<10016x128xf32, #tpu.memory_space<vmem_shared>> -> memref<10016x128xf32, #tpu.memory_space<vmem_shared>>
        tpu.wait_indirect_dma semaphore(%run_scoped3A : memref<!tpu.dma_semaphore, #tpu.memory_space<semaphore_mem>>) src(%arg9 : memref<128x128xf32, #tpu.memory_space<vmem>>) dst(%dma_wait3A_209 : memref<10016x128xf32, #tpu.memory_space<vmem_shared>>)
        tpu.yield
      }) : () -> ()
      %add3A_174 = arith.constant 2 : i32
      %add3A_175 = arith.addi %add3A_167, %add3A_174 : i32
      %lt3A_176 = arith.constant 40 : i32
      %lt3A_177 = arith.cmpi slt, %add3A_175, %lt3A_176 : i32
      %convert_element_type3A_178 = arith.extui %lt3A_177 : i1 to i32
      %cond3A_179 = arith.constant 0 : i32
      %cond3A_180 = arith.cmpi ne, %convert_element_type3A_178, %cond3A_179 : i32
      scf.if %cond3A_180 {
        %add3A_198 = arith.constant 2 : i32
        %add3A_199 = arith.addi %add3A_167, %add3A_198 : i32
        %dma_start3A_200 = arith.constant 0 : i32
        %dma_start3A_201 = tpu.memref_slice %arg7[%add3A_199, %dma_start3A_200] : memref<40x128xi32, #tpu.memory_space<vmem>> -> memref<1x128xi32, #tpu.memory_space<vmem>>
        %dma_start3A_202 = tpu.memref_squeeze %dma_start3A_201 : memref<1x128xi32, #tpu.memory_space<vmem>> -> memref<128xi32, #tpu.memory_space<vmem>>
        %dma_start3A_203 = arith.constant 0 : i32
        %dma_start3A_204 = arith.constant 0 : i32
        %dma_start3A_205 = tpu.memref_slice %arg2[%dma_start3A_203, %dma_start3A_204] : memref<10000x128xf32, #tpu.memory_space<hbm>> -> memref<10000x128xf32, #tpu.memory_space<hbm>>
        tpu.enqueue_indirect_dma source(%dma_start3A_205 : memref<10000x128xf32, #tpu.memory_space<hbm>>) target(%arg9 : memref<128x128xf32, #tpu.memory_space<vmem>>) offsets(%dma_start3A_202 : memref<128xi32, #tpu.memory_space<vmem>>) semaphore(%arg12 : memref<!tpu.dma_semaphore, #tpu.memory_space<semaphore_mem>>)
      } else {
      }
      %mul3A_181 = arith.constant 8 : i32
      %mul3A_182 = arith.muli %scan3A_64, %mul3A_181 : i32
      %add3A_183 = arith.constant 7 : i32
      %add3A_184 = arith.addi %mul3A_182, %add3A_183 : i32
      %dma_wait3A_185 = arith.constant 0 : i32
      %dma_wait3A_186 = arith.constant 0 : i32
      %dma_wait3A_187 = tpu.memref_slice %arg2[%dma_wait3A_185, %dma_wait3A_186] : memref<10000x128xf32, #tpu.memory_space<hbm>> -> memref<128x128xf32, #tpu.memory_space<hbm>>
      %dma_wait3A_188 = arith.constant 0 : i32
      %dma_wait3A_189 = arith.constant 0 : i32
      %dma_wait3A_190 = tpu.memref_slice %arg2[%dma_wait3A_188, %dma_wait3A_189] : memref<10000x128xf32, #tpu.memory_space<hbm>> -> memref<128x128xf32, #tpu.memory_space<hbm>>
      tpu.wait_dma2 semaphore(%arg13 : memref<!tpu.dma_semaphore, #tpu.memory_space<semaphore_mem>>) src(%dma_wait3A_190 : memref<128x128xf32, #tpu.memory_space<hbm>>) dst(%arg10 : memref<128x128xf32, #tpu.memory_space<vmem>>)
      "tpu.region"() ({
        %run_scoped3A = tpu.sem_alloc : memref<!tpu.dma_semaphore, #tpu.memory_space<semaphore_mem>>
        %dma_start3A_198 = arith.constant 0 : i32
        %dma_start3A_199 = tpu.memref_slice %arg8[%add3A_184, %dma_start3A_198] : memref<40x128xi32, #tpu.memory_space<vmem>> -> memref<1x128xi32, #tpu.memory_space<vmem>>
        %dma_start3A_200 = tpu.memref_squeeze %dma_start3A_199 : memref<1x128xi32, #tpu.memory_space<vmem>> -> memref<128xi32, #tpu.memory_space<vmem>>
        %dma_start3A_201 = arith.constant 0 : i32
        %dma_start3A_202 = arith.constant 0 : i32
        %dma_start3A_203 = tpu.memref_slice %arg11[%dma_start3A_201, %dma_start3A_202] : memref<10016x128xf32, #tpu.memory_space<vmem_shared>> -> memref<10016x128xf32, #tpu.memory_space<vmem_shared>>
        tpu.enqueue_indirect_dma source(%arg10 : memref<128x128xf32, #tpu.memory_space<vmem>>) target(%dma_start3A_203 : memref<10016x128xf32, #tpu.memory_space<vmem_shared>>) offsets(%dma_start3A_200 : memref<128xi32, #tpu.memory_space<vmem>>) semaphore(%run_scoped3A : memref<!tpu.dma_semaphore, #tpu.memory_space<semaphore_mem>>) {add = true}
        %dma_wait3A_204 = arith.constant 0 : i32
        %dma_wait3A_205 = tpu.memref_slice %arg8[%add3A_184, %dma_wait3A_204] : memref<40x128xi32, #tpu.memory_space<vmem>> -> memref<1x128xi32, #tpu.memory_space<vmem>>
        %dma_wait3A_206 = tpu.memref_squeeze %dma_wait3A_205 : memref<1x128xi32, #tpu.memory_space<vmem>> -> memref<128xi32, #tpu.memory_space<vmem>>
        %dma_wait3A_207 = arith.constant 0 : i32
        %dma_wait3A_208 = arith.constant 0 : i32
        %dma_wait3A_209 = tpu.memref_slice %arg11[%dma_wait3A_207, %dma_wait3A_208] : memref<10016x128xf32, #tpu.memory_space<vmem_shared>> -> memref<10016x128xf32, #tpu.memory_space<vmem_shared>>
        tpu.wait_indirect_dma semaphore(%run_scoped3A : memref<!tpu.dma_semaphore, #tpu.memory_space<semaphore_mem>>) src(%arg10 : memref<128x128xf32, #tpu.memory_space<vmem>>) dst(%dma_wait3A_209 : memref<10016x128xf32, #tpu.memory_space<vmem_shared>>)
        tpu.yield
      }) : () -> ()
      %add3A_191 = arith.constant 2 : i32
      %add3A_192 = arith.addi %add3A_184, %add3A_191 : i32
      %lt3A_193 = arith.constant 40 : i32
      %lt3A_194 = arith.cmpi slt, %add3A_192, %lt3A_193 : i32
      %convert_element_type3A_195 = arith.extui %lt3A_194 : i1 to i32
      %cond3A_196 = arith.constant 0 : i32
      %cond3A_197 = arith.cmpi ne, %convert_element_type3A_195, %cond3A_196 : i32
      scf.if %cond3A_197 {
        %add3A_198 = arith.constant 2 : i32
        %add3A_199 = arith.addi %add3A_184, %add3A_198 : i32
        %dma_start3A_200 = arith.constant 0 : i32
        %dma_start3A_201 = tpu.memref_slice %arg7[%add3A_199, %dma_start3A_200] : memref<40x128xi32, #tpu.memory_space<vmem>> -> memref<1x128xi32, #tpu.memory_space<vmem>>
        %dma_start3A_202 = tpu.memref_squeeze %dma_start3A_201 : memref<1x128xi32, #tpu.memory_space<vmem>> -> memref<128xi32, #tpu.memory_space<vmem>>
        %dma_start3A_203 = arith.constant 0 : i32
        %dma_start3A_204 = arith.constant 0 : i32
        %dma_start3A_205 = tpu.memref_slice %arg2[%dma_start3A_203, %dma_start3A_204] : memref<10000x128xf32, #tpu.memory_space<hbm>> -> memref<10000x128xf32, #tpu.memory_space<hbm>>
        tpu.enqueue_indirect_dma source(%dma_start3A_205 : memref<10000x128xf32, #tpu.memory_space<hbm>>) target(%arg10 : memref<128x128xf32, #tpu.memory_space<vmem>>) offsets(%dma_start3A_202 : memref<128xi32, #tpu.memory_space<vmem>>) semaphore(%arg13 : memref<!tpu.dma_semaphore, #tpu.memory_space<semaphore_mem>>)
      } else {
      }
    }
    %scan3A_58 = arith.constant 5 : i32
    %barrier3A_59 = arith.constant 0 : index
    tpu.barrier barrier_id(%barrier3A_59)
    %mul3A_60 = arith.constant 624 : i32
    %mul3A_61 = arith.muli %arg1, %mul3A_60 : i32
    %mul3A_62 = arith.constant 624 : i32
    %mul3A_63 = arith.muli %arg1, %mul3A_62 : i32
    "tpu.region"() ({
      %run_scoped3A = tpu.sem_alloc : memref<!tpu.dma_semaphore, #tpu.memory_space<semaphore_mem>>
      %dma_start3A_64 = arith.constant 0 : i32
      %dma_start3A_65 = tpu.memref_slice %arg6[%arg0, %mul3A_63, %dma_start3A_64] : memref<2x10016x128xf32, #tpu.memory_space<hbm>> -> memref<1x656x128xf32, #tpu.memory_space<hbm>>
      %dma_start3A_66 = tpu.memref_squeeze %dma_start3A_65 : memref<1x656x128xf32, #tpu.memory_space<hbm>> -> memref<656x128xf32, #tpu.memory_space<hbm>>
      %dma_start3A_67 = arith.constant 0 : i32
      %dma_start3A_68 = tpu.memref_slice %arg11[%mul3A_61, %dma_start3A_67] : memref<10016x128xf32, #tpu.memory_space<vmem_shared>> -> memref<656x128xf32, #tpu.memory_space<vmem_shared>>
      tpu.enqueue_dma source(%dma_start3A_68 : memref<656x128xf32, #tpu.memory_space<vmem_shared>>) target(%dma_start3A_66 : memref<656x128xf32, #tpu.memory_space<hbm>>) target_semaphore(%run_scoped3A : memref<!tpu.dma_semaphore, #tpu.memory_space<semaphore_mem>>)
      %dma_wait3A_69 = arith.constant 0 : i32
      %dma_wait3A_70 = tpu.memref_slice %arg6[%arg0, %mul3A_63, %dma_wait3A_69] : memref<2x10016x128xf32, #tpu.memory_space<hbm>> -> memref<1x656x128xf32, #tpu.memory_space<hbm>>
      %dma_wait3A_71 = tpu.memref_squeeze %dma_wait3A_70 : memref<1x656x128xf32, #tpu.memory_space<hbm>> -> memref<656x128xf32, #tpu.memory_space<hbm>>
      %dma_wait3A_72 = arith.constant 0 : i32
      %dma_wait3A_73 = tpu.memref_slice %arg11[%mul3A_61, %dma_wait3A_72] : memref<10016x128xf32, #tpu.memory_space<vmem_shared>> -> memref<656x128xf32, #tpu.memory_space<vmem_shared>>
      tpu.wait_dma2 semaphore(%run_scoped3A : memref<!tpu.dma_semaphore, #tpu.memory_space<semaphore_mem>>) src(%dma_wait3A_73 : memref<656x128xf32, #tpu.memory_space<vmem_shared>>) dst(%dma_wait3A_71 : memref<656x128xf32, #tpu.memory_space<hbm>>)
      tpu.yield
    }) : () -> ()
    return
  }
}

#map = affine_map<(d0, d1) -> (0, 0)>
#map1 = affine_map<(d0, d1) -> (0, 0, 0)>
module attributes {stable_mosaic.version = 14 : i64} {
  func.func @_sc_layer0(%arg0: i32, %arg1: i32, %arg2: memref<320000x128xf32, #tpu.memory_space<hbm>>, %arg3: memref<10000x128xf32, #tpu.memory_space<hbm>>, %arg4: memref<2560x128xi32, #tpu.memory_space<hbm>>, %arg5: memref<2560x128xi32, #tpu.memory_space<hbm>>, %arg6: memref<10016x128xf32, #tpu.memory_space<hbm>>, %arg7: memref<2x10016x128xf32, #tpu.memory_space<hbm>>, %arg8: memref<2x10016x128xf32, #tpu.memory_space<hbm>>, %arg9: memref<40x128xi32, #tpu.memory_space<vmem>>, %arg10: memref<40x128xi32, #tpu.memory_space<vmem>>, %arg11: memref<128x128xf32, #tpu.memory_space<vmem>>, %arg12: memref<128x128xf32, #tpu.memory_space<vmem>>, %arg13: memref<10016x128xf32, #tpu.memory_space<vmem_shared>>, %arg14: memref<!tpu.dma_semaphore, #tpu.memory_space<semaphore_mem>>, %arg15: memref<!tpu.dma_semaphore, #tpu.memory_space<semaphore_mem>>) attributes {dimension_semantics = [#tpu.dimension_semantics<core_parallel>, #tpu.dimension_semantics<subcore_parallel>], iteration_bounds = array<i64: 2, 16>, scalar_prefetch = 0 : i64, scratch_operands = 7 : i64, tpu.core_type = #tpu.core_type<sc_vector_subcore>, window_params = [{transform_indices = #map}, {transform_indices = #map}, {transform_indices = #map}, {transform_indices = #map}, {transform_indices = #map}, {transform_indices = #map1}, {transform_indices = #map1}]} {
    %barrier3A = arith.constant 0 : index
    tpu.barrier barrier_id(%barrier3A)
    %mul3A = arith.constant 624 : i32
    %mul3A_0 = arith.muli %arg1, %mul3A : i32
    %mul3A_1 = arith.constant 624 : i32
    %mul3A_2 = arith.muli %arg1, %mul3A_1 : i32
    %dma_start3A = arith.constant 0 : i32
    %dma_start3A_3 = tpu.memref_slice %arg13[%mul3A_2, %dma_start3A] : memref<10016x128xf32, #tpu.memory_space<vmem_shared>> -> memref<656x128xf32, #tpu.memory_space<vmem_shared>>
    %dma_start3A_4 = arith.constant 0 : i32
    %dma_start3A_5 = tpu.memref_slice %arg6[%mul3A_0, %dma_start3A_4] : memref<10016x128xf32, #tpu.memory_space<hbm>> -> memref<656x128xf32, #tpu.memory_space<hbm>>
    tpu.enqueue_dma source(%dma_start3A_5 : memref<656x128xf32, #tpu.memory_space<hbm>>) target(%dma_start3A_3 : memref<656x128xf32, #tpu.memory_space<vmem_shared>>) target_semaphore(%arg14 : memref<!tpu.dma_semaphore, #tpu.memory_space<semaphore_mem>>)
    %mul3A_6 = arith.constant 16 : i32
    %mul3A_7 = arith.muli %arg0, %mul3A_6 : i32
    %add3A = arith.addi %mul3A_7, %arg1 : i32
    %mul3A_8 = arith.constant 80 : i32
    %mul3A_9 = arith.muli %add3A, %mul3A_8 : i32
    %add3A_10 = arith.constant 0 : i32
    %add3A_11 = arith.addi %mul3A_9, %add3A_10 : i32
    "tpu.region"() ({
      %run_scoped3A = tpu.sem_alloc : memref<!tpu.dma_semaphore, #tpu.memory_space<semaphore_mem>>
      %dma_start3A_145 = arith.constant 0 : i32
      %dma_start3A_146 = tpu.memref_slice %arg5[%add3A_11, %dma_start3A_145] : memref<2560x128xi32, #tpu.memory_space<hbm>> -> memref<40x128xi32, #tpu.memory_space<hbm>>
      %dma_start3A_147 = arith.constant 0 : i32
      %dma_start3A_148 = tpu.memref_slice %arg5[%add3A_11, %dma_start3A_147] : memref<2560x128xi32, #tpu.memory_space<hbm>> -> memref<40x128xi32, #tpu.memory_space<hbm>>
      tpu.enqueue_dma source(%dma_start3A_148 : memref<40x128xi32, #tpu.memory_space<hbm>>) target(%arg10 : memref<40x128xi32, #tpu.memory_space<vmem>>) target_semaphore(%run_scoped3A : memref<!tpu.dma_semaphore, #tpu.memory_space<semaphore_mem>>)
      %dma_wait3A_149 = arith.constant 0 : i32
      %dma_wait3A_150 = tpu.memref_slice %arg5[%add3A_11, %dma_wait3A_149] : memref<2560x128xi32, #tpu.memory_space<hbm>> -> memref<40x128xi32, #tpu.memory_space<hbm>>
      %dma_wait3A_151 = arith.constant 0 : i32
      %dma_wait3A_152 = tpu.memref_slice %arg5[%add3A_11, %dma_wait3A_151] : memref<2560x128xi32, #tpu.memory_space<hbm>> -> memref<40x128xi32, #tpu.memory_space<hbm>>
      tpu.wait_dma2 semaphore(%run_scoped3A : memref<!tpu.dma_semaphore, #tpu.memory_space<semaphore_mem>>) src(%dma_wait3A_152 : memref<40x128xi32, #tpu.memory_space<hbm>>) dst(%arg10 : memref<40x128xi32, #tpu.memory_space<vmem>>)
      tpu.yield
    }) : () -> ()
    %dma_wait3A = arith.constant 0 : i32
    %dma_wait3A_12 = tpu.memref_slice %arg13[%mul3A_2, %dma_wait3A] : memref<10016x128xf32, #tpu.memory_space<vmem_shared>> -> memref<656x128xf32, #tpu.memory_space<vmem_shared>>
    %dma_wait3A_13 = arith.constant 0 : i32
    %dma_wait3A_14 = tpu.memref_slice %arg6[%mul3A_0, %dma_wait3A_13] : memref<10016x128xf32, #tpu.memory_space<hbm>> -> memref<656x128xf32, #tpu.memory_space<hbm>>
    tpu.wait_dma2 semaphore(%arg14 : memref<!tpu.dma_semaphore, #tpu.memory_space<semaphore_mem>>) src(%dma_wait3A_14 : memref<656x128xf32, #tpu.memory_space<hbm>>) dst(%dma_wait3A_12 : memref<656x128xf32, #tpu.memory_space<vmem_shared>>)
    %barrier3A_15 = arith.constant 0 : index
    tpu.barrier barrier_id(%barrier3A_15)
    %add3A_16 = arith.constant 0 : i32
    %add3A_17 = arith.addi %add3A_11, %add3A_16 : i32
    %min3A = arith.constant 2499 : i32
    %min3A_18 = arith.minsi %add3A_17, %min3A : i32
    %mul3A_19 = arith.constant 128 : i32
    %mul3A_20 = arith.muli %min3A_18, %mul3A_19 : i32
    %dma_start3A_21 = arith.constant 0 : i32
    %dma_start3A_22 = tpu.memref_slice %arg2[%mul3A_20, %dma_start3A_21] : memref<320000x128xf32, #tpu.memory_space<hbm>> -> memref<128x128xf32, #tpu.memory_space<hbm>>
    %dma_start3A_23 = arith.constant 0 : i32
    %dma_start3A_24 = tpu.memref_slice %arg2[%mul3A_20, %dma_start3A_23] : memref<320000x128xf32, #tpu.memory_space<hbm>> -> memref<128x128xf32, #tpu.memory_space<hbm>>
    tpu.enqueue_dma source(%dma_start3A_24 : memref<128x128xf32, #tpu.memory_space<hbm>>) target(%arg11 : memref<128x128xf32, #tpu.memory_space<vmem>>) target_semaphore(%arg14 : memref<!tpu.dma_semaphore, #tpu.memory_space<semaphore_mem>>)
    %add3A_25 = arith.constant 1 : i32
    %add3A_26 = arith.addi %add3A_11, %add3A_25 : i32
    %min3A_27 = arith.constant 2499 : i32
    %min3A_28 = arith.minsi %add3A_26, %min3A_27 : i32
    %mul3A_29 = arith.constant 128 : i32
    %mul3A_30 = arith.muli %min3A_28, %mul3A_29 : i32
    %dma_start3A_31 = arith.constant 0 : i32
    %dma_start3A_32 = tpu.memref_slice %arg2[%mul3A_30, %dma_start3A_31] : memref<320000x128xf32, #tpu.memory_space<hbm>> -> memref<128x128xf32, #tpu.memory_space<hbm>>
    %dma_start3A_33 = arith.constant 0 : i32
    %dma_start3A_34 = tpu.memref_slice %arg2[%mul3A_30, %dma_start3A_33] : memref<320000x128xf32, #tpu.memory_space<hbm>> -> memref<128x128xf32, #tpu.memory_space<hbm>>
    tpu.enqueue_dma source(%dma_start3A_34 : memref<128x128xf32, #tpu.memory_space<hbm>>) target(%arg12 : memref<128x128xf32, #tpu.memory_space<vmem>>) target_semaphore(%arg15 : memref<!tpu.dma_semaphore, #tpu.memory_space<semaphore_mem>>)
    %scan3A = arith.constant 0 : i32
    %scan3A_35 = arith.constant 0 : i32
    %scan3A_36 = arith.constant 5 : i32
    %scan3A_37 = arith.addi %scan3A_35, %scan3A_36 : i32
    %scan3A_38 = arith.constant 1 : i32
    scf.for %scan3A_145 = %scan3A_35 to %scan3A_37 step %scan3A_38  : i32 {
      %mul3A_146 = arith.constant 8 : i32
      %mul3A_147 = arith.muli %scan3A_145, %mul3A_146 : i32
      %add3A_148 = arith.constant 0 : i32
      %add3A_149 = arith.addi %mul3A_147, %add3A_148 : i32
      %dma_wait3A_150 = arith.constant 0 : i32
      %dma_wait3A_151 = arith.constant 0 : i32
      %dma_wait3A_152 = tpu.memref_slice %arg2[%dma_wait3A_150, %dma_wait3A_151] : memref<320000x128xf32, #tpu.memory_space<hbm>> -> memref<128x128xf32, #tpu.memory_space<hbm>>
      %dma_wait3A_153 = arith.constant 0 : i32
      %dma_wait3A_154 = arith.constant 0 : i32
      %dma_wait3A_155 = tpu.memref_slice %arg2[%dma_wait3A_153, %dma_wait3A_154] : memref<320000x128xf32, #tpu.memory_space<hbm>> -> memref<128x128xf32, #tpu.memory_space<hbm>>
      tpu.wait_dma2 semaphore(%arg14 : memref<!tpu.dma_semaphore, #tpu.memory_space<semaphore_mem>>) src(%dma_wait3A_155 : memref<128x128xf32, #tpu.memory_space<hbm>>) dst(%arg11 : memref<128x128xf32, #tpu.memory_space<vmem>>)
      "tpu.region"() ({
        %run_scoped3A = tpu.sem_alloc : memref<!tpu.dma_semaphore, #tpu.memory_space<semaphore_mem>>
        %dma_start3A_279 = arith.constant 0 : i32
        %dma_start3A_280 = tpu.memref_slice %arg10[%add3A_149, %dma_start3A_279] : memref<40x128xi32, #tpu.memory_space<vmem>> -> memref<1x128xi32, #tpu.memory_space<vmem>>
        %dma_start3A_281 = tpu.memref_squeeze %dma_start3A_280 : memref<1x128xi32, #tpu.memory_space<vmem>> -> memref<128xi32, #tpu.memory_space<vmem>>
        %dma_start3A_282 = arith.constant 0 : i32
        %dma_start3A_283 = arith.constant 0 : i32
        %dma_start3A_284 = tpu.memref_slice %arg13[%dma_start3A_282, %dma_start3A_283] : memref<10016x128xf32, #tpu.memory_space<vmem_shared>> -> memref<10016x128xf32, #tpu.memory_space<vmem_shared>>
        tpu.enqueue_indirect_dma source(%arg11 : memref<128x128xf32, #tpu.memory_space<vmem>>) target(%dma_start3A_284 : memref<10016x128xf32, #tpu.memory_space<vmem_shared>>) offsets(%dma_start3A_281 : memref<128xi32, #tpu.memory_space<vmem>>) semaphore(%run_scoped3A : memref<!tpu.dma_semaphore, #tpu.memory_space<semaphore_mem>>) {add = true}
        %dma_wait3A_285 = arith.constant 0 : i32
        %dma_wait3A_286 = tpu.memref_slice %arg10[%add3A_149, %dma_wait3A_285] : memref<40x128xi32, #tpu.memory_space<vmem>> -> memref<1x128xi32, #tpu.memory_space<vmem>>
        %dma_wait3A_287 = tpu.memref_squeeze %dma_wait3A_286 : memref<1x128xi32, #tpu.memory_space<vmem>> -> memref<128xi32, #tpu.memory_space<vmem>>
        %dma_wait3A_288 = arith.constant 0 : i32
        %dma_wait3A_289 = arith.constant 0 : i32
        %dma_wait3A_290 = tpu.memref_slice %arg13[%dma_wait3A_288, %dma_wait3A_289] : memref<10016x128xf32, #tpu.memory_space<vmem_shared>> -> memref<10016x128xf32, #tpu.memory_space<vmem_shared>>
        tpu.wait_indirect_dma semaphore(%run_scoped3A : memref<!tpu.dma_semaphore, #tpu.memory_space<semaphore_mem>>) src(%arg11 : memref<128x128xf32, #tpu.memory_space<vmem>>) dst(%dma_wait3A_290 : memref<10016x128xf32, #tpu.memory_space<vmem_shared>>)
        tpu.yield
      }) : () -> ()
      %add3A_156 = arith.constant 2 : i32
      %add3A_157 = arith.addi %add3A_149, %add3A_156 : i32
      %lt3A = arith.constant 40 : i32
      %lt3A_158 = arith.cmpi slt, %add3A_157, %lt3A : i32
      %convert_element_type3A = arith.extui %lt3A_158 : i1 to i32
      %cond3A = arith.constant 0 : i32
      %cond3A_159 = arith.cmpi ne, %convert_element_type3A, %cond3A : i32
      scf.if %cond3A_159 {
        %add3A_279 = arith.constant 2 : i32
        %add3A_280 = arith.addi %add3A_149, %add3A_279 : i32
        %add3A_281 = arith.addi %add3A_11, %add3A_280 : i32
        %min3A_282 = arith.constant 2499 : i32
        %min3A_283 = arith.minsi %add3A_281, %min3A_282 : i32
        %mul3A_284 = arith.constant 128 : i32
        %mul3A_285 = arith.muli %min3A_283, %mul3A_284 : i32
        %dma_start3A_286 = arith.constant 0 : i32
        %dma_start3A_287 = tpu.memref_slice %arg2[%mul3A_285, %dma_start3A_286] : memref<320000x128xf32, #tpu.memory_space<hbm>> -> memref<128x128xf32, #tpu.memory_space<hbm>>
        %dma_start3A_288 = arith.constant 0 : i32
        %dma_start3A_289 = tpu.memref_slice %arg2[%mul3A_285, %dma_start3A_288] : memref<320000x128xf32, #tpu.memory_space<hbm>> -> memref<128x128xf32, #tpu.memory_space<hbm>>
        tpu.enqueue_dma source(%dma_start3A_289 : memref<128x128xf32, #tpu.memory_space<hbm>>) target(%arg11 : memref<128x128xf32, #tpu.memory_space<vmem>>) target_semaphore(%arg14 : memref<!tpu.dma_semaphore, #tpu.memory_space<semaphore_mem>>)
      } else {
      }
      %mul3A_160 = arith.constant 8 : i32
      %mul3A_161 = arith.muli %scan3A_145, %mul3A_160 : i32
      %add3A_162 = arith.constant 1 : i32
      %add3A_163 = arith.addi %mul3A_161, %add3A_162 : i32
      %dma_wait3A_164 = arith.constant 0 : i32
      %dma_wait3A_165 = arith.constant 0 : i32
      %dma_wait3A_166 = tpu.memref_slice %arg2[%dma_wait3A_164, %dma_wait3A_165] : memref<320000x128xf32, #tpu.memory_space<hbm>> -> memref<128x128xf32, #tpu.memory_space<hbm>>
      %dma_wait3A_167 = arith.constant 0 : i32
      %dma_wait3A_168 = arith.constant 0 : i32
      %dma_wait3A_169 = tpu.memref_slice %arg2[%dma_wait3A_167, %dma_wait3A_168] : memref<320000x128xf32, #tpu.memory_space<hbm>> -> memref<128x128xf32, #tpu.memory_space<hbm>>
      tpu.wait_dma2 semaphore(%arg15 : memref<!tpu.dma_semaphore, #tpu.memory_space<semaphore_mem>>) src(%dma_wait3A_169 : memref<128x128xf32, #tpu.memory_space<hbm>>) dst(%arg12 : memref<128x128xf32, #tpu.memory_space<vmem>>)
      "tpu.region"() ({
        %run_scoped3A = tpu.sem_alloc : memref<!tpu.dma_semaphore, #tpu.memory_space<semaphore_mem>>
        %dma_start3A_279 = arith.constant 0 : i32
        %dma_start3A_280 = tpu.memref_slice %arg10[%add3A_163, %dma_start3A_279] : memref<40x128xi32, #tpu.memory_space<vmem>> -> memref<1x128xi32, #tpu.memory_space<vmem>>
        %dma_start3A_281 = tpu.memref_squeeze %dma_start3A_280 : memref<1x128xi32, #tpu.memory_space<vmem>> -> memref<128xi32, #tpu.memory_space<vmem>>
        %dma_start3A_282 = arith.constant 0 : i32
        %dma_start3A_283 = arith.constant 0 : i32
        %dma_start3A_284 = tpu.memref_slice %arg13[%dma_start3A_282, %dma_start3A_283] : memref<10016x128xf32, #tpu.memory_space<vmem_shared>> -> memref<10016x128xf32, #tpu.memory_space<vmem_shared>>
        tpu.enqueue_indirect_dma source(%arg12 : memref<128x128xf32, #tpu.memory_space<vmem>>) target(%dma_start3A_284 : memref<10016x128xf32, #tpu.memory_space<vmem_shared>>) offsets(%dma_start3A_281 : memref<128xi32, #tpu.memory_space<vmem>>) semaphore(%run_scoped3A : memref<!tpu.dma_semaphore, #tpu.memory_space<semaphore_mem>>) {add = true}
        %dma_wait3A_285 = arith.constant 0 : i32
        %dma_wait3A_286 = tpu.memref_slice %arg10[%add3A_163, %dma_wait3A_285] : memref<40x128xi32, #tpu.memory_space<vmem>> -> memref<1x128xi32, #tpu.memory_space<vmem>>
        %dma_wait3A_287 = tpu.memref_squeeze %dma_wait3A_286 : memref<1x128xi32, #tpu.memory_space<vmem>> -> memref<128xi32, #tpu.memory_space<vmem>>
        %dma_wait3A_288 = arith.constant 0 : i32
        %dma_wait3A_289 = arith.constant 0 : i32
        %dma_wait3A_290 = tpu.memref_slice %arg13[%dma_wait3A_288, %dma_wait3A_289] : memref<10016x128xf32, #tpu.memory_space<vmem_shared>> -> memref<10016x128xf32, #tpu.memory_space<vmem_shared>>
        tpu.wait_indirect_dma semaphore(%run_scoped3A : memref<!tpu.dma_semaphore, #tpu.memory_space<semaphore_mem>>) src(%arg12 : memref<128x128xf32, #tpu.memory_space<vmem>>) dst(%dma_wait3A_290 : memref<10016x128xf32, #tpu.memory_space<vmem_shared>>)
        tpu.yield
      }) : () -> ()
      %add3A_170 = arith.constant 2 : i32
      %add3A_171 = arith.addi %add3A_163, %add3A_170 : i32
      %lt3A_172 = arith.constant 40 : i32
      %lt3A_173 = arith.cmpi slt, %add3A_171, %lt3A_172 : i32
      %convert_element_type3A_174 = arith.extui %lt3A_173 : i1 to i32
      %cond3A_175 = arith.constant 0 : i32
      %cond3A_176 = arith.cmpi ne, %convert_element_type3A_174, %cond3A_175 : i32
      scf.if %cond3A_176 {
        %add3A_279 = arith.constant 2 : i32
        %add3A_280 = arith.addi %add3A_163, %add3A_279 : i32
        %add3A_281 = arith.addi %add3A_11, %add3A_280 : i32
        %min3A_282 = arith.constant 2499 : i32
        %min3A_283 = arith.minsi %add3A_281, %min3A_282 : i32
        %mul3A_284 = arith.constant 128 : i32
        %mul3A_285 = arith.muli %min3A_283, %mul3A_284 : i32
        %dma_start3A_286 = arith.constant 0 : i32
        %dma_start3A_287 = tpu.memref_slice %arg2[%mul3A_285, %dma_start3A_286] : memref<320000x128xf32, #tpu.memory_space<hbm>> -> memref<128x128xf32, #tpu.memory_space<hbm>>
        %dma_start3A_288 = arith.constant 0 : i32
        %dma_start3A_289 = tpu.memref_slice %arg2[%mul3A_285, %dma_start3A_288] : memref<320000x128xf32, #tpu.memory_space<hbm>> -> memref<128x128xf32, #tpu.memory_space<hbm>>
        tpu.enqueue_dma source(%dma_start3A_289 : memref<128x128xf32, #tpu.memory_space<hbm>>) target(%arg12 : memref<128x128xf32, #tpu.memory_space<vmem>>) target_semaphore(%arg15 : memref<!tpu.dma_semaphore, #tpu.memory_space<semaphore_mem>>)
      } else {
      }
      %mul3A_177 = arith.constant 8 : i32
      %mul3A_178 = arith.muli %scan3A_145, %mul3A_177 : i32
      %add3A_179 = arith.constant 2 : i32
      %add3A_180 = arith.addi %mul3A_178, %add3A_179 : i32
      %dma_wait3A_181 = arith.constant 0 : i32
      %dma_wait3A_182 = arith.constant 0 : i32
      %dma_wait3A_183 = tpu.memref_slice %arg2[%dma_wait3A_181, %dma_wait3A_182] : memref<320000x128xf32, #tpu.memory_space<hbm>> -> memref<128x128xf32, #tpu.memory_space<hbm>>
      %dma_wait3A_184 = arith.constant 0 : i32
      %dma_wait3A_185 = arith.constant 0 : i32
      %dma_wait3A_186 = tpu.memref_slice %arg2[%dma_wait3A_184, %dma_wait3A_185] : memref<320000x128xf32, #tpu.memory_space<hbm>> -> memref<128x128xf32, #tpu.memory_space<hbm>>
      tpu.wait_dma2 semaphore(%arg14 : memref<!tpu.dma_semaphore, #tpu.memory_space<semaphore_mem>>) src(%dma_wait3A_186 : memref<128x128xf32, #tpu.memory_space<hbm>>) dst(%arg11 : memref<128x128xf32, #tpu.memory_space<vmem>>)
      "tpu.region"() ({
        %run_scoped3A = tpu.sem_alloc : memref<!tpu.dma_semaphore, #tpu.memory_space<semaphore_mem>>
        %dma_start3A_279 = arith.constant 0 : i32
        %dma_start3A_280 = tpu.memref_slice %arg10[%add3A_180, %dma_start3A_279] : memref<40x128xi32, #tpu.memory_space<vmem>> -> memref<1x128xi32, #tpu.memory_space<vmem>>
        %dma_start3A_281 = tpu.memref_squeeze %dma_start3A_280 : memref<1x128xi32, #tpu.memory_space<vmem>> -> memref<128xi32, #tpu.memory_space<vmem>>
        %dma_start3A_282 = arith.constant 0 : i32
        %dma_start3A_283 = arith.constant 0 : i32
        %dma_start3A_284 = tpu.memref_slice %arg13[%dma_start3A_282, %dma_start3A_283] : memref<10016x128xf32, #tpu.memory_space<vmem_shared>> -> memref<10016x128xf32, #tpu.memory_space<vmem_shared>>
        tpu.enqueue_indirect_dma source(%arg11 : memref<128x128xf32, #tpu.memory_space<vmem>>) target(%dma_start3A_284 : memref<10016x128xf32, #tpu.memory_space<vmem_shared>>) offsets(%dma_start3A_281 : memref<128xi32, #tpu.memory_space<vmem>>) semaphore(%run_scoped3A : memref<!tpu.dma_semaphore, #tpu.memory_space<semaphore_mem>>) {add = true}
        %dma_wait3A_285 = arith.constant 0 : i32
        %dma_wait3A_286 = tpu.memref_slice %arg10[%add3A_180, %dma_wait3A_285] : memref<40x128xi32, #tpu.memory_space<vmem>> -> memref<1x128xi32, #tpu.memory_space<vmem>>
        %dma_wait3A_287 = tpu.memref_squeeze %dma_wait3A_286 : memref<1x128xi32, #tpu.memory_space<vmem>> -> memref<128xi32, #tpu.memory_space<vmem>>
        %dma_wait3A_288 = arith.constant 0 : i32
        %dma_wait3A_289 = arith.constant 0 : i32
        %dma_wait3A_290 = tpu.memref_slice %arg13[%dma_wait3A_288, %dma_wait3A_289] : memref<10016x128xf32, #tpu.memory_space<vmem_shared>> -> memref<10016x128xf32, #tpu.memory_space<vmem_shared>>
        tpu.wait_indirect_dma semaphore(%run_scoped3A : memref<!tpu.dma_semaphore, #tpu.memory_space<semaphore_mem>>) src(%arg11 : memref<128x128xf32, #tpu.memory_space<vmem>>) dst(%dma_wait3A_290 : memref<10016x128xf32, #tpu.memory_space<vmem_shared>>)
        tpu.yield
      }) : () -> ()
      %add3A_187 = arith.constant 2 : i32
      %add3A_188 = arith.addi %add3A_180, %add3A_187 : i32
      %lt3A_189 = arith.constant 40 : i32
      %lt3A_190 = arith.cmpi slt, %add3A_188, %lt3A_189 : i32
      %convert_element_type3A_191 = arith.extui %lt3A_190 : i1 to i32
      %cond3A_192 = arith.constant 0 : i32
      %cond3A_193 = arith.cmpi ne, %convert_element_type3A_191, %cond3A_192 : i32
      scf.if %cond3A_193 {
        %add3A_279 = arith.constant 2 : i32
        %add3A_280 = arith.addi %add3A_180, %add3A_279 : i32
        %add3A_281 = arith.addi %add3A_11, %add3A_280 : i32
        %min3A_282 = arith.constant 2499 : i32
        %min3A_283 = arith.minsi %add3A_281, %min3A_282 : i32
        %mul3A_284 = arith.constant 128 : i32
        %mul3A_285 = arith.muli %min3A_283, %mul3A_284 : i32
        %dma_start3A_286 = arith.constant 0 : i32
        %dma_start3A_287 = tpu.memref_slice %arg2[%mul3A_285, %dma_start3A_286] : memref<320000x128xf32, #tpu.memory_space<hbm>> -> memref<128x128xf32, #tpu.memory_space<hbm>>
        %dma_start3A_288 = arith.constant 0 : i32
        %dma_start3A_289 = tpu.memref_slice %arg2[%mul3A_285, %dma_start3A_288] : memref<320000x128xf32, #tpu.memory_space<hbm>> -> memref<128x128xf32, #tpu.memory_space<hbm>>
        tpu.enqueue_dma source(%dma_start3A_289 : memref<128x128xf32, #tpu.memory_space<hbm>>) target(%arg11 : memref<128x128xf32, #tpu.memory_space<vmem>>) target_semaphore(%arg14 : memref<!tpu.dma_semaphore, #tpu.memory_space<semaphore_mem>>)
      } else {
      }
      %mul3A_194 = arith.constant 8 : i32
      %mul3A_195 = arith.muli %scan3A_145, %mul3A_194 : i32
      %add3A_196 = arith.constant 3 : i32
      %add3A_197 = arith.addi %mul3A_195, %add3A_196 : i32
      %dma_wait3A_198 = arith.constant 0 : i32
      %dma_wait3A_199 = arith.constant 0 : i32
      %dma_wait3A_200 = tpu.memref_slice %arg2[%dma_wait3A_198, %dma_wait3A_199] : memref<320000x128xf32, #tpu.memory_space<hbm>> -> memref<128x128xf32, #tpu.memory_space<hbm>>
      %dma_wait3A_201 = arith.constant 0 : i32
      %dma_wait3A_202 = arith.constant 0 : i32
      %dma_wait3A_203 = tpu.memref_slice %arg2[%dma_wait3A_201, %dma_wait3A_202] : memref<320000x128xf32, #tpu.memory_space<hbm>> -> memref<128x128xf32, #tpu.memory_space<hbm>>
      tpu.wait_dma2 semaphore(%arg15 : memref<!tpu.dma_semaphore, #tpu.memory_space<semaphore_mem>>) src(%dma_wait3A_203 : memref<128x128xf32, #tpu.memory_space<hbm>>) dst(%arg12 : memref<128x128xf32, #tpu.memory_space<vmem>>)
      "tpu.region"() ({
        %run_scoped3A = tpu.sem_alloc : memref<!tpu.dma_semaphore, #tpu.memory_space<semaphore_mem>>
        %dma_start3A_279 = arith.constant 0 : i32
        %dma_start3A_280 = tpu.memref_slice %arg10[%add3A_197, %dma_start3A_279] : memref<40x128xi32, #tpu.memory_space<vmem>> -> memref<1x128xi32, #tpu.memory_space<vmem>>
        %dma_start3A_281 = tpu.memref_squeeze %dma_start3A_280 : memref<1x128xi32, #tpu.memory_space<vmem>> -> memref<128xi32, #tpu.memory_space<vmem>>
        %dma_start3A_282 = arith.constant 0 : i32
        %dma_start3A_283 = arith.constant 0 : i32
        %dma_start3A_284 = tpu.memref_slice %arg13[%dma_start3A_282, %dma_start3A_283] : memref<10016x128xf32, #tpu.memory_space<vmem_shared>> -> memref<10016x128xf32, #tpu.memory_space<vmem_shared>>
        tpu.enqueue_indirect_dma source(%arg12 : memref<128x128xf32, #tpu.memory_space<vmem>>) target(%dma_start3A_284 : memref<10016x128xf32, #tpu.memory_space<vmem_shared>>) offsets(%dma_start3A_281 : memref<128xi32, #tpu.memory_space<vmem>>) semaphore(%run_scoped3A : memref<!tpu.dma_semaphore, #tpu.memory_space<semaphore_mem>>) {add = true}
        %dma_wait3A_285 = arith.constant 0 : i32
        %dma_wait3A_286 = tpu.memref_slice %arg10[%add3A_197, %dma_wait3A_285] : memref<40x128xi32, #tpu.memory_space<vmem>> -> memref<1x128xi32, #tpu.memory_space<vmem>>
        %dma_wait3A_287 = tpu.memref_squeeze %dma_wait3A_286 : memref<1x128xi32, #tpu.memory_space<vmem>> -> memref<128xi32, #tpu.memory_space<vmem>>
        %dma_wait3A_288 = arith.constant 0 : i32
        %dma_wait3A_289 = arith.constant 0 : i32
        %dma_wait3A_290 = tpu.memref_slice %arg13[%dma_wait3A_288, %dma_wait3A_289] : memref<10016x128xf32, #tpu.memory_space<vmem_shared>> -> memref<10016x128xf32, #tpu.memory_space<vmem_shared>>
        tpu.wait_indirect_dma semaphore(%run_scoped3A : memref<!tpu.dma_semaphore, #tpu.memory_space<semaphore_mem>>) src(%arg12 : memref<128x128xf32, #tpu.memory_space<vmem>>) dst(%dma_wait3A_290 : memref<10016x128xf32, #tpu.memory_space<vmem_shared>>)
        tpu.yield
      }) : () -> ()
      %add3A_204 = arith.constant 2 : i32
      %add3A_205 = arith.addi %add3A_197, %add3A_204 : i32
      %lt3A_206 = arith.constant 40 : i32
      %lt3A_207 = arith.cmpi slt, %add3A_205, %lt3A_206 : i32
      %convert_element_type3A_208 = arith.extui %lt3A_207 : i1 to i32
      %cond3A_209 = arith.constant 0 : i32
      %cond3A_210 = arith.cmpi ne, %convert_element_type3A_208, %cond3A_209 : i32
      scf.if %cond3A_210 {
        %add3A_279 = arith.constant 2 : i32
        %add3A_280 = arith.addi %add3A_197, %add3A_279 : i32
        %add3A_281 = arith.addi %add3A_11, %add3A_280 : i32
        %min3A_282 = arith.constant 2499 : i32
        %min3A_283 = arith.minsi %add3A_281, %min3A_282 : i32
        %mul3A_284 = arith.constant 128 : i32
        %mul3A_285 = arith.muli %min3A_283, %mul3A_284 : i32
        %dma_start3A_286 = arith.constant 0 : i32
        %dma_start3A_287 = tpu.memref_slice %arg2[%mul3A_285, %dma_start3A_286] : memref<320000x128xf32, #tpu.memory_space<hbm>> -> memref<128x128xf32, #tpu.memory_space<hbm>>
        %dma_start3A_288 = arith.constant 0 : i32
        %dma_start3A_289 = tpu.memref_slice %arg2[%mul3A_285, %dma_start3A_288] : memref<320000x128xf32, #tpu.memory_space<hbm>> -> memref<128x128xf32, #tpu.memory_space<hbm>>
        tpu.enqueue_dma source(%dma_start3A_289 : memref<128x128xf32, #tpu.memory_space<hbm>>) target(%arg12 : memref<128x128xf32, #tpu.memory_space<vmem>>) target_semaphore(%arg15 : memref<!tpu.dma_semaphore, #tpu.memory_space<semaphore_mem>>)
      } else {
      }
      %mul3A_211 = arith.constant 8 : i32
      %mul3A_212 = arith.muli %scan3A_145, %mul3A_211 : i32
      %add3A_213 = arith.constant 4 : i32
      %add3A_214 = arith.addi %mul3A_212, %add3A_213 : i32
      %dma_wait3A_215 = arith.constant 0 : i32
      %dma_wait3A_216 = arith.constant 0 : i32
      %dma_wait3A_217 = tpu.memref_slice %arg2[%dma_wait3A_215, %dma_wait3A_216] : memref<320000x128xf32, #tpu.memory_space<hbm>> -> memref<128x128xf32, #tpu.memory_space<hbm>>
      %dma_wait3A_218 = arith.constant 0 : i32
      %dma_wait3A_219 = arith.constant 0 : i32
      %dma_wait3A_220 = tpu.memref_slice %arg2[%dma_wait3A_218, %dma_wait3A_219] : memref<320000x128xf32, #tpu.memory_space<hbm>> -> memref<128x128xf32, #tpu.memory_space<hbm>>
      tpu.wait_dma2 semaphore(%arg14 : memref<!tpu.dma_semaphore, #tpu.memory_space<semaphore_mem>>) src(%dma_wait3A_220 : memref<128x128xf32, #tpu.memory_space<hbm>>) dst(%arg11 : memref<128x128xf32, #tpu.memory_space<vmem>>)
      "tpu.region"() ({
        %run_scoped3A = tpu.sem_alloc : memref<!tpu.dma_semaphore, #tpu.memory_space<semaphore_mem>>
        %dma_start3A_279 = arith.constant 0 : i32
        %dma_start3A_280 = tpu.memref_slice %arg10[%add3A_214, %dma_start3A_279] : memref<40x128xi32, #tpu.memory_space<vmem>> -> memref<1x128xi32, #tpu.memory_space<vmem>>
        %dma_start3A_281 = tpu.memref_squeeze %dma_start3A_280 : memref<1x128xi32, #tpu.memory_space<vmem>> -> memref<128xi32, #tpu.memory_space<vmem>>
        %dma_start3A_282 = arith.constant 0 : i32
        %dma_start3A_283 = arith.constant 0 : i32
        %dma_start3A_284 = tpu.memref_slice %arg13[%dma_start3A_282, %dma_start3A_283] : memref<10016x128xf32, #tpu.memory_space<vmem_shared>> -> memref<10016x128xf32, #tpu.memory_space<vmem_shared>>
        tpu.enqueue_indirect_dma source(%arg11 : memref<128x128xf32, #tpu.memory_space<vmem>>) target(%dma_start3A_284 : memref<10016x128xf32, #tpu.memory_space<vmem_shared>>) offsets(%dma_start3A_281 : memref<128xi32, #tpu.memory_space<vmem>>) semaphore(%run_scoped3A : memref<!tpu.dma_semaphore, #tpu.memory_space<semaphore_mem>>) {add = true}
        %dma_wait3A_285 = arith.constant 0 : i32
        %dma_wait3A_286 = tpu.memref_slice %arg10[%add3A_214, %dma_wait3A_285] : memref<40x128xi32, #tpu.memory_space<vmem>> -> memref<1x128xi32, #tpu.memory_space<vmem>>
        %dma_wait3A_287 = tpu.memref_squeeze %dma_wait3A_286 : memref<1x128xi32, #tpu.memory_space<vmem>> -> memref<128xi32, #tpu.memory_space<vmem>>
        %dma_wait3A_288 = arith.constant 0 : i32
        %dma_wait3A_289 = arith.constant 0 : i32
        %dma_wait3A_290 = tpu.memref_slice %arg13[%dma_wait3A_288, %dma_wait3A_289] : memref<10016x128xf32, #tpu.memory_space<vmem_shared>> -> memref<10016x128xf32, #tpu.memory_space<vmem_shared>>
        tpu.wait_indirect_dma semaphore(%run_scoped3A : memref<!tpu.dma_semaphore, #tpu.memory_space<semaphore_mem>>) src(%arg11 : memref<128x128xf32, #tpu.memory_space<vmem>>) dst(%dma_wait3A_290 : memref<10016x128xf32, #tpu.memory_space<vmem_shared>>)
        tpu.yield
      }) : () -> ()
      %add3A_221 = arith.constant 2 : i32
      %add3A_222 = arith.addi %add3A_214, %add3A_221 : i32
      %lt3A_223 = arith.constant 40 : i32
      %lt3A_224 = arith.cmpi slt, %add3A_222, %lt3A_223 : i32
      %convert_element_type3A_225 = arith.extui %lt3A_224 : i1 to i32
      %cond3A_226 = arith.constant 0 : i32
      %cond3A_227 = arith.cmpi ne, %convert_element_type3A_225, %cond3A_226 : i32
      scf.if %cond3A_227 {
        %add3A_279 = arith.constant 2 : i32
        %add3A_280 = arith.addi %add3A_214, %add3A_279 : i32
        %add3A_281 = arith.addi %add3A_11, %add3A_280 : i32
        %min3A_282 = arith.constant 2499 : i32
        %min3A_283 = arith.minsi %add3A_281, %min3A_282 : i32
        %mul3A_284 = arith.constant 128 : i32
        %mul3A_285 = arith.muli %min3A_283, %mul3A_284 : i32
        %dma_start3A_286 = arith.constant 0 : i32
        %dma_start3A_287 = tpu.memref_slice %arg2[%mul3A_285, %dma_start3A_286] : memref<320000x128xf32, #tpu.memory_space<hbm>> -> memref<128x128xf32, #tpu.memory_space<hbm>>
        %dma_start3A_288 = arith.constant 0 : i32
        %dma_start3A_289 = tpu.memref_slice %arg2[%mul3A_285, %dma_start3A_288] : memref<320000x128xf32, #tpu.memory_space<hbm>> -> memref<128x128xf32, #tpu.memory_space<hbm>>
        tpu.enqueue_dma source(%dma_start3A_289 : memref<128x128xf32, #tpu.memory_space<hbm>>) target(%arg11 : memref<128x128xf32, #tpu.memory_space<vmem>>) target_semaphore(%arg14 : memref<!tpu.dma_semaphore, #tpu.memory_space<semaphore_mem>>)
      } else {
      }
      %mul3A_228 = arith.constant 8 : i32
      %mul3A_229 = arith.muli %scan3A_145, %mul3A_228 : i32
      %add3A_230 = arith.constant 5 : i32
      %add3A_231 = arith.addi %mul3A_229, %add3A_230 : i32
      %dma_wait3A_232 = arith.constant 0 : i32
      %dma_wait3A_233 = arith.constant 0 : i32
      %dma_wait3A_234 = tpu.memref_slice %arg2[%dma_wait3A_232, %dma_wait3A_233] : memref<320000x128xf32, #tpu.memory_space<hbm>> -> memref<128x128xf32, #tpu.memory_space<hbm>>
      %dma_wait3A_235 = arith.constant 0 : i32
      %dma_wait3A_236 = arith.constant 0 : i32
      %dma_wait3A_237 = tpu.memref_slice %arg2[%dma_wait3A_235, %dma_wait3A_236] : memref<320000x128xf32, #tpu.memory_space<hbm>> -> memref<128x128xf32, #tpu.memory_space<hbm>>
      tpu.wait_dma2 semaphore(%arg15 : memref<!tpu.dma_semaphore, #tpu.memory_space<semaphore_mem>>) src(%dma_wait3A_237 : memref<128x128xf32, #tpu.memory_space<hbm>>) dst(%arg12 : memref<128x128xf32, #tpu.memory_space<vmem>>)
      "tpu.region"() ({
        %run_scoped3A = tpu.sem_alloc : memref<!tpu.dma_semaphore, #tpu.memory_space<semaphore_mem>>
        %dma_start3A_279 = arith.constant 0 : i32
        %dma_start3A_280 = tpu.memref_slice %arg10[%add3A_231, %dma_start3A_279] : memref<40x128xi32, #tpu.memory_space<vmem>> -> memref<1x128xi32, #tpu.memory_space<vmem>>
        %dma_start3A_281 = tpu.memref_squeeze %dma_start3A_280 : memref<1x128xi32, #tpu.memory_space<vmem>> -> memref<128xi32, #tpu.memory_space<vmem>>
        %dma_start3A_282 = arith.constant 0 : i32
        %dma_start3A_283 = arith.constant 0 : i32
        %dma_start3A_284 = tpu.memref_slice %arg13[%dma_start3A_282, %dma_start3A_283] : memref<10016x128xf32, #tpu.memory_space<vmem_shared>> -> memref<10016x128xf32, #tpu.memory_space<vmem_shared>>
        tpu.enqueue_indirect_dma source(%arg12 : memref<128x128xf32, #tpu.memory_space<vmem>>) target(%dma_start3A_284 : memref<10016x128xf32, #tpu.memory_space<vmem_shared>>) offsets(%dma_start3A_281 : memref<128xi32, #tpu.memory_space<vmem>>) semaphore(%run_scoped3A : memref<!tpu.dma_semaphore, #tpu.memory_space<semaphore_mem>>) {add = true}
        %dma_wait3A_285 = arith.constant 0 : i32
        %dma_wait3A_286 = tpu.memref_slice %arg10[%add3A_231, %dma_wait3A_285] : memref<40x128xi32, #tpu.memory_space<vmem>> -> memref<1x128xi32, #tpu.memory_space<vmem>>
        %dma_wait3A_287 = tpu.memref_squeeze %dma_wait3A_286 : memref<1x128xi32, #tpu.memory_space<vmem>> -> memref<128xi32, #tpu.memory_space<vmem>>
        %dma_wait3A_288 = arith.constant 0 : i32
        %dma_wait3A_289 = arith.constant 0 : i32
        %dma_wait3A_290 = tpu.memref_slice %arg13[%dma_wait3A_288, %dma_wait3A_289] : memref<10016x128xf32, #tpu.memory_space<vmem_shared>> -> memref<10016x128xf32, #tpu.memory_space<vmem_shared>>
        tpu.wait_indirect_dma semaphore(%run_scoped3A : memref<!tpu.dma_semaphore, #tpu.memory_space<semaphore_mem>>) src(%arg12 : memref<128x128xf32, #tpu.memory_space<vmem>>) dst(%dma_wait3A_290 : memref<10016x128xf32, #tpu.memory_space<vmem_shared>>)
        tpu.yield
      }) : () -> ()
      %add3A_238 = arith.constant 2 : i32
      %add3A_239 = arith.addi %add3A_231, %add3A_238 : i32
      %lt3A_240 = arith.constant 40 : i32
      %lt3A_241 = arith.cmpi slt, %add3A_239, %lt3A_240 : i32
      %convert_element_type3A_242 = arith.extui %lt3A_241 : i1 to i32
      %cond3A_243 = arith.constant 0 : i32
      %cond3A_244 = arith.cmpi ne, %convert_element_type3A_242, %cond3A_243 : i32
      scf.if %cond3A_244 {
        %add3A_279 = arith.constant 2 : i32
        %add3A_280 = arith.addi %add3A_231, %add3A_279 : i32
        %add3A_281 = arith.addi %add3A_11, %add3A_280 : i32
        %min3A_282 = arith.constant 2499 : i32
        %min3A_283 = arith.minsi %add3A_281, %min3A_282 : i32
        %mul3A_284 = arith.constant 128 : i32
        %mul3A_285 = arith.muli %min3A_283, %mul3A_284 : i32
        %dma_start3A_286 = arith.constant 0 : i32
        %dma_start3A_287 = tpu.memref_slice %arg2[%mul3A_285, %dma_start3A_286] : memref<320000x128xf32, #tpu.memory_space<hbm>> -> memref<128x128xf32, #tpu.memory_space<hbm>>
        %dma_start3A_288 = arith.constant 0 : i32
        %dma_start3A_289 = tpu.memref_slice %arg2[%mul3A_285, %dma_start3A_288] : memref<320000x128xf32, #tpu.memory_space<hbm>> -> memref<128x128xf32, #tpu.memory_space<hbm>>
        tpu.enqueue_dma source(%dma_start3A_289 : memref<128x128xf32, #tpu.memory_space<hbm>>) target(%arg12 : memref<128x128xf32, #tpu.memory_space<vmem>>) target_semaphore(%arg15 : memref<!tpu.dma_semaphore, #tpu.memory_space<semaphore_mem>>)
      } else {
      }
      %mul3A_245 = arith.constant 8 : i32
      %mul3A_246 = arith.muli %scan3A_145, %mul3A_245 : i32
      %add3A_247 = arith.constant 6 : i32
      %add3A_248 = arith.addi %mul3A_246, %add3A_247 : i32
      %dma_wait3A_249 = arith.constant 0 : i32
      %dma_wait3A_250 = arith.constant 0 : i32
      %dma_wait3A_251 = tpu.memref_slice %arg2[%dma_wait3A_249, %dma_wait3A_250] : memref<320000x128xf32, #tpu.memory_space<hbm>> -> memref<128x128xf32, #tpu.memory_space<hbm>>
      %dma_wait3A_252 = arith.constant 0 : i32
      %dma_wait3A_253 = arith.constant 0 : i32
      %dma_wait3A_254 = tpu.memref_slice %arg2[%dma_wait3A_252, %dma_wait3A_253] : memref<320000x128xf32, #tpu.memory_space<hbm>> -> memref<128x128xf32, #tpu.memory_space<hbm>>
      tpu.wait_dma2 semaphore(%arg14 : memref<!tpu.dma_semaphore, #tpu.memory_space<semaphore_mem>>) src(%dma_wait3A_254 : memref<128x128xf32, #tpu.memory_space<hbm>>) dst(%arg11 : memref<128x128xf32, #tpu.memory_space<vmem>>)
      "tpu.region"() ({
        %run_scoped3A = tpu.sem_alloc : memref<!tpu.dma_semaphore, #tpu.memory_space<semaphore_mem>>
        %dma_start3A_279 = arith.constant 0 : i32
        %dma_start3A_280 = tpu.memref_slice %arg10[%add3A_248, %dma_start3A_279] : memref<40x128xi32, #tpu.memory_space<vmem>> -> memref<1x128xi32, #tpu.memory_space<vmem>>
        %dma_start3A_281 = tpu.memref_squeeze %dma_start3A_280 : memref<1x128xi32, #tpu.memory_space<vmem>> -> memref<128xi32, #tpu.memory_space<vmem>>
        %dma_start3A_282 = arith.constant 0 : i32
        %dma_start3A_283 = arith.constant 0 : i32
        %dma_start3A_284 = tpu.memref_slice %arg13[%dma_start3A_282, %dma_start3A_283] : memref<10016x128xf32, #tpu.memory_space<vmem_shared>> -> memref<10016x128xf32, #tpu.memory_space<vmem_shared>>
        tpu.enqueue_indirect_dma source(%arg11 : memref<128x128xf32, #tpu.memory_space<vmem>>) target(%dma_start3A_284 : memref<10016x128xf32, #tpu.memory_space<vmem_shared>>) offsets(%dma_start3A_281 : memref<128xi32, #tpu.memory_space<vmem>>) semaphore(%run_scoped3A : memref<!tpu.dma_semaphore, #tpu.memory_space<semaphore_mem>>) {add = true}
        %dma_wait3A_285 = arith.constant 0 : i32
        %dma_wait3A_286 = tpu.memref_slice %arg10[%add3A_248, %dma_wait3A_285] : memref<40x128xi32, #tpu.memory_space<vmem>> -> memref<1x128xi32, #tpu.memory_space<vmem>>
        %dma_wait3A_287 = tpu.memref_squeeze %dma_wait3A_286 : memref<1x128xi32, #tpu.memory_space<vmem>> -> memref<128xi32, #tpu.memory_space<vmem>>
        %dma_wait3A_288 = arith.constant 0 : i32
        %dma_wait3A_289 = arith.constant 0 : i32
        %dma_wait3A_290 = tpu.memref_slice %arg13[%dma_wait3A_288, %dma_wait3A_289] : memref<10016x128xf32, #tpu.memory_space<vmem_shared>> -> memref<10016x128xf32, #tpu.memory_space<vmem_shared>>
        tpu.wait_indirect_dma semaphore(%run_scoped3A : memref<!tpu.dma_semaphore, #tpu.memory_space<semaphore_mem>>) src(%arg11 : memref<128x128xf32, #tpu.memory_space<vmem>>) dst(%dma_wait3A_290 : memref<10016x128xf32, #tpu.memory_space<vmem_shared>>)
        tpu.yield
      }) : () -> ()
      %add3A_255 = arith.constant 2 : i32
      %add3A_256 = arith.addi %add3A_248, %add3A_255 : i32
      %lt3A_257 = arith.constant 40 : i32
      %lt3A_258 = arith.cmpi slt, %add3A_256, %lt3A_257 : i32
      %convert_element_type3A_259 = arith.extui %lt3A_258 : i1 to i32
      %cond3A_260 = arith.constant 0 : i32
      %cond3A_261 = arith.cmpi ne, %convert_element_type3A_259, %cond3A_260 : i32
      scf.if %cond3A_261 {
        %add3A_279 = arith.constant 2 : i32
        %add3A_280 = arith.addi %add3A_248, %add3A_279 : i32
        %add3A_281 = arith.addi %add3A_11, %add3A_280 : i32
        %min3A_282 = arith.constant 2499 : i32
        %min3A_283 = arith.minsi %add3A_281, %min3A_282 : i32
        %mul3A_284 = arith.constant 128 : i32
        %mul3A_285 = arith.muli %min3A_283, %mul3A_284 : i32
        %dma_start3A_286 = arith.constant 0 : i32
        %dma_start3A_287 = tpu.memref_slice %arg2[%mul3A_285, %dma_start3A_286] : memref<320000x128xf32, #tpu.memory_space<hbm>> -> memref<128x128xf32, #tpu.memory_space<hbm>>
        %dma_start3A_288 = arith.constant 0 : i32
        %dma_start3A_289 = tpu.memref_slice %arg2[%mul3A_285, %dma_start3A_288] : memref<320000x128xf32, #tpu.memory_space<hbm>> -> memref<128x128xf32, #tpu.memory_space<hbm>>
        tpu.enqueue_dma source(%dma_start3A_289 : memref<128x128xf32, #tpu.memory_space<hbm>>) target(%arg11 : memref<128x128xf32, #tpu.memory_space<vmem>>) target_semaphore(%arg14 : memref<!tpu.dma_semaphore, #tpu.memory_space<semaphore_mem>>)
      } else {
      }
      %mul3A_262 = arith.constant 8 : i32
      %mul3A_263 = arith.muli %scan3A_145, %mul3A_262 : i32
      %add3A_264 = arith.constant 7 : i32
      %add3A_265 = arith.addi %mul3A_263, %add3A_264 : i32
      %dma_wait3A_266 = arith.constant 0 : i32
      %dma_wait3A_267 = arith.constant 0 : i32
      %dma_wait3A_268 = tpu.memref_slice %arg2[%dma_wait3A_266, %dma_wait3A_267] : memref<320000x128xf32, #tpu.memory_space<hbm>> -> memref<128x128xf32, #tpu.memory_space<hbm>>
      %dma_wait3A_269 = arith.constant 0 : i32
      %dma_wait3A_270 = arith.constant 0 : i32
      %dma_wait3A_271 = tpu.memref_slice %arg2[%dma_wait3A_269, %dma_wait3A_270] : memref<320000x128xf32, #tpu.memory_space<hbm>> -> memref<128x128xf32, #tpu.memory_space<hbm>>
      tpu.wait_dma2 semaphore(%arg15 : memref<!tpu.dma_semaphore, #tpu.memory_space<semaphore_mem>>) src(%dma_wait3A_271 : memref<128x128xf32, #tpu.memory_space<hbm>>) dst(%arg12 : memref<128x128xf32, #tpu.memory_space<vmem>>)
      "tpu.region"() ({
        %run_scoped3A = tpu.sem_alloc : memref<!tpu.dma_semaphore, #tpu.memory_space<semaphore_mem>>
        %dma_start3A_279 = arith.constant 0 : i32
        %dma_start3A_280 = tpu.memref_slice %arg10[%add3A_265, %dma_start3A_279] : memref<40x128xi32, #tpu.memory_space<vmem>> -> memref<1x128xi32, #tpu.memory_space<vmem>>
        %dma_start3A_281 = tpu.memref_squeeze %dma_start3A_280 : memref<1x128xi32, #tpu.memory_space<vmem>> -> memref<128xi32, #tpu.memory_space<vmem>>
        %dma_start3A_282 = arith.constant 0 : i32
        %dma_start3A_283 = arith.constant 0 : i32
        %dma_start3A_284 = tpu.memref_slice %arg13[%dma_start3A_282, %dma_start3A_283] : memref<10016x128xf32, #tpu.memory_space<vmem_shared>> -> memref<10016x128xf32, #tpu.memory_space<vmem_shared>>
        tpu.enqueue_indirect_dma source(%arg12 : memref<128x128xf32, #tpu.memory_space<vmem>>) target(%dma_start3A_284 : memref<10016x128xf32, #tpu.memory_space<vmem_shared>>) offsets(%dma_start3A_281 : memref<128xi32, #tpu.memory_space<vmem>>) semaphore(%run_scoped3A : memref<!tpu.dma_semaphore, #tpu.memory_space<semaphore_mem>>) {add = true}
        %dma_wait3A_285 = arith.constant 0 : i32
        %dma_wait3A_286 = tpu.memref_slice %arg10[%add3A_265, %dma_wait3A_285] : memref<40x128xi32, #tpu.memory_space<vmem>> -> memref<1x128xi32, #tpu.memory_space<vmem>>
        %dma_wait3A_287 = tpu.memref_squeeze %dma_wait3A_286 : memref<1x128xi32, #tpu.memory_space<vmem>> -> memref<128xi32, #tpu.memory_space<vmem>>
        %dma_wait3A_288 = arith.constant 0 : i32
        %dma_wait3A_289 = arith.constant 0 : i32
        %dma_wait3A_290 = tpu.memref_slice %arg13[%dma_wait3A_288, %dma_wait3A_289] : memref<10016x128xf32, #tpu.memory_space<vmem_shared>> -> memref<10016x128xf32, #tpu.memory_space<vmem_shared>>
        tpu.wait_indirect_dma semaphore(%run_scoped3A : memref<!tpu.dma_semaphore, #tpu.memory_space<semaphore_mem>>) src(%arg12 : memref<128x128xf32, #tpu.memory_space<vmem>>) dst(%dma_wait3A_290 : memref<10016x128xf32, #tpu.memory_space<vmem_shared>>)
        tpu.yield
      }) : () -> ()
      %add3A_272 = arith.constant 2 : i32
      %add3A_273 = arith.addi %add3A_265, %add3A_272 : i32
      %lt3A_274 = arith.constant 40 : i32
      %lt3A_275 = arith.cmpi slt, %add3A_273, %lt3A_274 : i32
      %convert_element_type3A_276 = arith.extui %lt3A_275 : i1 to i32
      %cond3A_277 = arith.constant 0 : i32
      %cond3A_278 = arith.cmpi ne, %convert_element_type3A_276, %cond3A_277 : i32
      scf.if %cond3A_278 {
        %add3A_279 = arith.constant 2 : i32
        %add3A_280 = arith.addi %add3A_265, %add3A_279 : i32
        %add3A_281 = arith.addi %add3A_11, %add3A_280 : i32
        %min3A_282 = arith.constant 2499 : i32
        %min3A_283 = arith.minsi %add3A_281, %min3A_282 : i32
        %mul3A_284 = arith.constant 128 : i32
        %mul3A_285 = arith.muli %min3A_283, %mul3A_284 : i32
        %dma_start3A_286 = arith.constant 0 : i32
        %dma_start3A_287 = tpu.memref_slice %arg2[%mul3A_285, %dma_start3A_286] : memref<320000x128xf32, #tpu.memory_space<hbm>> -> memref<128x128xf32, #tpu.memory_space<hbm>>
        %dma_start3A_288 = arith.constant 0 : i32
        %dma_start3A_289 = tpu.memref_slice %arg2[%mul3A_285, %dma_start3A_288] : memref<320000x128xf32, #tpu.memory_space<hbm>> -> memref<128x128xf32, #tpu.memory_space<hbm>>
        tpu.enqueue_dma source(%dma_start3A_289 : memref<128x128xf32, #tpu.memory_space<hbm>>) target(%arg12 : memref<128x128xf32, #tpu.memory_space<vmem>>) target_semaphore(%arg15 : memref<!tpu.dma_semaphore, #tpu.memory_space<semaphore_mem>>)
      } else {
      }
    }
    %scan3A_39 = arith.constant 5 : i32
    %mul3A_40 = arith.constant 80 : i32
    %mul3A_41 = arith.muli %add3A, %mul3A_40 : i32
    %add3A_42 = arith.constant 40 : i32
    %add3A_43 = arith.addi %mul3A_41, %add3A_42 : i32
    "tpu.region"() ({
      %run_scoped3A = tpu.sem_alloc : memref<!tpu.dma_semaphore, #tpu.memory_space<semaphore_mem>>
      %dma_start3A_145 = arith.constant 0 : i32
      %dma_start3A_146 = tpu.memref_slice %arg5[%add3A_43, %dma_start3A_145] : memref<2560x128xi32, #tpu.memory_space<hbm>> -> memref<40x128xi32, #tpu.memory_space<hbm>>
      %dma_start3A_147 = arith.constant 0 : i32
      %dma_start3A_148 = tpu.memref_slice %arg5[%add3A_43, %dma_start3A_147] : memref<2560x128xi32, #tpu.memory_space<hbm>> -> memref<40x128xi32, #tpu.memory_space<hbm>>
      tpu.enqueue_dma source(%dma_start3A_148 : memref<40x128xi32, #tpu.memory_space<hbm>>) target(%arg10 : memref<40x128xi32, #tpu.memory_space<vmem>>) target_semaphore(%run_scoped3A : memref<!tpu.dma_semaphore, #tpu.memory_space<semaphore_mem>>)
      %dma_wait3A_149 = arith.constant 0 : i32
      %dma_wait3A_150 = tpu.memref_slice %arg5[%add3A_43, %dma_wait3A_149] : memref<2560x128xi32, #tpu.memory_space<hbm>> -> memref<40x128xi32, #tpu.memory_space<hbm>>
      %dma_wait3A_151 = arith.constant 0 : i32
      %dma_wait3A_152 = tpu.memref_slice %arg5[%add3A_43, %dma_wait3A_151] : memref<2560x128xi32, #tpu.memory_space<hbm>> -> memref<40x128xi32, #tpu.memory_space<hbm>>
      tpu.wait_dma2 semaphore(%run_scoped3A : memref<!tpu.dma_semaphore, #tpu.memory_space<semaphore_mem>>) src(%dma_wait3A_152 : memref<40x128xi32, #tpu.memory_space<hbm>>) dst(%arg10 : memref<40x128xi32, #tpu.memory_space<vmem>>)
      tpu.yield
    }) : () -> ()
    %add3A_44 = arith.constant 0 : i32
    %add3A_45 = arith.addi %add3A_43, %add3A_44 : i32
    %min3A_46 = arith.constant 2499 : i32
    %min3A_47 = arith.minsi %add3A_45, %min3A_46 : i32
    %mul3A_48 = arith.constant 128 : i32
    %mul3A_49 = arith.muli %min3A_47, %mul3A_48 : i32
    %dma_start3A_50 = arith.constant 0 : i32
    %dma_start3A_51 = tpu.memref_slice %arg2[%mul3A_49, %dma_start3A_50] : memref<320000x128xf32, #tpu.memory_space<hbm>> -> memref<128x128xf32, #tpu.memory_space<hbm>>
    %dma_start3A_52 = arith.constant 0 : i32
    %dma_start3A_53 = tpu.memref_slice %arg2[%mul3A_49, %dma_start3A_52] : memref<320000x128xf32, #tpu.memory_space<hbm>> -> memref<128x128xf32, #tpu.memory_space<hbm>>
    tpu.enqueue_dma source(%dma_start3A_53 : memref<128x128xf32, #tpu.memory_space<hbm>>) target(%arg11 : memref<128x128xf32, #tpu.memory_space<vmem>>) target_semaphore(%arg14 : memref<!tpu.dma_semaphore, #tpu.memory_space<semaphore_mem>>)
    %add3A_54 = arith.constant 1 : i32
    %add3A_55 = arith.addi %add3A_43, %add3A_54 : i32
    %min3A_56 = arith.constant 2499 : i32
    %min3A_57 = arith.minsi %add3A_55, %min3A_56 : i32
    %mul3A_58 = arith.constant 128 : i32
    %mul3A_59 = arith.muli %min3A_57, %mul3A_58 : i32
    %dma_start3A_60 = arith.constant 0 : i32
    %dma_start3A_61 = tpu.memref_slice %arg2[%mul3A_59, %dma_start3A_60] : memref<320000x128xf32, #tpu.memory_space<hbm>> -> memref<128x128xf32, #tpu.memory_space<hbm>>
    %dma_start3A_62 = arith.constant 0 : i32
    %dma_start3A_63 = tpu.memref_slice %arg2[%mul3A_59, %dma_start3A_62] : memref<320000x128xf32, #tpu.memory_space<hbm>> -> memref<128x128xf32, #tpu.memory_space<hbm>>
    tpu.enqueue_dma source(%dma_start3A_63 : memref<128x128xf32, #tpu.memory_space<hbm>>) target(%arg12 : memref<128x128xf32, #tpu.memory_space<vmem>>) target_semaphore(%arg15 : memref<!tpu.dma_semaphore, #tpu.memory_space<semaphore_mem>>)
    %scan3A_64 = arith.constant 0 : i32
    %scan3A_65 = arith.constant 0 : i32
    %scan3A_66 = arith.constant 5 : i32
    %scan3A_67 = arith.addi %scan3A_65, %scan3A_66 : i32
    %scan3A_68 = arith.constant 1 : i32
    scf.for %scan3A_145 = %scan3A_65 to %scan3A_67 step %scan3A_68  : i32 {
      %mul3A_146 = arith.constant 8 : i32
      %mul3A_147 = arith.muli %scan3A_145, %mul3A_146 : i32
      %add3A_148 = arith.constant 0 : i32
      %add3A_149 = arith.addi %mul3A_147, %add3A_148 : i32
      %dma_wait3A_150 = arith.constant 0 : i32
      %dma_wait3A_151 = arith.constant 0 : i32
      %dma_wait3A_152 = tpu.memref_slice %arg2[%dma_wait3A_150, %dma_wait3A_151] : memref<320000x128xf32, #tpu.memory_space<hbm>> -> memref<128x128xf32, #tpu.memory_space<hbm>>
      %dma_wait3A_153 = arith.constant 0 : i32
      %dma_wait3A_154 = arith.constant 0 : i32
      %dma_wait3A_155 = tpu.memref_slice %arg2[%dma_wait3A_153, %dma_wait3A_154] : memref<320000x128xf32, #tpu.memory_space<hbm>> -> memref<128x128xf32, #tpu.memory_space<hbm>>
      tpu.wait_dma2 semaphore(%arg14 : memref<!tpu.dma_semaphore, #tpu.memory_space<semaphore_mem>>) src(%dma_wait3A_155 : memref<128x128xf32, #tpu.memory_space<hbm>>) dst(%arg11 : memref<128x128xf32, #tpu.memory_space<vmem>>)
      "tpu.region"() ({
        %run_scoped3A = tpu.sem_alloc : memref<!tpu.dma_semaphore, #tpu.memory_space<semaphore_mem>>
        %dma_start3A_279 = arith.constant 0 : i32
        %dma_start3A_280 = tpu.memref_slice %arg10[%add3A_149, %dma_start3A_279] : memref<40x128xi32, #tpu.memory_space<vmem>> -> memref<1x128xi32, #tpu.memory_space<vmem>>
        %dma_start3A_281 = tpu.memref_squeeze %dma_start3A_280 : memref<1x128xi32, #tpu.memory_space<vmem>> -> memref<128xi32, #tpu.memory_space<vmem>>
        %dma_start3A_282 = arith.constant 0 : i32
        %dma_start3A_283 = arith.constant 0 : i32
        %dma_start3A_284 = tpu.memref_slice %arg13[%dma_start3A_282, %dma_start3A_283] : memref<10016x128xf32, #tpu.memory_space<vmem_shared>> -> memref<10016x128xf32, #tpu.memory_space<vmem_shared>>
        tpu.enqueue_indirect_dma source(%arg11 : memref<128x128xf32, #tpu.memory_space<vmem>>) target(%dma_start3A_284 : memref<10016x128xf32, #tpu.memory_space<vmem_shared>>) offsets(%dma_start3A_281 : memref<128xi32, #tpu.memory_space<vmem>>) semaphore(%run_scoped3A : memref<!tpu.dma_semaphore, #tpu.memory_space<semaphore_mem>>) {add = true}
        %dma_wait3A_285 = arith.constant 0 : i32
        %dma_wait3A_286 = tpu.memref_slice %arg10[%add3A_149, %dma_wait3A_285] : memref<40x128xi32, #tpu.memory_space<vmem>> -> memref<1x128xi32, #tpu.memory_space<vmem>>
        %dma_wait3A_287 = tpu.memref_squeeze %dma_wait3A_286 : memref<1x128xi32, #tpu.memory_space<vmem>> -> memref<128xi32, #tpu.memory_space<vmem>>
        %dma_wait3A_288 = arith.constant 0 : i32
        %dma_wait3A_289 = arith.constant 0 : i32
        %dma_wait3A_290 = tpu.memref_slice %arg13[%dma_wait3A_288, %dma_wait3A_289] : memref<10016x128xf32, #tpu.memory_space<vmem_shared>> -> memref<10016x128xf32, #tpu.memory_space<vmem_shared>>
        tpu.wait_indirect_dma semaphore(%run_scoped3A : memref<!tpu.dma_semaphore, #tpu.memory_space<semaphore_mem>>) src(%arg11 : memref<128x128xf32, #tpu.memory_space<vmem>>) dst(%dma_wait3A_290 : memref<10016x128xf32, #tpu.memory_space<vmem_shared>>)
        tpu.yield
      }) : () -> ()
      %add3A_156 = arith.constant 2 : i32
      %add3A_157 = arith.addi %add3A_149, %add3A_156 : i32
      %lt3A = arith.constant 40 : i32
      %lt3A_158 = arith.cmpi slt, %add3A_157, %lt3A : i32
      %convert_element_type3A = arith.extui %lt3A_158 : i1 to i32
      %cond3A = arith.constant 0 : i32
      %cond3A_159 = arith.cmpi ne, %convert_element_type3A, %cond3A : i32
      scf.if %cond3A_159 {
        %add3A_279 = arith.constant 2 : i32
        %add3A_280 = arith.addi %add3A_149, %add3A_279 : i32
        %add3A_281 = arith.addi %add3A_43, %add3A_280 : i32
        %min3A_282 = arith.constant 2499 : i32
        %min3A_283 = arith.minsi %add3A_281, %min3A_282 : i32
        %mul3A_284 = arith.constant 128 : i32
        %mul3A_285 = arith.muli %min3A_283, %mul3A_284 : i32
        %dma_start3A_286 = arith.constant 0 : i32
        %dma_start3A_287 = tpu.memref_slice %arg2[%mul3A_285, %dma_start3A_286] : memref<320000x128xf32, #tpu.memory_space<hbm>> -> memref<128x128xf32, #tpu.memory_space<hbm>>
        %dma_start3A_288 = arith.constant 0 : i32
        %dma_start3A_289 = tpu.memref_slice %arg2[%mul3A_285, %dma_start3A_288] : memref<320000x128xf32, #tpu.memory_space<hbm>> -> memref<128x128xf32, #tpu.memory_space<hbm>>
        tpu.enqueue_dma source(%dma_start3A_289 : memref<128x128xf32, #tpu.memory_space<hbm>>) target(%arg11 : memref<128x128xf32, #tpu.memory_space<vmem>>) target_semaphore(%arg14 : memref<!tpu.dma_semaphore, #tpu.memory_space<semaphore_mem>>)
      } else {
      }
      %mul3A_160 = arith.constant 8 : i32
      %mul3A_161 = arith.muli %scan3A_145, %mul3A_160 : i32
      %add3A_162 = arith.constant 1 : i32
      %add3A_163 = arith.addi %mul3A_161, %add3A_162 : i32
      %dma_wait3A_164 = arith.constant 0 : i32
      %dma_wait3A_165 = arith.constant 0 : i32
      %dma_wait3A_166 = tpu.memref_slice %arg2[%dma_wait3A_164, %dma_wait3A_165] : memref<320000x128xf32, #tpu.memory_space<hbm>> -> memref<128x128xf32, #tpu.memory_space<hbm>>
      %dma_wait3A_167 = arith.constant 0 : i32
      %dma_wait3A_168 = arith.constant 0 : i32
      %dma_wait3A_169 = tpu.memref_slice %arg2[%dma_wait3A_167, %dma_wait3A_168] : memref<320000x128xf32, #tpu.memory_space<hbm>> -> memref<128x128xf32, #tpu.memory_space<hbm>>
      tpu.wait_dma2 semaphore(%arg15 : memref<!tpu.dma_semaphore, #tpu.memory_space<semaphore_mem>>) src(%dma_wait3A_169 : memref<128x128xf32, #tpu.memory_space<hbm>>) dst(%arg12 : memref<128x128xf32, #tpu.memory_space<vmem>>)
      "tpu.region"() ({
        %run_scoped3A = tpu.sem_alloc : memref<!tpu.dma_semaphore, #tpu.memory_space<semaphore_mem>>
        %dma_start3A_279 = arith.constant 0 : i32
        %dma_start3A_280 = tpu.memref_slice %arg10[%add3A_163, %dma_start3A_279] : memref<40x128xi32, #tpu.memory_space<vmem>> -> memref<1x128xi32, #tpu.memory_space<vmem>>
        %dma_start3A_281 = tpu.memref_squeeze %dma_start3A_280 : memref<1x128xi32, #tpu.memory_space<vmem>> -> memref<128xi32, #tpu.memory_space<vmem>>
        %dma_start3A_282 = arith.constant 0 : i32
        %dma_start3A_283 = arith.constant 0 : i32
        %dma_start3A_284 = tpu.memref_slice %arg13[%dma_start3A_282, %dma_start3A_283] : memref<10016x128xf32, #tpu.memory_space<vmem_shared>> -> memref<10016x128xf32, #tpu.memory_space<vmem_shared>>
        tpu.enqueue_indirect_dma source(%arg12 : memref<128x128xf32, #tpu.memory_space<vmem>>) target(%dma_start3A_284 : memref<10016x128xf32, #tpu.memory_space<vmem_shared>>) offsets(%dma_start3A_281 : memref<128xi32, #tpu.memory_space<vmem>>) semaphore(%run_scoped3A : memref<!tpu.dma_semaphore, #tpu.memory_space<semaphore_mem>>) {add = true}
        %dma_wait3A_285 = arith.constant 0 : i32
        %dma_wait3A_286 = tpu.memref_slice %arg10[%add3A_163, %dma_wait3A_285] : memref<40x128xi32, #tpu.memory_space<vmem>> -> memref<1x128xi32, #tpu.memory_space<vmem>>
        %dma_wait3A_287 = tpu.memref_squeeze %dma_wait3A_286 : memref<1x128xi32, #tpu.memory_space<vmem>> -> memref<128xi32, #tpu.memory_space<vmem>>
        %dma_wait3A_288 = arith.constant 0 : i32
        %dma_wait3A_289 = arith.constant 0 : i32
        %dma_wait3A_290 = tpu.memref_slice %arg13[%dma_wait3A_288, %dma_wait3A_289] : memref<10016x128xf32, #tpu.memory_space<vmem_shared>> -> memref<10016x128xf32, #tpu.memory_space<vmem_shared>>
        tpu.wait_indirect_dma semaphore(%run_scoped3A : memref<!tpu.dma_semaphore, #tpu.memory_space<semaphore_mem>>) src(%arg12 : memref<128x128xf32, #tpu.memory_space<vmem>>) dst(%dma_wait3A_290 : memref<10016x128xf32, #tpu.memory_space<vmem_shared>>)
        tpu.yield
      }) : () -> ()
      %add3A_170 = arith.constant 2 : i32
      %add3A_171 = arith.addi %add3A_163, %add3A_170 : i32
      %lt3A_172 = arith.constant 40 : i32
      %lt3A_173 = arith.cmpi slt, %add3A_171, %lt3A_172 : i32
      %convert_element_type3A_174 = arith.extui %lt3A_173 : i1 to i32
      %cond3A_175 = arith.constant 0 : i32
      %cond3A_176 = arith.cmpi ne, %convert_element_type3A_174, %cond3A_175 : i32
      scf.if %cond3A_176 {
        %add3A_279 = arith.constant 2 : i32
        %add3A_280 = arith.addi %add3A_163, %add3A_279 : i32
        %add3A_281 = arith.addi %add3A_43, %add3A_280 : i32
        %min3A_282 = arith.constant 2499 : i32
        %min3A_283 = arith.minsi %add3A_281, %min3A_282 : i32
        %mul3A_284 = arith.constant 128 : i32
        %mul3A_285 = arith.muli %min3A_283, %mul3A_284 : i32
        %dma_start3A_286 = arith.constant 0 : i32
        %dma_start3A_287 = tpu.memref_slice %arg2[%mul3A_285, %dma_start3A_286] : memref<320000x128xf32, #tpu.memory_space<hbm>> -> memref<128x128xf32, #tpu.memory_space<hbm>>
        %dma_start3A_288 = arith.constant 0 : i32
        %dma_start3A_289 = tpu.memref_slice %arg2[%mul3A_285, %dma_start3A_288] : memref<320000x128xf32, #tpu.memory_space<hbm>> -> memref<128x128xf32, #tpu.memory_space<hbm>>
        tpu.enqueue_dma source(%dma_start3A_289 : memref<128x128xf32, #tpu.memory_space<hbm>>) target(%arg12 : memref<128x128xf32, #tpu.memory_space<vmem>>) target_semaphore(%arg15 : memref<!tpu.dma_semaphore, #tpu.memory_space<semaphore_mem>>)
      } else {
      }
      %mul3A_177 = arith.constant 8 : i32
      %mul3A_178 = arith.muli %scan3A_145, %mul3A_177 : i32
      %add3A_179 = arith.constant 2 : i32
      %add3A_180 = arith.addi %mul3A_178, %add3A_179 : i32
      %dma_wait3A_181 = arith.constant 0 : i32
      %dma_wait3A_182 = arith.constant 0 : i32
      %dma_wait3A_183 = tpu.memref_slice %arg2[%dma_wait3A_181, %dma_wait3A_182] : memref<320000x128xf32, #tpu.memory_space<hbm>> -> memref<128x128xf32, #tpu.memory_space<hbm>>
      %dma_wait3A_184 = arith.constant 0 : i32
      %dma_wait3A_185 = arith.constant 0 : i32
      %dma_wait3A_186 = tpu.memref_slice %arg2[%dma_wait3A_184, %dma_wait3A_185] : memref<320000x128xf32, #tpu.memory_space<hbm>> -> memref<128x128xf32, #tpu.memory_space<hbm>>
      tpu.wait_dma2 semaphore(%arg14 : memref<!tpu.dma_semaphore, #tpu.memory_space<semaphore_mem>>) src(%dma_wait3A_186 : memref<128x128xf32, #tpu.memory_space<hbm>>) dst(%arg11 : memref<128x128xf32, #tpu.memory_space<vmem>>)
      "tpu.region"() ({
        %run_scoped3A = tpu.sem_alloc : memref<!tpu.dma_semaphore, #tpu.memory_space<semaphore_mem>>
        %dma_start3A_279 = arith.constant 0 : i32
        %dma_start3A_280 = tpu.memref_slice %arg10[%add3A_180, %dma_start3A_279] : memref<40x128xi32, #tpu.memory_space<vmem>> -> memref<1x128xi32, #tpu.memory_space<vmem>>
        %dma_start3A_281 = tpu.memref_squeeze %dma_start3A_280 : memref<1x128xi32, #tpu.memory_space<vmem>> -> memref<128xi32, #tpu.memory_space<vmem>>
        %dma_start3A_282 = arith.constant 0 : i32
        %dma_start3A_283 = arith.constant 0 : i32
        %dma_start3A_284 = tpu.memref_slice %arg13[%dma_start3A_282, %dma_start3A_283] : memref<10016x128xf32, #tpu.memory_space<vmem_shared>> -> memref<10016x128xf32, #tpu.memory_space<vmem_shared>>
        tpu.enqueue_indirect_dma source(%arg11 : memref<128x128xf32, #tpu.memory_space<vmem>>) target(%dma_start3A_284 : memref<10016x128xf32, #tpu.memory_space<vmem_shared>>) offsets(%dma_start3A_281 : memref<128xi32, #tpu.memory_space<vmem>>) semaphore(%run_scoped3A : memref<!tpu.dma_semaphore, #tpu.memory_space<semaphore_mem>>) {add = true}
        %dma_wait3A_285 = arith.constant 0 : i32
        %dma_wait3A_286 = tpu.memref_slice %arg10[%add3A_180, %dma_wait3A_285] : memref<40x128xi32, #tpu.memory_space<vmem>> -> memref<1x128xi32, #tpu.memory_space<vmem>>
        %dma_wait3A_287 = tpu.memref_squeeze %dma_wait3A_286 : memref<1x128xi32, #tpu.memory_space<vmem>> -> memref<128xi32, #tpu.memory_space<vmem>>
        %dma_wait3A_288 = arith.constant 0 : i32
        %dma_wait3A_289 = arith.constant 0 : i32
        %dma_wait3A_290 = tpu.memref_slice %arg13[%dma_wait3A_288, %dma_wait3A_289] : memref<10016x128xf32, #tpu.memory_space<vmem_shared>> -> memref<10016x128xf32, #tpu.memory_space<vmem_shared>>
        tpu.wait_indirect_dma semaphore(%run_scoped3A : memref<!tpu.dma_semaphore, #tpu.memory_space<semaphore_mem>>) src(%arg11 : memref<128x128xf32, #tpu.memory_space<vmem>>) dst(%dma_wait3A_290 : memref<10016x128xf32, #tpu.memory_space<vmem_shared>>)
        tpu.yield
      }) : () -> ()
      %add3A_187 = arith.constant 2 : i32
      %add3A_188 = arith.addi %add3A_180, %add3A_187 : i32
      %lt3A_189 = arith.constant 40 : i32
      %lt3A_190 = arith.cmpi slt, %add3A_188, %lt3A_189 : i32
      %convert_element_type3A_191 = arith.extui %lt3A_190 : i1 to i32
      %cond3A_192 = arith.constant 0 : i32
      %cond3A_193 = arith.cmpi ne, %convert_element_type3A_191, %cond3A_192 : i32
      scf.if %cond3A_193 {
        %add3A_279 = arith.constant 2 : i32
        %add3A_280 = arith.addi %add3A_180, %add3A_279 : i32
        %add3A_281 = arith.addi %add3A_43, %add3A_280 : i32
        %min3A_282 = arith.constant 2499 : i32
        %min3A_283 = arith.minsi %add3A_281, %min3A_282 : i32
        %mul3A_284 = arith.constant 128 : i32
        %mul3A_285 = arith.muli %min3A_283, %mul3A_284 : i32
        %dma_start3A_286 = arith.constant 0 : i32
        %dma_start3A_287 = tpu.memref_slice %arg2[%mul3A_285, %dma_start3A_286] : memref<320000x128xf32, #tpu.memory_space<hbm>> -> memref<128x128xf32, #tpu.memory_space<hbm>>
        %dma_start3A_288 = arith.constant 0 : i32
        %dma_start3A_289 = tpu.memref_slice %arg2[%mul3A_285, %dma_start3A_288] : memref<320000x128xf32, #tpu.memory_space<hbm>> -> memref<128x128xf32, #tpu.memory_space<hbm>>
        tpu.enqueue_dma source(%dma_start3A_289 : memref<128x128xf32, #tpu.memory_space<hbm>>) target(%arg11 : memref<128x128xf32, #tpu.memory_space<vmem>>) target_semaphore(%arg14 : memref<!tpu.dma_semaphore, #tpu.memory_space<semaphore_mem>>)
      } else {
      }
      %mul3A_194 = arith.constant 8 : i32
      %mul3A_195 = arith.muli %scan3A_145, %mul3A_194 : i32
      %add3A_196 = arith.constant 3 : i32
      %add3A_197 = arith.addi %mul3A_195, %add3A_196 : i32
      %dma_wait3A_198 = arith.constant 0 : i32
      %dma_wait3A_199 = arith.constant 0 : i32
      %dma_wait3A_200 = tpu.memref_slice %arg2[%dma_wait3A_198, %dma_wait3A_199] : memref<320000x128xf32, #tpu.memory_space<hbm>> -> memref<128x128xf32, #tpu.memory_space<hbm>>
      %dma_wait3A_201 = arith.constant 0 : i32
      %dma_wait3A_202 = arith.constant 0 : i32
      %dma_wait3A_203 = tpu.memref_slice %arg2[%dma_wait3A_201, %dma_wait3A_202] : memref<320000x128xf32, #tpu.memory_space<hbm>> -> memref<128x128xf32, #tpu.memory_space<hbm>>
      tpu.wait_dma2 semaphore(%arg15 : memref<!tpu.dma_semaphore, #tpu.memory_space<semaphore_mem>>) src(%dma_wait3A_203 : memref<128x128xf32, #tpu.memory_space<hbm>>) dst(%arg12 : memref<128x128xf32, #tpu.memory_space<vmem>>)
      "tpu.region"() ({
        %run_scoped3A = tpu.sem_alloc : memref<!tpu.dma_semaphore, #tpu.memory_space<semaphore_mem>>
        %dma_start3A_279 = arith.constant 0 : i32
        %dma_start3A_280 = tpu.memref_slice %arg10[%add3A_197, %dma_start3A_279] : memref<40x128xi32, #tpu.memory_space<vmem>> -> memref<1x128xi32, #tpu.memory_space<vmem>>
        %dma_start3A_281 = tpu.memref_squeeze %dma_start3A_280 : memref<1x128xi32, #tpu.memory_space<vmem>> -> memref<128xi32, #tpu.memory_space<vmem>>
        %dma_start3A_282 = arith.constant 0 : i32
        %dma_start3A_283 = arith.constant 0 : i32
        %dma_start3A_284 = tpu.memref_slice %arg13[%dma_start3A_282, %dma_start3A_283] : memref<10016x128xf32, #tpu.memory_space<vmem_shared>> -> memref<10016x128xf32, #tpu.memory_space<vmem_shared>>
        tpu.enqueue_indirect_dma source(%arg12 : memref<128x128xf32, #tpu.memory_space<vmem>>) target(%dma_start3A_284 : memref<10016x128xf32, #tpu.memory_space<vmem_shared>>) offsets(%dma_start3A_281 : memref<128xi32, #tpu.memory_space<vmem>>) semaphore(%run_scoped3A : memref<!tpu.dma_semaphore, #tpu.memory_space<semaphore_mem>>) {add = true}
        %dma_wait3A_285 = arith.constant 0 : i32
        %dma_wait3A_286 = tpu.memref_slice %arg10[%add3A_197, %dma_wait3A_285] : memref<40x128xi32, #tpu.memory_space<vmem>> -> memref<1x128xi32, #tpu.memory_space<vmem>>
        %dma_wait3A_287 = tpu.memref_squeeze %dma_wait3A_286 : memref<1x128xi32, #tpu.memory_space<vmem>> -> memref<128xi32, #tpu.memory_space<vmem>>
        %dma_wait3A_288 = arith.constant 0 : i32
        %dma_wait3A_289 = arith.constant 0 : i32
        %dma_wait3A_290 = tpu.memref_slice %arg13[%dma_wait3A_288, %dma_wait3A_289] : memref<10016x128xf32, #tpu.memory_space<vmem_shared>> -> memref<10016x128xf32, #tpu.memory_space<vmem_shared>>
        tpu.wait_indirect_dma semaphore(%run_scoped3A : memref<!tpu.dma_semaphore, #tpu.memory_space<semaphore_mem>>) src(%arg12 : memref<128x128xf32, #tpu.memory_space<vmem>>) dst(%dma_wait3A_290 : memref<10016x128xf32, #tpu.memory_space<vmem_shared>>)
        tpu.yield
      }) : () -> ()
      %add3A_204 = arith.constant 2 : i32
      %add3A_205 = arith.addi %add3A_197, %add3A_204 : i32
      %lt3A_206 = arith.constant 40 : i32
      %lt3A_207 = arith.cmpi slt, %add3A_205, %lt3A_206 : i32
      %convert_element_type3A_208 = arith.extui %lt3A_207 : i1 to i32
      %cond3A_209 = arith.constant 0 : i32
      %cond3A_210 = arith.cmpi ne, %convert_element_type3A_208, %cond3A_209 : i32
      scf.if %cond3A_210 {
        %add3A_279 = arith.constant 2 : i32
        %add3A_280 = arith.addi %add3A_197, %add3A_279 : i32
        %add3A_281 = arith.addi %add3A_43, %add3A_280 : i32
        %min3A_282 = arith.constant 2499 : i32
        %min3A_283 = arith.minsi %add3A_281, %min3A_282 : i32
        %mul3A_284 = arith.constant 128 : i32
        %mul3A_285 = arith.muli %min3A_283, %mul3A_284 : i32
        %dma_start3A_286 = arith.constant 0 : i32
        %dma_start3A_287 = tpu.memref_slice %arg2[%mul3A_285, %dma_start3A_286] : memref<320000x128xf32, #tpu.memory_space<hbm>> -> memref<128x128xf32, #tpu.memory_space<hbm>>
        %dma_start3A_288 = arith.constant 0 : i32
        %dma_start3A_289 = tpu.memref_slice %arg2[%mul3A_285, %dma_start3A_288] : memref<320000x128xf32, #tpu.memory_space<hbm>> -> memref<128x128xf32, #tpu.memory_space<hbm>>
        tpu.enqueue_dma source(%dma_start3A_289 : memref<128x128xf32, #tpu.memory_space<hbm>>) target(%arg12 : memref<128x128xf32, #tpu.memory_space<vmem>>) target_semaphore(%arg15 : memref<!tpu.dma_semaphore, #tpu.memory_space<semaphore_mem>>)
      } else {
      }
      %mul3A_211 = arith.constant 8 : i32
      %mul3A_212 = arith.muli %scan3A_145, %mul3A_211 : i32
      %add3A_213 = arith.constant 4 : i32
      %add3A_214 = arith.addi %mul3A_212, %add3A_213 : i32
      %dma_wait3A_215 = arith.constant 0 : i32
      %dma_wait3A_216 = arith.constant 0 : i32
      %dma_wait3A_217 = tpu.memref_slice %arg2[%dma_wait3A_215, %dma_wait3A_216] : memref<320000x128xf32, #tpu.memory_space<hbm>> -> memref<128x128xf32, #tpu.memory_space<hbm>>
      %dma_wait3A_218 = arith.constant 0 : i32
      %dma_wait3A_219 = arith.constant 0 : i32
      %dma_wait3A_220 = tpu.memref_slice %arg2[%dma_wait3A_218, %dma_wait3A_219] : memref<320000x128xf32, #tpu.memory_space<hbm>> -> memref<128x128xf32, #tpu.memory_space<hbm>>
      tpu.wait_dma2 semaphore(%arg14 : memref<!tpu.dma_semaphore, #tpu.memory_space<semaphore_mem>>) src(%dma_wait3A_220 : memref<128x128xf32, #tpu.memory_space<hbm>>) dst(%arg11 : memref<128x128xf32, #tpu.memory_space<vmem>>)
      "tpu.region"() ({
        %run_scoped3A = tpu.sem_alloc : memref<!tpu.dma_semaphore, #tpu.memory_space<semaphore_mem>>
        %dma_start3A_279 = arith.constant 0 : i32
        %dma_start3A_280 = tpu.memref_slice %arg10[%add3A_214, %dma_start3A_279] : memref<40x128xi32, #tpu.memory_space<vmem>> -> memref<1x128xi32, #tpu.memory_space<vmem>>
        %dma_start3A_281 = tpu.memref_squeeze %dma_start3A_280 : memref<1x128xi32, #tpu.memory_space<vmem>> -> memref<128xi32, #tpu.memory_space<vmem>>
        %dma_start3A_282 = arith.constant 0 : i32
        %dma_start3A_283 = arith.constant 0 : i32
        %dma_start3A_284 = tpu.memref_slice %arg13[%dma_start3A_282, %dma_start3A_283] : memref<10016x128xf32, #tpu.memory_space<vmem_shared>> -> memref<10016x128xf32, #tpu.memory_space<vmem_shared>>
        tpu.enqueue_indirect_dma source(%arg11 : memref<128x128xf32, #tpu.memory_space<vmem>>) target(%dma_start3A_284 : memref<10016x128xf32, #tpu.memory_space<vmem_shared>>) offsets(%dma_start3A_281 : memref<128xi32, #tpu.memory_space<vmem>>) semaphore(%run_scoped3A : memref<!tpu.dma_semaphore, #tpu.memory_space<semaphore_mem>>) {add = true}
        %dma_wait3A_285 = arith.constant 0 : i32
        %dma_wait3A_286 = tpu.memref_slice %arg10[%add3A_214, %dma_wait3A_285] : memref<40x128xi32, #tpu.memory_space<vmem>> -> memref<1x128xi32, #tpu.memory_space<vmem>>
        %dma_wait3A_287 = tpu.memref_squeeze %dma_wait3A_286 : memref<1x128xi32, #tpu.memory_space<vmem>> -> memref<128xi32, #tpu.memory_space<vmem>>
        %dma_wait3A_288 = arith.constant 0 : i32
        %dma_wait3A_289 = arith.constant 0 : i32
        %dma_wait3A_290 = tpu.memref_slice %arg13[%dma_wait3A_288, %dma_wait3A_289] : memref<10016x128xf32, #tpu.memory_space<vmem_shared>> -> memref<10016x128xf32, #tpu.memory_space<vmem_shared>>
        tpu.wait_indirect_dma semaphore(%run_scoped3A : memref<!tpu.dma_semaphore, #tpu.memory_space<semaphore_mem>>) src(%arg11 : memref<128x128xf32, #tpu.memory_space<vmem>>) dst(%dma_wait3A_290 : memref<10016x128xf32, #tpu.memory_space<vmem_shared>>)
        tpu.yield
      }) : () -> ()
      %add3A_221 = arith.constant 2 : i32
      %add3A_222 = arith.addi %add3A_214, %add3A_221 : i32
      %lt3A_223 = arith.constant 40 : i32
      %lt3A_224 = arith.cmpi slt, %add3A_222, %lt3A_223 : i32
      %convert_element_type3A_225 = arith.extui %lt3A_224 : i1 to i32
      %cond3A_226 = arith.constant 0 : i32
      %cond3A_227 = arith.cmpi ne, %convert_element_type3A_225, %cond3A_226 : i32
      scf.if %cond3A_227 {
        %add3A_279 = arith.constant 2 : i32
        %add3A_280 = arith.addi %add3A_214, %add3A_279 : i32
        %add3A_281 = arith.addi %add3A_43, %add3A_280 : i32
        %min3A_282 = arith.constant 2499 : i32
        %min3A_283 = arith.minsi %add3A_281, %min3A_282 : i32
        %mul3A_284 = arith.constant 128 : i32
        %mul3A_285 = arith.muli %min3A_283, %mul3A_284 : i32
        %dma_start3A_286 = arith.constant 0 : i32
        %dma_start3A_287 = tpu.memref_slice %arg2[%mul3A_285, %dma_start3A_286] : memref<320000x128xf32, #tpu.memory_space<hbm>> -> memref<128x128xf32, #tpu.memory_space<hbm>>
        %dma_start3A_288 = arith.constant 0 : i32
        %dma_start3A_289 = tpu.memref_slice %arg2[%mul3A_285, %dma_start3A_288] : memref<320000x128xf32, #tpu.memory_space<hbm>> -> memref<128x128xf32, #tpu.memory_space<hbm>>
        tpu.enqueue_dma source(%dma_start3A_289 : memref<128x128xf32, #tpu.memory_space<hbm>>) target(%arg11 : memref<128x128xf32, #tpu.memory_space<vmem>>) target_semaphore(%arg14 : memref<!tpu.dma_semaphore, #tpu.memory_space<semaphore_mem>>)
      } else {
      }
      %mul3A_228 = arith.constant 8 : i32
      %mul3A_229 = arith.muli %scan3A_145, %mul3A_228 : i32
      %add3A_230 = arith.constant 5 : i32
      %add3A_231 = arith.addi %mul3A_229, %add3A_230 : i32
      %dma_wait3A_232 = arith.constant 0 : i32
      %dma_wait3A_233 = arith.constant 0 : i32
      %dma_wait3A_234 = tpu.memref_slice %arg2[%dma_wait3A_232, %dma_wait3A_233] : memref<320000x128xf32, #tpu.memory_space<hbm>> -> memref<128x128xf32, #tpu.memory_space<hbm>>
      %dma_wait3A_235 = arith.constant 0 : i32
      %dma_wait3A_236 = arith.constant 0 : i32
      %dma_wait3A_237 = tpu.memref_slice %arg2[%dma_wait3A_235, %dma_wait3A_236] : memref<320000x128xf32, #tpu.memory_space<hbm>> -> memref<128x128xf32, #tpu.memory_space<hbm>>
      tpu.wait_dma2 semaphore(%arg15 : memref<!tpu.dma_semaphore, #tpu.memory_space<semaphore_mem>>) src(%dma_wait3A_237 : memref<128x128xf32, #tpu.memory_space<hbm>>) dst(%arg12 : memref<128x128xf32, #tpu.memory_space<vmem>>)
      "tpu.region"() ({
        %run_scoped3A = tpu.sem_alloc : memref<!tpu.dma_semaphore, #tpu.memory_space<semaphore_mem>>
        %dma_start3A_279 = arith.constant 0 : i32
        %dma_start3A_280 = tpu.memref_slice %arg10[%add3A_231, %dma_start3A_279] : memref<40x128xi32, #tpu.memory_space<vmem>> -> memref<1x128xi32, #tpu.memory_space<vmem>>
        %dma_start3A_281 = tpu.memref_squeeze %dma_start3A_280 : memref<1x128xi32, #tpu.memory_space<vmem>> -> memref<128xi32, #tpu.memory_space<vmem>>
        %dma_start3A_282 = arith.constant 0 : i32
        %dma_start3A_283 = arith.constant 0 : i32
        %dma_start3A_284 = tpu.memref_slice %arg13[%dma_start3A_282, %dma_start3A_283] : memref<10016x128xf32, #tpu.memory_space<vmem_shared>> -> memref<10016x128xf32, #tpu.memory_space<vmem_shared>>
        tpu.enqueue_indirect_dma source(%arg12 : memref<128x128xf32, #tpu.memory_space<vmem>>) target(%dma_start3A_284 : memref<10016x128xf32, #tpu.memory_space<vmem_shared>>) offsets(%dma_start3A_281 : memref<128xi32, #tpu.memory_space<vmem>>) semaphore(%run_scoped3A : memref<!tpu.dma_semaphore, #tpu.memory_space<semaphore_mem>>) {add = true}
        %dma_wait3A_285 = arith.constant 0 : i32
        %dma_wait3A_286 = tpu.memref_slice %arg10[%add3A_231, %dma_wait3A_285] : memref<40x128xi32, #tpu.memory_space<vmem>> -> memref<1x128xi32, #tpu.memory_space<vmem>>
        %dma_wait3A_287 = tpu.memref_squeeze %dma_wait3A_286 : memref<1x128xi32, #tpu.memory_space<vmem>> -> memref<128xi32, #tpu.memory_space<vmem>>
        %dma_wait3A_288 = arith.constant 0 : i32
        %dma_wait3A_289 = arith.constant 0 : i32
        %dma_wait3A_290 = tpu.memref_slice %arg13[%dma_wait3A_288, %dma_wait3A_289] : memref<10016x128xf32, #tpu.memory_space<vmem_shared>> -> memref<10016x128xf32, #tpu.memory_space<vmem_shared>>
        tpu.wait_indirect_dma semaphore(%run_scoped3A : memref<!tpu.dma_semaphore, #tpu.memory_space<semaphore_mem>>) src(%arg12 : memref<128x128xf32, #tpu.memory_space<vmem>>) dst(%dma_wait3A_290 : memref<10016x128xf32, #tpu.memory_space<vmem_shared>>)
        tpu.yield
      }) : () -> ()
      %add3A_238 = arith.constant 2 : i32
      %add3A_239 = arith.addi %add3A_231, %add3A_238 : i32
      %lt3A_240 = arith.constant 40 : i32
      %lt3A_241 = arith.cmpi slt, %add3A_239, %lt3A_240 : i32
      %convert_element_type3A_242 = arith.extui %lt3A_241 : i1 to i32
      %cond3A_243 = arith.constant 0 : i32
      %cond3A_244 = arith.cmpi ne, %convert_element_type3A_242, %cond3A_243 : i32
      scf.if %cond3A_244 {
        %add3A_279 = arith.constant 2 : i32
        %add3A_280 = arith.addi %add3A_231, %add3A_279 : i32
        %add3A_281 = arith.addi %add3A_43, %add3A_280 : i32
        %min3A_282 = arith.constant 2499 : i32
        %min3A_283 = arith.minsi %add3A_281, %min3A_282 : i32
        %mul3A_284 = arith.constant 128 : i32
        %mul3A_285 = arith.muli %min3A_283, %mul3A_284 : i32
        %dma_start3A_286 = arith.constant 0 : i32
        %dma_start3A_287 = tpu.memref_slice %arg2[%mul3A_285, %dma_start3A_286] : memref<320000x128xf32, #tpu.memory_space<hbm>> -> memref<128x128xf32, #tpu.memory_space<hbm>>
        %dma_start3A_288 = arith.constant 0 : i32
        %dma_start3A_289 = tpu.memref_slice %arg2[%mul3A_285, %dma_start3A_288] : memref<320000x128xf32, #tpu.memory_space<hbm>> -> memref<128x128xf32, #tpu.memory_space<hbm>>
        tpu.enqueue_dma source(%dma_start3A_289 : memref<128x128xf32, #tpu.memory_space<hbm>>) target(%arg12 : memref<128x128xf32, #tpu.memory_space<vmem>>) target_semaphore(%arg15 : memref<!tpu.dma_semaphore, #tpu.memory_space<semaphore_mem>>)
      } else {
      }
      %mul3A_245 = arith.constant 8 : i32
      %mul3A_246 = arith.muli %scan3A_145, %mul3A_245 : i32
      %add3A_247 = arith.constant 6 : i32
      %add3A_248 = arith.addi %mul3A_246, %add3A_247 : i32
      %dma_wait3A_249 = arith.constant 0 : i32
      %dma_wait3A_250 = arith.constant 0 : i32
      %dma_wait3A_251 = tpu.memref_slice %arg2[%dma_wait3A_249, %dma_wait3A_250] : memref<320000x128xf32, #tpu.memory_space<hbm>> -> memref<128x128xf32, #tpu.memory_space<hbm>>
      %dma_wait3A_252 = arith.constant 0 : i32
      %dma_wait3A_253 = arith.constant 0 : i32
      %dma_wait3A_254 = tpu.memref_slice %arg2[%dma_wait3A_252, %dma_wait3A_253] : memref<320000x128xf32, #tpu.memory_space<hbm>> -> memref<128x128xf32, #tpu.memory_space<hbm>>
      tpu.wait_dma2 semaphore(%arg14 : memref<!tpu.dma_semaphore, #tpu.memory_space<semaphore_mem>>) src(%dma_wait3A_254 : memref<128x128xf32, #tpu.memory_space<hbm>>) dst(%arg11 : memref<128x128xf32, #tpu.memory_space<vmem>>)
      "tpu.region"() ({
        %run_scoped3A = tpu.sem_alloc : memref<!tpu.dma_semaphore, #tpu.memory_space<semaphore_mem>>
        %dma_start3A_279 = arith.constant 0 : i32
        %dma_start3A_280 = tpu.memref_slice %arg10[%add3A_248, %dma_start3A_279] : memref<40x128xi32, #tpu.memory_space<vmem>> -> memref<1x128xi32, #tpu.memory_space<vmem>>
        %dma_start3A_281 = tpu.memref_squeeze %dma_start3A_280 : memref<1x128xi32, #tpu.memory_space<vmem>> -> memref<128xi32, #tpu.memory_space<vmem>>
        %dma_start3A_282 = arith.constant 0 : i32
        %dma_start3A_283 = arith.constant 0 : i32
        %dma_start3A_284 = tpu.memref_slice %arg13[%dma_start3A_282, %dma_start3A_283] : memref<10016x128xf32, #tpu.memory_space<vmem_shared>> -> memref<10016x128xf32, #tpu.memory_space<vmem_shared>>
        tpu.enqueue_indirect_dma source(%arg11 : memref<128x128xf32, #tpu.memory_space<vmem>>) target(%dma_start3A_284 : memref<10016x128xf32, #tpu.memory_space<vmem_shared>>) offsets(%dma_start3A_281 : memref<128xi32, #tpu.memory_space<vmem>>) semaphore(%run_scoped3A : memref<!tpu.dma_semaphore, #tpu.memory_space<semaphore_mem>>) {add = true}
        %dma_wait3A_285 = arith.constant 0 : i32
        %dma_wait3A_286 = tpu.memref_slice %arg10[%add3A_248, %dma_wait3A_285] : memref<40x128xi32, #tpu.memory_space<vmem>> -> memref<1x128xi32, #tpu.memory_space<vmem>>
        %dma_wait3A_287 = tpu.memref_squeeze %dma_wait3A_286 : memref<1x128xi32, #tpu.memory_space<vmem>> -> memref<128xi32, #tpu.memory_space<vmem>>
        %dma_wait3A_288 = arith.constant 0 : i32
        %dma_wait3A_289 = arith.constant 0 : i32
        %dma_wait3A_290 = tpu.memref_slice %arg13[%dma_wait3A_288, %dma_wait3A_289] : memref<10016x128xf32, #tpu.memory_space<vmem_shared>> -> memref<10016x128xf32, #tpu.memory_space<vmem_shared>>
        tpu.wait_indirect_dma semaphore(%run_scoped3A : memref<!tpu.dma_semaphore, #tpu.memory_space<semaphore_mem>>) src(%arg11 : memref<128x128xf32, #tpu.memory_space<vmem>>) dst(%dma_wait3A_290 : memref<10016x128xf32, #tpu.memory_space<vmem_shared>>)
        tpu.yield
      }) : () -> ()
      %add3A_255 = arith.constant 2 : i32
      %add3A_256 = arith.addi %add3A_248, %add3A_255 : i32
      %lt3A_257 = arith.constant 40 : i32
      %lt3A_258 = arith.cmpi slt, %add3A_256, %lt3A_257 : i32
      %convert_element_type3A_259 = arith.extui %lt3A_258 : i1 to i32
      %cond3A_260 = arith.constant 0 : i32
      %cond3A_261 = arith.cmpi ne, %convert_element_type3A_259, %cond3A_260 : i32
      scf.if %cond3A_261 {
        %add3A_279 = arith.constant 2 : i32
        %add3A_280 = arith.addi %add3A_248, %add3A_279 : i32
        %add3A_281 = arith.addi %add3A_43, %add3A_280 : i32
        %min3A_282 = arith.constant 2499 : i32
        %min3A_283 = arith.minsi %add3A_281, %min3A_282 : i32
        %mul3A_284 = arith.constant 128 : i32
        %mul3A_285 = arith.muli %min3A_283, %mul3A_284 : i32
        %dma_start3A_286 = arith.constant 0 : i32
        %dma_start3A_287 = tpu.memref_slice %arg2[%mul3A_285, %dma_start3A_286] : memref<320000x128xf32, #tpu.memory_space<hbm>> -> memref<128x128xf32, #tpu.memory_space<hbm>>
        %dma_start3A_288 = arith.constant 0 : i32
        %dma_start3A_289 = tpu.memref_slice %arg2[%mul3A_285, %dma_start3A_288] : memref<320000x128xf32, #tpu.memory_space<hbm>> -> memref<128x128xf32, #tpu.memory_space<hbm>>
        tpu.enqueue_dma source(%dma_start3A_289 : memref<128x128xf32, #tpu.memory_space<hbm>>) target(%arg11 : memref<128x128xf32, #tpu.memory_space<vmem>>) target_semaphore(%arg14 : memref<!tpu.dma_semaphore, #tpu.memory_space<semaphore_mem>>)
      } else {
      }
      %mul3A_262 = arith.constant 8 : i32
      %mul3A_263 = arith.muli %scan3A_145, %mul3A_262 : i32
      %add3A_264 = arith.constant 7 : i32
      %add3A_265 = arith.addi %mul3A_263, %add3A_264 : i32
      %dma_wait3A_266 = arith.constant 0 : i32
      %dma_wait3A_267 = arith.constant 0 : i32
      %dma_wait3A_268 = tpu.memref_slice %arg2[%dma_wait3A_266, %dma_wait3A_267] : memref<320000x128xf32, #tpu.memory_space<hbm>> -> memref<128x128xf32, #tpu.memory_space<hbm>>
      %dma_wait3A_269 = arith.constant 0 : i32
      %dma_wait3A_270 = arith.constant 0 : i32
      %dma_wait3A_271 = tpu.memref_slice %arg2[%dma_wait3A_269, %dma_wait3A_270] : memref<320000x128xf32, #tpu.memory_space<hbm>> -> memref<128x128xf32, #tpu.memory_space<hbm>>
      tpu.wait_dma2 semaphore(%arg15 : memref<!tpu.dma_semaphore, #tpu.memory_space<semaphore_mem>>) src(%dma_wait3A_271 : memref<128x128xf32, #tpu.memory_space<hbm>>) dst(%arg12 : memref<128x128xf32, #tpu.memory_space<vmem>>)
      "tpu.region"() ({
        %run_scoped3A = tpu.sem_alloc : memref<!tpu.dma_semaphore, #tpu.memory_space<semaphore_mem>>
        %dma_start3A_279 = arith.constant 0 : i32
        %dma_start3A_280 = tpu.memref_slice %arg10[%add3A_265, %dma_start3A_279] : memref<40x128xi32, #tpu.memory_space<vmem>> -> memref<1x128xi32, #tpu.memory_space<vmem>>
        %dma_start3A_281 = tpu.memref_squeeze %dma_start3A_280 : memref<1x128xi32, #tpu.memory_space<vmem>> -> memref<128xi32, #tpu.memory_space<vmem>>
        %dma_start3A_282 = arith.constant 0 : i32
        %dma_start3A_283 = arith.constant 0 : i32
        %dma_start3A_284 = tpu.memref_slice %arg13[%dma_start3A_282, %dma_start3A_283] : memref<10016x128xf32, #tpu.memory_space<vmem_shared>> -> memref<10016x128xf32, #tpu.memory_space<vmem_shared>>
        tpu.enqueue_indirect_dma source(%arg12 : memref<128x128xf32, #tpu.memory_space<vmem>>) target(%dma_start3A_284 : memref<10016x128xf32, #tpu.memory_space<vmem_shared>>) offsets(%dma_start3A_281 : memref<128xi32, #tpu.memory_space<vmem>>) semaphore(%run_scoped3A : memref<!tpu.dma_semaphore, #tpu.memory_space<semaphore_mem>>) {add = true}
        %dma_wait3A_285 = arith.constant 0 : i32
        %dma_wait3A_286 = tpu.memref_slice %arg10[%add3A_265, %dma_wait3A_285] : memref<40x128xi32, #tpu.memory_space<vmem>> -> memref<1x128xi32, #tpu.memory_space<vmem>>
        %dma_wait3A_287 = tpu.memref_squeeze %dma_wait3A_286 : memref<1x128xi32, #tpu.memory_space<vmem>> -> memref<128xi32, #tpu.memory_space<vmem>>
        %dma_wait3A_288 = arith.constant 0 : i32
        %dma_wait3A_289 = arith.constant 0 : i32
        %dma_wait3A_290 = tpu.memref_slice %arg13[%dma_wait3A_288, %dma_wait3A_289] : memref<10016x128xf32, #tpu.memory_space<vmem_shared>> -> memref<10016x128xf32, #tpu.memory_space<vmem_shared>>
        tpu.wait_indirect_dma semaphore(%run_scoped3A : memref<!tpu.dma_semaphore, #tpu.memory_space<semaphore_mem>>) src(%arg12 : memref<128x128xf32, #tpu.memory_space<vmem>>) dst(%dma_wait3A_290 : memref<10016x128xf32, #tpu.memory_space<vmem_shared>>)
        tpu.yield
      }) : () -> ()
      %add3A_272 = arith.constant 2 : i32
      %add3A_273 = arith.addi %add3A_265, %add3A_272 : i32
      %lt3A_274 = arith.constant 40 : i32
      %lt3A_275 = arith.cmpi slt, %add3A_273, %lt3A_274 : i32
      %convert_element_type3A_276 = arith.extui %lt3A_275 : i1 to i32
      %cond3A_277 = arith.constant 0 : i32
      %cond3A_278 = arith.cmpi ne, %convert_element_type3A_276, %cond3A_277 : i32
      scf.if %cond3A_278 {
        %add3A_279 = arith.constant 2 : i32
        %add3A_280 = arith.addi %add3A_265, %add3A_279 : i32
        %add3A_281 = arith.addi %add3A_43, %add3A_280 : i32
        %min3A_282 = arith.constant 2499 : i32
        %min3A_283 = arith.minsi %add3A_281, %min3A_282 : i32
        %mul3A_284 = arith.constant 128 : i32
        %mul3A_285 = arith.muli %min3A_283, %mul3A_284 : i32
        %dma_start3A_286 = arith.constant 0 : i32
        %dma_start3A_287 = tpu.memref_slice %arg2[%mul3A_285, %dma_start3A_286] : memref<320000x128xf32, #tpu.memory_space<hbm>> -> memref<128x128xf32, #tpu.memory_space<hbm>>
        %dma_start3A_288 = arith.constant 0 : i32
        %dma_start3A_289 = tpu.memref_slice %arg2[%mul3A_285, %dma_start3A_288] : memref<320000x128xf32, #tpu.memory_space<hbm>> -> memref<128x128xf32, #tpu.memory_space<hbm>>
        tpu.enqueue_dma source(%dma_start3A_289 : memref<128x128xf32, #tpu.memory_space<hbm>>) target(%arg12 : memref<128x128xf32, #tpu.memory_space<vmem>>) target_semaphore(%arg15 : memref<!tpu.dma_semaphore, #tpu.memory_space<semaphore_mem>>)
      } else {
      }
    }
    %scan3A_69 = arith.constant 5 : i32
    %barrier3A_70 = arith.constant 0 : index
    tpu.barrier barrier_id(%barrier3A_70)
    %mul3A_71 = arith.constant 624 : i32
    %mul3A_72 = arith.muli %arg1, %mul3A_71 : i32
    %mul3A_73 = arith.constant 624 : i32
    %mul3A_74 = arith.muli %arg1, %mul3A_73 : i32
    "tpu.region"() ({
      %run_scoped3A = tpu.sem_alloc : memref<!tpu.dma_semaphore, #tpu.memory_space<semaphore_mem>>
      %dma_start3A_145 = arith.constant 0 : i32
      %dma_start3A_146 = tpu.memref_slice %arg7[%arg0, %mul3A_74, %dma_start3A_145] : memref<2x10016x128xf32, #tpu.memory_space<hbm>> -> memref<1x656x128xf32, #tpu.memory_space<hbm>>
      %dma_start3A_147 = tpu.memref_squeeze %dma_start3A_146 : memref<1x656x128xf32, #tpu.memory_space<hbm>> -> memref<656x128xf32, #tpu.memory_space<hbm>>
      %dma_start3A_148 = arith.constant 0 : i32
      %dma_start3A_149 = tpu.memref_slice %arg13[%mul3A_72, %dma_start3A_148] : memref<10016x128xf32, #tpu.memory_space<vmem_shared>> -> memref<656x128xf32, #tpu.memory_space<vmem_shared>>
      tpu.enqueue_dma source(%dma_start3A_149 : memref<656x128xf32, #tpu.memory_space<vmem_shared>>) target(%dma_start3A_147 : memref<656x128xf32, #tpu.memory_space<hbm>>) target_semaphore(%run_scoped3A : memref<!tpu.dma_semaphore, #tpu.memory_space<semaphore_mem>>)
      %dma_wait3A_150 = arith.constant 0 : i32
      %dma_wait3A_151 = tpu.memref_slice %arg7[%arg0, %mul3A_74, %dma_wait3A_150] : memref<2x10016x128xf32, #tpu.memory_space<hbm>> -> memref<1x656x128xf32, #tpu.memory_space<hbm>>
      %dma_wait3A_152 = tpu.memref_squeeze %dma_wait3A_151 : memref<1x656x128xf32, #tpu.memory_space<hbm>> -> memref<656x128xf32, #tpu.memory_space<hbm>>
      %dma_wait3A_153 = arith.constant 0 : i32
      %dma_wait3A_154 = tpu.memref_slice %arg13[%mul3A_72, %dma_wait3A_153] : memref<10016x128xf32, #tpu.memory_space<vmem_shared>> -> memref<656x128xf32, #tpu.memory_space<vmem_shared>>
      tpu.wait_dma2 semaphore(%run_scoped3A : memref<!tpu.dma_semaphore, #tpu.memory_space<semaphore_mem>>) src(%dma_wait3A_154 : memref<656x128xf32, #tpu.memory_space<vmem_shared>>) dst(%dma_wait3A_152 : memref<656x128xf32, #tpu.memory_space<hbm>>)
      tpu.yield
    }) : () -> ()
    %barrier3A_75 = arith.constant 0 : index
    tpu.barrier barrier_id(%barrier3A_75)
    %mul3A_76 = arith.constant 624 : i32
    %mul3A_77 = arith.muli %arg1, %mul3A_76 : i32
    %mul3A_78 = arith.constant 624 : i32
    %mul3A_79 = arith.muli %arg1, %mul3A_78 : i32
    %dma_start3A_80 = arith.constant 0 : i32
    %dma_start3A_81 = tpu.memref_slice %arg13[%mul3A_79, %dma_start3A_80] : memref<10016x128xf32, #tpu.memory_space<vmem_shared>> -> memref<656x128xf32, #tpu.memory_space<vmem_shared>>
    %dma_start3A_82 = arith.constant 0 : i32
    %dma_start3A_83 = tpu.memref_slice %arg6[%mul3A_77, %dma_start3A_82] : memref<10016x128xf32, #tpu.memory_space<hbm>> -> memref<656x128xf32, #tpu.memory_space<hbm>>
    tpu.enqueue_dma source(%dma_start3A_83 : memref<656x128xf32, #tpu.memory_space<hbm>>) target(%dma_start3A_81 : memref<656x128xf32, #tpu.memory_space<vmem_shared>>) target_semaphore(%arg14 : memref<!tpu.dma_semaphore, #tpu.memory_space<semaphore_mem>>)
    %mul3A_84 = arith.constant 16 : i32
    %mul3A_85 = arith.muli %arg0, %mul3A_84 : i32
    %add3A_86 = arith.addi %mul3A_85, %arg1 : i32
    %mul3A_87 = arith.constant 80 : i32
    %mul3A_88 = arith.muli %add3A_86, %mul3A_87 : i32
    %add3A_89 = arith.constant 0 : i32
    %add3A_90 = arith.addi %mul3A_88, %add3A_89 : i32
    "tpu.region"() ({
      %run_scoped3A = tpu.sem_alloc : memref<!tpu.dma_semaphore, #tpu.memory_space<semaphore_mem>>
      %dma_start3A_145 = arith.constant 0 : i32
      %dma_start3A_146 = tpu.memref_slice %arg4[%add3A_90, %dma_start3A_145] : memref<2560x128xi32, #tpu.memory_space<hbm>> -> memref<40x128xi32, #tpu.memory_space<hbm>>
      %dma_start3A_147 = arith.constant 0 : i32
      %dma_start3A_148 = tpu.memref_slice %arg4[%add3A_90, %dma_start3A_147] : memref<2560x128xi32, #tpu.memory_space<hbm>> -> memref<40x128xi32, #tpu.memory_space<hbm>>
      tpu.enqueue_dma source(%dma_start3A_148 : memref<40x128xi32, #tpu.memory_space<hbm>>) target(%arg9 : memref<40x128xi32, #tpu.memory_space<vmem>>) target_semaphore(%run_scoped3A : memref<!tpu.dma_semaphore, #tpu.memory_space<semaphore_mem>>)
      %dma_wait3A_149 = arith.constant 0 : i32
      %dma_wait3A_150 = tpu.memref_slice %arg4[%add3A_90, %dma_wait3A_149] : memref<2560x128xi32, #tpu.memory_space<hbm>> -> memref<40x128xi32, #tpu.memory_space<hbm>>
      %dma_wait3A_151 = arith.constant 0 : i32
      %dma_wait3A_152 = tpu.memref_slice %arg4[%add3A_90, %dma_wait3A_151] : memref<2560x128xi32, #tpu.memory_space<hbm>> -> memref<40x128xi32, #tpu.memory_space<hbm>>
      tpu.wait_dma2 semaphore(%run_scoped3A : memref<!tpu.dma_semaphore, #tpu.memory_space<semaphore_mem>>) src(%dma_wait3A_152 : memref<40x128xi32, #tpu.memory_space<hbm>>) dst(%arg9 : memref<40x128xi32, #tpu.memory_space<vmem>>)
      tpu.yield
    }) : () -> ()
    "tpu.region"() ({
      %run_scoped3A = tpu.sem_alloc : memref<!tpu.dma_semaphore, #tpu.memory_space<semaphore_mem>>
      %dma_start3A_145 = arith.constant 0 : i32
      %dma_start3A_146 = tpu.memref_slice %arg5[%add3A_90, %dma_start3A_145] : memref<2560x128xi32, #tpu.memory_space<hbm>> -> memref<40x128xi32, #tpu.memory_space<hbm>>
      %dma_start3A_147 = arith.constant 0 : i32
      %dma_start3A_148 = tpu.memref_slice %arg5[%add3A_90, %dma_start3A_147] : memref<2560x128xi32, #tpu.memory_space<hbm>> -> memref<40x128xi32, #tpu.memory_space<hbm>>
      tpu.enqueue_dma source(%dma_start3A_148 : memref<40x128xi32, #tpu.memory_space<hbm>>) target(%arg10 : memref<40x128xi32, #tpu.memory_space<vmem>>) target_semaphore(%run_scoped3A : memref<!tpu.dma_semaphore, #tpu.memory_space<semaphore_mem>>)
      %dma_wait3A_149 = arith.constant 0 : i32
      %dma_wait3A_150 = tpu.memref_slice %arg5[%add3A_90, %dma_wait3A_149] : memref<2560x128xi32, #tpu.memory_space<hbm>> -> memref<40x128xi32, #tpu.memory_space<hbm>>
      %dma_wait3A_151 = arith.constant 0 : i32
      %dma_wait3A_152 = tpu.memref_slice %arg5[%add3A_90, %dma_wait3A_151] : memref<2560x128xi32, #tpu.memory_space<hbm>> -> memref<40x128xi32, #tpu.memory_space<hbm>>
      tpu.wait_dma2 semaphore(%run_scoped3A : memref<!tpu.dma_semaphore, #tpu.memory_space<semaphore_mem>>) src(%dma_wait3A_152 : memref<40x128xi32, #tpu.memory_space<hbm>>) dst(%arg10 : memref<40x128xi32, #tpu.memory_space<vmem>>)
      tpu.yield
    }) : () -> ()
    %dma_wait3A_91 = arith.constant 0 : i32
    %dma_wait3A_92 = tpu.memref_slice %arg13[%mul3A_79, %dma_wait3A_91] : memref<10016x128xf32, #tpu.memory_space<vmem_shared>> -> memref<656x128xf32, #tpu.memory_space<vmem_shared>>
    %dma_wait3A_93 = arith.constant 0 : i32
    %dma_wait3A_94 = tpu.memref_slice %arg6[%mul3A_77, %dma_wait3A_93] : memref<10016x128xf32, #tpu.memory_space<hbm>> -> memref<656x128xf32, #tpu.memory_space<hbm>>
    tpu.wait_dma2 semaphore(%arg14 : memref<!tpu.dma_semaphore, #tpu.memory_space<semaphore_mem>>) src(%dma_wait3A_94 : memref<656x128xf32, #tpu.memory_space<hbm>>) dst(%dma_wait3A_92 : memref<656x128xf32, #tpu.memory_space<vmem_shared>>)
    %barrier3A_95 = arith.constant 0 : index
    tpu.barrier barrier_id(%barrier3A_95)
    %dma_start3A_96 = arith.constant 0 : i32
    %dma_start3A_97 = arith.constant 0 : i32
    %dma_start3A_98 = tpu.memref_slice %arg9[%dma_start3A_96, %dma_start3A_97] : memref<40x128xi32, #tpu.memory_space<vmem>> -> memref<1x128xi32, #tpu.memory_space<vmem>>
    %dma_start3A_99 = tpu.memref_squeeze %dma_start3A_98 : memref<1x128xi32, #tpu.memory_space<vmem>> -> memref<128xi32, #tpu.memory_space<vmem>>
    %dma_start3A_100 = arith.constant 0 : i32
    %dma_start3A_101 = arith.constant 0 : i32
    %dma_start3A_102 = tpu.memref_slice %arg3[%dma_start3A_100, %dma_start3A_101] : memref<10000x128xf32, #tpu.memory_space<hbm>> -> memref<10000x128xf32, #tpu.memory_space<hbm>>
    tpu.enqueue_indirect_dma source(%dma_start3A_102 : memref<10000x128xf32, #tpu.memory_space<hbm>>) target(%arg11 : memref<128x128xf32, #tpu.memory_space<vmem>>) offsets(%dma_start3A_99 : memref<128xi32, #tpu.memory_space<vmem>>) semaphore(%arg14 : memref<!tpu.dma_semaphore, #tpu.memory_space<semaphore_mem>>)
    %dma_start3A_103 = arith.constant 1 : i32
    %dma_start3A_104 = arith.constant 0 : i32
    %dma_start3A_105 = tpu.memref_slice %arg9[%dma_start3A_103, %dma_start3A_104] : memref<40x128xi32, #tpu.memory_space<vmem>> -> memref<1x128xi32, #tpu.memory_space<vmem>>
    %dma_start3A_106 = tpu.memref_squeeze %dma_start3A_105 : memref<1x128xi32, #tpu.memory_space<vmem>> -> memref<128xi32, #tpu.memory_space<vmem>>
    %dma_start3A_107 = arith.constant 0 : i32
    %dma_start3A_108 = arith.constant 0 : i32
    %dma_start3A_109 = tpu.memref_slice %arg3[%dma_start3A_107, %dma_start3A_108] : memref<10000x128xf32, #tpu.memory_space<hbm>> -> memref<10000x128xf32, #tpu.memory_space<hbm>>
    tpu.enqueue_indirect_dma source(%dma_start3A_109 : memref<10000x128xf32, #tpu.memory_space<hbm>>) target(%arg12 : memref<128x128xf32, #tpu.memory_space<vmem>>) offsets(%dma_start3A_106 : memref<128xi32, #tpu.memory_space<vmem>>) semaphore(%arg15 : memref<!tpu.dma_semaphore, #tpu.memory_space<semaphore_mem>>)
    %scan3A_110 = arith.constant 0 : i32
    %scan3A_111 = arith.constant 0 : i32
    %scan3A_112 = arith.constant 5 : i32
    %scan3A_113 = arith.addi %scan3A_111, %scan3A_112 : i32
    %scan3A_114 = arith.constant 1 : i32
    scf.for %scan3A_145 = %scan3A_111 to %scan3A_113 step %scan3A_114  : i32 {
      %mul3A_146 = arith.constant 8 : i32
      %mul3A_147 = arith.muli %scan3A_145, %mul3A_146 : i32
      %add3A_148 = arith.constant 0 : i32
      %add3A_149 = arith.addi %mul3A_147, %add3A_148 : i32
      %dma_wait3A_150 = arith.constant 0 : i32
      %dma_wait3A_151 = arith.constant 0 : i32
      %dma_wait3A_152 = tpu.memref_slice %arg3[%dma_wait3A_150, %dma_wait3A_151] : memref<10000x128xf32, #tpu.memory_space<hbm>> -> memref<128x128xf32, #tpu.memory_space<hbm>>
      %dma_wait3A_153 = arith.constant 0 : i32
      %dma_wait3A_154 = arith.constant 0 : i32
      %dma_wait3A_155 = tpu.memref_slice %arg3[%dma_wait3A_153, %dma_wait3A_154] : memref<10000x128xf32, #tpu.memory_space<hbm>> -> memref<128x128xf32, #tpu.memory_space<hbm>>
      tpu.wait_dma2 semaphore(%arg14 : memref<!tpu.dma_semaphore, #tpu.memory_space<semaphore_mem>>) src(%dma_wait3A_155 : memref<128x128xf32, #tpu.memory_space<hbm>>) dst(%arg11 : memref<128x128xf32, #tpu.memory_space<vmem>>)
      "tpu.region"() ({
        %run_scoped3A = tpu.sem_alloc : memref<!tpu.dma_semaphore, #tpu.memory_space<semaphore_mem>>
        %dma_start3A_279 = arith.constant 0 : i32
        %dma_start3A_280 = tpu.memref_slice %arg10[%add3A_149, %dma_start3A_279] : memref<40x128xi32, #tpu.memory_space<vmem>> -> memref<1x128xi32, #tpu.memory_space<vmem>>
        %dma_start3A_281 = tpu.memref_squeeze %dma_start3A_280 : memref<1x128xi32, #tpu.memory_space<vmem>> -> memref<128xi32, #tpu.memory_space<vmem>>
        %dma_start3A_282 = arith.constant 0 : i32
        %dma_start3A_283 = arith.constant 0 : i32
        %dma_start3A_284 = tpu.memref_slice %arg13[%dma_start3A_282, %dma_start3A_283] : memref<10016x128xf32, #tpu.memory_space<vmem_shared>> -> memref<10016x128xf32, #tpu.memory_space<vmem_shared>>
        tpu.enqueue_indirect_dma source(%arg11 : memref<128x128xf32, #tpu.memory_space<vmem>>) target(%dma_start3A_284 : memref<10016x128xf32, #tpu.memory_space<vmem_shared>>) offsets(%dma_start3A_281 : memref<128xi32, #tpu.memory_space<vmem>>) semaphore(%run_scoped3A : memref<!tpu.dma_semaphore, #tpu.memory_space<semaphore_mem>>) {add = true}
        %dma_wait3A_285 = arith.constant 0 : i32
        %dma_wait3A_286 = tpu.memref_slice %arg10[%add3A_149, %dma_wait3A_285] : memref<40x128xi32, #tpu.memory_space<vmem>> -> memref<1x128xi32, #tpu.memory_space<vmem>>
        %dma_wait3A_287 = tpu.memref_squeeze %dma_wait3A_286 : memref<1x128xi32, #tpu.memory_space<vmem>> -> memref<128xi32, #tpu.memory_space<vmem>>
        %dma_wait3A_288 = arith.constant 0 : i32
        %dma_wait3A_289 = arith.constant 0 : i32
        %dma_wait3A_290 = tpu.memref_slice %arg13[%dma_wait3A_288, %dma_wait3A_289] : memref<10016x128xf32, #tpu.memory_space<vmem_shared>> -> memref<10016x128xf32, #tpu.memory_space<vmem_shared>>
        tpu.wait_indirect_dma semaphore(%run_scoped3A : memref<!tpu.dma_semaphore, #tpu.memory_space<semaphore_mem>>) src(%arg11 : memref<128x128xf32, #tpu.memory_space<vmem>>) dst(%dma_wait3A_290 : memref<10016x128xf32, #tpu.memory_space<vmem_shared>>)
        tpu.yield
      }) : () -> ()
      %add3A_156 = arith.constant 2 : i32
      %add3A_157 = arith.addi %add3A_149, %add3A_156 : i32
      %lt3A = arith.constant 40 : i32
      %lt3A_158 = arith.cmpi slt, %add3A_157, %lt3A : i32
      %convert_element_type3A = arith.extui %lt3A_158 : i1 to i32
      %cond3A = arith.constant 0 : i32
      %cond3A_159 = arith.cmpi ne, %convert_element_type3A, %cond3A : i32
      scf.if %cond3A_159 {
        %add3A_279 = arith.constant 2 : i32
        %add3A_280 = arith.addi %add3A_149, %add3A_279 : i32
        %dma_start3A_281 = arith.constant 0 : i32
        %dma_start3A_282 = tpu.memref_slice %arg9[%add3A_280, %dma_start3A_281] : memref<40x128xi32, #tpu.memory_space<vmem>> -> memref<1x128xi32, #tpu.memory_space<vmem>>
        %dma_start3A_283 = tpu.memref_squeeze %dma_start3A_282 : memref<1x128xi32, #tpu.memory_space<vmem>> -> memref<128xi32, #tpu.memory_space<vmem>>
        %dma_start3A_284 = arith.constant 0 : i32
        %dma_start3A_285 = arith.constant 0 : i32
        %dma_start3A_286 = tpu.memref_slice %arg3[%dma_start3A_284, %dma_start3A_285] : memref<10000x128xf32, #tpu.memory_space<hbm>> -> memref<10000x128xf32, #tpu.memory_space<hbm>>
        tpu.enqueue_indirect_dma source(%dma_start3A_286 : memref<10000x128xf32, #tpu.memory_space<hbm>>) target(%arg11 : memref<128x128xf32, #tpu.memory_space<vmem>>) offsets(%dma_start3A_283 : memref<128xi32, #tpu.memory_space<vmem>>) semaphore(%arg14 : memref<!tpu.dma_semaphore, #tpu.memory_space<semaphore_mem>>)
      } else {
      }
      %mul3A_160 = arith.constant 8 : i32
      %mul3A_161 = arith.muli %scan3A_145, %mul3A_160 : i32
      %add3A_162 = arith.constant 1 : i32
      %add3A_163 = arith.addi %mul3A_161, %add3A_162 : i32
      %dma_wait3A_164 = arith.constant 0 : i32
      %dma_wait3A_165 = arith.constant 0 : i32
      %dma_wait3A_166 = tpu.memref_slice %arg3[%dma_wait3A_164, %dma_wait3A_165] : memref<10000x128xf32, #tpu.memory_space<hbm>> -> memref<128x128xf32, #tpu.memory_space<hbm>>
      %dma_wait3A_167 = arith.constant 0 : i32
      %dma_wait3A_168 = arith.constant 0 : i32
      %dma_wait3A_169 = tpu.memref_slice %arg3[%dma_wait3A_167, %dma_wait3A_168] : memref<10000x128xf32, #tpu.memory_space<hbm>> -> memref<128x128xf32, #tpu.memory_space<hbm>>
      tpu.wait_dma2 semaphore(%arg15 : memref<!tpu.dma_semaphore, #tpu.memory_space<semaphore_mem>>) src(%dma_wait3A_169 : memref<128x128xf32, #tpu.memory_space<hbm>>) dst(%arg12 : memref<128x128xf32, #tpu.memory_space<vmem>>)
      "tpu.region"() ({
        %run_scoped3A = tpu.sem_alloc : memref<!tpu.dma_semaphore, #tpu.memory_space<semaphore_mem>>
        %dma_start3A_279 = arith.constant 0 : i32
        %dma_start3A_280 = tpu.memref_slice %arg10[%add3A_163, %dma_start3A_279] : memref<40x128xi32, #tpu.memory_space<vmem>> -> memref<1x128xi32, #tpu.memory_space<vmem>>
        %dma_start3A_281 = tpu.memref_squeeze %dma_start3A_280 : memref<1x128xi32, #tpu.memory_space<vmem>> -> memref<128xi32, #tpu.memory_space<vmem>>
        %dma_start3A_282 = arith.constant 0 : i32
        %dma_start3A_283 = arith.constant 0 : i32
        %dma_start3A_284 = tpu.memref_slice %arg13[%dma_start3A_282, %dma_start3A_283] : memref<10016x128xf32, #tpu.memory_space<vmem_shared>> -> memref<10016x128xf32, #tpu.memory_space<vmem_shared>>
        tpu.enqueue_indirect_dma source(%arg12 : memref<128x128xf32, #tpu.memory_space<vmem>>) target(%dma_start3A_284 : memref<10016x128xf32, #tpu.memory_space<vmem_shared>>) offsets(%dma_start3A_281 : memref<128xi32, #tpu.memory_space<vmem>>) semaphore(%run_scoped3A : memref<!tpu.dma_semaphore, #tpu.memory_space<semaphore_mem>>) {add = true}
        %dma_wait3A_285 = arith.constant 0 : i32
        %dma_wait3A_286 = tpu.memref_slice %arg10[%add3A_163, %dma_wait3A_285] : memref<40x128xi32, #tpu.memory_space<vmem>> -> memref<1x128xi32, #tpu.memory_space<vmem>>
        %dma_wait3A_287 = tpu.memref_squeeze %dma_wait3A_286 : memref<1x128xi32, #tpu.memory_space<vmem>> -> memref<128xi32, #tpu.memory_space<vmem>>
        %dma_wait3A_288 = arith.constant 0 : i32
        %dma_wait3A_289 = arith.constant 0 : i32
        %dma_wait3A_290 = tpu.memref_slice %arg13[%dma_wait3A_288, %dma_wait3A_289] : memref<10016x128xf32, #tpu.memory_space<vmem_shared>> -> memref<10016x128xf32, #tpu.memory_space<vmem_shared>>
        tpu.wait_indirect_dma semaphore(%run_scoped3A : memref<!tpu.dma_semaphore, #tpu.memory_space<semaphore_mem>>) src(%arg12 : memref<128x128xf32, #tpu.memory_space<vmem>>) dst(%dma_wait3A_290 : memref<10016x128xf32, #tpu.memory_space<vmem_shared>>)
        tpu.yield
      }) : () -> ()
      %add3A_170 = arith.constant 2 : i32
      %add3A_171 = arith.addi %add3A_163, %add3A_170 : i32
      %lt3A_172 = arith.constant 40 : i32
      %lt3A_173 = arith.cmpi slt, %add3A_171, %lt3A_172 : i32
      %convert_element_type3A_174 = arith.extui %lt3A_173 : i1 to i32
      %cond3A_175 = arith.constant 0 : i32
      %cond3A_176 = arith.cmpi ne, %convert_element_type3A_174, %cond3A_175 : i32
      scf.if %cond3A_176 {
        %add3A_279 = arith.constant 2 : i32
        %add3A_280 = arith.addi %add3A_163, %add3A_279 : i32
        %dma_start3A_281 = arith.constant 0 : i32
        %dma_start3A_282 = tpu.memref_slice %arg9[%add3A_280, %dma_start3A_281] : memref<40x128xi32, #tpu.memory_space<vmem>> -> memref<1x128xi32, #tpu.memory_space<vmem>>
        %dma_start3A_283 = tpu.memref_squeeze %dma_start3A_282 : memref<1x128xi32, #tpu.memory_space<vmem>> -> memref<128xi32, #tpu.memory_space<vmem>>
        %dma_start3A_284 = arith.constant 0 : i32
        %dma_start3A_285 = arith.constant 0 : i32
        %dma_start3A_286 = tpu.memref_slice %arg3[%dma_start3A_284, %dma_start3A_285] : memref<10000x128xf32, #tpu.memory_space<hbm>> -> memref<10000x128xf32, #tpu.memory_space<hbm>>
        tpu.enqueue_indirect_dma source(%dma_start3A_286 : memref<10000x128xf32, #tpu.memory_space<hbm>>) target(%arg12 : memref<128x128xf32, #tpu.memory_space<vmem>>) offsets(%dma_start3A_283 : memref<128xi32, #tpu.memory_space<vmem>>) semaphore(%arg15 : memref<!tpu.dma_semaphore, #tpu.memory_space<semaphore_mem>>)
      } else {
      }
      %mul3A_177 = arith.constant 8 : i32
      %mul3A_178 = arith.muli %scan3A_145, %mul3A_177 : i32
      %add3A_179 = arith.constant 2 : i32
      %add3A_180 = arith.addi %mul3A_178, %add3A_179 : i32
      %dma_wait3A_181 = arith.constant 0 : i32
      %dma_wait3A_182 = arith.constant 0 : i32
      %dma_wait3A_183 = tpu.memref_slice %arg3[%dma_wait3A_181, %dma_wait3A_182] : memref<10000x128xf32, #tpu.memory_space<hbm>> -> memref<128x128xf32, #tpu.memory_space<hbm>>
      %dma_wait3A_184 = arith.constant 0 : i32
      %dma_wait3A_185 = arith.constant 0 : i32
      %dma_wait3A_186 = tpu.memref_slice %arg3[%dma_wait3A_184, %dma_wait3A_185] : memref<10000x128xf32, #tpu.memory_space<hbm>> -> memref<128x128xf32, #tpu.memory_space<hbm>>
      tpu.wait_dma2 semaphore(%arg14 : memref<!tpu.dma_semaphore, #tpu.memory_space<semaphore_mem>>) src(%dma_wait3A_186 : memref<128x128xf32, #tpu.memory_space<hbm>>) dst(%arg11 : memref<128x128xf32, #tpu.memory_space<vmem>>)
      "tpu.region"() ({
        %run_scoped3A = tpu.sem_alloc : memref<!tpu.dma_semaphore, #tpu.memory_space<semaphore_mem>>
        %dma_start3A_279 = arith.constant 0 : i32
        %dma_start3A_280 = tpu.memref_slice %arg10[%add3A_180, %dma_start3A_279] : memref<40x128xi32, #tpu.memory_space<vmem>> -> memref<1x128xi32, #tpu.memory_space<vmem>>
        %dma_start3A_281 = tpu.memref_squeeze %dma_start3A_280 : memref<1x128xi32, #tpu.memory_space<vmem>> -> memref<128xi32, #tpu.memory_space<vmem>>
        %dma_start3A_282 = arith.constant 0 : i32
        %dma_start3A_283 = arith.constant 0 : i32
        %dma_start3A_284 = tpu.memref_slice %arg13[%dma_start3A_282, %dma_start3A_283] : memref<10016x128xf32, #tpu.memory_space<vmem_shared>> -> memref<10016x128xf32, #tpu.memory_space<vmem_shared>>
        tpu.enqueue_indirect_dma source(%arg11 : memref<128x128xf32, #tpu.memory_space<vmem>>) target(%dma_start3A_284 : memref<10016x128xf32, #tpu.memory_space<vmem_shared>>) offsets(%dma_start3A_281 : memref<128xi32, #tpu.memory_space<vmem>>) semaphore(%run_scoped3A : memref<!tpu.dma_semaphore, #tpu.memory_space<semaphore_mem>>) {add = true}
        %dma_wait3A_285 = arith.constant 0 : i32
        %dma_wait3A_286 = tpu.memref_slice %arg10[%add3A_180, %dma_wait3A_285] : memref<40x128xi32, #tpu.memory_space<vmem>> -> memref<1x128xi32, #tpu.memory_space<vmem>>
        %dma_wait3A_287 = tpu.memref_squeeze %dma_wait3A_286 : memref<1x128xi32, #tpu.memory_space<vmem>> -> memref<128xi32, #tpu.memory_space<vmem>>
        %dma_wait3A_288 = arith.constant 0 : i32
        %dma_wait3A_289 = arith.constant 0 : i32
        %dma_wait3A_290 = tpu.memref_slice %arg13[%dma_wait3A_288, %dma_wait3A_289] : memref<10016x128xf32, #tpu.memory_space<vmem_shared>> -> memref<10016x128xf32, #tpu.memory_space<vmem_shared>>
        tpu.wait_indirect_dma semaphore(%run_scoped3A : memref<!tpu.dma_semaphore, #tpu.memory_space<semaphore_mem>>) src(%arg11 : memref<128x128xf32, #tpu.memory_space<vmem>>) dst(%dma_wait3A_290 : memref<10016x128xf32, #tpu.memory_space<vmem_shared>>)
        tpu.yield
      }) : () -> ()
      %add3A_187 = arith.constant 2 : i32
      %add3A_188 = arith.addi %add3A_180, %add3A_187 : i32
      %lt3A_189 = arith.constant 40 : i32
      %lt3A_190 = arith.cmpi slt, %add3A_188, %lt3A_189 : i32
      %convert_element_type3A_191 = arith.extui %lt3A_190 : i1 to i32
      %cond3A_192 = arith.constant 0 : i32
      %cond3A_193 = arith.cmpi ne, %convert_element_type3A_191, %cond3A_192 : i32
      scf.if %cond3A_193 {
        %add3A_279 = arith.constant 2 : i32
        %add3A_280 = arith.addi %add3A_180, %add3A_279 : i32
        %dma_start3A_281 = arith.constant 0 : i32
        %dma_start3A_282 = tpu.memref_slice %arg9[%add3A_280, %dma_start3A_281] : memref<40x128xi32, #tpu.memory_space<vmem>> -> memref<1x128xi32, #tpu.memory_space<vmem>>
        %dma_start3A_283 = tpu.memref_squeeze %dma_start3A_282 : memref<1x128xi32, #tpu.memory_space<vmem>> -> memref<128xi32, #tpu.memory_space<vmem>>
        %dma_start3A_284 = arith.constant 0 : i32
        %dma_start3A_285 = arith.constant 0 : i32
        %dma_start3A_286 = tpu.memref_slice %arg3[%dma_start3A_284, %dma_start3A_285] : memref<10000x128xf32, #tpu.memory_space<hbm>> -> memref<10000x128xf32, #tpu.memory_space<hbm>>
        tpu.enqueue_indirect_dma source(%dma_start3A_286 : memref<10000x128xf32, #tpu.memory_space<hbm>>) target(%arg11 : memref<128x128xf32, #tpu.memory_space<vmem>>) offsets(%dma_start3A_283 : memref<128xi32, #tpu.memory_space<vmem>>) semaphore(%arg14 : memref<!tpu.dma_semaphore, #tpu.memory_space<semaphore_mem>>)
      } else {
      }
      %mul3A_194 = arith.constant 8 : i32
      %mul3A_195 = arith.muli %scan3A_145, %mul3A_194 : i32
      %add3A_196 = arith.constant 3 : i32
      %add3A_197 = arith.addi %mul3A_195, %add3A_196 : i32
      %dma_wait3A_198 = arith.constant 0 : i32
      %dma_wait3A_199 = arith.constant 0 : i32
      %dma_wait3A_200 = tpu.memref_slice %arg3[%dma_wait3A_198, %dma_wait3A_199] : memref<10000x128xf32, #tpu.memory_space<hbm>> -> memref<128x128xf32, #tpu.memory_space<hbm>>
      %dma_wait3A_201 = arith.constant 0 : i32
      %dma_wait3A_202 = arith.constant 0 : i32
      %dma_wait3A_203 = tpu.memref_slice %arg3[%dma_wait3A_201, %dma_wait3A_202] : memref<10000x128xf32, #tpu.memory_space<hbm>> -> memref<128x128xf32, #tpu.memory_space<hbm>>
      tpu.wait_dma2 semaphore(%arg15 : memref<!tpu.dma_semaphore, #tpu.memory_space<semaphore_mem>>) src(%dma_wait3A_203 : memref<128x128xf32, #tpu.memory_space<hbm>>) dst(%arg12 : memref<128x128xf32, #tpu.memory_space<vmem>>)
      "tpu.region"() ({
        %run_scoped3A = tpu.sem_alloc : memref<!tpu.dma_semaphore, #tpu.memory_space<semaphore_mem>>
        %dma_start3A_279 = arith.constant 0 : i32
        %dma_start3A_280 = tpu.memref_slice %arg10[%add3A_197, %dma_start3A_279] : memref<40x128xi32, #tpu.memory_space<vmem>> -> memref<1x128xi32, #tpu.memory_space<vmem>>
        %dma_start3A_281 = tpu.memref_squeeze %dma_start3A_280 : memref<1x128xi32, #tpu.memory_space<vmem>> -> memref<128xi32, #tpu.memory_space<vmem>>
        %dma_start3A_282 = arith.constant 0 : i32
        %dma_start3A_283 = arith.constant 0 : i32
        %dma_start3A_284 = tpu.memref_slice %arg13[%dma_start3A_282, %dma_start3A_283] : memref<10016x128xf32, #tpu.memory_space<vmem_shared>> -> memref<10016x128xf32, #tpu.memory_space<vmem_shared>>
        tpu.enqueue_indirect_dma source(%arg12 : memref<128x128xf32, #tpu.memory_space<vmem>>) target(%dma_start3A_284 : memref<10016x128xf32, #tpu.memory_space<vmem_shared>>) offsets(%dma_start3A_281 : memref<128xi32, #tpu.memory_space<vmem>>) semaphore(%run_scoped3A : memref<!tpu.dma_semaphore, #tpu.memory_space<semaphore_mem>>) {add = true}
        %dma_wait3A_285 = arith.constant 0 : i32
        %dma_wait3A_286 = tpu.memref_slice %arg10[%add3A_197, %dma_wait3A_285] : memref<40x128xi32, #tpu.memory_space<vmem>> -> memref<1x128xi32, #tpu.memory_space<vmem>>
        %dma_wait3A_287 = tpu.memref_squeeze %dma_wait3A_286 : memref<1x128xi32, #tpu.memory_space<vmem>> -> memref<128xi32, #tpu.memory_space<vmem>>
        %dma_wait3A_288 = arith.constant 0 : i32
        %dma_wait3A_289 = arith.constant 0 : i32
        %dma_wait3A_290 = tpu.memref_slice %arg13[%dma_wait3A_288, %dma_wait3A_289] : memref<10016x128xf32, #tpu.memory_space<vmem_shared>> -> memref<10016x128xf32, #tpu.memory_space<vmem_shared>>
        tpu.wait_indirect_dma semaphore(%run_scoped3A : memref<!tpu.dma_semaphore, #tpu.memory_space<semaphore_mem>>) src(%arg12 : memref<128x128xf32, #tpu.memory_space<vmem>>) dst(%dma_wait3A_290 : memref<10016x128xf32, #tpu.memory_space<vmem_shared>>)
        tpu.yield
      }) : () -> ()
      %add3A_204 = arith.constant 2 : i32
      %add3A_205 = arith.addi %add3A_197, %add3A_204 : i32
      %lt3A_206 = arith.constant 40 : i32
      %lt3A_207 = arith.cmpi slt, %add3A_205, %lt3A_206 : i32
      %convert_element_type3A_208 = arith.extui %lt3A_207 : i1 to i32
      %cond3A_209 = arith.constant 0 : i32
      %cond3A_210 = arith.cmpi ne, %convert_element_type3A_208, %cond3A_209 : i32
      scf.if %cond3A_210 {
        %add3A_279 = arith.constant 2 : i32
        %add3A_280 = arith.addi %add3A_197, %add3A_279 : i32
        %dma_start3A_281 = arith.constant 0 : i32
        %dma_start3A_282 = tpu.memref_slice %arg9[%add3A_280, %dma_start3A_281] : memref<40x128xi32, #tpu.memory_space<vmem>> -> memref<1x128xi32, #tpu.memory_space<vmem>>
        %dma_start3A_283 = tpu.memref_squeeze %dma_start3A_282 : memref<1x128xi32, #tpu.memory_space<vmem>> -> memref<128xi32, #tpu.memory_space<vmem>>
        %dma_start3A_284 = arith.constant 0 : i32
        %dma_start3A_285 = arith.constant 0 : i32
        %dma_start3A_286 = tpu.memref_slice %arg3[%dma_start3A_284, %dma_start3A_285] : memref<10000x128xf32, #tpu.memory_space<hbm>> -> memref<10000x128xf32, #tpu.memory_space<hbm>>
        tpu.enqueue_indirect_dma source(%dma_start3A_286 : memref<10000x128xf32, #tpu.memory_space<hbm>>) target(%arg12 : memref<128x128xf32, #tpu.memory_space<vmem>>) offsets(%dma_start3A_283 : memref<128xi32, #tpu.memory_space<vmem>>) semaphore(%arg15 : memref<!tpu.dma_semaphore, #tpu.memory_space<semaphore_mem>>)
      } else {
      }
      %mul3A_211 = arith.constant 8 : i32
      %mul3A_212 = arith.muli %scan3A_145, %mul3A_211 : i32
      %add3A_213 = arith.constant 4 : i32
      %add3A_214 = arith.addi %mul3A_212, %add3A_213 : i32
      %dma_wait3A_215 = arith.constant 0 : i32
      %dma_wait3A_216 = arith.constant 0 : i32
      %dma_wait3A_217 = tpu.memref_slice %arg3[%dma_wait3A_215, %dma_wait3A_216] : memref<10000x128xf32, #tpu.memory_space<hbm>> -> memref<128x128xf32, #tpu.memory_space<hbm>>
      %dma_wait3A_218 = arith.constant 0 : i32
      %dma_wait3A_219 = arith.constant 0 : i32
      %dma_wait3A_220 = tpu.memref_slice %arg3[%dma_wait3A_218, %dma_wait3A_219] : memref<10000x128xf32, #tpu.memory_space<hbm>> -> memref<128x128xf32, #tpu.memory_space<hbm>>
      tpu.wait_dma2 semaphore(%arg14 : memref<!tpu.dma_semaphore, #tpu.memory_space<semaphore_mem>>) src(%dma_wait3A_220 : memref<128x128xf32, #tpu.memory_space<hbm>>) dst(%arg11 : memref<128x128xf32, #tpu.memory_space<vmem>>)
      "tpu.region"() ({
        %run_scoped3A = tpu.sem_alloc : memref<!tpu.dma_semaphore, #tpu.memory_space<semaphore_mem>>
        %dma_start3A_279 = arith.constant 0 : i32
        %dma_start3A_280 = tpu.memref_slice %arg10[%add3A_214, %dma_start3A_279] : memref<40x128xi32, #tpu.memory_space<vmem>> -> memref<1x128xi32, #tpu.memory_space<vmem>>
        %dma_start3A_281 = tpu.memref_squeeze %dma_start3A_280 : memref<1x128xi32, #tpu.memory_space<vmem>> -> memref<128xi32, #tpu.memory_space<vmem>>
        %dma_start3A_282 = arith.constant 0 : i32
        %dma_start3A_283 = arith.constant 0 : i32
        %dma_start3A_284 = tpu.memref_slice %arg13[%dma_start3A_282, %dma_start3A_283] : memref<10016x128xf32, #tpu.memory_space<vmem_shared>> -> memref<10016x128xf32, #tpu.memory_space<vmem_shared>>
        tpu.enqueue_indirect_dma source(%arg11 : memref<128x128xf32, #tpu.memory_space<vmem>>) target(%dma_start3A_284 : memref<10016x128xf32, #tpu.memory_space<vmem_shared>>) offsets(%dma_start3A_281 : memref<128xi32, #tpu.memory_space<vmem>>) semaphore(%run_scoped3A : memref<!tpu.dma_semaphore, #tpu.memory_space<semaphore_mem>>) {add = true}
        %dma_wait3A_285 = arith.constant 0 : i32
        %dma_wait3A_286 = tpu.memref_slice %arg10[%add3A_214, %dma_wait3A_285] : memref<40x128xi32, #tpu.memory_space<vmem>> -> memref<1x128xi32, #tpu.memory_space<vmem>>
        %dma_wait3A_287 = tpu.memref_squeeze %dma_wait3A_286 : memref<1x128xi32, #tpu.memory_space<vmem>> -> memref<128xi32, #tpu.memory_space<vmem>>
        %dma_wait3A_288 = arith.constant 0 : i32
        %dma_wait3A_289 = arith.constant 0 : i32
        %dma_wait3A_290 = tpu.memref_slice %arg13[%dma_wait3A_288, %dma_wait3A_289] : memref<10016x128xf32, #tpu.memory_space<vmem_shared>> -> memref<10016x128xf32, #tpu.memory_space<vmem_shared>>
        tpu.wait_indirect_dma semaphore(%run_scoped3A : memref<!tpu.dma_semaphore, #tpu.memory_space<semaphore_mem>>) src(%arg11 : memref<128x128xf32, #tpu.memory_space<vmem>>) dst(%dma_wait3A_290 : memref<10016x128xf32, #tpu.memory_space<vmem_shared>>)
        tpu.yield
      }) : () -> ()
      %add3A_221 = arith.constant 2 : i32
      %add3A_222 = arith.addi %add3A_214, %add3A_221 : i32
      %lt3A_223 = arith.constant 40 : i32
      %lt3A_224 = arith.cmpi slt, %add3A_222, %lt3A_223 : i32
      %convert_element_type3A_225 = arith.extui %lt3A_224 : i1 to i32
      %cond3A_226 = arith.constant 0 : i32
      %cond3A_227 = arith.cmpi ne, %convert_element_type3A_225, %cond3A_226 : i32
      scf.if %cond3A_227 {
        %add3A_279 = arith.constant 2 : i32
        %add3A_280 = arith.addi %add3A_214, %add3A_279 : i32
        %dma_start3A_281 = arith.constant 0 : i32
        %dma_start3A_282 = tpu.memref_slice %arg9[%add3A_280, %dma_start3A_281] : memref<40x128xi32, #tpu.memory_space<vmem>> -> memref<1x128xi32, #tpu.memory_space<vmem>>
        %dma_start3A_283 = tpu.memref_squeeze %dma_start3A_282 : memref<1x128xi32, #tpu.memory_space<vmem>> -> memref<128xi32, #tpu.memory_space<vmem>>
        %dma_start3A_284 = arith.constant 0 : i32
        %dma_start3A_285 = arith.constant 0 : i32
        %dma_start3A_286 = tpu.memref_slice %arg3[%dma_start3A_284, %dma_start3A_285] : memref<10000x128xf32, #tpu.memory_space<hbm>> -> memref<10000x128xf32, #tpu.memory_space<hbm>>
        tpu.enqueue_indirect_dma source(%dma_start3A_286 : memref<10000x128xf32, #tpu.memory_space<hbm>>) target(%arg11 : memref<128x128xf32, #tpu.memory_space<vmem>>) offsets(%dma_start3A_283 : memref<128xi32, #tpu.memory_space<vmem>>) semaphore(%arg14 : memref<!tpu.dma_semaphore, #tpu.memory_space<semaphore_mem>>)
      } else {
      }
      %mul3A_228 = arith.constant 8 : i32
      %mul3A_229 = arith.muli %scan3A_145, %mul3A_228 : i32
      %add3A_230 = arith.constant 5 : i32
      %add3A_231 = arith.addi %mul3A_229, %add3A_230 : i32
      %dma_wait3A_232 = arith.constant 0 : i32
      %dma_wait3A_233 = arith.constant 0 : i32
      %dma_wait3A_234 = tpu.memref_slice %arg3[%dma_wait3A_232, %dma_wait3A_233] : memref<10000x128xf32, #tpu.memory_space<hbm>> -> memref<128x128xf32, #tpu.memory_space<hbm>>
      %dma_wait3A_235 = arith.constant 0 : i32
      %dma_wait3A_236 = arith.constant 0 : i32
      %dma_wait3A_237 = tpu.memref_slice %arg3[%dma_wait3A_235, %dma_wait3A_236] : memref<10000x128xf32, #tpu.memory_space<hbm>> -> memref<128x128xf32, #tpu.memory_space<hbm>>
      tpu.wait_dma2 semaphore(%arg15 : memref<!tpu.dma_semaphore, #tpu.memory_space<semaphore_mem>>) src(%dma_wait3A_237 : memref<128x128xf32, #tpu.memory_space<hbm>>) dst(%arg12 : memref<128x128xf32, #tpu.memory_space<vmem>>)
      "tpu.region"() ({
        %run_scoped3A = tpu.sem_alloc : memref<!tpu.dma_semaphore, #tpu.memory_space<semaphore_mem>>
        %dma_start3A_279 = arith.constant 0 : i32
        %dma_start3A_280 = tpu.memref_slice %arg10[%add3A_231, %dma_start3A_279] : memref<40x128xi32, #tpu.memory_space<vmem>> -> memref<1x128xi32, #tpu.memory_space<vmem>>
        %dma_start3A_281 = tpu.memref_squeeze %dma_start3A_280 : memref<1x128xi32, #tpu.memory_space<vmem>> -> memref<128xi32, #tpu.memory_space<vmem>>
        %dma_start3A_282 = arith.constant 0 : i32
        %dma_start3A_283 = arith.constant 0 : i32
        %dma_start3A_284 = tpu.memref_slice %arg13[%dma_start3A_282, %dma_start3A_283] : memref<10016x128xf32, #tpu.memory_space<vmem_shared>> -> memref<10016x128xf32, #tpu.memory_space<vmem_shared>>
        tpu.enqueue_indirect_dma source(%arg12 : memref<128x128xf32, #tpu.memory_space<vmem>>) target(%dma_start3A_284 : memref<10016x128xf32, #tpu.memory_space<vmem_shared>>) offsets(%dma_start3A_281 : memref<128xi32, #tpu.memory_space<vmem>>) semaphore(%run_scoped3A : memref<!tpu.dma_semaphore, #tpu.memory_space<semaphore_mem>>) {add = true}
        %dma_wait3A_285 = arith.constant 0 : i32
        %dma_wait3A_286 = tpu.memref_slice %arg10[%add3A_231, %dma_wait3A_285] : memref<40x128xi32, #tpu.memory_space<vmem>> -> memref<1x128xi32, #tpu.memory_space<vmem>>
        %dma_wait3A_287 = tpu.memref_squeeze %dma_wait3A_286 : memref<1x128xi32, #tpu.memory_space<vmem>> -> memref<128xi32, #tpu.memory_space<vmem>>
        %dma_wait3A_288 = arith.constant 0 : i32
        %dma_wait3A_289 = arith.constant 0 : i32
        %dma_wait3A_290 = tpu.memref_slice %arg13[%dma_wait3A_288, %dma_wait3A_289] : memref<10016x128xf32, #tpu.memory_space<vmem_shared>> -> memref<10016x128xf32, #tpu.memory_space<vmem_shared>>
        tpu.wait_indirect_dma semaphore(%run_scoped3A : memref<!tpu.dma_semaphore, #tpu.memory_space<semaphore_mem>>) src(%arg12 : memref<128x128xf32, #tpu.memory_space<vmem>>) dst(%dma_wait3A_290 : memref<10016x128xf32, #tpu.memory_space<vmem_shared>>)
        tpu.yield
      }) : () -> ()
      %add3A_238 = arith.constant 2 : i32
      %add3A_239 = arith.addi %add3A_231, %add3A_238 : i32
      %lt3A_240 = arith.constant 40 : i32
      %lt3A_241 = arith.cmpi slt, %add3A_239, %lt3A_240 : i32
      %convert_element_type3A_242 = arith.extui %lt3A_241 : i1 to i32
      %cond3A_243 = arith.constant 0 : i32
      %cond3A_244 = arith.cmpi ne, %convert_element_type3A_242, %cond3A_243 : i32
      scf.if %cond3A_244 {
        %add3A_279 = arith.constant 2 : i32
        %add3A_280 = arith.addi %add3A_231, %add3A_279 : i32
        %dma_start3A_281 = arith.constant 0 : i32
        %dma_start3A_282 = tpu.memref_slice %arg9[%add3A_280, %dma_start3A_281] : memref<40x128xi32, #tpu.memory_space<vmem>> -> memref<1x128xi32, #tpu.memory_space<vmem>>
        %dma_start3A_283 = tpu.memref_squeeze %dma_start3A_282 : memref<1x128xi32, #tpu.memory_space<vmem>> -> memref<128xi32, #tpu.memory_space<vmem>>
        %dma_start3A_284 = arith.constant 0 : i32
        %dma_start3A_285 = arith.constant 0 : i32
        %dma_start3A_286 = tpu.memref_slice %arg3[%dma_start3A_284, %dma_start3A_285] : memref<10000x128xf32, #tpu.memory_space<hbm>> -> memref<10000x128xf32, #tpu.memory_space<hbm>>
        tpu.enqueue_indirect_dma source(%dma_start3A_286 : memref<10000x128xf32, #tpu.memory_space<hbm>>) target(%arg12 : memref<128x128xf32, #tpu.memory_space<vmem>>) offsets(%dma_start3A_283 : memref<128xi32, #tpu.memory_space<vmem>>) semaphore(%arg15 : memref<!tpu.dma_semaphore, #tpu.memory_space<semaphore_mem>>)
      } else {
      }
      %mul3A_245 = arith.constant 8 : i32
      %mul3A_246 = arith.muli %scan3A_145, %mul3A_245 : i32
      %add3A_247 = arith.constant 6 : i32
      %add3A_248 = arith.addi %mul3A_246, %add3A_247 : i32
      %dma_wait3A_249 = arith.constant 0 : i32
      %dma_wait3A_250 = arith.constant 0 : i32
      %dma_wait3A_251 = tpu.memref_slice %arg3[%dma_wait3A_249, %dma_wait3A_250] : memref<10000x128xf32, #tpu.memory_space<hbm>> -> memref<128x128xf32, #tpu.memory_space<hbm>>
      %dma_wait3A_252 = arith.constant 0 : i32
      %dma_wait3A_253 = arith.constant 0 : i32
      %dma_wait3A_254 = tpu.memref_slice %arg3[%dma_wait3A_252, %dma_wait3A_253] : memref<10000x128xf32, #tpu.memory_space<hbm>> -> memref<128x128xf32, #tpu.memory_space<hbm>>
      tpu.wait_dma2 semaphore(%arg14 : memref<!tpu.dma_semaphore, #tpu.memory_space<semaphore_mem>>) src(%dma_wait3A_254 : memref<128x128xf32, #tpu.memory_space<hbm>>) dst(%arg11 : memref<128x128xf32, #tpu.memory_space<vmem>>)
      "tpu.region"() ({
        %run_scoped3A = tpu.sem_alloc : memref<!tpu.dma_semaphore, #tpu.memory_space<semaphore_mem>>
        %dma_start3A_279 = arith.constant 0 : i32
        %dma_start3A_280 = tpu.memref_slice %arg10[%add3A_248, %dma_start3A_279] : memref<40x128xi32, #tpu.memory_space<vmem>> -> memref<1x128xi32, #tpu.memory_space<vmem>>
        %dma_start3A_281 = tpu.memref_squeeze %dma_start3A_280 : memref<1x128xi32, #tpu.memory_space<vmem>> -> memref<128xi32, #tpu.memory_space<vmem>>
        %dma_start3A_282 = arith.constant 0 : i32
        %dma_start3A_283 = arith.constant 0 : i32
        %dma_start3A_284 = tpu.memref_slice %arg13[%dma_start3A_282, %dma_start3A_283] : memref<10016x128xf32, #tpu.memory_space<vmem_shared>> -> memref<10016x128xf32, #tpu.memory_space<vmem_shared>>
        tpu.enqueue_indirect_dma source(%arg11 : memref<128x128xf32, #tpu.memory_space<vmem>>) target(%dma_start3A_284 : memref<10016x128xf32, #tpu.memory_space<vmem_shared>>) offsets(%dma_start3A_281 : memref<128xi32, #tpu.memory_space<vmem>>) semaphore(%run_scoped3A : memref<!tpu.dma_semaphore, #tpu.memory_space<semaphore_mem>>) {add = true}
        %dma_wait3A_285 = arith.constant 0 : i32
        %dma_wait3A_286 = tpu.memref_slice %arg10[%add3A_248, %dma_wait3A_285] : memref<40x128xi32, #tpu.memory_space<vmem>> -> memref<1x128xi32, #tpu.memory_space<vmem>>
        %dma_wait3A_287 = tpu.memref_squeeze %dma_wait3A_286 : memref<1x128xi32, #tpu.memory_space<vmem>> -> memref<128xi32, #tpu.memory_space<vmem>>
        %dma_wait3A_288 = arith.constant 0 : i32
        %dma_wait3A_289 = arith.constant 0 : i32
        %dma_wait3A_290 = tpu.memref_slice %arg13[%dma_wait3A_288, %dma_wait3A_289] : memref<10016x128xf32, #tpu.memory_space<vmem_shared>> -> memref<10016x128xf32, #tpu.memory_space<vmem_shared>>
        tpu.wait_indirect_dma semaphore(%run_scoped3A : memref<!tpu.dma_semaphore, #tpu.memory_space<semaphore_mem>>) src(%arg11 : memref<128x128xf32, #tpu.memory_space<vmem>>) dst(%dma_wait3A_290 : memref<10016x128xf32, #tpu.memory_space<vmem_shared>>)
        tpu.yield
      }) : () -> ()
      %add3A_255 = arith.constant 2 : i32
      %add3A_256 = arith.addi %add3A_248, %add3A_255 : i32
      %lt3A_257 = arith.constant 40 : i32
      %lt3A_258 = arith.cmpi slt, %add3A_256, %lt3A_257 : i32
      %convert_element_type3A_259 = arith.extui %lt3A_258 : i1 to i32
      %cond3A_260 = arith.constant 0 : i32
      %cond3A_261 = arith.cmpi ne, %convert_element_type3A_259, %cond3A_260 : i32
      scf.if %cond3A_261 {
        %add3A_279 = arith.constant 2 : i32
        %add3A_280 = arith.addi %add3A_248, %add3A_279 : i32
        %dma_start3A_281 = arith.constant 0 : i32
        %dma_start3A_282 = tpu.memref_slice %arg9[%add3A_280, %dma_start3A_281] : memref<40x128xi32, #tpu.memory_space<vmem>> -> memref<1x128xi32, #tpu.memory_space<vmem>>
        %dma_start3A_283 = tpu.memref_squeeze %dma_start3A_282 : memref<1x128xi32, #tpu.memory_space<vmem>> -> memref<128xi32, #tpu.memory_space<vmem>>
        %dma_start3A_284 = arith.constant 0 : i32
        %dma_start3A_285 = arith.constant 0 : i32
        %dma_start3A_286 = tpu.memref_slice %arg3[%dma_start3A_284, %dma_start3A_285] : memref<10000x128xf32, #tpu.memory_space<hbm>> -> memref<10000x128xf32, #tpu.memory_space<hbm>>
        tpu.enqueue_indirect_dma source(%dma_start3A_286 : memref<10000x128xf32, #tpu.memory_space<hbm>>) target(%arg11 : memref<128x128xf32, #tpu.memory_space<vmem>>) offsets(%dma_start3A_283 : memref<128xi32, #tpu.memory_space<vmem>>) semaphore(%arg14 : memref<!tpu.dma_semaphore, #tpu.memory_space<semaphore_mem>>)
      } else {
      }
      %mul3A_262 = arith.constant 8 : i32
      %mul3A_263 = arith.muli %scan3A_145, %mul3A_262 : i32
      %add3A_264 = arith.constant 7 : i32
      %add3A_265 = arith.addi %mul3A_263, %add3A_264 : i32
      %dma_wait3A_266 = arith.constant 0 : i32
      %dma_wait3A_267 = arith.constant 0 : i32
      %dma_wait3A_268 = tpu.memref_slice %arg3[%dma_wait3A_266, %dma_wait3A_267] : memref<10000x128xf32, #tpu.memory_space<hbm>> -> memref<128x128xf32, #tpu.memory_space<hbm>>
      %dma_wait3A_269 = arith.constant 0 : i32
      %dma_wait3A_270 = arith.constant 0 : i32
      %dma_wait3A_271 = tpu.memref_slice %arg3[%dma_wait3A_269, %dma_wait3A_270] : memref<10000x128xf32, #tpu.memory_space<hbm>> -> memref<128x128xf32, #tpu.memory_space<hbm>>
      tpu.wait_dma2 semaphore(%arg15 : memref<!tpu.dma_semaphore, #tpu.memory_space<semaphore_mem>>) src(%dma_wait3A_271 : memref<128x128xf32, #tpu.memory_space<hbm>>) dst(%arg12 : memref<128x128xf32, #tpu.memory_space<vmem>>)
      "tpu.region"() ({
        %run_scoped3A = tpu.sem_alloc : memref<!tpu.dma_semaphore, #tpu.memory_space<semaphore_mem>>
        %dma_start3A_279 = arith.constant 0 : i32
        %dma_start3A_280 = tpu.memref_slice %arg10[%add3A_265, %dma_start3A_279] : memref<40x128xi32, #tpu.memory_space<vmem>> -> memref<1x128xi32, #tpu.memory_space<vmem>>
        %dma_start3A_281 = tpu.memref_squeeze %dma_start3A_280 : memref<1x128xi32, #tpu.memory_space<vmem>> -> memref<128xi32, #tpu.memory_space<vmem>>
        %dma_start3A_282 = arith.constant 0 : i32
        %dma_start3A_283 = arith.constant 0 : i32
        %dma_start3A_284 = tpu.memref_slice %arg13[%dma_start3A_282, %dma_start3A_283] : memref<10016x128xf32, #tpu.memory_space<vmem_shared>> -> memref<10016x128xf32, #tpu.memory_space<vmem_shared>>
        tpu.enqueue_indirect_dma source(%arg12 : memref<128x128xf32, #tpu.memory_space<vmem>>) target(%dma_start3A_284 : memref<10016x128xf32, #tpu.memory_space<vmem_shared>>) offsets(%dma_start3A_281 : memref<128xi32, #tpu.memory_space<vmem>>) semaphore(%run_scoped3A : memref<!tpu.dma_semaphore, #tpu.memory_space<semaphore_mem>>) {add = true}
        %dma_wait3A_285 = arith.constant 0 : i32
        %dma_wait3A_286 = tpu.memref_slice %arg10[%add3A_265, %dma_wait3A_285] : memref<40x128xi32, #tpu.memory_space<vmem>> -> memref<1x128xi32, #tpu.memory_space<vmem>>
        %dma_wait3A_287 = tpu.memref_squeeze %dma_wait3A_286 : memref<1x128xi32, #tpu.memory_space<vmem>> -> memref<128xi32, #tpu.memory_space<vmem>>
        %dma_wait3A_288 = arith.constant 0 : i32
        %dma_wait3A_289 = arith.constant 0 : i32
        %dma_wait3A_290 = tpu.memref_slice %arg13[%dma_wait3A_288, %dma_wait3A_289] : memref<10016x128xf32, #tpu.memory_space<vmem_shared>> -> memref<10016x128xf32, #tpu.memory_space<vmem_shared>>
        tpu.wait_indirect_dma semaphore(%run_scoped3A : memref<!tpu.dma_semaphore, #tpu.memory_space<semaphore_mem>>) src(%arg12 : memref<128x128xf32, #tpu.memory_space<vmem>>) dst(%dma_wait3A_290 : memref<10016x128xf32, #tpu.memory_space<vmem_shared>>)
        tpu.yield
      }) : () -> ()
      %add3A_272 = arith.constant 2 : i32
      %add3A_273 = arith.addi %add3A_265, %add3A_272 : i32
      %lt3A_274 = arith.constant 40 : i32
      %lt3A_275 = arith.cmpi slt, %add3A_273, %lt3A_274 : i32
      %convert_element_type3A_276 = arith.extui %lt3A_275 : i1 to i32
      %cond3A_277 = arith.constant 0 : i32
      %cond3A_278 = arith.cmpi ne, %convert_element_type3A_276, %cond3A_277 : i32
      scf.if %cond3A_278 {
        %add3A_279 = arith.constant 2 : i32
        %add3A_280 = arith.addi %add3A_265, %add3A_279 : i32
        %dma_start3A_281 = arith.constant 0 : i32
        %dma_start3A_282 = tpu.memref_slice %arg9[%add3A_280, %dma_start3A_281] : memref<40x128xi32, #tpu.memory_space<vmem>> -> memref<1x128xi32, #tpu.memory_space<vmem>>
        %dma_start3A_283 = tpu.memref_squeeze %dma_start3A_282 : memref<1x128xi32, #tpu.memory_space<vmem>> -> memref<128xi32, #tpu.memory_space<vmem>>
        %dma_start3A_284 = arith.constant 0 : i32
        %dma_start3A_285 = arith.constant 0 : i32
        %dma_start3A_286 = tpu.memref_slice %arg3[%dma_start3A_284, %dma_start3A_285] : memref<10000x128xf32, #tpu.memory_space<hbm>> -> memref<10000x128xf32, #tpu.memory_space<hbm>>
        tpu.enqueue_indirect_dma source(%dma_start3A_286 : memref<10000x128xf32, #tpu.memory_space<hbm>>) target(%arg12 : memref<128x128xf32, #tpu.memory_space<vmem>>) offsets(%dma_start3A_283 : memref<128xi32, #tpu.memory_space<vmem>>) semaphore(%arg15 : memref<!tpu.dma_semaphore, #tpu.memory_space<semaphore_mem>>)
      } else {
      }
    }
    %scan3A_115 = arith.constant 5 : i32
    %mul3A_116 = arith.constant 80 : i32
    %mul3A_117 = arith.muli %add3A_86, %mul3A_116 : i32
    %add3A_118 = arith.constant 40 : i32
    %add3A_119 = arith.addi %mul3A_117, %add3A_118 : i32
    "tpu.region"() ({
      %run_scoped3A = tpu.sem_alloc : memref<!tpu.dma_semaphore, #tpu.memory_space<semaphore_mem>>
      %dma_start3A_145 = arith.constant 0 : i32
      %dma_start3A_146 = tpu.memref_slice %arg4[%add3A_119, %dma_start3A_145] : memref<2560x128xi32, #tpu.memory_space<hbm>> -> memref<40x128xi32, #tpu.memory_space<hbm>>
      %dma_start3A_147 = arith.constant 0 : i32
      %dma_start3A_148 = tpu.memref_slice %arg4[%add3A_119, %dma_start3A_147] : memref<2560x128xi32, #tpu.memory_space<hbm>> -> memref<40x128xi32, #tpu.memory_space<hbm>>
      tpu.enqueue_dma source(%dma_start3A_148 : memref<40x128xi32, #tpu.memory_space<hbm>>) target(%arg9 : memref<40x128xi32, #tpu.memory_space<vmem>>) target_semaphore(%run_scoped3A : memref<!tpu.dma_semaphore, #tpu.memory_space<semaphore_mem>>)
      %dma_wait3A_149 = arith.constant 0 : i32
      %dma_wait3A_150 = tpu.memref_slice %arg4[%add3A_119, %dma_wait3A_149] : memref<2560x128xi32, #tpu.memory_space<hbm>> -> memref<40x128xi32, #tpu.memory_space<hbm>>
      %dma_wait3A_151 = arith.constant 0 : i32
      %dma_wait3A_152 = tpu.memref_slice %arg4[%add3A_119, %dma_wait3A_151] : memref<2560x128xi32, #tpu.memory_space<hbm>> -> memref<40x128xi32, #tpu.memory_space<hbm>>
      tpu.wait_dma2 semaphore(%run_scoped3A : memref<!tpu.dma_semaphore, #tpu.memory_space<semaphore_mem>>) src(%dma_wait3A_152 : memref<40x128xi32, #tpu.memory_space<hbm>>) dst(%arg9 : memref<40x128xi32, #tpu.memory_space<vmem>>)
      tpu.yield
    }) : () -> ()
    "tpu.region"() ({
      %run_scoped3A = tpu.sem_alloc : memref<!tpu.dma_semaphore, #tpu.memory_space<semaphore_mem>>
      %dma_start3A_145 = arith.constant 0 : i32
      %dma_start3A_146 = tpu.memref_slice %arg5[%add3A_119, %dma_start3A_145] : memref<2560x128xi32, #tpu.memory_space<hbm>> -> memref<40x128xi32, #tpu.memory_space<hbm>>
      %dma_start3A_147 = arith.constant 0 : i32
      %dma_start3A_148 = tpu.memref_slice %arg5[%add3A_119, %dma_start3A_147] : memref<2560x128xi32, #tpu.memory_space<hbm>> -> memref<40x128xi32, #tpu.memory_space<hbm>>
      tpu.enqueue_dma source(%dma_start3A_148 : memref<40x128xi32, #tpu.memory_space<hbm>>) target(%arg10 : memref<40x128xi32, #tpu.memory_space<vmem>>) target_semaphore(%run_scoped3A : memref<!tpu.dma_semaphore, #tpu.memory_space<semaphore_mem>>)
      %dma_wait3A_149 = arith.constant 0 : i32
      %dma_wait3A_150 = tpu.memref_slice %arg5[%add3A_119, %dma_wait3A_149] : memref<2560x128xi32, #tpu.memory_space<hbm>> -> memref<40x128xi32, #tpu.memory_space<hbm>>
      %dma_wait3A_151 = arith.constant 0 : i32
      %dma_wait3A_152 = tpu.memref_slice %arg5[%add3A_119, %dma_wait3A_151] : memref<2560x128xi32, #tpu.memory_space<hbm>> -> memref<40x128xi32, #tpu.memory_space<hbm>>
      tpu.wait_dma2 semaphore(%run_scoped3A : memref<!tpu.dma_semaphore, #tpu.memory_space<semaphore_mem>>) src(%dma_wait3A_152 : memref<40x128xi32, #tpu.memory_space<hbm>>) dst(%arg10 : memref<40x128xi32, #tpu.memory_space<vmem>>)
      tpu.yield
    }) : () -> ()
    %dma_start3A_120 = arith.constant 0 : i32
    %dma_start3A_121 = arith.constant 0 : i32
    %dma_start3A_122 = tpu.memref_slice %arg9[%dma_start3A_120, %dma_start3A_121] : memref<40x128xi32, #tpu.memory_space<vmem>> -> memref<1x128xi32, #tpu.memory_space<vmem>>
    %dma_start3A_123 = tpu.memref_squeeze %dma_start3A_122 : memref<1x128xi32, #tpu.memory_space<vmem>> -> memref<128xi32, #tpu.memory_space<vmem>>
    %dma_start3A_124 = arith.constant 0 : i32
    %dma_start3A_125 = arith.constant 0 : i32
    %dma_start3A_126 = tpu.memref_slice %arg3[%dma_start3A_124, %dma_start3A_125] : memref<10000x128xf32, #tpu.memory_space<hbm>> -> memref<10000x128xf32, #tpu.memory_space<hbm>>
    tpu.enqueue_indirect_dma source(%dma_start3A_126 : memref<10000x128xf32, #tpu.memory_space<hbm>>) target(%arg11 : memref<128x128xf32, #tpu.memory_space<vmem>>) offsets(%dma_start3A_123 : memref<128xi32, #tpu.memory_space<vmem>>) semaphore(%arg14 : memref<!tpu.dma_semaphore, #tpu.memory_space<semaphore_mem>>)
    %dma_start3A_127 = arith.constant 1 : i32
    %dma_start3A_128 = arith.constant 0 : i32
    %dma_start3A_129 = tpu.memref_slice %arg9[%dma_start3A_127, %dma_start3A_128] : memref<40x128xi32, #tpu.memory_space<vmem>> -> memref<1x128xi32, #tpu.memory_space<vmem>>
    %dma_start3A_130 = tpu.memref_squeeze %dma_start3A_129 : memref<1x128xi32, #tpu.memory_space<vmem>> -> memref<128xi32, #tpu.memory_space<vmem>>
    %dma_start3A_131 = arith.constant 0 : i32
    %dma_start3A_132 = arith.constant 0 : i32
    %dma_start3A_133 = tpu.memref_slice %arg3[%dma_start3A_131, %dma_start3A_132] : memref<10000x128xf32, #tpu.memory_space<hbm>> -> memref<10000x128xf32, #tpu.memory_space<hbm>>
    tpu.enqueue_indirect_dma source(%dma_start3A_133 : memref<10000x128xf32, #tpu.memory_space<hbm>>) target(%arg12 : memref<128x128xf32, #tpu.memory_space<vmem>>) offsets(%dma_start3A_130 : memref<128xi32, #tpu.memory_space<vmem>>) semaphore(%arg15 : memref<!tpu.dma_semaphore, #tpu.memory_space<semaphore_mem>>)
    %scan3A_134 = arith.constant 0 : i32
    %scan3A_135 = arith.constant 0 : i32
    %scan3A_136 = arith.constant 5 : i32
    %scan3A_137 = arith.addi %scan3A_135, %scan3A_136 : i32
    %scan3A_138 = arith.constant 1 : i32
    scf.for %scan3A_145 = %scan3A_135 to %scan3A_137 step %scan3A_138  : i32 {
      %mul3A_146 = arith.constant 8 : i32
      %mul3A_147 = arith.muli %scan3A_145, %mul3A_146 : i32
      %add3A_148 = arith.constant 0 : i32
      %add3A_149 = arith.addi %mul3A_147, %add3A_148 : i32
      %dma_wait3A_150 = arith.constant 0 : i32
      %dma_wait3A_151 = arith.constant 0 : i32
      %dma_wait3A_152 = tpu.memref_slice %arg3[%dma_wait3A_150, %dma_wait3A_151] : memref<10000x128xf32, #tpu.memory_space<hbm>> -> memref<128x128xf32, #tpu.memory_space<hbm>>
      %dma_wait3A_153 = arith.constant 0 : i32
      %dma_wait3A_154 = arith.constant 0 : i32
      %dma_wait3A_155 = tpu.memref_slice %arg3[%dma_wait3A_153, %dma_wait3A_154] : memref<10000x128xf32, #tpu.memory_space<hbm>> -> memref<128x128xf32, #tpu.memory_space<hbm>>
      tpu.wait_dma2 semaphore(%arg14 : memref<!tpu.dma_semaphore, #tpu.memory_space<semaphore_mem>>) src(%dma_wait3A_155 : memref<128x128xf32, #tpu.memory_space<hbm>>) dst(%arg11 : memref<128x128xf32, #tpu.memory_space<vmem>>)
      "tpu.region"() ({
        %run_scoped3A = tpu.sem_alloc : memref<!tpu.dma_semaphore, #tpu.memory_space<semaphore_mem>>
        %dma_start3A_279 = arith.constant 0 : i32
        %dma_start3A_280 = tpu.memref_slice %arg10[%add3A_149, %dma_start3A_279] : memref<40x128xi32, #tpu.memory_space<vmem>> -> memref<1x128xi32, #tpu.memory_space<vmem>>
        %dma_start3A_281 = tpu.memref_squeeze %dma_start3A_280 : memref<1x128xi32, #tpu.memory_space<vmem>> -> memref<128xi32, #tpu.memory_space<vmem>>
        %dma_start3A_282 = arith.constant 0 : i32
        %dma_start3A_283 = arith.constant 0 : i32
        %dma_start3A_284 = tpu.memref_slice %arg13[%dma_start3A_282, %dma_start3A_283] : memref<10016x128xf32, #tpu.memory_space<vmem_shared>> -> memref<10016x128xf32, #tpu.memory_space<vmem_shared>>
        tpu.enqueue_indirect_dma source(%arg11 : memref<128x128xf32, #tpu.memory_space<vmem>>) target(%dma_start3A_284 : memref<10016x128xf32, #tpu.memory_space<vmem_shared>>) offsets(%dma_start3A_281 : memref<128xi32, #tpu.memory_space<vmem>>) semaphore(%run_scoped3A : memref<!tpu.dma_semaphore, #tpu.memory_space<semaphore_mem>>) {add = true}
        %dma_wait3A_285 = arith.constant 0 : i32
        %dma_wait3A_286 = tpu.memref_slice %arg10[%add3A_149, %dma_wait3A_285] : memref<40x128xi32, #tpu.memory_space<vmem>> -> memref<1x128xi32, #tpu.memory_space<vmem>>
        %dma_wait3A_287 = tpu.memref_squeeze %dma_wait3A_286 : memref<1x128xi32, #tpu.memory_space<vmem>> -> memref<128xi32, #tpu.memory_space<vmem>>
        %dma_wait3A_288 = arith.constant 0 : i32
        %dma_wait3A_289 = arith.constant 0 : i32
        %dma_wait3A_290 = tpu.memref_slice %arg13[%dma_wait3A_288, %dma_wait3A_289] : memref<10016x128xf32, #tpu.memory_space<vmem_shared>> -> memref<10016x128xf32, #tpu.memory_space<vmem_shared>>
        tpu.wait_indirect_dma semaphore(%run_scoped3A : memref<!tpu.dma_semaphore, #tpu.memory_space<semaphore_mem>>) src(%arg11 : memref<128x128xf32, #tpu.memory_space<vmem>>) dst(%dma_wait3A_290 : memref<10016x128xf32, #tpu.memory_space<vmem_shared>>)
        tpu.yield
      }) : () -> ()
      %add3A_156 = arith.constant 2 : i32
      %add3A_157 = arith.addi %add3A_149, %add3A_156 : i32
      %lt3A = arith.constant 40 : i32
      %lt3A_158 = arith.cmpi slt, %add3A_157, %lt3A : i32
      %convert_element_type3A = arith.extui %lt3A_158 : i1 to i32
      %cond3A = arith.constant 0 : i32
      %cond3A_159 = arith.cmpi ne, %convert_element_type3A, %cond3A : i32
      scf.if %cond3A_159 {
        %add3A_279 = arith.constant 2 : i32
        %add3A_280 = arith.addi %add3A_149, %add3A_279 : i32
        %dma_start3A_281 = arith.constant 0 : i32
        %dma_start3A_282 = tpu.memref_slice %arg9[%add3A_280, %dma_start3A_281] : memref<40x128xi32, #tpu.memory_space<vmem>> -> memref<1x128xi32, #tpu.memory_space<vmem>>
        %dma_start3A_283 = tpu.memref_squeeze %dma_start3A_282 : memref<1x128xi32, #tpu.memory_space<vmem>> -> memref<128xi32, #tpu.memory_space<vmem>>
        %dma_start3A_284 = arith.constant 0 : i32
        %dma_start3A_285 = arith.constant 0 : i32
        %dma_start3A_286 = tpu.memref_slice %arg3[%dma_start3A_284, %dma_start3A_285] : memref<10000x128xf32, #tpu.memory_space<hbm>> -> memref<10000x128xf32, #tpu.memory_space<hbm>>
        tpu.enqueue_indirect_dma source(%dma_start3A_286 : memref<10000x128xf32, #tpu.memory_space<hbm>>) target(%arg11 : memref<128x128xf32, #tpu.memory_space<vmem>>) offsets(%dma_start3A_283 : memref<128xi32, #tpu.memory_space<vmem>>) semaphore(%arg14 : memref<!tpu.dma_semaphore, #tpu.memory_space<semaphore_mem>>)
      } else {
      }
      %mul3A_160 = arith.constant 8 : i32
      %mul3A_161 = arith.muli %scan3A_145, %mul3A_160 : i32
      %add3A_162 = arith.constant 1 : i32
      %add3A_163 = arith.addi %mul3A_161, %add3A_162 : i32
      %dma_wait3A_164 = arith.constant 0 : i32
      %dma_wait3A_165 = arith.constant 0 : i32
      %dma_wait3A_166 = tpu.memref_slice %arg3[%dma_wait3A_164, %dma_wait3A_165] : memref<10000x128xf32, #tpu.memory_space<hbm>> -> memref<128x128xf32, #tpu.memory_space<hbm>>
      %dma_wait3A_167 = arith.constant 0 : i32
      %dma_wait3A_168 = arith.constant 0 : i32
      %dma_wait3A_169 = tpu.memref_slice %arg3[%dma_wait3A_167, %dma_wait3A_168] : memref<10000x128xf32, #tpu.memory_space<hbm>> -> memref<128x128xf32, #tpu.memory_space<hbm>>
      tpu.wait_dma2 semaphore(%arg15 : memref<!tpu.dma_semaphore, #tpu.memory_space<semaphore_mem>>) src(%dma_wait3A_169 : memref<128x128xf32, #tpu.memory_space<hbm>>) dst(%arg12 : memref<128x128xf32, #tpu.memory_space<vmem>>)
      "tpu.region"() ({
        %run_scoped3A = tpu.sem_alloc : memref<!tpu.dma_semaphore, #tpu.memory_space<semaphore_mem>>
        %dma_start3A_279 = arith.constant 0 : i32
        %dma_start3A_280 = tpu.memref_slice %arg10[%add3A_163, %dma_start3A_279] : memref<40x128xi32, #tpu.memory_space<vmem>> -> memref<1x128xi32, #tpu.memory_space<vmem>>
        %dma_start3A_281 = tpu.memref_squeeze %dma_start3A_280 : memref<1x128xi32, #tpu.memory_space<vmem>> -> memref<128xi32, #tpu.memory_space<vmem>>
        %dma_start3A_282 = arith.constant 0 : i32
        %dma_start3A_283 = arith.constant 0 : i32
        %dma_start3A_284 = tpu.memref_slice %arg13[%dma_start3A_282, %dma_start3A_283] : memref<10016x128xf32, #tpu.memory_space<vmem_shared>> -> memref<10016x128xf32, #tpu.memory_space<vmem_shared>>
        tpu.enqueue_indirect_dma source(%arg12 : memref<128x128xf32, #tpu.memory_space<vmem>>) target(%dma_start3A_284 : memref<10016x128xf32, #tpu.memory_space<vmem_shared>>) offsets(%dma_start3A_281 : memref<128xi32, #tpu.memory_space<vmem>>) semaphore(%run_scoped3A : memref<!tpu.dma_semaphore, #tpu.memory_space<semaphore_mem>>) {add = true}
        %dma_wait3A_285 = arith.constant 0 : i32
        %dma_wait3A_286 = tpu.memref_slice %arg10[%add3A_163, %dma_wait3A_285] : memref<40x128xi32, #tpu.memory_space<vmem>> -> memref<1x128xi32, #tpu.memory_space<vmem>>
        %dma_wait3A_287 = tpu.memref_squeeze %dma_wait3A_286 : memref<1x128xi32, #tpu.memory_space<vmem>> -> memref<128xi32, #tpu.memory_space<vmem>>
        %dma_wait3A_288 = arith.constant 0 : i32
        %dma_wait3A_289 = arith.constant 0 : i32
        %dma_wait3A_290 = tpu.memref_slice %arg13[%dma_wait3A_288, %dma_wait3A_289] : memref<10016x128xf32, #tpu.memory_space<vmem_shared>> -> memref<10016x128xf32, #tpu.memory_space<vmem_shared>>
        tpu.wait_indirect_dma semaphore(%run_scoped3A : memref<!tpu.dma_semaphore, #tpu.memory_space<semaphore_mem>>) src(%arg12 : memref<128x128xf32, #tpu.memory_space<vmem>>) dst(%dma_wait3A_290 : memref<10016x128xf32, #tpu.memory_space<vmem_shared>>)
        tpu.yield
      }) : () -> ()
      %add3A_170 = arith.constant 2 : i32
      %add3A_171 = arith.addi %add3A_163, %add3A_170 : i32
      %lt3A_172 = arith.constant 40 : i32
      %lt3A_173 = arith.cmpi slt, %add3A_171, %lt3A_172 : i32
      %convert_element_type3A_174 = arith.extui %lt3A_173 : i1 to i32
      %cond3A_175 = arith.constant 0 : i32
      %cond3A_176 = arith.cmpi ne, %convert_element_type3A_174, %cond3A_175 : i32
      scf.if %cond3A_176 {
        %add3A_279 = arith.constant 2 : i32
        %add3A_280 = arith.addi %add3A_163, %add3A_279 : i32
        %dma_start3A_281 = arith.constant 0 : i32
        %dma_start3A_282 = tpu.memref_slice %arg9[%add3A_280, %dma_start3A_281] : memref<40x128xi32, #tpu.memory_space<vmem>> -> memref<1x128xi32, #tpu.memory_space<vmem>>
        %dma_start3A_283 = tpu.memref_squeeze %dma_start3A_282 : memref<1x128xi32, #tpu.memory_space<vmem>> -> memref<128xi32, #tpu.memory_space<vmem>>
        %dma_start3A_284 = arith.constant 0 : i32
        %dma_start3A_285 = arith.constant 0 : i32
        %dma_start3A_286 = tpu.memref_slice %arg3[%dma_start3A_284, %dma_start3A_285] : memref<10000x128xf32, #tpu.memory_space<hbm>> -> memref<10000x128xf32, #tpu.memory_space<hbm>>
        tpu.enqueue_indirect_dma source(%dma_start3A_286 : memref<10000x128xf32, #tpu.memory_space<hbm>>) target(%arg12 : memref<128x128xf32, #tpu.memory_space<vmem>>) offsets(%dma_start3A_283 : memref<128xi32, #tpu.memory_space<vmem>>) semaphore(%arg15 : memref<!tpu.dma_semaphore, #tpu.memory_space<semaphore_mem>>)
      } else {
      }
      %mul3A_177 = arith.constant 8 : i32
      %mul3A_178 = arith.muli %scan3A_145, %mul3A_177 : i32
      %add3A_179 = arith.constant 2 : i32
      %add3A_180 = arith.addi %mul3A_178, %add3A_179 : i32
      %dma_wait3A_181 = arith.constant 0 : i32
      %dma_wait3A_182 = arith.constant 0 : i32
      %dma_wait3A_183 = tpu.memref_slice %arg3[%dma_wait3A_181, %dma_wait3A_182] : memref<10000x128xf32, #tpu.memory_space<hbm>> -> memref<128x128xf32, #tpu.memory_space<hbm>>
      %dma_wait3A_184 = arith.constant 0 : i32
      %dma_wait3A_185 = arith.constant 0 : i32
      %dma_wait3A_186 = tpu.memref_slice %arg3[%dma_wait3A_184, %dma_wait3A_185] : memref<10000x128xf32, #tpu.memory_space<hbm>> -> memref<128x128xf32, #tpu.memory_space<hbm>>
      tpu.wait_dma2 semaphore(%arg14 : memref<!tpu.dma_semaphore, #tpu.memory_space<semaphore_mem>>) src(%dma_wait3A_186 : memref<128x128xf32, #tpu.memory_space<hbm>>) dst(%arg11 : memref<128x128xf32, #tpu.memory_space<vmem>>)
      "tpu.region"() ({
        %run_scoped3A = tpu.sem_alloc : memref<!tpu.dma_semaphore, #tpu.memory_space<semaphore_mem>>
        %dma_start3A_279 = arith.constant 0 : i32
        %dma_start3A_280 = tpu.memref_slice %arg10[%add3A_180, %dma_start3A_279] : memref<40x128xi32, #tpu.memory_space<vmem>> -> memref<1x128xi32, #tpu.memory_space<vmem>>
        %dma_start3A_281 = tpu.memref_squeeze %dma_start3A_280 : memref<1x128xi32, #tpu.memory_space<vmem>> -> memref<128xi32, #tpu.memory_space<vmem>>
        %dma_start3A_282 = arith.constant 0 : i32
        %dma_start3A_283 = arith.constant 0 : i32
        %dma_start3A_284 = tpu.memref_slice %arg13[%dma_start3A_282, %dma_start3A_283] : memref<10016x128xf32, #tpu.memory_space<vmem_shared>> -> memref<10016x128xf32, #tpu.memory_space<vmem_shared>>
        tpu.enqueue_indirect_dma source(%arg11 : memref<128x128xf32, #tpu.memory_space<vmem>>) target(%dma_start3A_284 : memref<10016x128xf32, #tpu.memory_space<vmem_shared>>) offsets(%dma_start3A_281 : memref<128xi32, #tpu.memory_space<vmem>>) semaphore(%run_scoped3A : memref<!tpu.dma_semaphore, #tpu.memory_space<semaphore_mem>>) {add = true}
        %dma_wait3A_285 = arith.constant 0 : i32
        %dma_wait3A_286 = tpu.memref_slice %arg10[%add3A_180, %dma_wait3A_285] : memref<40x128xi32, #tpu.memory_space<vmem>> -> memref<1x128xi32, #tpu.memory_space<vmem>>
        %dma_wait3A_287 = tpu.memref_squeeze %dma_wait3A_286 : memref<1x128xi32, #tpu.memory_space<vmem>> -> memref<128xi32, #tpu.memory_space<vmem>>
        %dma_wait3A_288 = arith.constant 0 : i32
        %dma_wait3A_289 = arith.constant 0 : i32
        %dma_wait3A_290 = tpu.memref_slice %arg13[%dma_wait3A_288, %dma_wait3A_289] : memref<10016x128xf32, #tpu.memory_space<vmem_shared>> -> memref<10016x128xf32, #tpu.memory_space<vmem_shared>>
        tpu.wait_indirect_dma semaphore(%run_scoped3A : memref<!tpu.dma_semaphore, #tpu.memory_space<semaphore_mem>>) src(%arg11 : memref<128x128xf32, #tpu.memory_space<vmem>>) dst(%dma_wait3A_290 : memref<10016x128xf32, #tpu.memory_space<vmem_shared>>)
        tpu.yield
      }) : () -> ()
      %add3A_187 = arith.constant 2 : i32
      %add3A_188 = arith.addi %add3A_180, %add3A_187 : i32
      %lt3A_189 = arith.constant 40 : i32
      %lt3A_190 = arith.cmpi slt, %add3A_188, %lt3A_189 : i32
      %convert_element_type3A_191 = arith.extui %lt3A_190 : i1 to i32
      %cond3A_192 = arith.constant 0 : i32
      %cond3A_193 = arith.cmpi ne, %convert_element_type3A_191, %cond3A_192 : i32
      scf.if %cond3A_193 {
        %add3A_279 = arith.constant 2 : i32
        %add3A_280 = arith.addi %add3A_180, %add3A_279 : i32
        %dma_start3A_281 = arith.constant 0 : i32
        %dma_start3A_282 = tpu.memref_slice %arg9[%add3A_280, %dma_start3A_281] : memref<40x128xi32, #tpu.memory_space<vmem>> -> memref<1x128xi32, #tpu.memory_space<vmem>>
        %dma_start3A_283 = tpu.memref_squeeze %dma_start3A_282 : memref<1x128xi32, #tpu.memory_space<vmem>> -> memref<128xi32, #tpu.memory_space<vmem>>
        %dma_start3A_284 = arith.constant 0 : i32
        %dma_start3A_285 = arith.constant 0 : i32
        %dma_start3A_286 = tpu.memref_slice %arg3[%dma_start3A_284, %dma_start3A_285] : memref<10000x128xf32, #tpu.memory_space<hbm>> -> memref<10000x128xf32, #tpu.memory_space<hbm>>
        tpu.enqueue_indirect_dma source(%dma_start3A_286 : memref<10000x128xf32, #tpu.memory_space<hbm>>) target(%arg11 : memref<128x128xf32, #tpu.memory_space<vmem>>) offsets(%dma_start3A_283 : memref<128xi32, #tpu.memory_space<vmem>>) semaphore(%arg14 : memref<!tpu.dma_semaphore, #tpu.memory_space<semaphore_mem>>)
      } else {
      }
      %mul3A_194 = arith.constant 8 : i32
      %mul3A_195 = arith.muli %scan3A_145, %mul3A_194 : i32
      %add3A_196 = arith.constant 3 : i32
      %add3A_197 = arith.addi %mul3A_195, %add3A_196 : i32
      %dma_wait3A_198 = arith.constant 0 : i32
      %dma_wait3A_199 = arith.constant 0 : i32
      %dma_wait3A_200 = tpu.memref_slice %arg3[%dma_wait3A_198, %dma_wait3A_199] : memref<10000x128xf32, #tpu.memory_space<hbm>> -> memref<128x128xf32, #tpu.memory_space<hbm>>
      %dma_wait3A_201 = arith.constant 0 : i32
      %dma_wait3A_202 = arith.constant 0 : i32
      %dma_wait3A_203 = tpu.memref_slice %arg3[%dma_wait3A_201, %dma_wait3A_202] : memref<10000x128xf32, #tpu.memory_space<hbm>> -> memref<128x128xf32, #tpu.memory_space<hbm>>
      tpu.wait_dma2 semaphore(%arg15 : memref<!tpu.dma_semaphore, #tpu.memory_space<semaphore_mem>>) src(%dma_wait3A_203 : memref<128x128xf32, #tpu.memory_space<hbm>>) dst(%arg12 : memref<128x128xf32, #tpu.memory_space<vmem>>)
      "tpu.region"() ({
        %run_scoped3A = tpu.sem_alloc : memref<!tpu.dma_semaphore, #tpu.memory_space<semaphore_mem>>
        %dma_start3A_279 = arith.constant 0 : i32
        %dma_start3A_280 = tpu.memref_slice %arg10[%add3A_197, %dma_start3A_279] : memref<40x128xi32, #tpu.memory_space<vmem>> -> memref<1x128xi32, #tpu.memory_space<vmem>>
        %dma_start3A_281 = tpu.memref_squeeze %dma_start3A_280 : memref<1x128xi32, #tpu.memory_space<vmem>> -> memref<128xi32, #tpu.memory_space<vmem>>
        %dma_start3A_282 = arith.constant 0 : i32
        %dma_start3A_283 = arith.constant 0 : i32
        %dma_start3A_284 = tpu.memref_slice %arg13[%dma_start3A_282, %dma_start3A_283] : memref<10016x128xf32, #tpu.memory_space<vmem_shared>> -> memref<10016x128xf32, #tpu.memory_space<vmem_shared>>
        tpu.enqueue_indirect_dma source(%arg12 : memref<128x128xf32, #tpu.memory_space<vmem>>) target(%dma_start3A_284 : memref<10016x128xf32, #tpu.memory_space<vmem_shared>>) offsets(%dma_start3A_281 : memref<128xi32, #tpu.memory_space<vmem>>) semaphore(%run_scoped3A : memref<!tpu.dma_semaphore, #tpu.memory_space<semaphore_mem>>) {add = true}
        %dma_wait3A_285 = arith.constant 0 : i32
        %dma_wait3A_286 = tpu.memref_slice %arg10[%add3A_197, %dma_wait3A_285] : memref<40x128xi32, #tpu.memory_space<vmem>> -> memref<1x128xi32, #tpu.memory_space<vmem>>
        %dma_wait3A_287 = tpu.memref_squeeze %dma_wait3A_286 : memref<1x128xi32, #tpu.memory_space<vmem>> -> memref<128xi32, #tpu.memory_space<vmem>>
        %dma_wait3A_288 = arith.constant 0 : i32
        %dma_wait3A_289 = arith.constant 0 : i32
        %dma_wait3A_290 = tpu.memref_slice %arg13[%dma_wait3A_288, %dma_wait3A_289] : memref<10016x128xf32, #tpu.memory_space<vmem_shared>> -> memref<10016x128xf32, #tpu.memory_space<vmem_shared>>
        tpu.wait_indirect_dma semaphore(%run_scoped3A : memref<!tpu.dma_semaphore, #tpu.memory_space<semaphore_mem>>) src(%arg12 : memref<128x128xf32, #tpu.memory_space<vmem>>) dst(%dma_wait3A_290 : memref<10016x128xf32, #tpu.memory_space<vmem_shared>>)
        tpu.yield
      }) : () -> ()
      %add3A_204 = arith.constant 2 : i32
      %add3A_205 = arith.addi %add3A_197, %add3A_204 : i32
      %lt3A_206 = arith.constant 40 : i32
      %lt3A_207 = arith.cmpi slt, %add3A_205, %lt3A_206 : i32
      %convert_element_type3A_208 = arith.extui %lt3A_207 : i1 to i32
      %cond3A_209 = arith.constant 0 : i32
      %cond3A_210 = arith.cmpi ne, %convert_element_type3A_208, %cond3A_209 : i32
      scf.if %cond3A_210 {
        %add3A_279 = arith.constant 2 : i32
        %add3A_280 = arith.addi %add3A_197, %add3A_279 : i32
        %dma_start3A_281 = arith.constant 0 : i32
        %dma_start3A_282 = tpu.memref_slice %arg9[%add3A_280, %dma_start3A_281] : memref<40x128xi32, #tpu.memory_space<vmem>> -> memref<1x128xi32, #tpu.memory_space<vmem>>
        %dma_start3A_283 = tpu.memref_squeeze %dma_start3A_282 : memref<1x128xi32, #tpu.memory_space<vmem>> -> memref<128xi32, #tpu.memory_space<vmem>>
        %dma_start3A_284 = arith.constant 0 : i32
        %dma_start3A_285 = arith.constant 0 : i32
        %dma_start3A_286 = tpu.memref_slice %arg3[%dma_start3A_284, %dma_start3A_285] : memref<10000x128xf32, #tpu.memory_space<hbm>> -> memref<10000x128xf32, #tpu.memory_space<hbm>>
        tpu.enqueue_indirect_dma source(%dma_start3A_286 : memref<10000x128xf32, #tpu.memory_space<hbm>>) target(%arg12 : memref<128x128xf32, #tpu.memory_space<vmem>>) offsets(%dma_start3A_283 : memref<128xi32, #tpu.memory_space<vmem>>) semaphore(%arg15 : memref<!tpu.dma_semaphore, #tpu.memory_space<semaphore_mem>>)
      } else {
      }
      %mul3A_211 = arith.constant 8 : i32
      %mul3A_212 = arith.muli %scan3A_145, %mul3A_211 : i32
      %add3A_213 = arith.constant 4 : i32
      %add3A_214 = arith.addi %mul3A_212, %add3A_213 : i32
      %dma_wait3A_215 = arith.constant 0 : i32
      %dma_wait3A_216 = arith.constant 0 : i32
      %dma_wait3A_217 = tpu.memref_slice %arg3[%dma_wait3A_215, %dma_wait3A_216] : memref<10000x128xf32, #tpu.memory_space<hbm>> -> memref<128x128xf32, #tpu.memory_space<hbm>>
      %dma_wait3A_218 = arith.constant 0 : i32
      %dma_wait3A_219 = arith.constant 0 : i32
      %dma_wait3A_220 = tpu.memref_slice %arg3[%dma_wait3A_218, %dma_wait3A_219] : memref<10000x128xf32, #tpu.memory_space<hbm>> -> memref<128x128xf32, #tpu.memory_space<hbm>>
      tpu.wait_dma2 semaphore(%arg14 : memref<!tpu.dma_semaphore, #tpu.memory_space<semaphore_mem>>) src(%dma_wait3A_220 : memref<128x128xf32, #tpu.memory_space<hbm>>) dst(%arg11 : memref<128x128xf32, #tpu.memory_space<vmem>>)
      "tpu.region"() ({
        %run_scoped3A = tpu.sem_alloc : memref<!tpu.dma_semaphore, #tpu.memory_space<semaphore_mem>>
        %dma_start3A_279 = arith.constant 0 : i32
        %dma_start3A_280 = tpu.memref_slice %arg10[%add3A_214, %dma_start3A_279] : memref<40x128xi32, #tpu.memory_space<vmem>> -> memref<1x128xi32, #tpu.memory_space<vmem>>
        %dma_start3A_281 = tpu.memref_squeeze %dma_start3A_280 : memref<1x128xi32, #tpu.memory_space<vmem>> -> memref<128xi32, #tpu.memory_space<vmem>>
        %dma_start3A_282 = arith.constant 0 : i32
        %dma_start3A_283 = arith.constant 0 : i32
        %dma_start3A_284 = tpu.memref_slice %arg13[%dma_start3A_282, %dma_start3A_283] : memref<10016x128xf32, #tpu.memory_space<vmem_shared>> -> memref<10016x128xf32, #tpu.memory_space<vmem_shared>>
        tpu.enqueue_indirect_dma source(%arg11 : memref<128x128xf32, #tpu.memory_space<vmem>>) target(%dma_start3A_284 : memref<10016x128xf32, #tpu.memory_space<vmem_shared>>) offsets(%dma_start3A_281 : memref<128xi32, #tpu.memory_space<vmem>>) semaphore(%run_scoped3A : memref<!tpu.dma_semaphore, #tpu.memory_space<semaphore_mem>>) {add = true}
        %dma_wait3A_285 = arith.constant 0 : i32
        %dma_wait3A_286 = tpu.memref_slice %arg10[%add3A_214, %dma_wait3A_285] : memref<40x128xi32, #tpu.memory_space<vmem>> -> memref<1x128xi32, #tpu.memory_space<vmem>>
        %dma_wait3A_287 = tpu.memref_squeeze %dma_wait3A_286 : memref<1x128xi32, #tpu.memory_space<vmem>> -> memref<128xi32, #tpu.memory_space<vmem>>
        %dma_wait3A_288 = arith.constant 0 : i32
        %dma_wait3A_289 = arith.constant 0 : i32
        %dma_wait3A_290 = tpu.memref_slice %arg13[%dma_wait3A_288, %dma_wait3A_289] : memref<10016x128xf32, #tpu.memory_space<vmem_shared>> -> memref<10016x128xf32, #tpu.memory_space<vmem_shared>>
        tpu.wait_indirect_dma semaphore(%run_scoped3A : memref<!tpu.dma_semaphore, #tpu.memory_space<semaphore_mem>>) src(%arg11 : memref<128x128xf32, #tpu.memory_space<vmem>>) dst(%dma_wait3A_290 : memref<10016x128xf32, #tpu.memory_space<vmem_shared>>)
        tpu.yield
      }) : () -> ()
      %add3A_221 = arith.constant 2 : i32
      %add3A_222 = arith.addi %add3A_214, %add3A_221 : i32
      %lt3A_223 = arith.constant 40 : i32
      %lt3A_224 = arith.cmpi slt, %add3A_222, %lt3A_223 : i32
      %convert_element_type3A_225 = arith.extui %lt3A_224 : i1 to i32
      %cond3A_226 = arith.constant 0 : i32
      %cond3A_227 = arith.cmpi ne, %convert_element_type3A_225, %cond3A_226 : i32
      scf.if %cond3A_227 {
        %add3A_279 = arith.constant 2 : i32
        %add3A_280 = arith.addi %add3A_214, %add3A_279 : i32
        %dma_start3A_281 = arith.constant 0 : i32
        %dma_start3A_282 = tpu.memref_slice %arg9[%add3A_280, %dma_start3A_281] : memref<40x128xi32, #tpu.memory_space<vmem>> -> memref<1x128xi32, #tpu.memory_space<vmem>>
        %dma_start3A_283 = tpu.memref_squeeze %dma_start3A_282 : memref<1x128xi32, #tpu.memory_space<vmem>> -> memref<128xi32, #tpu.memory_space<vmem>>
        %dma_start3A_284 = arith.constant 0 : i32
        %dma_start3A_285 = arith.constant 0 : i32
        %dma_start3A_286 = tpu.memref_slice %arg3[%dma_start3A_284, %dma_start3A_285] : memref<10000x128xf32, #tpu.memory_space<hbm>> -> memref<10000x128xf32, #tpu.memory_space<hbm>>
        tpu.enqueue_indirect_dma source(%dma_start3A_286 : memref<10000x128xf32, #tpu.memory_space<hbm>>) target(%arg11 : memref<128x128xf32, #tpu.memory_space<vmem>>) offsets(%dma_start3A_283 : memref<128xi32, #tpu.memory_space<vmem>>) semaphore(%arg14 : memref<!tpu.dma_semaphore, #tpu.memory_space<semaphore_mem>>)
      } else {
      }
      %mul3A_228 = arith.constant 8 : i32
      %mul3A_229 = arith.muli %scan3A_145, %mul3A_228 : i32
      %add3A_230 = arith.constant 5 : i32
      %add3A_231 = arith.addi %mul3A_229, %add3A_230 : i32
      %dma_wait3A_232 = arith.constant 0 : i32
      %dma_wait3A_233 = arith.constant 0 : i32
      %dma_wait3A_234 = tpu.memref_slice %arg3[%dma_wait3A_232, %dma_wait3A_233] : memref<10000x128xf32, #tpu.memory_space<hbm>> -> memref<128x128xf32, #tpu.memory_space<hbm>>
      %dma_wait3A_235 = arith.constant 0 : i32
      %dma_wait3A_236 = arith.constant 0 : i32
      %dma_wait3A_237 = tpu.memref_slice %arg3[%dma_wait3A_235, %dma_wait3A_236] : memref<10000x128xf32, #tpu.memory_space<hbm>> -> memref<128x128xf32, #tpu.memory_space<hbm>>
      tpu.wait_dma2 semaphore(%arg15 : memref<!tpu.dma_semaphore, #tpu.memory_space<semaphore_mem>>) src(%dma_wait3A_237 : memref<128x128xf32, #tpu.memory_space<hbm>>) dst(%arg12 : memref<128x128xf32, #tpu.memory_space<vmem>>)
      "tpu.region"() ({
        %run_scoped3A = tpu.sem_alloc : memref<!tpu.dma_semaphore, #tpu.memory_space<semaphore_mem>>
        %dma_start3A_279 = arith.constant 0 : i32
        %dma_start3A_280 = tpu.memref_slice %arg10[%add3A_231, %dma_start3A_279] : memref<40x128xi32, #tpu.memory_space<vmem>> -> memref<1x128xi32, #tpu.memory_space<vmem>>
        %dma_start3A_281 = tpu.memref_squeeze %dma_start3A_280 : memref<1x128xi32, #tpu.memory_space<vmem>> -> memref<128xi32, #tpu.memory_space<vmem>>
        %dma_start3A_282 = arith.constant 0 : i32
        %dma_start3A_283 = arith.constant 0 : i32
        %dma_start3A_284 = tpu.memref_slice %arg13[%dma_start3A_282, %dma_start3A_283] : memref<10016x128xf32, #tpu.memory_space<vmem_shared>> -> memref<10016x128xf32, #tpu.memory_space<vmem_shared>>
        tpu.enqueue_indirect_dma source(%arg12 : memref<128x128xf32, #tpu.memory_space<vmem>>) target(%dma_start3A_284 : memref<10016x128xf32, #tpu.memory_space<vmem_shared>>) offsets(%dma_start3A_281 : memref<128xi32, #tpu.memory_space<vmem>>) semaphore(%run_scoped3A : memref<!tpu.dma_semaphore, #tpu.memory_space<semaphore_mem>>) {add = true}
        %dma_wait3A_285 = arith.constant 0 : i32
        %dma_wait3A_286 = tpu.memref_slice %arg10[%add3A_231, %dma_wait3A_285] : memref<40x128xi32, #tpu.memory_space<vmem>> -> memref<1x128xi32, #tpu.memory_space<vmem>>
        %dma_wait3A_287 = tpu.memref_squeeze %dma_wait3A_286 : memref<1x128xi32, #tpu.memory_space<vmem>> -> memref<128xi32, #tpu.memory_space<vmem>>
        %dma_wait3A_288 = arith.constant 0 : i32
        %dma_wait3A_289 = arith.constant 0 : i32
        %dma_wait3A_290 = tpu.memref_slice %arg13[%dma_wait3A_288, %dma_wait3A_289] : memref<10016x128xf32, #tpu.memory_space<vmem_shared>> -> memref<10016x128xf32, #tpu.memory_space<vmem_shared>>
        tpu.wait_indirect_dma semaphore(%run_scoped3A : memref<!tpu.dma_semaphore, #tpu.memory_space<semaphore_mem>>) src(%arg12 : memref<128x128xf32, #tpu.memory_space<vmem>>) dst(%dma_wait3A_290 : memref<10016x128xf32, #tpu.memory_space<vmem_shared>>)
        tpu.yield
      }) : () -> ()
      %add3A_238 = arith.constant 2 : i32
      %add3A_239 = arith.addi %add3A_231, %add3A_238 : i32
      %lt3A_240 = arith.constant 40 : i32
      %lt3A_241 = arith.cmpi slt, %add3A_239, %lt3A_240 : i32
      %convert_element_type3A_242 = arith.extui %lt3A_241 : i1 to i32
      %cond3A_243 = arith.constant 0 : i32
      %cond3A_244 = arith.cmpi ne, %convert_element_type3A_242, %cond3A_243 : i32
      scf.if %cond3A_244 {
        %add3A_279 = arith.constant 2 : i32
        %add3A_280 = arith.addi %add3A_231, %add3A_279 : i32
        %dma_start3A_281 = arith.constant 0 : i32
        %dma_start3A_282 = tpu.memref_slice %arg9[%add3A_280, %dma_start3A_281] : memref<40x128xi32, #tpu.memory_space<vmem>> -> memref<1x128xi32, #tpu.memory_space<vmem>>
        %dma_start3A_283 = tpu.memref_squeeze %dma_start3A_282 : memref<1x128xi32, #tpu.memory_space<vmem>> -> memref<128xi32, #tpu.memory_space<vmem>>
        %dma_start3A_284 = arith.constant 0 : i32
        %dma_start3A_285 = arith.constant 0 : i32
        %dma_start3A_286 = tpu.memref_slice %arg3[%dma_start3A_284, %dma_start3A_285] : memref<10000x128xf32, #tpu.memory_space<hbm>> -> memref<10000x128xf32, #tpu.memory_space<hbm>>
        tpu.enqueue_indirect_dma source(%dma_start3A_286 : memref<10000x128xf32, #tpu.memory_space<hbm>>) target(%arg12 : memref<128x128xf32, #tpu.memory_space<vmem>>) offsets(%dma_start3A_283 : memref<128xi32, #tpu.memory_space<vmem>>) semaphore(%arg15 : memref<!tpu.dma_semaphore, #tpu.memory_space<semaphore_mem>>)
      } else {
      }
      %mul3A_245 = arith.constant 8 : i32
      %mul3A_246 = arith.muli %scan3A_145, %mul3A_245 : i32
      %add3A_247 = arith.constant 6 : i32
      %add3A_248 = arith.addi %mul3A_246, %add3A_247 : i32
      %dma_wait3A_249 = arith.constant 0 : i32
      %dma_wait3A_250 = arith.constant 0 : i32
      %dma_wait3A_251 = tpu.memref_slice %arg3[%dma_wait3A_249, %dma_wait3A_250] : memref<10000x128xf32, #tpu.memory_space<hbm>> -> memref<128x128xf32, #tpu.memory_space<hbm>>
      %dma_wait3A_252 = arith.constant 0 : i32
      %dma_wait3A_253 = arith.constant 0 : i32
      %dma_wait3A_254 = tpu.memref_slice %arg3[%dma_wait3A_252, %dma_wait3A_253] : memref<10000x128xf32, #tpu.memory_space<hbm>> -> memref<128x128xf32, #tpu.memory_space<hbm>>
      tpu.wait_dma2 semaphore(%arg14 : memref<!tpu.dma_semaphore, #tpu.memory_space<semaphore_mem>>) src(%dma_wait3A_254 : memref<128x128xf32, #tpu.memory_space<hbm>>) dst(%arg11 : memref<128x128xf32, #tpu.memory_space<vmem>>)
      "tpu.region"() ({
        %run_scoped3A = tpu.sem_alloc : memref<!tpu.dma_semaphore, #tpu.memory_space<semaphore_mem>>
        %dma_start3A_279 = arith.constant 0 : i32
        %dma_start3A_280 = tpu.memref_slice %arg10[%add3A_248, %dma_start3A_279] : memref<40x128xi32, #tpu.memory_space<vmem>> -> memref<1x128xi32, #tpu.memory_space<vmem>>
        %dma_start3A_281 = tpu.memref_squeeze %dma_start3A_280 : memref<1x128xi32, #tpu.memory_space<vmem>> -> memref<128xi32, #tpu.memory_space<vmem>>
        %dma_start3A_282 = arith.constant 0 : i32
        %dma_start3A_283 = arith.constant 0 : i32
        %dma_start3A_284 = tpu.memref_slice %arg13[%dma_start3A_282, %dma_start3A_283] : memref<10016x128xf32, #tpu.memory_space<vmem_shared>> -> memref<10016x128xf32, #tpu.memory_space<vmem_shared>>
        tpu.enqueue_indirect_dma source(%arg11 : memref<128x128xf32, #tpu.memory_space<vmem>>) target(%dma_start3A_284 : memref<10016x128xf32, #tpu.memory_space<vmem_shared>>) offsets(%dma_start3A_281 : memref<128xi32, #tpu.memory_space<vmem>>) semaphore(%run_scoped3A : memref<!tpu.dma_semaphore, #tpu.memory_space<semaphore_mem>>) {add = true}
        %dma_wait3A_285 = arith.constant 0 : i32
        %dma_wait3A_286 = tpu.memref_slice %arg10[%add3A_248, %dma_wait3A_285] : memref<40x128xi32, #tpu.memory_space<vmem>> -> memref<1x128xi32, #tpu.memory_space<vmem>>
        %dma_wait3A_287 = tpu.memref_squeeze %dma_wait3A_286 : memref<1x128xi32, #tpu.memory_space<vmem>> -> memref<128xi32, #tpu.memory_space<vmem>>
        %dma_wait3A_288 = arith.constant 0 : i32
        %dma_wait3A_289 = arith.constant 0 : i32
        %dma_wait3A_290 = tpu.memref_slice %arg13[%dma_wait3A_288, %dma_wait3A_289] : memref<10016x128xf32, #tpu.memory_space<vmem_shared>> -> memref<10016x128xf32, #tpu.memory_space<vmem_shared>>
        tpu.wait_indirect_dma semaphore(%run_scoped3A : memref<!tpu.dma_semaphore, #tpu.memory_space<semaphore_mem>>) src(%arg11 : memref<128x128xf32, #tpu.memory_space<vmem>>) dst(%dma_wait3A_290 : memref<10016x128xf32, #tpu.memory_space<vmem_shared>>)
        tpu.yield
      }) : () -> ()
      %add3A_255 = arith.constant 2 : i32
      %add3A_256 = arith.addi %add3A_248, %add3A_255 : i32
      %lt3A_257 = arith.constant 40 : i32
      %lt3A_258 = arith.cmpi slt, %add3A_256, %lt3A_257 : i32
      %convert_element_type3A_259 = arith.extui %lt3A_258 : i1 to i32
      %cond3A_260 = arith.constant 0 : i32
      %cond3A_261 = arith.cmpi ne, %convert_element_type3A_259, %cond3A_260 : i32
      scf.if %cond3A_261 {
        %add3A_279 = arith.constant 2 : i32
        %add3A_280 = arith.addi %add3A_248, %add3A_279 : i32
        %dma_start3A_281 = arith.constant 0 : i32
        %dma_start3A_282 = tpu.memref_slice %arg9[%add3A_280, %dma_start3A_281] : memref<40x128xi32, #tpu.memory_space<vmem>> -> memref<1x128xi32, #tpu.memory_space<vmem>>
        %dma_start3A_283 = tpu.memref_squeeze %dma_start3A_282 : memref<1x128xi32, #tpu.memory_space<vmem>> -> memref<128xi32, #tpu.memory_space<vmem>>
        %dma_start3A_284 = arith.constant 0 : i32
        %dma_start3A_285 = arith.constant 0 : i32
        %dma_start3A_286 = tpu.memref_slice %arg3[%dma_start3A_284, %dma_start3A_285] : memref<10000x128xf32, #tpu.memory_space<hbm>> -> memref<10000x128xf32, #tpu.memory_space<hbm>>
        tpu.enqueue_indirect_dma source(%dma_start3A_286 : memref<10000x128xf32, #tpu.memory_space<hbm>>) target(%arg11 : memref<128x128xf32, #tpu.memory_space<vmem>>) offsets(%dma_start3A_283 : memref<128xi32, #tpu.memory_space<vmem>>) semaphore(%arg14 : memref<!tpu.dma_semaphore, #tpu.memory_space<semaphore_mem>>)
      } else {
      }
      %mul3A_262 = arith.constant 8 : i32
      %mul3A_263 = arith.muli %scan3A_145, %mul3A_262 : i32
      %add3A_264 = arith.constant 7 : i32
      %add3A_265 = arith.addi %mul3A_263, %add3A_264 : i32
      %dma_wait3A_266 = arith.constant 0 : i32
      %dma_wait3A_267 = arith.constant 0 : i32
      %dma_wait3A_268 = tpu.memref_slice %arg3[%dma_wait3A_266, %dma_wait3A_267] : memref<10000x128xf32, #tpu.memory_space<hbm>> -> memref<128x128xf32, #tpu.memory_space<hbm>>
      %dma_wait3A_269 = arith.constant 0 : i32
      %dma_wait3A_270 = arith.constant 0 : i32
      %dma_wait3A_271 = tpu.memref_slice %arg3[%dma_wait3A_269, %dma_wait3A_270] : memref<10000x128xf32, #tpu.memory_space<hbm>> -> memref<128x128xf32, #tpu.memory_space<hbm>>
      tpu.wait_dma2 semaphore(%arg15 : memref<!tpu.dma_semaphore, #tpu.memory_space<semaphore_mem>>) src(%dma_wait3A_271 : memref<128x128xf32, #tpu.memory_space<hbm>>) dst(%arg12 : memref<128x128xf32, #tpu.memory_space<vmem>>)
      "tpu.region"() ({
        %run_scoped3A = tpu.sem_alloc : memref<!tpu.dma_semaphore, #tpu.memory_space<semaphore_mem>>
        %dma_start3A_279 = arith.constant 0 : i32
        %dma_start3A_280 = tpu.memref_slice %arg10[%add3A_265, %dma_start3A_279] : memref<40x128xi32, #tpu.memory_space<vmem>> -> memref<1x128xi32, #tpu.memory_space<vmem>>
        %dma_start3A_281 = tpu.memref_squeeze %dma_start3A_280 : memref<1x128xi32, #tpu.memory_space<vmem>> -> memref<128xi32, #tpu.memory_space<vmem>>
        %dma_start3A_282 = arith.constant 0 : i32
        %dma_start3A_283 = arith.constant 0 : i32
        %dma_start3A_284 = tpu.memref_slice %arg13[%dma_start3A_282, %dma_start3A_283] : memref<10016x128xf32, #tpu.memory_space<vmem_shared>> -> memref<10016x128xf32, #tpu.memory_space<vmem_shared>>
        tpu.enqueue_indirect_dma source(%arg12 : memref<128x128xf32, #tpu.memory_space<vmem>>) target(%dma_start3A_284 : memref<10016x128xf32, #tpu.memory_space<vmem_shared>>) offsets(%dma_start3A_281 : memref<128xi32, #tpu.memory_space<vmem>>) semaphore(%run_scoped3A : memref<!tpu.dma_semaphore, #tpu.memory_space<semaphore_mem>>) {add = true}
        %dma_wait3A_285 = arith.constant 0 : i32
        %dma_wait3A_286 = tpu.memref_slice %arg10[%add3A_265, %dma_wait3A_285] : memref<40x128xi32, #tpu.memory_space<vmem>> -> memref<1x128xi32, #tpu.memory_space<vmem>>
        %dma_wait3A_287 = tpu.memref_squeeze %dma_wait3A_286 : memref<1x128xi32, #tpu.memory_space<vmem>> -> memref<128xi32, #tpu.memory_space<vmem>>
        %dma_wait3A_288 = arith.constant 0 : i32
        %dma_wait3A_289 = arith.constant 0 : i32
        %dma_wait3A_290 = tpu.memref_slice %arg13[%dma_wait3A_288, %dma_wait3A_289] : memref<10016x128xf32, #tpu.memory_space<vmem_shared>> -> memref<10016x128xf32, #tpu.memory_space<vmem_shared>>
        tpu.wait_indirect_dma semaphore(%run_scoped3A : memref<!tpu.dma_semaphore, #tpu.memory_space<semaphore_mem>>) src(%arg12 : memref<128x128xf32, #tpu.memory_space<vmem>>) dst(%dma_wait3A_290 : memref<10016x128xf32, #tpu.memory_space<vmem_shared>>)
        tpu.yield
      }) : () -> ()
      %add3A_272 = arith.constant 2 : i32
      %add3A_273 = arith.addi %add3A_265, %add3A_272 : i32
      %lt3A_274 = arith.constant 40 : i32
      %lt3A_275 = arith.cmpi slt, %add3A_273, %lt3A_274 : i32
      %convert_element_type3A_276 = arith.extui %lt3A_275 : i1 to i32
      %cond3A_277 = arith.constant 0 : i32
      %cond3A_278 = arith.cmpi ne, %convert_element_type3A_276, %cond3A_277 : i32
      scf.if %cond3A_278 {
        %add3A_279 = arith.constant 2 : i32
        %add3A_280 = arith.addi %add3A_265, %add3A_279 : i32
        %dma_start3A_281 = arith.constant 0 : i32
        %dma_start3A_282 = tpu.memref_slice %arg9[%add3A_280, %dma_start3A_281] : memref<40x128xi32, #tpu.memory_space<vmem>> -> memref<1x128xi32, #tpu.memory_space<vmem>>
        %dma_start3A_283 = tpu.memref_squeeze %dma_start3A_282 : memref<1x128xi32, #tpu.memory_space<vmem>> -> memref<128xi32, #tpu.memory_space<vmem>>
        %dma_start3A_284 = arith.constant 0 : i32
        %dma_start3A_285 = arith.constant 0 : i32
        %dma_start3A_286 = tpu.memref_slice %arg3[%dma_start3A_284, %dma_start3A_285] : memref<10000x128xf32, #tpu.memory_space<hbm>> -> memref<10000x128xf32, #tpu.memory_space<hbm>>
        tpu.enqueue_indirect_dma source(%dma_start3A_286 : memref<10000x128xf32, #tpu.memory_space<hbm>>) target(%arg12 : memref<128x128xf32, #tpu.memory_space<vmem>>) offsets(%dma_start3A_283 : memref<128xi32, #tpu.memory_space<vmem>>) semaphore(%arg15 : memref<!tpu.dma_semaphore, #tpu.memory_space<semaphore_mem>>)
      } else {
      }
    }
    %scan3A_139 = arith.constant 5 : i32
    %barrier3A_140 = arith.constant 0 : index
    tpu.barrier barrier_id(%barrier3A_140)
    %mul3A_141 = arith.constant 624 : i32
    %mul3A_142 = arith.muli %arg1, %mul3A_141 : i32
    %mul3A_143 = arith.constant 624 : i32
    %mul3A_144 = arith.muli %arg1, %mul3A_143 : i32
    "tpu.region"() ({
      %run_scoped3A = tpu.sem_alloc : memref<!tpu.dma_semaphore, #tpu.memory_space<semaphore_mem>>
      %dma_start3A_145 = arith.constant 0 : i32
      %dma_start3A_146 = tpu.memref_slice %arg8[%arg0, %mul3A_144, %dma_start3A_145] : memref<2x10016x128xf32, #tpu.memory_space<hbm>> -> memref<1x656x128xf32, #tpu.memory_space<hbm>>
      %dma_start3A_147 = tpu.memref_squeeze %dma_start3A_146 : memref<1x656x128xf32, #tpu.memory_space<hbm>> -> memref<656x128xf32, #tpu.memory_space<hbm>>
      %dma_start3A_148 = arith.constant 0 : i32
      %dma_start3A_149 = tpu.memref_slice %arg13[%mul3A_142, %dma_start3A_148] : memref<10016x128xf32, #tpu.memory_space<vmem_shared>> -> memref<656x128xf32, #tpu.memory_space<vmem_shared>>
      tpu.enqueue_dma source(%dma_start3A_149 : memref<656x128xf32, #tpu.memory_space<vmem_shared>>) target(%dma_start3A_147 : memref<656x128xf32, #tpu.memory_space<hbm>>) target_semaphore(%run_scoped3A : memref<!tpu.dma_semaphore, #tpu.memory_space<semaphore_mem>>)
      %dma_wait3A_150 = arith.constant 0 : i32
      %dma_wait3A_151 = tpu.memref_slice %arg8[%arg0, %mul3A_144, %dma_wait3A_150] : memref<2x10016x128xf32, #tpu.memory_space<hbm>> -> memref<1x656x128xf32, #tpu.memory_space<hbm>>
      %dma_wait3A_152 = tpu.memref_squeeze %dma_wait3A_151 : memref<1x656x128xf32, #tpu.memory_space<hbm>> -> memref<656x128xf32, #tpu.memory_space<hbm>>
      %dma_wait3A_153 = arith.constant 0 : i32
      %dma_wait3A_154 = tpu.memref_slice %arg13[%mul3A_142, %dma_wait3A_153] : memref<10016x128xf32, #tpu.memory_space<vmem_shared>> -> memref<656x128xf32, #tpu.memory_space<vmem_shared>>
      tpu.wait_dma2 semaphore(%run_scoped3A : memref<!tpu.dma_semaphore, #tpu.memory_space<semaphore_mem>>) src(%dma_wait3A_154 : memref<656x128xf32, #tpu.memory_space<vmem_shared>>) dst(%dma_wait3A_152 : memref<656x128xf32, #tpu.memory_space<hbm>>)
      tpu.yield
    }) : () -> ()
    return
  }
}

module attributes {stable_mosaic.version = 14 : i64} {
  func.func @_mlp_body(%arg0: i32, %arg1: memref<2x2000x128xf32, #tpu.memory_space<vmem>>, %arg2: memref<2x2000x128xf32, #tpu.memory_space<vmem>>, %arg3: memref<2000x128xf32, #tpu.memory_space<vmem>>, %arg4: memref<128x256xf32, #tpu.memory_space<vmem>>, %arg5: memref<128x256xf32, #tpu.memory_space<vmem>>, %arg6: memref<256x128xf32, #tpu.memory_space<vmem>>, %arg7: memref<1x256xf32, #tpu.memory_space<vmem>>, %arg8: memref<1x128xf32, #tpu.memory_space<vmem>>, %arg9: memref<2000x128xf32, #tpu.memory_space<vmem>>) attributes {dimension_semantics = [#tpu.dimension_semantics<arbitrary>], iteration_bounds = array<i64: 5>, scalar_prefetch = 0 : i64, scratch_operands = 0 : i64, tpu.core_type = #tpu.core_type<tc>, window_params = [{transform_indices = @transform_0, window_bounds = array<i64: 2, 2000, 128>}, {transform_indices = @transform_1, window_bounds = array<i64: 2, 2000, 128>}, {transform_indices = @transform_2, window_bounds = array<i64: 2000, 128>}, {pipeline_mode = #tpu.pipeline_mode<synchronous>, transform_indices = @transform_3, window_bounds = array<i64: 128, 256>}, {pipeline_mode = #tpu.pipeline_mode<synchronous>, transform_indices = @transform_4, window_bounds = array<i64: 128, 256>}, {pipeline_mode = #tpu.pipeline_mode<synchronous>, transform_indices = @transform_5, window_bounds = array<i64: 256, 128>}, {pipeline_mode = #tpu.pipeline_mode<synchronous>, transform_indices = @transform_6, window_bounds = array<i64: 1, 256>}, {pipeline_mode = #tpu.pipeline_mode<synchronous>, transform_indices = @transform_7, window_bounds = array<i64: 1, 128>}, {transform_indices = @transform_8, window_bounds = array<i64: 2000, 128>}]} {
    %get3A = arith.constant 0 : index
    %get3A_0 = arith.constant 0 : index
    %get3A_1 = arith.constant 0 : index
    %get3A_2 = vector.load %arg1[%get3A, %get3A_0, %get3A_1] : memref<2x2000x128xf32, #tpu.memory_space<vmem>>, vector<1x2000x128xf32>
    %get3A_3 = vector.shape_cast %get3A_2 : vector<1x2000x128xf32> to vector<2000x128xf32>
    %get3A_4 = arith.constant 1 : index
    %get3A_5 = arith.constant 0 : index
    %get3A_6 = arith.constant 0 : index
    %get3A_7 = vector.load %arg1[%get3A_4, %get3A_5, %get3A_6] : memref<2x2000x128xf32, #tpu.memory_space<vmem>>, vector<1x2000x128xf32>
    %get3A_8 = vector.shape_cast %get3A_7 : vector<1x2000x128xf32> to vector<2000x128xf32>
    %add3A = arith.addf %get3A_3, %get3A_8 : vector<2000x128xf32>
    %get3A_9 = arith.constant 0 : index
    %get3A_10 = arith.constant 0 : index
    %get3A_11 = arith.constant 0 : index
    %get3A_12 = vector.load %arg2[%get3A_9, %get3A_10, %get3A_11] : memref<2x2000x128xf32, #tpu.memory_space<vmem>>, vector<1x2000x128xf32>
    %get3A_13 = vector.shape_cast %get3A_12 : vector<1x2000x128xf32> to vector<2000x128xf32>
    %get3A_14 = arith.constant 1 : index
    %get3A_15 = arith.constant 0 : index
    %get3A_16 = arith.constant 0 : index
    %get3A_17 = vector.load %arg2[%get3A_14, %get3A_15, %get3A_16] : memref<2x2000x128xf32, #tpu.memory_space<vmem>>, vector<1x2000x128xf32>
    %get3A_18 = vector.shape_cast %get3A_17 : vector<1x2000x128xf32> to vector<2000x128xf32>
    %add3A_19 = arith.addf %get3A_13, %get3A_18 : vector<2000x128xf32>
    %get3A_20 = arith.constant 0 : index
    %get3A_21 = arith.constant 0 : index
    %get3A_22 = vector.load %arg3[%get3A_20, %get3A_21] : memref<2000x128xf32, #tpu.memory_space<vmem>>, vector<2000x128xf32>
    %add3A_23 = arith.addf %add3A_19, %get3A_22 : vector<2000x128xf32>
    %get3A_24 = arith.constant 0 : index
    %get3A_25 = arith.constant 0 : index
    %get3A_26 = vector.load %arg4[%get3A_24, %get3A_25] : memref<128x256xf32, #tpu.memory_space<vmem>>, vector<128x256xf32>
    %dot_general3A = arith.constant dense<0.000000e+00> : vector<2000x256xf32>
    %dot_general3A_27 = tpu.matmul %add3A, %get3A_26, %dot_general3A {dimension_numbers = #tpu.dot_dimension_numbers<[1], [0], [0], [1], [0, 0, 1, 1], [], []>, transpose_lhs_hint = false} : vector<2000x128xf32>, vector<128x256xf32>, vector<2000x256xf32> -> vector<2000x256xf32>
    %get3A_28 = arith.constant 0 : index
    %get3A_29 = arith.constant 0 : index
    %get3A_30 = vector.load %arg5[%get3A_28, %get3A_29] : memref<128x256xf32, #tpu.memory_space<vmem>>, vector<128x256xf32>
    %dot_general3A_31 = arith.constant dense<0.000000e+00> : vector<2000x256xf32>
    %dot_general3A_32 = tpu.matmul %add3A_23, %get3A_30, %dot_general3A_31 {dimension_numbers = #tpu.dot_dimension_numbers<[1], [0], [0], [1], [0, 0, 1, 1], [], []>, transpose_lhs_hint = false} : vector<2000x128xf32>, vector<128x256xf32>, vector<2000x256xf32> -> vector<2000x256xf32>
    %add3A_33 = arith.addf %dot_general3A_27, %dot_general3A_32 : vector<2000x256xf32>
    %get3A_34 = arith.constant 0 : index
    %get3A_35 = arith.constant 0 : index
    %get3A_36 = vector.load %arg7[%get3A_34, %get3A_35] : memref<1x256xf32, #tpu.memory_space<vmem>>, vector<1x256xf32>
    %add3A_37 = vector.broadcast %get3A_36 : vector<1x256xf32> to vector<2000x256xf32>
    %add3A_38 = arith.addf %add3A_33, %add3A_37 : vector<2000x256xf32>
    %max3A = arith.constant 0.000000e+00 : f32
    %max3A_39 = vector.broadcast %max3A : f32 to vector<2000x256xf32>
    %max3A_40 = arith.maximumf %add3A_38, %max3A_39 : vector<2000x256xf32>
    %get3A_41 = arith.constant 0 : index
    %get3A_42 = arith.constant 0 : index
    %get3A_43 = vector.load %arg6[%get3A_41, %get3A_42] : memref<256x128xf32, #tpu.memory_space<vmem>>, vector<256x128xf32>
    %dot_general3A_44 = arith.constant dense<0.000000e+00> : vector<2000x128xf32>
    %dot_general3A_45 = tpu.matmul %max3A_40, %get3A_43, %dot_general3A_44 {dimension_numbers = #tpu.dot_dimension_numbers<[1], [0], [0], [1], [0, 0, 1, 1], [], []>, transpose_lhs_hint = false} : vector<2000x256xf32>, vector<256x128xf32>, vector<2000x128xf32> -> vector<2000x128xf32>
    %get3A_46 = arith.constant 0 : index
    %get3A_47 = arith.constant 0 : index
    %get3A_48 = vector.load %arg8[%get3A_46, %get3A_47] : memref<1x128xf32, #tpu.memory_space<vmem>>, vector<1x128xf32>
    %add3A_49 = vector.broadcast %get3A_48 : vector<1x128xf32> to vector<2000x128xf32>
    %add3A_50 = arith.addf %dot_general3A_45, %add3A_49 : vector<2000x128xf32>
    %max3A_51 = arith.constant 0.000000e+00 : f32
    %max3A_52 = vector.broadcast %max3A_51 : f32 to vector<2000x128xf32>
    %max3A_53 = arith.maximumf %add3A_50, %max3A_52 : vector<2000x128xf32>
    %swap3A = arith.constant 0 : index
    %swap3A_54 = arith.constant 0 : index
    %swap3A_55 = vector.load %arg9[%swap3A, %swap3A_54] : memref<2000x128xf32, #tpu.memory_space<vmem>>, vector<2000x128xf32>
    tpu.vector_store %arg9[%swap3A, %swap3A_54], %max3A_53 {strides = array<i32>} : memref<2000x128xf32, #tpu.memory_space<vmem>>, vector<2000x128xf32>,
    return
  }
  func.func @transform_0(%arg0: i32) -> (i32, i32, i32) {
    %c0_i32 = arith.constant 0 : i32
    %c0_i32_0 = arith.constant 0 : i32
    %c0_i32_1 = arith.constant 0 : i32
    return %c0_i32, %arg0, %c0_i32_0 : i32, i32, i32
  }
  func.func @transform_1(%arg0: i32) -> (i32, i32, i32) {
    %c0_i32 = arith.constant 0 : i32
    %c0_i32_0 = arith.constant 0 : i32
    %c0_i32_1 = arith.constant 0 : i32
    return %c0_i32, %arg0, %c0_i32_0 : i32, i32, i32
  }
  func.func @transform_2(%arg0: i32) -> (i32, i32) {
    %c0_i32 = arith.constant 0 : i32
    %c0_i32_0 = arith.constant 0 : i32
    return %arg0, %c0_i32 : i32, i32
  }
  func.func @transform_3(%arg0: i32) -> (i32, i32) {
    %c0_i32 = arith.constant 0 : i32
    %c0_i32_0 = arith.constant 0 : i32
    %c0_i32_1 = arith.constant 0 : i32
    return %c0_i32, %c0_i32_0 : i32, i32
  }
  func.func @transform_4(%arg0: i32) -> (i32, i32) {
    %c0_i32 = arith.constant 0 : i32
    %c0_i32_0 = arith.constant 0 : i32
    %c0_i32_1 = arith.constant 0 : i32
    return %c0_i32, %c0_i32_0 : i32, i32
  }
  func.func @transform_5(%arg0: i32) -> (i32, i32) {
    %c0_i32 = arith.constant 0 : i32
    %c0_i32_0 = arith.constant 0 : i32
    %c0_i32_1 = arith.constant 0 : i32
    return %c0_i32, %c0_i32_0 : i32, i32
  }
  func.func @transform_6(%arg0: i32) -> (i32, i32) {
    %c0_i32 = arith.constant 0 : i32
    %c0_i32_0 = arith.constant 0 : i32
    %c0_i32_1 = arith.constant 0 : i32
    return %c0_i32, %c0_i32_0 : i32, i32
  }
  func.func @transform_7(%arg0: i32) -> (i32, i32) {
    %c0_i32 = arith.constant 0 : i32
    %c0_i32_0 = arith.constant 0 : i32
    %c0_i32_1 = arith.constant 0 : i32
    return %c0_i32, %c0_i32_0 : i32, i32
  }
  func.func @transform_8(%arg0: i32) -> (i32, i32) {
    %c0_i32 = arith.constant 0 : i32
    %c0_i32_0 = arith.constant 0 : i32
    return %arg0, %c0_i32 : i32, i32
  }
}

module attributes {stable_mosaic.version = 14 : i64} {
  func.func @_mlp_body(%arg0: i32, %arg1: memref<2x2000x128xf32, #tpu.memory_space<vmem>>, %arg2: memref<2x2000x128xf32, #tpu.memory_space<vmem>>, %arg3: memref<2000x128xf32, #tpu.memory_space<vmem>>, %arg4: memref<128x256xf32, #tpu.memory_space<vmem>>, %arg5: memref<128x256xf32, #tpu.memory_space<vmem>>, %arg6: memref<256x128xf32, #tpu.memory_space<vmem>>, %arg7: memref<1x256xf32, #tpu.memory_space<vmem>>, %arg8: memref<1x128xf32, #tpu.memory_space<vmem>>, %arg9: memref<2000x128xf32, #tpu.memory_space<vmem>>) attributes {dimension_semantics = [#tpu.dimension_semantics<arbitrary>], iteration_bounds = array<i64: 5>, scalar_prefetch = 0 : i64, scratch_operands = 0 : i64, tpu.core_type = #tpu.core_type<tc>, window_params = [{transform_indices = @transform_0, window_bounds = array<i64: 2, 2000, 128>}, {transform_indices = @transform_1, window_bounds = array<i64: 2, 2000, 128>}, {transform_indices = @transform_2, window_bounds = array<i64: 2000, 128>}, {pipeline_mode = #tpu.pipeline_mode<synchronous>, transform_indices = @transform_3, window_bounds = array<i64: 128, 256>}, {pipeline_mode = #tpu.pipeline_mode<synchronous>, transform_indices = @transform_4, window_bounds = array<i64: 128, 256>}, {pipeline_mode = #tpu.pipeline_mode<synchronous>, transform_indices = @transform_5, window_bounds = array<i64: 256, 128>}, {pipeline_mode = #tpu.pipeline_mode<synchronous>, transform_indices = @transform_6, window_bounds = array<i64: 1, 256>}, {pipeline_mode = #tpu.pipeline_mode<synchronous>, transform_indices = @transform_7, window_bounds = array<i64: 1, 128>}, {transform_indices = @transform_8, window_bounds = array<i64: 2000, 128>}]} {
    %get3A = arith.constant 0 : index
    %get3A_0 = arith.constant 0 : index
    %get3A_1 = arith.constant 0 : index
    %get3A_2 = vector.load %arg1[%get3A, %get3A_0, %get3A_1] : memref<2x2000x128xf32, #tpu.memory_space<vmem>>, vector<1x2000x128xf32>
    %get3A_3 = vector.shape_cast %get3A_2 : vector<1x2000x128xf32> to vector<2000x128xf32>
    %get3A_4 = arith.constant 1 : index
    %get3A_5 = arith.constant 0 : index
    %get3A_6 = arith.constant 0 : index
    %get3A_7 = vector.load %arg1[%get3A_4, %get3A_5, %get3A_6] : memref<2x2000x128xf32, #tpu.memory_space<vmem>>, vector<1x2000x128xf32>
    %get3A_8 = vector.shape_cast %get3A_7 : vector<1x2000x128xf32> to vector<2000x128xf32>
    %add3A = arith.addf %get3A_3, %get3A_8 : vector<2000x128xf32>
    %get3A_9 = arith.constant 0 : index
    %get3A_10 = arith.constant 0 : index
    %get3A_11 = arith.constant 0 : index
    %get3A_12 = vector.load %arg2[%get3A_9, %get3A_10, %get3A_11] : memref<2x2000x128xf32, #tpu.memory_space<vmem>>, vector<1x2000x128xf32>
    %get3A_13 = vector.shape_cast %get3A_12 : vector<1x2000x128xf32> to vector<2000x128xf32>
    %get3A_14 = arith.constant 1 : index
    %get3A_15 = arith.constant 0 : index
    %get3A_16 = arith.constant 0 : index
    %get3A_17 = vector.load %arg2[%get3A_14, %get3A_15, %get3A_16] : memref<2x2000x128xf32, #tpu.memory_space<vmem>>, vector<1x2000x128xf32>
    %get3A_18 = vector.shape_cast %get3A_17 : vector<1x2000x128xf32> to vector<2000x128xf32>
    %add3A_19 = arith.addf %get3A_13, %get3A_18 : vector<2000x128xf32>
    %get3A_20 = arith.constant 0 : index
    %get3A_21 = arith.constant 0 : index
    %get3A_22 = vector.load %arg3[%get3A_20, %get3A_21] : memref<2000x128xf32, #tpu.memory_space<vmem>>, vector<2000x128xf32>
    %add3A_23 = arith.addf %add3A_19, %get3A_22 : vector<2000x128xf32>
    %get3A_24 = arith.constant 0 : index
    %get3A_25 = arith.constant 0 : index
    %get3A_26 = vector.load %arg4[%get3A_24, %get3A_25] : memref<128x256xf32, #tpu.memory_space<vmem>>, vector<128x256xf32>
    %dot_general3A = arith.constant dense<0.000000e+00> : vector<2000x256xf32>
    %dot_general3A_27 = tpu.matmul %add3A, %get3A_26, %dot_general3A {dimension_numbers = #tpu.dot_dimension_numbers<[1], [0], [0], [1], [0, 0, 1, 1], [], []>, transpose_lhs_hint = false} : vector<2000x128xf32>, vector<128x256xf32>, vector<2000x256xf32> -> vector<2000x256xf32>
    %get3A_28 = arith.constant 0 : index
    %get3A_29 = arith.constant 0 : index
    %get3A_30 = vector.load %arg5[%get3A_28, %get3A_29] : memref<128x256xf32, #tpu.memory_space<vmem>>, vector<128x256xf32>
    %dot_general3A_31 = arith.constant dense<0.000000e+00> : vector<2000x256xf32>
    %dot_general3A_32 = tpu.matmul %add3A_23, %get3A_30, %dot_general3A_31 {dimension_numbers = #tpu.dot_dimension_numbers<[1], [0], [0], [1], [0, 0, 1, 1], [], []>, transpose_lhs_hint = false} : vector<2000x128xf32>, vector<128x256xf32>, vector<2000x256xf32> -> vector<2000x256xf32>
    %add3A_33 = arith.addf %dot_general3A_27, %dot_general3A_32 : vector<2000x256xf32>
    %get3A_34 = arith.constant 0 : index
    %get3A_35 = arith.constant 0 : index
    %get3A_36 = vector.load %arg7[%get3A_34, %get3A_35] : memref<1x256xf32, #tpu.memory_space<vmem>>, vector<1x256xf32>
    %add3A_37 = vector.broadcast %get3A_36 : vector<1x256xf32> to vector<2000x256xf32>
    %add3A_38 = arith.addf %add3A_33, %add3A_37 : vector<2000x256xf32>
    %max3A = arith.constant 0.000000e+00 : f32
    %max3A_39 = vector.broadcast %max3A : f32 to vector<2000x256xf32>
    %max3A_40 = arith.maximumf %add3A_38, %max3A_39 : vector<2000x256xf32>
    %get3A_41 = arith.constant 0 : index
    %get3A_42 = arith.constant 0 : index
    %get3A_43 = vector.load %arg6[%get3A_41, %get3A_42] : memref<256x128xf32, #tpu.memory_space<vmem>>, vector<256x128xf32>
    %dot_general3A_44 = arith.constant dense<0.000000e+00> : vector<2000x128xf32>
    %dot_general3A_45 = tpu.matmul %max3A_40, %get3A_43, %dot_general3A_44 {dimension_numbers = #tpu.dot_dimension_numbers<[1], [0], [0], [1], [0, 0, 1, 1], [], []>, transpose_lhs_hint = false} : vector<2000x256xf32>, vector<256x128xf32>, vector<2000x128xf32> -> vector<2000x128xf32>
    %get3A_46 = arith.constant 0 : index
    %get3A_47 = arith.constant 0 : index
    %get3A_48 = vector.load %arg8[%get3A_46, %get3A_47] : memref<1x128xf32, #tpu.memory_space<vmem>>, vector<1x128xf32>
    %add3A_49 = vector.broadcast %get3A_48 : vector<1x128xf32> to vector<2000x128xf32>
    %add3A_50 = arith.addf %dot_general3A_45, %add3A_49 : vector<2000x128xf32>
    %swap3A = arith.constant 0 : index
    %swap3A_51 = arith.constant 0 : index
    %swap3A_52 = vector.load %arg9[%swap3A, %swap3A_51] : memref<2000x128xf32, #tpu.memory_space<vmem>>, vector<2000x128xf32>
    tpu.vector_store %arg9[%swap3A, %swap3A_51], %add3A_50 {strides = array<i32>} : memref<2000x128xf32, #tpu.memory_space<vmem>>, vector<2000x128xf32>,
    return
  }
  func.func @transform_0(%arg0: i32) -> (i32, i32, i32) {
    %c0_i32 = arith.constant 0 : i32
    %c0_i32_0 = arith.constant 0 : i32
    %c0_i32_1 = arith.constant 0 : i32
    return %c0_i32, %arg0, %c0_i32_0 : i32, i32, i32
  }
  func.func @transform_1(%arg0: i32) -> (i32, i32, i32) {
    %c0_i32 = arith.constant 0 : i32
    %c0_i32_0 = arith.constant 0 : i32
    %c0_i32_1 = arith.constant 0 : i32
    return %c0_i32, %arg0, %c0_i32_0 : i32, i32, i32
  }
  func.func @transform_2(%arg0: i32) -> (i32, i32) {
    %c0_i32 = arith.constant 0 : i32
    %c0_i32_0 = arith.constant 0 : i32
    return %arg0, %c0_i32 : i32, i32
  }
  func.func @transform_3(%arg0: i32) -> (i32, i32) {
    %c0_i32 = arith.constant 0 : i32
    %c0_i32_0 = arith.constant 0 : i32
    %c0_i32_1 = arith.constant 0 : i32
    return %c0_i32, %c0_i32_0 : i32, i32
  }
  func.func @transform_4(%arg0: i32) -> (i32, i32) {
    %c0_i32 = arith.constant 0 : i32
    %c0_i32_0 = arith.constant 0 : i32
    %c0_i32_1 = arith.constant 0 : i32
    return %c0_i32, %c0_i32_0 : i32, i32
  }
  func.func @transform_5(%arg0: i32) -> (i32, i32) {
    %c0_i32 = arith.constant 0 : i32
    %c0_i32_0 = arith.constant 0 : i32
    %c0_i32_1 = arith.constant 0 : i32
    return %c0_i32, %c0_i32_0 : i32, i32
  }
  func.func @transform_6(%arg0: i32) -> (i32, i32) {
    %c0_i32 = arith.constant 0 : i32
    %c0_i32_0 = arith.constant 0 : i32
    %c0_i32_1 = arith.constant 0 : i32
    return %c0_i32, %c0_i32_0 : i32, i32
  }
  func.func @transform_7(%arg0: i32) -> (i32, i32) {
    %c0_i32 = arith.constant 0 : i32
    %c0_i32_0 = arith.constant 0 : i32
    %c0_i32_1 = arith.constant 0 : i32
    return %c0_i32, %c0_i32_0 : i32, i32
  }
  func.func @transform_8(%arg0: i32) -> (i32, i32) {
    %c0_i32 = arith.constant 0 : i32
    %c0_i32_0 = arith.constant 0 : i32
    return %arg0, %c0_i32 : i32, i32
  }
}

</mosaic_0001>

<sc_bundles>
// kernel: kernel.6.cloned.1.call-start
scs
__scs_entry_jumppad:
0x0: {  	(pc) =	sbr.rel $0x88, $3  }
0x1: {  	(tag) =	ssettag $0x0;
	lr =	simm.s32 $0x1  }
0x2: {  	[smem:$0x3F96] =	sst lr;
	_ =	strace $0xD0000000  }
0x3: {  	_ = 	snop  }
0x4: {  	_ = 	snop  }
0x5: {  	_ = 	snop  }
0x6: {  	_ = 	snop  }
0x7: {  	_ = 	snop  }
__scs_overlays_trampoline_lowered:
0x8: {  	[smem:$0x3FA5] =	sst s0  }
0x9: {  	[smem:$0x3FA6] =	sst s1  }
0xa: {  	[smem:$0x3FA7] =	sst s2  }
0xb: {  	[smem:$0x3FA8] =	sst s3  }
0xc: {  	[smem:$0x3FA9] =	sst s4  }
0xd: {  	[smem:$0x3FAA] =	sst s5  }
0xe: {  	[smem:$0x3FAB] =	sst s6  }
0xf: {  	[smem:$0x3FAC] =	sst s7  }
0x10: {  	[smem:$0x3FAD] =	sst s8  }
0x11: {  	[smem:$0x3FAE] =	sst s9;
	s0 =	simm.s32 @!p0 $0x0  }
0x12: {  	s1 =	sld [smem:$0x3F94];
	s0 =	simm.s32 @p0 $0x1  }
0x13: {  	[smem:$0x3FAF] =	sst s0;
	s0 =	simm.s32 @!p1 $0x0  }
0x14: {  	s2 =	sld [smem:$0x3F93];
	s0 =	simm.s32 @p1 $0x1  }
0x15: {  	[smem:$0x3FB0] =	sst s0;
	s0 =	simm.s32 @!p2 $0x0  }
0x16: {  	s3 =	sld [smem:$0x3FDB];
	s0 =	simm.s32 @p2 $0x1  }
0x17: {  	s4 =	simm.s32 $0x1BF5;
	[smem:$0x3FB2] =	sst s0  }
0x18: {  	s0 =	sld [smem:$0x3F95];
	_ =	swait.ge [sflag:s4], $0x0  }
0x19: {  	s7 =	sld [smem:$0x3F96]  }
0x1a: {  	s8 =	sadd.s32 $0xFFFFE003, lr  }
0x1b: {  	s9 =	sadd.s32 $0xFFFFFEF7, lr;
	s5 =	simm.s32 $0xFFFFFFFF;
	p2 =	slt.u32 s8, $0xFFFFF086  }
0x1c: {  	p1 =	slt.u32 s9, $0xF7A;
	s5 =	simm.s32 @!p2 $0x0  }
0x1d: {  	s5 =	simm.s32 @p1 $0x1;
	p0 =	seq.s32 s7, s2  }
0x1e: {  	s7 =	smul.u32 @!p0 $0xF7A, s2;
	p2 =	seq.s32 @!p0 s5, $0x0  }
0x1f: {  	s9 =	smul.u32 $0xF7A, s1;
	s8 =	simm.s32 @!p0 $0x1BF5;
	p2 =	por !p2, p0  }
0x20: {  	[sflag:s8] =	ssyncset.s32 @!p0 $0xFFFFF086;
	s6 =	sadd.s32 @!p0 s3, s7;
	s7 =	simm.s32 @!p0 $0x108  }
0x21: {  	s3 =	sadd.s32 s3, s9;
	s6 =	sadd.s32 @!p0 $0x88, s6;
	s7 =	simm.s32 @p2 $0x1082  }
0x22: {  	[simem:s7], [sflag:s8] =	dma.local @!p0 [hbm:s6], $0xF7A  }
0x23: {  	s9 =	sor.u32 $0xD0000000, s2;
	s6 =	simm.s32 $0x108;
	_ =	swait.ge @!p0 [sflag:s8], $0x0  }
0x24: {  	s3 =	sadd.s32 $0x88, s3;
	s6 =	simm.s32 @!p1 $0x1082;
	[sflag:s4] =	ssyncset.s32 $0xFFFFF086  }
0x25: {  	[simem:s6], [sflag:s4] =	dma.local [hbm:s3], $0xF7A  }
0x26: {  	[smem:$0x3F96] =	sst s1;
	(tag) =	ssettag s2;
	_ =	strace s9  }
0x27: {  	s1 =	sld [smem:$0x3FA6]  }
0x28: {  	s2 =	sld [smem:$0x3FA7]  }
0x29: {  	s4 =	sld [smem:$0x3FA9]  }
0x2a: {  	p0 =	seq.s32 s5, $0x0;
	s5 =	sld [smem:$0x3FAA]  }
0x2b: {  	s6 =	sld [smem:$0x3FAB]  }
0x2c: {  	s7 =	sld [smem:$0x3FAC]  }
0x2d: {  	s3 =	simm.s32 $0x108;
	s8 =	sld [smem:$0x3FAD]  }
0x2e: {  	s3 =	simm.s32 @!p0 $0x1082;
	s9 =	sld [smem:$0x3FAE]  }
0x2f: {  	lr =	sadd.s32 s0, s3;
	s0 =	sld [smem:$0x3FA5]  }
0x30: {  	s3 =	sld [smem:$0x3FA8]  }
0x31: {  	[smem:$0x3FB1] =	sst s10  }
0x32: {  	s10 =	sld [smem:$0x3FAF];
	_ =	sdelay $0x3  }
0x33: {  	p0 =	seq.s32 s10, $0x1;
	s10 =	sld [smem:$0x3FB1];
	_ =	sdelay $0x3  }
0x34: {  	[smem:$0x3FB1] =	sst s10  }
0x35: {  	s10 =	sld [smem:$0x3FB0];
	_ =	sdelay $0x3  }
0x36: {  	p1 =	seq.s32 s10, $0x1;
	s10 =	sld [smem:$0x3FB1];
	_ =	sdelay $0x3  }
0x37: {  	[smem:$0x3FB1] =	sst s10  }
0x38: {  	s10 =	sld [smem:$0x3FB2]  }
0x39: {  	_ = 	snop;
	(pc) =	sbr.ind lr, $3  }
0x3a: {  	_ = 	snop  }
0x3b: {  	_ = 	snop  }
0x3c: {  	p2 =	seq.s32 s10, $0x1;
	s10 =	sld [smem:$0x3FB1]  }
0x3d: {  	_ =	shalt  }
0x3e: {  	_ =	shalt  }
0x3f: {  	_ =	shalt  }
0x40: {  	_ =	shalt  }
0x41: {  	_ =	shalt  }
0x42: {  	_ =	shalt  }
0x43: {  	_ =	shalt  }
0x44: {  	_ =	shalt  }
0x45: {  	_ =	shalt  }
0x46: {  	_ =	shalt  }
0x47: {  	_ =	shalt  }
0x48: {  	_ =	shalt  }
0x49: {  	_ =	shalt  }
0x4a: {  	_ =	shalt  }
0x4b: {  	_ =	shalt  }
0x4c: {  	_ =	shalt  }
0x4d: {  	_ =	shalt  }
0x4e: {  	_ =	shalt  }
0x4f: {  	_ =	shalt  }
0x50: {  	_ =	shalt  }
0x51: {  	_ =	shalt  }
0x52: {  	_ =	shalt  }
0x53: {  	_ =	shalt  }
0x54: {  	_ =	shalt  }
0x55: {  	_ =	shalt  }
0x56: {  	_ =	shalt  }
0x57: {  	_ =	shalt  }
0x58: {  	_ =	shalt  }
0x59: {  	_ =	shalt  }
0x5a: {  	_ =	shalt  }
0x5b: {  	_ =	shalt  }
0x5c: {  	_ =	shalt  }
0x5d: {  	_ =	shalt  }
0x5e: {  	_ =	shalt  }
0x5f: {  	_ =	shalt  }
0x60: {  	_ =	shalt  }
0x61: {  	_ =	shalt  }
0x62: {  	_ =	shalt  }
0x63: {  	_ =	shalt  }
0x64: {  	_ =	shalt  }
0x65: {  	_ =	shalt  }
0x66: {  	_ =	shalt  }
0x67: {  	_ =	shalt  }
0x68: {  	_ =	shalt  }
0x69: {  	_ =	shalt  }
0x6a: {  	_ =	shalt  }
0x6b: {  	_ =	shalt  }
0x6c: {  	_ =	shalt  }
0x6d: {  	_ =	shalt  }
0x6e: {  	_ =	shalt  }
0x6f: {  	_ =	shalt  }
0x70: {  	_ =	shalt  }
0x71: {  	_ =	shalt  }
0x72: {  	_ =	shalt  }
0x73: {  	_ =	shalt  }
0x74: {  	_ =	shalt  }
0x75: {  	_ =	shalt  }
0x76: {  	_ =	shalt  }
0x77: {  	_ =	shalt  }
0x78: {  	_ =	shalt  }
0x79: {  	_ =	shalt  }
0x7a: {  	_ =	shalt  }
0x7b: {  	_ =	shalt  }
0x7c: {  	_ =	shalt  }
0x7d: {  	_ =	shalt  }
0x7e: {  	_ =	shalt  }
0x7f: {  	_ =	shalt  }
0x80: {  	_ =	shalt  }
0x81: {  	_ =	shalt  }
0x82: {  	_ =	shalt  }
0x83: {  	_ =	shalt  }
0x84: {  	_ =	shalt  }
0x85: {  	_ =	shalt  }
0x86: {  	_ =	shalt  }
0x87: {  	_ =	shalt  }
.Lfunc_end0:
.L_simem_size_0:
called_computation_lowered:
.L_overlay_start_0:
0x88: {  	s2 =	sld [smem:$0x3FD9]  }
0x89: {  	s3 =	sld [smem:$0x3FFE];
	_ =	sdelay $0x1  }
0x8a: {  	s1 =	srdreg.scid  }
0x8b: {  	s0 =	sand.u32 $0x1, s1  }
0x8c: {  	s17 =	sshll.u32 s0, $0xA;
	s2 =	sadd.s32 s3, s2  }
0x8d: {  	s2 =	sadd.s32 s2, s17  }
0x8e: {  	[smem:$0x3FBD] =	sst s2  }
0x8f: {  	_ = 	snop  }
0x90: {  	s2 =	sld [smem:$0x3FC9]  }
0x91: {  	s18 =	sld [smem:$0x3FC7];
	(tm) =	ssettm $0x1  }
0x92: {  	s4 =	sld [smem:$0x3FFB];
	_ =	sdelay $0x3  }
0x93: {  	_ =	strace s4  }
0x94: {  	s4 =	sld [smem:$0x3FFC];
	_ =	sdelay $0x3  }
0x95: {  	_ =	strace s4  }
0x96: {  	s4 =	sld [smem:$0x3FFD];
	_ =	sdelay $0x3  }
0x97: {  	_ =	strace s4  }
0x98: {  	_ =	strace $0x8FFFFFFF  }
0x99: {  	s19 =	sld [smem:$0x3FDB];
	_ =	sdelay $0x1  }
0x9a: {  	s5 =	simm.s32 $_scs_section_size  }
0x9b: {  	s6 =	simm.s32 $_size__tile_overlayer_lowered;
	s7 =	simm.s32 $_tile_overlayer_lowered  }
0x9c: {  	s22 =	simm.s32 $0x1BFF;
	s21 =	sshll.u32 s7, $0x1;
	s4 =	sadd.s32 s5, s19  }
0x9d: {  	s8 =	simm.s32 $0x0;
	s20 =	sshll.u32 s6, $0x1;
	s6 =	sadd.s32 s21, s4  }
0x9e: {  	[timem:s8], [sflag:s22] =	dma.local [hbm:s6], s20  }
0x9f: {  	_ =	swait.ge [sflag:s22], s20  }
0xa0: {  	s5 =	ssub.s32 $0x0, s20;
	[sflag:s22] =	ssyncset.done $0x0  }
0xa1: {  	[sflag:s22] =	ssyncadd.s32 s5;
	_ =	sdelay $0x1  }
0xa2: {  	s23 =	simm.s32 $0x1B8B  }
0xa3: {  	_ =	swait.ge [sflag:s23], $0x1  }
0xa4: {  	[sflag:s23] =	ssyncset.done $0x0  }
0xa5: {  	s25 =	simm.s32 $0x1B8E;
	s24 =	sld [smem:$0x3FFE];
	[sflag:s23] =	ssyncadd.s32 $0xFFFFFFFF  }
0xa6: {  	s26 =	simm.s32 $execute0_lowered;
	[smem:$0x3FD2] =	sst s25  }
0xa7: {  	s6 =	sshll.u32 s26, $0x1;
	_ =	strace $0x80000046;
	[dreg:$0x1] =	wrdreg $0xFFFFFFFF  }
0xa8: {  	s28 =	simm.s32 $_size_execute0_lowered;
	s4 =	sadd.s32 s4, s6;
	[dreg:$0x0] =	wrdreg $0x0  }
0xa9: {  	s6 =	sshll.u32 s28, $0x1;
	[dreg:$0x2] =	wrdreg s4  }
0xaa: {  	[dreg:$0x3] =	wrdreg s6  }
0xab: {  	[dreg:$0x4] =	wrdreg $0xC0  }
0xac: {  	_ =	task [dreg:s8], $0x5FFFF  }
0xad: {  	[dreg:$0x1] =	wrdreg $0xFFFFFFFF  }
0xae: {  	[dreg:$0x0] =	wrdreg $0x60  }
0xaf: {  	[dreg:$0x2] =	wrdreg s18  }
0xb0: {  	[dreg:$0x3] =	wrdreg s2  }
0xb1: {  	[dreg:$0x4] =	wrdreg s24  }
0xb2: {  	[dreg:$0x5] =	wrdreg $0xA8000  }
0xb3: {  	[dreg:$0x6] =	wrdreg $0x9  }
0xb4: {  	_ =	task.clear_ibuf [dreg:s8], $0x7FFFF;
	_ =	strace $0x90000046  }
0xb5: {  	s29 =	simm.s32 $0x9;
	_ =	strace $0x80000048  }
0xb6: {  	_ =	swait.ge [sflag:s29], $0x1  }
0xb7: {  	[sflag:s29] =	ssyncadd.s32 $0xFFFFFFFF  }
0xb8: {  	_ =	strace $0x90000048  }
0xb9: {  	_ =	sfence  }
0xba: {  	s30 =	sld [smem:$0x0];
	_ =	sdelay $0x2  }
0xbb: {  	s31 =	sshll.u32 s1, $0xD;
	s1 =	sshrl.u32 s1, $0x2  }
0xbc: {  	s3 =	sand.u32 $0x4000, s31;
	s1 =	sadd.s32 s1, s30  }
0xbd: {  	s0 =	sor.u32 s3, s0;
	s1 =	sshll.u32 s1, $0x11  }
0xbe: {  	s0 =	sor.u32 s1, s0  }
0xbf: {  	s0 =	sadd.s32 $0x8F2B, s0  }
0xc0: {  	[sflag:s0] =	ssyncadd.remote.s32 $0x1  }
0xc1: {  	_ =	sfence.sel $0xFFFF  }
0xc2: {  	[dreg:$0x0] =	wrdreg $0xFFFFFFFF;
	(pc) =	sbr.abs _section_cstart, $3  }
0xc3: {  	[dreg:$0x1] =	wrdreg $0xFFFFFFFF  }
0xc4: {  	_ =	task.clear_ibuf [dreg:s8], $0x2FFFF;
	_ =	strace $0x9FFFFFFF  }
0xc5: {  	(tm) =	ssettm $0x7FFFFFFF  }
tec
execute0_lowered:
.L_overlay_start_1:
0x0: {  	(tag) =	ssettag $0x1  }
0x1: {  	s1 =	rddreg [dreg:$0x0]  }
0x2: {  	s2 =	rddreg [dreg:$0x1]  }
0x3: {  	s0 =	rddreg [dreg:$0x2]  }
0x4: {  	s4 =	rddreg [dreg:$0x3];
	s5 =	simm.s32 $0x0  }
0x5: {  	s17 =	stileid.u32;
	s3 =	srdreg.scid;
	s21 =	simm.s32 $0x1400  }
0x6: {  	s22 =	simm.s32 $0x3;
	s23 =	simm.s32 $0x1;
	s28 =	simm.s32 $0x2  }
0x7: {  	s29 =	simm.s32 $0x2780;
	s30 =	simm.s32 $0x0;
	s6 =	smul.u32 $0x13800, s17  }
0x8: {  	[smem:$0x7FF] =	sst s5;
	s3 =	sand.u32 $0x1, s3;
	s9 =	smul.u32 $0x4E000, s17  }
0x9: {  	s10 =	sadd.s32 $0x3400, s0;
	s11 =	sadd.s32 $0xD400, s0;
	s18 =	smul.u32 $0x50, s17  }
0xa: {  	_ =	strace $0x80000047;
	s7 =	smul.u32 $0x139000, s3;
	s24 =	sshll.u32 s3, $0x4  }
0xb: {  	s25 =	ssub.s32 $0x2, s3;
	s3 =	smul.u32 $0x500, s3;
	s8 =	sshrl.u32 s6, $0x3  }
0xc: {  	s13 =	sshrl.u32 s25, $0x1;
	s9 =	sshrl.u32 s9, $0x2;
	s8 =	sadd.s32 s8, s0  }
0xd: {  	s6 =	sadd.s32 s6, s7;
	s7 =	sor.u32 s17, s24;
	s9 =	sadd.s32 s9, s4  }
0xe: {  	s31 =	sadd.s32 s18, s3;
	s24 =	simm.s32 $0x2800;
	s12 =	smul.u32 $0x50, s7  }
0xf: {  	s6 =	sshrl.u32 s6, $0x3;
	s14 =	smul.u32 $0x28000, s7;
	[dreg:$0x5] =	wrdreg s9  }
0x10: {  	s15 =	smul.u32 $0x500, s7;
	s7 =	sadd.s32 $0x17400, s8;
	s20 =	sadd.s32 $0x31, s31  }
0x11: {  	s0 =	sadd.s32 s6, s0;
	s6 =	ssub.s32 s25, s13;
	s25 =	simm.s32 $0x6800  }
0x12: {  	s8 =	sadd.s32 s1, s14;
	s26 =	sadd.s32 $0x28, s12;
	s9 =	sadd.s32 s11, s15  }
0x13: {  	s12 =	smin.u32 s12, $0x99A;
	s15 =	sadd.s32 s10, s15;
	s17 =	sadd.s32 $0x3E600, s0  }
0x14: {  	s18 =	smax.u32 s6, $0x1;
	s14 =	sadd.s32 $0x800, s8;
	s16 =	sshll.u32 s26, $0x4  }
.Ltmp0:
0x15: {  	s13 =	smin.u32 s26, $0x9C3;
	s12 =	sshll.u32 s12, $0xB;
	(pc) =	sbr.rel .LBB2_1-.Ltmp0, $4  }
0x16: {  	s26 =	simm.s32 $0x80;
	[dreg:$0x6] =	wrdreg s14;
	s13 =	sshll.u32 s13, $0xB  }
0x17: {  	s11 =	sadd.s32 s11, s16;
	s12 =	sadd.s32 s12, s1;
	s13 =	sadd.s32 s1, s13  }
0x18: {  	s14 =	sadd.s32 $0x8CA00, s0;
	s12 =	sadd.s32 $0x14800, s12;
	[dreg:$0x7] =	wrdreg s13  }
0x19: {  	s16 =	sadd.s32 s10, s16;
	s10 =	sor.u32 $0x9, s31;
	[dreg:$0x8] =	wrdreg s12  }
.LBB2_13:
0x1a: {  	_ =	swait.ge [sflag:s28], $0x4000  }
0x1b: {  	[sflag:s28] =	ssyncset.done $0x0  }
0x1c: {  	[sflag:s28] =	ssyncadd.s32 $0xFFFFC000  }
0x1d: {  	[spmem:s4] =	stream.indirect.scatter.add.f32 [tilespmem:s25], [sflag:$0x3], $0x80, s12, s26, $0xb8;
	[tilespmem:$0x1E100] =	vst v63  }
0x1e: {  	_ =	swait.ge [sflag:s22], $0x4000  }
0x1f: {  	s30 =	sadd.s32 $0x1, s30;
	[sflag:s22] =	ssyncset.done $0x0  }
0x20: {  	p0 =	sne.s32 s30, s18;
	[sflag:s22] =	ssyncadd.s32 $0xFFFFC000  }
.Ltmp1:
0x21: {  	[bflag:$0x0] =	sbarrier.arrive $0xFFFF;
	(pc) =	sbr.rel @!p0 .LBB2_14-.Ltmp1, $4  }
0x22: {  	[hbm:s17], [sflag:s3] =	dma.local [spmem:s31], $0x2900  }
0x23: {  	_ =	swait.ge [sflag:s22], $0x2900  }
0x24: {  	[sflag:s22] =	ssyncset.done $0x0  }
0x25: {  	[sflag:s22] =	ssyncadd.s32 $0xFFFFD700  }
.LBB2_1:
0x26: {  	s0 =	stileid.u32;
	[bflag:$0x0] =	sbarrier.arrive $0xFFFF  }
0x27: {  	s3 =	sshll.u32 s0, $0x6;
	s6 =	rddreg [dreg:$0x5]  }
0x28: {  	s0 =	sor.u32 $0x1C01, s3;
	s31 =	sshrl.u32 s6, $0x3  }
0x29: {  	[spmem:s31], [sflag:s0] =	dma.local [hbm:s7], $0x2900  }
0x2a: {  	[tilespmem:s21], [sflag:$0x3] =	stream.linear.gather [hbm4b:s9+s5], $0x1400, $0x38;
	[tilespmem:$0x1E100] =	vst v63  }
0x2b: {  	_ =	swait.ge [sflag:s22], $0x1400  }
0x2c: {  	[sflag:s22] =	ssyncset.done $0x0  }
0x2d: {  	[sflag:s22] =	ssyncadd.s32 $0xFFFFEC00  }
0x2e: {  	_ =	swait.ge [sflag:s23], $0x2900  }
0x2f: {  	[sflag:s23] =	ssyncset.done $0x0  }
0x30: {  	[sflag:s23] =	ssyncadd.s32 $0xFFFFD700  }
0x31: {  	[bflag:$0x0] =	sbarrier.arrive $0xFFFF  }
0x32: {  	[tilespmem:s24], [sflag:$0x1] =	stream.linear.gather [hbm4b:s8+s5], $0x4000, $0x38;
	[tilespmem:$0x1E100] =	vst v63  }
0x33: {  	s19 =	rddreg [dreg:$0x6]  }
0x34: {  	[tilespmem:s25], [sflag:$0x2] =	stream.linear.gather [hbm4b:s19+s5], $0x4000, $0x38;
	[tilespmem:$0x1E100] =	vst v63  }
0x35: {  	s6 =	simm.s32 $0x0;
	s19 =	smov.u32 s10  }
.LBB2_2:
0x36: {  	_ =	swait.ge [sflag:s23], $0x4000  }
0x37: {  	s12 =	sshra.s32 s6, $0x2;
	[sflag:s23] =	ssyncset.done $0x0  }
0x38: {  	s13 =	sadd.s32 $0x1400, s12;
	[sflag:s23] =	ssyncadd.s32 $0xFFFFC000  }
0x39: {  	[spmem:s4] =	stream.indirect.scatter.add.f32 [tilespmem:s24], [sflag:$0x3], $0x80, s13, s26, $0xb8;
	[tilespmem:$0x1E100] =	vst v63  }
0x3a: {  	s13 =	sadd.s32 $0xFFFFFFF9, s19  }
0x3b: {  	p0 =	slt.s32 s13, $0x9C3  }
0x3c: {  	_ =	swait.ge [sflag:s22], $0x4000;
	s13 =	simm.s32 @!p0 $0x9C3  }
0x3d: {  	[sflag:s22] =	ssyncset.done $0x0;
	s13 =	sshll.u32 s13, $0xB  }
0x3e: {  	[sflag:s22] =	ssyncadd.s32 $0xFFFFC000;
	s13 =	sadd.s32 s1, s13  }
0x3f: {  	[tilespmem:s24], [sflag:$0x1] =	stream.linear.gather [hbm4b:s13+s5], $0x4000, $0x38;
	[tilespmem:$0x1E100] =	vst v63  }
0x40: {  	_ =	swait.ge [sflag:s28], $0x4000  }
0x41: {  	[sflag:s28] =	ssyncset.done $0x0  }
0x42: {  	s13 =	sadd.s32 $0x1480, s12;
	[sflag:s28] =	ssyncadd.s32 $0xFFFFC000  }
0x43: {  	[spmem:s4] =	stream.indirect.scatter.add.f32 [tilespmem:s25], [sflag:$0x3], $0x80, s13, s26, $0xb8;
	[tilespmem:$0x1E100] =	vst v63  }
0x44: {  	s13 =	sadd.s32 $0xFFFFFFFA, s19  }
0x45: {  	p0 =	slt.s32 s13, $0x9C3  }
0x46: {  	_ =	swait.ge [sflag:s22], $0x4000;
	s13 =	simm.s32 @!p0 $0x9C3  }
0x47: {  	[sflag:s22] =	ssyncset.done $0x0;
	s13 =	sshll.u32 s13, $0xB  }
0x48: {  	[sflag:s22] =	ssyncadd.s32 $0xFFFFC000;
	s13 =	sadd.s32 s1, s13  }
0x49: {  	[tilespmem:s25], [sflag:$0x2] =	stream.linear.gather [hbm4b:s13+s5], $0x4000, $0x38;
	[tilespmem:$0x1E100] =	vst v63  }
0x4a: {  	_ =	swait.ge [sflag:s23], $0x4000  }
0x4b: {  	[sflag:s23] =	ssyncset.done $0x0  }
0x4c: {  	s13 =	sadd.s32 $0x1500, s12;
	[sflag:s23] =	ssyncadd.s32 $0xFFFFC000  }
0x4d: {  	[spmem:s4] =	stream.indirect.scatter.add.f32 [tilespmem:s24], [sflag:$0x3], $0x80, s13, s26, $0xb8;
	[tilespmem:$0x1E100] =	vst v63  }
0x4e: {  	s13 =	sadd.s32 $0xFFFFFFFB, s19  }
0x4f: {  	p0 =	slt.s32 s13, $0x9C3  }
0x50: {  	_ =	swait.ge [sflag:s22], $0x4000;
	s13 =	simm.s32 @!p0 $0x9C3  }
0x51: {  	[sflag:s22] =	ssyncset.done $0x0;
	s13 =	sshll.u32 s13, $0xB  }
0x52: {  	[sflag:s22] =	ssyncadd.s32 $0xFFFFC000;
	s13 =	sadd.s32 s1, s13  }
0x53: {  	[tilespmem:s24], [sflag:$0x1] =	stream.linear.gather [hbm4b:s13+s5], $0x4000, $0x38;
	[tilespmem:$0x1E100] =	vst v63  }
0x54: {  	_ =	swait.ge [sflag:s28], $0x4000  }
0x55: {  	[sflag:s28] =	ssyncset.done $0x0  }
0x56: {  	s13 =	sadd.s32 $0x1580, s12;
	[sflag:s28] =	ssyncadd.s32 $0xFFFFC000  }
0x57: {  	[spmem:s4] =	stream.indirect.scatter.add.f32 [tilespmem:s25], [sflag:$0x3], $0x80, s13, s26, $0xb8;
	[tilespmem:$0x1E100] =	vst v63  }
0x58: {  	s13 =	sadd.s32 $0xFFFFFFFC, s19  }
0x59: {  	p0 =	slt.s32 s13, $0x9C3  }
0x5a: {  	_ =	swait.ge [sflag:s22], $0x4000;
	s13 =	simm.s32 @!p0 $0x9C3  }
0x5b: {  	[sflag:s22] =	ssyncset.done $0x0;
	s13 =	sshll.u32 s13, $0xB  }
0x5c: {  	[sflag:s22] =	ssyncadd.s32 $0xFFFFC000;
	s13 =	sadd.s32 s1, s13  }
0x5d: {  	[tilespmem:s25], [sflag:$0x2] =	stream.linear.gather [hbm4b:s13+s5], $0x4000, $0x38;
	[tilespmem:$0x1E100] =	vst v63  }
0x5e: {  	_ =	swait.ge [sflag:s23], $0x4000  }
0x5f: {  	[sflag:s23] =	ssyncset.done $0x0  }
0x60: {  	s13 =	sadd.s32 $0x1600, s12;
	[sflag:s23] =	ssyncadd.s32 $0xFFFFC000  }
0x61: {  	[spmem:s4] =	stream.indirect.scatter.add.f32 [tilespmem:s24], [sflag:$0x3], $0x80, s13, s26, $0xb8;
	[tilespmem:$0x1E100] =	vst v63  }
0x62: {  	s13 =	sadd.s32 $0xFFFFFFFD, s19  }
0x63: {  	p0 =	slt.s32 s13, $0x9C3  }
0x64: {  	_ =	swait.ge [sflag:s22], $0x4000;
	s13 =	simm.s32 @!p0 $0x9C3  }
0x65: {  	[sflag:s22] =	ssyncset.done $0x0;
	s13 =	sshll.u32 s13, $0xB  }
0x66: {  	[sflag:s22] =	ssyncadd.s32 $0xFFFFC000;
	s13 =	sadd.s32 s1, s13  }
0x67: {  	[tilespmem:s24], [sflag:$0x1] =	stream.linear.gather [hbm4b:s13+s5], $0x4000, $0x38;
	[tilespmem:$0x1E100] =	vst v63  }
0x68: {  	_ =	swait.ge [sflag:s28], $0x4000  }
0x69: {  	[sflag:s28] =	ssyncset.done $0x0  }
0x6a: {  	s13 =	sadd.s32 $0x1680, s12;
	[sflag:s28] =	ssyncadd.s32 $0xFFFFC000  }
0x6b: {  	[spmem:s4] =	stream.indirect.scatter.add.f32 [tilespmem:s25], [sflag:$0x3], $0x80, s13, s26, $0xb8;
	[tilespmem:$0x1E100] =	vst v63  }
0x6c: {  	s13 =	sadd.s32 $0xFFFFFFFE, s19  }
0x6d: {  	p0 =	slt.s32 s13, $0x9C3  }
0x6e: {  	_ =	swait.ge [sflag:s22], $0x4000;
	s13 =	simm.s32 @!p0 $0x9C3  }
0x6f: {  	[sflag:s22] =	ssyncset.done $0x0;
	s13 =	sshll.u32 s13, $0xB  }
0x70: {  	[sflag:s22] =	ssyncadd.s32 $0xFFFFC000;
	s13 =	sadd.s32 s1, s13  }
0x71: {  	[tilespmem:s25], [sflag:$0x2] =	stream.linear.gather [hbm4b:s13+s5], $0x4000, $0x38;
	[tilespmem:$0x1E100] =	vst v63  }
0x72: {  	_ =	swait.ge [sflag:s23], $0x4000  }
0x73: {  	p0 =	seq.s32 s6, $0x4000;
	[sflag:s23] =	ssyncset.done $0x0  }
.Ltmp2:
0x74: {  	s13 =	sadd.s32 $0x1700, s12;
	[sflag:s23] =	ssyncadd.s32 $0xFFFFC000;
	(pc) =	sbr.rel @p0 .LBB2_4-.Ltmp2, $4  }
0x75: {  	[spmem:s4] =	stream.indirect.scatter.add.f32 [tilespmem:s24], [sflag:$0x3], $0x80, s13, s26, $0xb8;
	[tilespmem:$0x1E100] =	vst v63  }
0x76: {  	_ =	swait.ge [sflag:s22], $0x4000  }
0x77: {  	[sflag:s22] =	ssyncset.done $0x0  }
0x78: {  	[sflag:s22] =	ssyncadd.s32 $0xFFFFC000  }
0x79: {  	s13 =	sadd.s32 $0xFFFFFFFF, s19  }
0x7a: {  	p0 =	slt.s32 s13, $0x9C3  }
0x7b: {  	s13 =	simm.s32 @!p0 $0x9C3  }
0x7c: {  	s13 =	sshll.u32 s13, $0xB  }
0x7d: {  	s13 =	sadd.s32 s1, s13  }
0x7e: {  	[tilespmem:s24], [sflag:$0x1] =	stream.linear.gather [hbm4b:s13+s5], $0x4000, $0x38;
	[tilespmem:$0x1E100] =	vst v63  }
0x7f: {  	_ =	swait.ge [sflag:s28], $0x4000  }
0x80: {  	[sflag:s28] =	ssyncset.done $0x0  }
0x81: {  	s12 =	sadd.s32 $0x1780, s12;
	[sflag:s28] =	ssyncadd.s32 $0xFFFFC000  }
0x82: {  	[spmem:s4] =	stream.indirect.scatter.add.f32 [tilespmem:s25], [sflag:$0x3], $0x80, s12, s26, $0xb8;
	[tilespmem:$0x1E100] =	vst v63  }
.Ltmp3:
0x83: {  	p0 =	slt.s32 s19, $0x9C3;
	(pc) =	sbr.rel .LBB2_2-.Ltmp3, $4  }
0x84: {  	s12 =	sadd.s32 $0x8, s19;
	s19 =	simm.s32 @!p0 $0x9C3;
	_ =	swait.ge [sflag:s22], $0x4000  }
0x85: {  	s6 =	sadd.s32 $0x1000, s6;
	s19 =	sshll.u32 s19, $0xB;
	[sflag:s22] =	ssyncset.done $0x0  }
0x86: {  	s13 =	sadd.s32 s1, s19;
	s19 =	smov.u32 s12;
	[sflag:s22] =	ssyncadd.s32 $0xFFFFC000  }
0x87: {  	[tilespmem:s25], [sflag:$0x2] =	stream.linear.gather [hbm4b:s13+s5], $0x4000, $0x38;
	[tilespmem:$0x1E100] =	vst v63  }
.LBB2_4:
0x88: {  	_ =	swait.ge [sflag:s28], $0x4000  }
0x89: {  	[sflag:s28] =	ssyncset.done $0x0  }
0x8a: {  	[sflag:s28] =	ssyncadd.s32 $0xFFFFC000  }
0x8b: {  	[spmem:s4] =	stream.indirect.scatter.add.f32 [tilespmem:s25], [sflag:$0x3], $0x80, s29, s26, $0xb8;
	[tilespmem:$0x1E100] =	vst v63  }
0x8c: {  	_ =	swait.ge [sflag:s22], $0x4000  }
0x8d: {  	[sflag:s22] =	ssyncset.done $0x0  }
0x8e: {  	s6 =	simm.s32 $0x0;
	[sflag:s22] =	ssyncadd.s32 $0xFFFFC000  }
0x8f: {  	[tilespmem:s21], [sflag:$0x3] =	stream.linear.gather [hbm4b:s11+s6], $0x1400, $0x38;
	[tilespmem:$0x1E100] =	vst v63  }
0x90: {  	_ =	swait.ge [sflag:s22], $0x1400  }
0x91: {  	[sflag:s22] =	ssyncset.done $0x0  }
0x92: {  	s12 =	rddreg [dreg:$0x7];
	[sflag:s22] =	ssyncadd.s32 $0xFFFFEC00  }
0x93: {  	[tilespmem:s24], [sflag:$0x1] =	stream.linear.gather [hbm4b:s12+s6], $0x4000, $0x38;
	[tilespmem:$0x1E100] =	vst v63  }
0x94: {  	s19 =	rddreg [dreg:$0x8]  }
0x95: {  	[tilespmem:s25], [sflag:$0x2] =	stream.linear.gather [hbm4b:s19+s6], $0x4000, $0x38;
	[tilespmem:$0x1E100] =	vst v63  }
0x96: {  	s19 =	smov.u32 s20  }
.LBB2_5:
0x97: {  	_ =	swait.ge [sflag:s23], $0x4000  }
0x98: {  	s12 =	sshra.s32 s6, $0x2;
	[sflag:s23] =	ssyncset.done $0x0  }
0x99: {  	s13 =	sadd.s32 $0x1400, s12;
	[sflag:s23] =	ssyncadd.s32 $0xFFFFC000  }
0x9a: {  	[spmem:s4] =	stream.indirect.scatter.add.f32 [tilespmem:s24], [sflag:$0x3], $0x80, s13, s26, $0xb8;
	[tilespmem:$0x1E100] =	vst v63  }
0x9b: {  	s13 =	sadd.s32 $0xFFFFFFF9, s19  }
0x9c: {  	p0 =	slt.s32 s13, $0x9C3  }
0x9d: {  	_ =	swait.ge [sflag:s22], $0x4000;
	s13 =	simm.s32 @!p0 $0x9C3  }
0x9e: {  	[sflag:s22] =	ssyncset.done $0x0;
	s13 =	sshll.u32 s13, $0xB  }
0x9f: {  	[sflag:s22] =	ssyncadd.s32 $0xFFFFC000;
	s13 =	sadd.s32 s1, s13  }
0xa0: {  	[tilespmem:s24], [sflag:$0x1] =	stream.linear.gather [hbm4b:s13+s5], $0x4000, $0x38;
	[tilespmem:$0x1E100] =	vst v63  }
0xa1: {  	_ =	swait.ge [sflag:s28], $0x4000  }
0xa2: {  	[sflag:s28] =	ssyncset.done $0x0  }
0xa3: {  	s13 =	sadd.s32 $0x1480, s12;
	[sflag:s28] =	ssyncadd.s32 $0xFFFFC000  }
0xa4: {  	[spmem:s4] =	stream.indirect.scatter.add.f32 [tilespmem:s25], [sflag:$0x3], $0x80, s13, s26, $0xb8;
	[tilespmem:$0x1E100] =	vst v63  }
0xa5: {  	s13 =	sadd.s32 $0xFFFFFFFA, s19  }
0xa6: {  	p0 =	slt.s32 s13, $0x9C3  }
0xa7: {  	_ =	swait.ge [sflag:s22], $0x4000;
	s13 =	simm.s32 @!p0 $0x9C3  }
0xa8: {  	[sflag:s22] =	ssyncset.done $0x0;
	s13 =	sshll.u32 s13, $0xB  }
0xa9: {  	[sflag:s22] =	ssyncadd.s32 $0xFFFFC000;
	s13 =	sadd.s32 s1, s13  }
0xaa: {  	[tilespmem:s25], [sflag:$0x2] =	stream.linear.gather [hbm4b:s13+s5], $0x4000, $0x38;
	[tilespmem:$0x1E100] =	vst v63  }
0xab: {  	_ =	swait.ge [sflag:s23], $0x4000  }
0xac: {  	[sflag:s23] =	ssyncset.done $0x0  }
0xad: {  	s13 =	sadd.s32 $0x1500, s12;
	[sflag:s23] =	ssyncadd.s32 $0xFFFFC000  }
0xae: {  	[spmem:s4] =	stream.indirect.scatter.add.f32 [tilespmem:s24], [sflag:$0x3], $0x80, s13, s26, $0xb8;
	[tilespmem:$0x1E100] =	vst v63  }
0xaf: {  	s13 =	sadd.s32 $0xFFFFFFFB, s19  }
0xb0: {  	p0 =	slt.s32 s13, $0x9C3  }
0xb1: {  	_ =	swait.ge [sflag:s22], $0x4000;
	s13 =	simm.s32 @!p0 $0x9C3  }
0xb2: {  	[sflag:s22] =	ssyncset.done $0x0;
	s13 =	sshll.u32 s13, $0xB  }
0xb3: {  	[sflag:s22] =	ssyncadd.s32 $0xFFFFC000;
	s13 =	sadd.s32 s1, s13  }
0xb4: {  	[tilespmem:s24], [sflag:$0x1] =	stream.linear.gather [hbm4b:s13+s5], $0x4000, $0x38;
	[tilespmem:$0x1E100] =	vst v63  }
0xb5: {  	_ =	swait.ge [sflag:s28], $0x4000  }
0xb6: {  	[sflag:s28] =	ssyncset.done $0x0  }
0xb7: {  	s13 =	sadd.s32 $0x1580, s12;
	[sflag:s28] =	ssyncadd.s32 $0xFFFFC000  }
0xb8: {  	[spmem:s4] =	stream.indirect.scatter.add.f32 [tilespmem:s25], [sflag:$0x3], $0x80, s13, s26, $0xb8;
	[tilespmem:$0x1E100] =	vst v63  }
0xb9: {  	s13 =	sadd.s32 $0xFFFFFFFC, s19  }
0xba: {  	p0 =	slt.s32 s13, $0x9C3  }
0xbb: {  	_ =	swait.ge [sflag:s22], $0x4000;
	s13 =	simm.s32 @!p0 $0x9C3  }
0xbc: {  	[sflag:s22] =	ssyncset.done $0x0;
	s13 =	sshll.u32 s13, $0xB  }
0xbd: {  	[sflag:s22] =	ssyncadd.s32 $0xFFFFC000;
	s13 =	sadd.s32 s1, s13  }
0xbe: {  	[tilespmem:s25], [sflag:$0x2] =	stream.linear.gather [hbm4b:s13+s5], $0x4000, $0x38;
	[tilespmem:$0x1E100] =	vst v63  }
0xbf: {  	_ =	swait.ge [sflag:s23], $0x4000  }
0xc0: {  	[sflag:s23] =	ssyncset.done $0x0  }
0xc1: {  	s13 =	sadd.s32 $0x1600, s12;
	[sflag:s23] =	ssyncadd.s32 $0xFFFFC000  }
0xc2: {  	[spmem:s4] =	stream.indirect.scatter.add.f32 [tilespmem:s24], [sflag:$0x3], $0x80, s13, s26, $0xb8;
	[tilespmem:$0x1E100] =	vst v63  }
0xc3: {  	s13 =	sadd.s32 $0xFFFFFFFD, s19  }
0xc4: {  	p0 =	slt.s32 s13, $0x9C3  }
0xc5: {  	_ =	swait.ge [sflag:s22], $0x4000;
	s13 =	simm.s32 @!p0 $0x9C3  }
0xc6: {  	[sflag:s22] =	ssyncset.done $0x0;
	s13 =	sshll.u32 s13, $0xB  }
0xc7: {  	[sflag:s22] =	ssyncadd.s32 $0xFFFFC000;
	s13 =	sadd.s32 s1, s13  }
0xc8: {  	[tilespmem:s24], [sflag:$0x1] =	stream.linear.gather [hbm4b:s13+s5], $0x4000, $0x38;
	[tilespmem:$0x1E100] =	vst v63  }
0xc9: {  	_ =	swait.ge [sflag:s28], $0x4000  }
0xca: {  	[sflag:s28] =	ssyncset.done $0x0  }
0xcb: {  	s13 =	sadd.s32 $0x1680, s12;
	[sflag:s28] =	ssyncadd.s32 $0xFFFFC000  }
0xcc: {  	[spmem:s4] =	stream.indirect.scatter.add.f32 [tilespmem:s25], [sflag:$0x3], $0x80, s13, s26, $0xb8;
	[tilespmem:$0x1E100] =	vst v63  }
0xcd: {  	s13 =	sadd.s32 $0xFFFFFFFE, s19  }
0xce: {  	p0 =	slt.s32 s13, $0x9C3  }
0xcf: {  	_ =	swait.ge [sflag:s22], $0x4000;
	s13 =	simm.s32 @!p0 $0x9C3  }
0xd0: {  	[sflag:s22] =	ssyncset.done $0x0;
	s13 =	sshll.u32 s13, $0xB  }
0xd1: {  	[sflag:s22] =	ssyncadd.s32 $0xFFFFC000;
	s13 =	sadd.s32 s1, s13  }
0xd2: {  	[tilespmem:s25], [sflag:$0x2] =	stream.linear.gather [hbm4b:s13+s5], $0x4000, $0x38;
	[tilespmem:$0x1E100] =	vst v63  }
0xd3: {  	_ =	swait.ge [sflag:s23], $0x4000  }
0xd4: {  	p0 =	seq.s32 s6, $0x4000;
	[sflag:s23] =	ssyncset.done $0x0  }
.Ltmp4:
0xd5: {  	s13 =	sadd.s32 $0x1700, s12;
	[sflag:s23] =	ssyncadd.s32 $0xFFFFC000;
	(pc) =	sbr.rel @p0 .LBB2_7-.Ltmp4, $4  }
0xd6: {  	[spmem:s4] =	stream.indirect.scatter.add.f32 [tilespmem:s24], [sflag:$0x3], $0x80, s13, s26, $0xb8;
	[tilespmem:$0x1E100] =	vst v63  }
0xd7: {  	_ =	swait.ge [sflag:s22], $0x4000  }
0xd8: {  	[sflag:s22] =	ssyncset.done $0x0  }
0xd9: {  	[sflag:s22] =	ssyncadd.s32 $0xFFFFC000  }
0xda: {  	s13 =	sadd.s32 $0xFFFFFFFF, s19  }
0xdb: {  	p0 =	slt.s32 s13, $0x9C3  }
0xdc: {  	s13 =	simm.s32 @!p0 $0x9C3  }
0xdd: {  	s13 =	sshll.u32 s13, $0xB  }
0xde: {  	s13 =	sadd.s32 s1, s13  }
0xdf: {  	[tilespmem:s24], [sflag:$0x1] =	stream.linear.gather [hbm4b:s13+s5], $0x4000, $0x38;
	[tilespmem:$0x1E100] =	vst v63  }
0xe0: {  	_ =	swait.ge [sflag:s28], $0x4000  }
0xe1: {  	[sflag:s28] =	ssyncset.done $0x0  }
0xe2: {  	s12 =	sadd.s32 $0x1780, s12;
	[sflag:s28] =	ssyncadd.s32 $0xFFFFC000  }
0xe3: {  	[spmem:s4] =	stream.indirect.scatter.add.f32 [tilespmem:s25], [sflag:$0x3], $0x80, s12, s26, $0xb8;
	[tilespmem:$0x1E100] =	vst v63  }
.Ltmp5:
0xe4: {  	p0 =	slt.s32 s19, $0x9C3;
	(pc) =	sbr.rel .LBB2_5-.Ltmp5, $4  }
0xe5: {  	s12 =	sadd.s32 $0x8, s19;
	s19 =	simm.s32 @!p0 $0x9C3;
	_ =	swait.ge [sflag:s22], $0x4000  }
0xe6: {  	s6 =	sadd.s32 $0x1000, s6;
	s19 =	sshll.u32 s19, $0xB;
	[sflag:s22] =	ssyncset.done $0x0  }
0xe7: {  	s13 =	sadd.s32 s1, s19;
	s19 =	smov.u32 s12;
	[sflag:s22] =	ssyncadd.s32 $0xFFFFC000  }
0xe8: {  	[tilespmem:s25], [sflag:$0x2] =	stream.linear.gather [hbm4b:s13+s5], $0x4000, $0x38;
	[tilespmem:$0x1E100] =	vst v63  }
.LBB2_7:
0xe9: {  	_ =	swait.ge [sflag:s28], $0x4000  }
0xea: {  	[sflag:s28] =	ssyncset.done $0x0  }
0xeb: {  	[sflag:s28] =	ssyncadd.s32 $0xFFFFC000  }
0xec: {  	[spmem:s4] =	stream.indirect.scatter.add.f32 [tilespmem:s25], [sflag:$0x3], $0x80, s29, s26, $0xb8;
	[tilespmem:$0x1E100] =	vst v63  }
0xed: {  	_ =	swait.ge [sflag:s22], $0x4000  }
0xee: {  	[sflag:s22] =	ssyncset.done $0x0  }
0xef: {  	[sflag:s22] =	ssyncadd.s32 $0xFFFFC000  }
0xf0: {  	s3 =	sor.u32 $0x1C03, s3;
	[bflag:$0x0] =	sbarrier.arrive $0xFFFF  }
0xf1: {  	[hbm:s14], [sflag:s3] =	dma.local [spmem:s31], $0x2900  }
0xf2: {  	_ =	swait.ge [sflag:s22], $0x2900  }
0xf3: {  	[sflag:s22] =	ssyncset.done $0x0  }
0xf4: {  	[sflag:s22] =	ssyncadd.s32 $0xFFFFD700  }
0xf5: {  	[bflag:$0x0] =	sbarrier.arrive $0xFFFF  }
0xf6: {  	[spmem:s31], [sflag:s0] =	dma.local [hbm:s7], $0x2900  }
0xf7: {  	s0 =	simm.s32 $0x0  }
0xf8: {  	[tilespmem:s0], [sflag:$0x3] =	stream.linear.gather [hbm4b:s15+s0], $0x1400, $0x38;
	[tilespmem:$0x1E100] =	vst v63  }
0xf9: {  	_ =	swait.ge [sflag:s22], $0x1400  }
0xfa: {  	[sflag:s22] =	ssyncset.done $0x0  }
0xfb: {  	[sflag:s22] =	ssyncadd.s32 $0xFFFFEC00  }
0xfc: {  	[tilespmem:s21], [sflag:$0x3] =	stream.linear.gather [hbm4b:s9+s0], $0x1400, $0x38;
	[tilespmem:$0x1E100] =	vst v63  }
0xfd: {  	_ =	swait.ge [sflag:s22], $0x1400  }
0xfe: {  	[sflag:s22] =	ssyncset.done $0x0  }
0xff: {  	[sflag:s22] =	ssyncadd.s32 $0xFFFFEC00  }
0x100: {  	_ =	swait.ge [sflag:s23], $0x2900  }
0x101: {  	[sflag:s23] =	ssyncset.done $0x0  }
0x102: {  	[sflag:s23] =	ssyncadd.s32 $0xFFFFD700  }
0x103: {  	[bflag:$0x0] =	sbarrier.arrive $0xFFFF  }
0x104: {  	[tilespmem:s24], [sflag:$0x1] =	stream.indirect.gather [hbm4b:s2+s26], $0x80, s0, s26, $0xb8;
	[tilespmem:$0x1E100] =	vst v63  }
0x105: {  	_ = 	snop  }
0x106: {  	[tilespmem:s25], [sflag:$0x2] =	stream.indirect.gather [hbm4b:s2+s26], $0x80, s26, s26, $0xb8;
	[tilespmem:$0x1E100] =	vst v63  }
.LBB2_8:
0x107: {  	_ =	swait.ge [sflag:s23], $0x4000  }
0x108: {  	s6 =	sshra.s32 s0, $0x2;
	[sflag:s23] =	ssyncset.done $0x0  }
0x109: {  	s12 =	sadd.s32 $0x1400, s6;
	[sflag:s23] =	ssyncadd.s32 $0xFFFFC000  }
0x10a: {  	[spmem:s4] =	stream.indirect.scatter.add.f32 [tilespmem:s24], [sflag:$0x3], $0x80, s12, s26, $0xb8;
	[tilespmem:$0x1E100] =	vst v63  }
0x10b: {  	_ =	swait.ge [sflag:s22], $0x4000  }
0x10c: {  	[sflag:s22] =	ssyncset.done $0x0  }
0x10d: {  	s13 =	sadd.s32 $0x100, s6;
	[sflag:s22] =	ssyncadd.s32 $0xFFFFC000  }
0x10e: {  	[tilespmem:s24], [sflag:$0x1] =	stream.indirect.gather [hbm4b:s2+s26], $0x80, s13, s26, $0xb8;
	[tilespmem:$0x1E100] =	vst v63  }
0x10f: {  	_ =	swait.ge [sflag:s28], $0x4000  }
0x110: {  	[sflag:s28] =	ssyncset.done $0x0  }
0x111: {  	s19 =	sadd.s32 $0x1480, s6;
	[sflag:s28] =	ssyncadd.s32 $0xFFFFC000  }
0x112: {  	[spmem:s4] =	stream.indirect.scatter.add.f32 [tilespmem:s25], [sflag:$0x3], $0x80, s19, s26, $0xb8;
	[tilespmem:$0x1E100] =	vst v63  }
0x113: {  	_ =	swait.ge [sflag:s22], $0x4000  }
0x114: {  	[sflag:s22] =	ssyncset.done $0x0  }
0x115: {  	s13 =	sadd.s32 $0x180, s6;
	[sflag:s22] =	ssyncadd.s32 $0xFFFFC000  }
0x116: {  	[tilespmem:s25], [sflag:$0x2] =	stream.indirect.gather [hbm4b:s2+s26], $0x80, s13, s26, $0xb8;
	[tilespmem:$0x1E100] =	vst v63  }
0x117: {  	_ =	swait.ge [sflag:s23], $0x4000  }
0x118: {  	[sflag:s23] =	ssyncset.done $0x0  }
0x119: {  	s19 =	sadd.s32 $0x1500, s6;
	[sflag:s23] =	ssyncadd.s32 $0xFFFFC000  }
0x11a: {  	[spmem:s4] =	stream.indirect.scatter.add.f32 [tilespmem:s24], [sflag:$0x3], $0x80, s19, s26, $0xb8;
	[tilespmem:$0x1E100] =	vst v63  }
0x11b: {  	_ =	swait.ge [sflag:s22], $0x4000  }
0x11c: {  	[sflag:s22] =	ssyncset.done $0x0  }
0x11d: {  	s13 =	sadd.s32 $0x200, s6;
	[sflag:s22] =	ssyncadd.s32 $0xFFFFC000  }
0x11e: {  	[tilespmem:s24], [sflag:$0x1] =	stream.indirect.gather [hbm4b:s2+s26], $0x80, s13, s26, $0xb8;
	[tilespmem:$0x1E100] =	vst v63  }
0x11f: {  	_ =	swait.ge [sflag:s28], $0x4000  }
0x120: {  	[sflag:s28] =	ssyncset.done $0x0  }
0x121: {  	s19 =	sadd.s32 $0x1580, s6;
	[sflag:s28] =	ssyncadd.s32 $0xFFFFC000  }
0x122: {  	[spmem:s4] =	stream.indirect.scatter.add.f32 [tilespmem:s25], [sflag:$0x3], $0x80, s19, s26, $0xb8;
	[tilespmem:$0x1E100] =	vst v63  }
0x123: {  	_ =	swait.ge [sflag:s22], $0x4000  }
0x124: {  	[sflag:s22] =	ssyncset.done $0x0  }
0x125: {  	s13 =	sadd.s32 $0x280, s6;
	[sflag:s22] =	ssyncadd.s32 $0xFFFFC000  }
0x126: {  	[tilespmem:s25], [sflag:$0x2] =	stream.indirect.gather [hbm4b:s2+s26], $0x80, s13, s26, $0xb8;
	[tilespmem:$0x1E100] =	vst v63  }
0x127: {  	_ =	swait.ge [sflag:s23], $0x4000  }
0x128: {  	[sflag:s23] =	ssyncset.done $0x0  }
0x129: {  	s19 =	sadd.s32 $0x1600, s6;
	[sflag:s23] =	ssyncadd.s32 $0xFFFFC000  }
0x12a: {  	[spmem:s4] =	stream.indirect.scatter.add.f32 [tilespmem:s24], [sflag:$0x3], $0x80, s19, s26, $0xb8;
	[tilespmem:$0x1E100] =	vst v63  }
0x12b: {  	_ =	swait.ge [sflag:s22], $0x4000  }
0x12c: {  	[sflag:s22] =	ssyncset.done $0x0  }
0x12d: {  	s13 =	sadd.s32 $0x300, s6;
	[sflag:s22] =	ssyncadd.s32 $0xFFFFC000  }
0x12e: {  	[tilespmem:s24], [sflag:$0x1] =	stream.indirect.gather [hbm4b:s2+s26], $0x80, s13, s26, $0xb8;
	[tilespmem:$0x1E100] =	vst v63  }
0x12f: {  	_ =	swait.ge [sflag:s28], $0x4000  }
0x130: {  	[sflag:s28] =	ssyncset.done $0x0  }
0x131: {  	s19 =	sadd.s32 $0x1680, s6;
	[sflag:s28] =	ssyncadd.s32 $0xFFFFC000  }
0x132: {  	[spmem:s4] =	stream.indirect.scatter.add.f32 [tilespmem:s25], [sflag:$0x3], $0x80, s19, s26, $0xb8;
	[tilespmem:$0x1E100] =	vst v63  }
0x133: {  	_ =	swait.ge [sflag:s22], $0x4000  }
0x134: {  	[sflag:s22] =	ssyncset.done $0x0  }
0x135: {  	s13 =	sadd.s32 $0x380, s6;
	[sflag:s22] =	ssyncadd.s32 $0xFFFFC000  }
0x136: {  	[tilespmem:s25], [sflag:$0x2] =	stream.indirect.gather [hbm4b:s2+s26], $0x80, s13, s26, $0xb8;
	[tilespmem:$0x1E100] =	vst v63  }
0x137: {  	_ =	swait.ge [sflag:s23], $0x4000  }
0x138: {  	p0 =	seq.s32 s0, $0x4000;
	[sflag:s23] =	ssyncset.done $0x0  }
.Ltmp6:
0x139: {  	s19 =	sadd.s32 $0x1700, s6;
	[sflag:s23] =	ssyncadd.s32 $0xFFFFC000;
	(pc) =	sbr.rel @p0 .LBB2_10-.Ltmp6, $4  }
0x13a: {  	[spmem:s4] =	stream.indirect.scatter.add.f32 [tilespmem:s24], [sflag:$0x3], $0x80, s19, s26, $0xb8;
	[tilespmem:$0x1E100] =	vst v63  }
0x13b: {  	_ =	swait.ge [sflag:s22], $0x4000  }
0x13c: {  	[sflag:s22] =	ssyncset.done $0x0  }
0x13d: {  	s12 =	sadd.s32 $0x1780, s6;
	[sflag:s22] =	ssyncadd.s32 $0xFFFFC000  }
0x13e: {  	s13 =	sadd.s32 $0x400, s6  }
0x13f: {  	[tilespmem:s24], [sflag:$0x1] =	stream.indirect.gather [hbm4b:s2+s26], $0x80, s13, s26, $0xb8;
	[tilespmem:$0x1E100] =	vst v63  }
0x140: {  	_ =	swait.ge [sflag:s28], $0x4000  }
0x141: {  	[sflag:s28] =	ssyncset.done $0x0  }
0x142: {  	[sflag:s28] =	ssyncadd.s32 $0xFFFFC000  }
0x143: {  	[spmem:s4] =	stream.indirect.scatter.add.f32 [tilespmem:s25], [sflag:$0x3], $0x80, s12, s26, $0xb8;
	[tilespmem:$0x1E100] =	vst v63  }
.Ltmp7:
0x144: {  	_ = 	snop;
	(pc) =	sbr.rel .LBB2_8-.Ltmp7, $4  }
0x145: {  	_ =	swait.ge [sflag:s22], $0x4000  }
0x146: {  	[sflag:s22] =	ssyncset.done $0x0  }
0x147: {  	s19 =	sadd.s32 $0x480, s6;
	s0 =	sadd.s32 $0x1000, s0;
	[sflag:s22] =	ssyncadd.s32 $0xFFFFC000  }
0x148: {  	[tilespmem:s25], [sflag:$0x2] =	stream.indirect.gather [hbm4b:s2+s26], $0x80, s19, s26, $0xb8;
	[tilespmem:$0x1E100] =	vst v63  }
.LBB2_10:
0x149: {  	_ =	swait.ge [sflag:s28], $0x4000  }
0x14a: {  	[sflag:s28] =	ssyncset.done $0x0  }
0x14b: {  	[sflag:s28] =	ssyncadd.s32 $0xFFFFC000  }
0x14c: {  	[spmem:s4] =	stream.indirect.scatter.add.f32 [tilespmem:s25], [sflag:$0x3], $0x80, s12, s26, $0xb8;
	[tilespmem:$0x1E100] =	vst v63  }
0x14d: {  	_ =	swait.ge [sflag:s22], $0x4000  }
0x14e: {  	[sflag:s22] =	ssyncset.done $0x0  }
0x14f: {  	s0 =	simm.s32 $0x0;
	[sflag:s22] =	ssyncadd.s32 $0xFFFFC000  }
0x150: {  	[tilespmem:s0], [sflag:$0x3] =	stream.linear.gather [hbm4b:s16+s0], $0x1400, $0x38;
	[tilespmem:$0x1E100] =	vst v63  }
0x151: {  	_ =	swait.ge [sflag:s22], $0x1400  }
0x152: {  	[sflag:s22] =	ssyncset.done $0x0  }
0x153: {  	[sflag:s22] =	ssyncadd.s32 $0xFFFFEC00  }
0x154: {  	[tilespmem:s21], [sflag:$0x3] =	stream.linear.gather [hbm4b:s11+s0], $0x1400, $0x38;
	[tilespmem:$0x1E100] =	vst v63  }
0x155: {  	_ =	swait.ge [sflag:s22], $0x1400  }
0x156: {  	[sflag:s22] =	ssyncset.done $0x0  }
0x157: {  	[sflag:s22] =	ssyncadd.s32 $0xFFFFEC00  }
0x158: {  	[tilespmem:s24], [sflag:$0x1] =	stream.indirect.gather [hbm4b:s2+s26], $0x80, s0, s26, $0xb8;
	[tilespmem:$0x1E100] =	vst v63  }
0x159: {  	_ = 	snop  }
0x15a: {  	[tilespmem:s25], [sflag:$0x2] =	stream.indirect.gather [hbm4b:s2+s26], $0x80, s26, s26, $0xb8;
	[tilespmem:$0x1E100] =	vst v63  }
.LBB2_11:
0x15b: {  	_ =	swait.ge [sflag:s23], $0x4000  }
0x15c: {  	s6 =	sshra.s32 s0, $0x2;
	[sflag:s23] =	ssyncset.done $0x0  }
0x15d: {  	s12 =	sadd.s32 $0x1400, s6;
	[sflag:s23] =	ssyncadd.s32 $0xFFFFC000  }
0x15e: {  	[spmem:s4] =	stream.indirect.scatter.add.f32 [tilespmem:s24], [sflag:$0x3], $0x80, s12, s26, $0xb8;
	[tilespmem:$0x1E100] =	vst v63  }
0x15f: {  	_ =	swait.ge [sflag:s22], $0x4000  }
0x160: {  	[sflag:s22] =	ssyncset.done $0x0  }
0x161: {  	s13 =	sadd.s32 $0x100, s6;
	[sflag:s22] =	ssyncadd.s32 $0xFFFFC000  }
0x162: {  	[tilespmem:s24], [sflag:$0x1] =	stream.indirect.gather [hbm4b:s2+s26], $0x80, s13, s26, $0xb8;
	[tilespmem:$0x1E100] =	vst v63  }
0x163: {  	_ =	swait.ge [sflag:s28], $0x4000  }
0x164: {  	[sflag:s28] =	ssyncset.done $0x0  }
0x165: {  	s19 =	sadd.s32 $0x1480, s6;
	[sflag:s28] =	ssyncadd.s32 $0xFFFFC000  }
0x166: {  	[spmem:s4] =	stream.indirect.scatter.add.f32 [tilespmem:s25], [sflag:$0x3], $0x80, s19, s26, $0xb8;
	[tilespmem:$0x1E100] =	vst v63  }
0x167: {  	_ =	swait.ge [sflag:s22], $0x4000  }
0x168: {  	[sflag:s22] =	ssyncset.done $0x0  }
0x169: {  	s13 =	sadd.s32 $0x180, s6;
	[sflag:s22] =	ssyncadd.s32 $0xFFFFC000  }
0x16a: {  	[tilespmem:s25], [sflag:$0x2] =	stream.indirect.gather [hbm4b:s2+s26], $0x80, s13, s26, $0xb8;
	[tilespmem:$0x1E100] =	vst v63  }
0x16b: {  	_ =	swait.ge [sflag:s23], $0x4000  }
0x16c: {  	[sflag:s23] =	ssyncset.done $0x0  }
0x16d: {  	s19 =	sadd.s32 $0x1500, s6;
	[sflag:s23] =	ssyncadd.s32 $0xFFFFC000  }
0x16e: {  	[spmem:s4] =	stream.indirect.scatter.add.f32 [tilespmem:s24], [sflag:$0x3], $0x80, s19, s26, $0xb8;
	[tilespmem:$0x1E100] =	vst v63  }
0x16f: {  	_ =	swait.ge [sflag:s22], $0x4000  }
0x170: {  	[sflag:s22] =	ssyncset.done $0x0  }
0x171: {  	s13 =	sadd.s32 $0x200, s6;
	[sflag:s22] =	ssyncadd.s32 $0xFFFFC000  }
0x172: {  	[tilespmem:s24], [sflag:$0x1] =	stream.indirect.gather [hbm4b:s2+s26], $0x80, s13, s26, $0xb8;
	[tilespmem:$0x1E100] =	vst v63  }
0x173: {  	_ =	swait.ge [sflag:s28], $0x4000  }
0x174: {  	[sflag:s28] =	ssyncset.done $0x0  }
0x175: {  	s19 =	sadd.s32 $0x1580, s6;
	[sflag:s28] =	ssyncadd.s32 $0xFFFFC000  }
0x176: {  	[spmem:s4] =	stream.indirect.scatter.add.f32 [tilespmem:s25], [sflag:$0x3], $0x80, s19, s26, $0xb8;
	[tilespmem:$0x1E100] =	vst v63  }
0x177: {  	_ =	swait.ge [sflag:s22], $0x4000  }
0x178: {  	[sflag:s22] =	ssyncset.done $0x0  }
0x179: {  	s13 =	sadd.s32 $0x280, s6;
	[sflag:s22] =	ssyncadd.s32 $0xFFFFC000  }
0x17a: {  	[tilespmem:s25], [sflag:$0x2] =	stream.indirect.gather [hbm4b:s2+s26], $0x80, s13, s26, $0xb8;
	[tilespmem:$0x1E100] =	vst v63  }
0x17b: {  	_ =	swait.ge [sflag:s23], $0x4000  }
0x17c: {  	[sflag:s23] =	ssyncset.done $0x0  }
0x17d: {  	s19 =	sadd.s32 $0x1600, s6;
	[sflag:s23] =	ssyncadd.s32 $0xFFFFC000  }
0x17e: {  	[spmem:s4] =	stream.indirect.scatter.add.f32 [tilespmem:s24], [sflag:$0x3], $0x80, s19, s26, $0xb8;
	[tilespmem:$0x1E100] =	vst v63  }
0x17f: {  	_ =	swait.ge [sflag:s22], $0x4000  }
0x180: {  	[sflag:s22] =	ssyncset.done $0x0  }
0x181: {  	s13 =	sadd.s32 $0x300, s6;
	[sflag:s22] =	ssyncadd.s32 $0xFFFFC000  }
0x182: {  	[tilespmem:s24], [sflag:$0x1] =	stream.indirect.gather [hbm4b:s2+s26], $0x80, s13, s26, $0xb8;
	[tilespmem:$0x1E100] =	vst v63  }
0x183: {  	_ =	swait.ge [sflag:s28], $0x4000  }
0x184: {  	[sflag:s28] =	ssyncset.done $0x0  }
0x185: {  	s19 =	sadd.s32 $0x1680, s6;
	[sflag:s28] =	ssyncadd.s32 $0xFFFFC000  }
0x186: {  	[spmem:s4] =	stream.indirect.scatter.add.f32 [tilespmem:s25], [sflag:$0x3], $0x80, s19, s26, $0xb8;
	[tilespmem:$0x1E100] =	vst v63  }
0x187: {  	_ =	swait.ge [sflag:s22], $0x4000  }
0x188: {  	[sflag:s22] =	ssyncset.done $0x0  }
0x189: {  	s13 =	sadd.s32 $0x380, s6;
	[sflag:s22] =	ssyncadd.s32 $0xFFFFC000  }
0x18a: {  	[tilespmem:s25], [sflag:$0x2] =	stream.indirect.gather [hbm4b:s2+s26], $0x80, s13, s26, $0xb8;
	[tilespmem:$0x1E100] =	vst v63  }
0x18b: {  	_ =	swait.ge [sflag:s23], $0x4000  }
0x18c: {  	p0 =	seq.s32 s0, $0x4000;
	[sflag:s23] =	ssyncset.done $0x0  }
.Ltmp8:
0x18d: {  	s19 =	sadd.s32 $0x1700, s6;
	[sflag:s23] =	ssyncadd.s32 $0xFFFFC000;
	(pc) =	sbr.rel @p0 .LBB2_13-.Ltmp8, $4  }
0x18e: {  	[spmem:s4] =	stream.indirect.scatter.add.f32 [tilespmem:s24], [sflag:$0x3], $0x80, s19, s26, $0xb8;
	[tilespmem:$0x1E100] =	vst v63  }
0x18f: {  	_ =	swait.ge [sflag:s22], $0x4000  }
0x190: {  	[sflag:s22] =	ssyncset.done $0x0  }
0x191: {  	s12 =	sadd.s32 $0x1780, s6;
	[sflag:s22] =	ssyncadd.s32 $0xFFFFC000  }
0x192: {  	s13 =	sadd.s32 $0x400, s6  }
0x193: {  	[tilespmem:s24], [sflag:$0x1] =	stream.indirect.gather [hbm4b:s2+s26], $0x80, s13, s26, $0xb8;
	[tilespmem:$0x1E100] =	vst v63  }
0x194: {  	_ =	swait.ge [sflag:s28], $0x4000  }
0x195: {  	[sflag:s28] =	ssyncset.done $0x0  }
0x196: {  	[sflag:s28] =	ssyncadd.s32 $0xFFFFC000  }
0x197: {  	[spmem:s4] =	stream.indirect.scatter.add.f32 [tilespmem:s25], [sflag:$0x3], $0x80, s12, s26, $0xb8;
	[tilespmem:$0x1E100] =	vst v63  }
.Ltmp9:
0x198: {  	_ = 	snop;
	(pc) =	sbr.rel .LBB2_11-.Ltmp9, $4  }
0x199: {  	_ =	swait.ge [sflag:s22], $0x4000  }
0x19a: {  	[sflag:s22] =	ssyncset.done $0x0  }
0x19b: {  	s19 =	sadd.s32 $0x480, s6;
	s0 =	sadd.s32 $0x1000, s0;
	[sflag:s22] =	ssyncadd.s32 $0xFFFFC000  }
0x19c: {  	[tilespmem:s25], [sflag:$0x2] =	stream.indirect.gather [hbm4b:s2+s26], $0x80, s19, s26, $0xb8;
	[tilespmem:$0x1E100] =	vst v63  }
.LBB2_14:
0x19d: {  	_ =	sfence.sel $0x180000  }
0x19e: {  	[bflag:$0x0] =	sbarrier.arrive $0xFFFF  }
0x19f: {  	_ =	strace $0x90000047  }
0x1a0: {  	s0 =	stileid.u32;
	[bflag:$0x2] =	sbarrier.arrive $0xFFFF  }
0x1a1: {  	p0 =	sne.s32 s0, $0x0;
	s0 =	rddreg [dreg:$0x4]  }
0x1a2: {  	s0 =	sadd.s32 @!p0 $0x100000, s0  }
0x1a3: {  	[sflag:s0] =	ssyncadd.tile.s32 @!p0 $0x1;
	_ =	shalt  }
.Lfunc_end2:
_tile_overlayer_lowered:
.L_overlay_start_2:
0x1a4: {  	(tag) =	ssettag $0x2  }
0x1a5: {  	s0 =	rddreg [dreg:$0x0];
	s2 =	stileid.u32  }
0x1a6: {  	s1 =	rddreg [dreg:$0x1];
	p0 =	sne.s32 s2, $0x0  }
0x1a7: {  	s3 =	rddreg [dreg:$0x2];
	[bflag:$0x3] =	sbarrier.arrive $0xFFFF;
	s2 =	simm.s32 @!p0 $0x1C03  }
0x1a8: {  	[timem:s3], [sflag:s2] =	dma.local @!p0 [hbm:s0], s1  }
0x1a9: {  	s0 =	simm.s32 @!p0 $0x3  }
0x1aa: {  	_ =	swait.ge @!p0 [sflag:s0], s1  }
0x1ab: {  	s1 =	ssub.s32 @!p0 $0x0, s1;
	[sflag:s0] =	ssyncset.done @!p0 $0x0  }
0x1ac: {  	[sflag:s0] =	ssyncadd.s32 @!p0 s1  }
0x1ad: {  	[bflag:$0x3] =	sbarrier.arrive $0xFFFF  }
0x1ae: {  	_ =	shalt  }

// kernel: kernel.9.cloned.1.call-start
scs
__scs_entry_jumppad:
0x0: {  	(pc) =	sbr.rel $0x88, $3  }
0x1: {  	(tag) =	ssettag $0x0;
	lr =	simm.s32 $0x1  }
0x2: {  	[smem:$0x3F96] =	sst lr;
	_ =	strace $0xD0000000  }
0x3: {  	_ = 	snop  }
0x4: {  	_ = 	snop  }
0x5: {  	_ = 	snop  }
0x6: {  	_ = 	snop  }
0x7: {  	_ = 	snop  }
__scs_overlays_trampoline_lowered:
0x8: {  	[smem:$0x3FA5] =	sst s0  }
0x9: {  	[smem:$0x3FA6] =	sst s1  }
0xa: {  	[smem:$0x3FA7] =	sst s2  }
0xb: {  	[smem:$0x3FA8] =	sst s3  }
0xc: {  	[smem:$0x3FA9] =	sst s4  }
0xd: {  	[smem:$0x3FAA] =	sst s5  }
0xe: {  	[smem:$0x3FAB] =	sst s6  }
0xf: {  	[smem:$0x3FAC] =	sst s7  }
0x10: {  	[smem:$0x3FAD] =	sst s8  }
0x11: {  	[smem:$0x3FAE] =	sst s9;
	s0 =	simm.s32 @!p0 $0x0  }
0x12: {  	s1 =	sld [smem:$0x3F94];
	s0 =	simm.s32 @p0 $0x1  }
0x13: {  	[smem:$0x3FAF] =	sst s0;
	s0 =	simm.s32 @!p1 $0x0  }
0x14: {  	s2 =	sld [smem:$0x3F93];
	s0 =	simm.s32 @p1 $0x1  }
0x15: {  	[smem:$0x3FB0] =	sst s0;
	s0 =	simm.s32 @!p2 $0x0  }
0x16: {  	s3 =	sld [smem:$0x3FDB];
	s0 =	simm.s32 @p2 $0x1  }
0x17: {  	s4 =	simm.s32 $0x1BF5;
	[smem:$0x3FB2] =	sst s0  }
0x18: {  	s0 =	sld [smem:$0x3F95];
	_ =	swait.ge [sflag:s4], $0x0  }
0x19: {  	s7 =	sld [smem:$0x3F96]  }
0x1a: {  	s8 =	sadd.s32 $0xFFFFE003, lr  }
0x1b: {  	s9 =	sadd.s32 $0xFFFFFEF7, lr;
	s5 =	simm.s32 $0xFFFFFFFF;
	p2 =	slt.u32 s8, $0xFFFFF086  }
0x1c: {  	p1 =	slt.u32 s9, $0xF7A;
	s5 =	simm.s32 @!p2 $0x0  }
0x1d: {  	s5 =	simm.s32 @p1 $0x1;
	p0 =	seq.s32 s7, s2  }
0x1e: {  	s7 =	smul.u32 @!p0 $0xF7A, s2;
	p2 =	seq.s32 @!p0 s5, $0x0  }
0x1f: {  	s9 =	smul.u32 $0xF7A, s1;
	s8 =	simm.s32 @!p0 $0x1BF5;
	p2 =	por !p2, p0  }
0x20: {  	[sflag:s8] =	ssyncset.s32 @!p0 $0xFFFFF086;
	s6 =	sadd.s32 @!p0 s3, s7;
	s7 =	simm.s32 @!p0 $0x108  }
0x21: {  	s3 =	sadd.s32 s3, s9;
	s6 =	sadd.s32 @!p0 $0x88, s6;
	s7 =	simm.s32 @p2 $0x1082  }
0x22: {  	[simem:s7], [sflag:s8] =	dma.local @!p0 [hbm:s6], $0xF7A  }
0x23: {  	s9 =	sor.u32 $0xD0000000, s2;
	s6 =	simm.s32 $0x108;
	_ =	swait.ge @!p0 [sflag:s8], $0x0  }
0x24: {  	s3 =	sadd.s32 $0x88, s3;
	s6 =	simm.s32 @!p1 $0x1082;
	[sflag:s4] =	ssyncset.s32 $0xFFFFF086  }
0x25: {  	[simem:s6], [sflag:s4] =	dma.local [hbm:s3], $0xF7A  }
0x26: {  	[smem:$0x3F96] =	sst s1;
	(tag) =	ssettag s2;
	_ =	strace s9  }
0x27: {  	s1 =	sld [smem:$0x3FA6]  }
0x28: {  	s2 =	sld [smem:$0x3FA7]  }
0x29: {  	s4 =	sld [smem:$0x3FA9]  }
0x2a: {  	p0 =	seq.s32 s5, $0x0;
	s5 =	sld [smem:$0x3FAA]  }
0x2b: {  	s6 =	sld [smem:$0x3FAB]  }
0x2c: {  	s7 =	sld [smem:$0x3FAC]  }
0x2d: {  	s3 =	simm.s32 $0x108;
	s8 =	sld [smem:$0x3FAD]  }
0x2e: {  	s3 =	simm.s32 @!p0 $0x1082;
	s9 =	sld [smem:$0x3FAE]  }
0x2f: {  	lr =	sadd.s32 s0, s3;
	s0 =	sld [smem:$0x3FA5]  }
0x30: {  	s3 =	sld [smem:$0x3FA8]  }
0x31: {  	[smem:$0x3FB1] =	sst s10  }
0x32: {  	s10 =	sld [smem:$0x3FAF];
	_ =	sdelay $0x3  }
0x33: {  	p0 =	seq.s32 s10, $0x1;
	s10 =	sld [smem:$0x3FB1];
	_ =	sdelay $0x3  }
0x34: {  	[smem:$0x3FB1] =	sst s10  }
0x35: {  	s10 =	sld [smem:$0x3FB0];
	_ =	sdelay $0x3  }
0x36: {  	p1 =	seq.s32 s10, $0x1;
	s10 =	sld [smem:$0x3FB1];
	_ =	sdelay $0x3  }
0x37: {  	[smem:$0x3FB1] =	sst s10  }
0x38: {  	s10 =	sld [smem:$0x3FB2]  }
0x39: {  	_ = 	snop;
	(pc) =	sbr.ind lr, $3  }
0x3a: {  	_ = 	snop  }
0x3b: {  	_ = 	snop  }
0x3c: {  	p2 =	seq.s32 s10, $0x1;
	s10 =	sld [smem:$0x3FB1]  }
0x3d: {  	_ =	shalt  }
0x3e: {  	_ =	shalt  }
0x3f: {  	_ =	shalt  }
0x40: {  	_ =	shalt  }
0x41: {  	_ =	shalt  }
0x42: {  	_ =	shalt  }
0x43: {  	_ =	shalt  }
0x44: {  	_ =	shalt  }
0x45: {  	_ =	shalt  }
0x46: {  	_ =	shalt  }
0x47: {  	_ =	shalt  }
0x48: {  	_ =	shalt  }
0x49: {  	_ =	shalt  }
0x4a: {  	_ =	shalt  }
0x4b: {  	_ =	shalt  }
0x4c: {  	_ =	shalt  }
0x4d: {  	_ =	shalt  }
0x4e: {  	_ =	shalt  }
0x4f: {  	_ =	shalt  }
0x50: {  	_ =	shalt  }
0x51: {  	_ =	shalt  }
0x52: {  	_ =	shalt  }
0x53: {  	_ =	shalt  }
0x54: {  	_ =	shalt  }
0x55: {  	_ =	shalt  }
0x56: {  	_ =	shalt  }
0x57: {  	_ =	shalt  }
0x58: {  	_ =	shalt  }
0x59: {  	_ =	shalt  }
0x5a: {  	_ =	shalt  }
0x5b: {  	_ =	shalt  }
0x5c: {  	_ =	shalt  }
0x5d: {  	_ =	shalt  }
0x5e: {  	_ =	shalt  }
0x5f: {  	_ =	shalt  }
0x60: {  	_ =	shalt  }
0x61: {  	_ =	shalt  }
0x62: {  	_ =	shalt  }
0x63: {  	_ =	shalt  }
0x64: {  	_ =	shalt  }
0x65: {  	_ =	shalt  }
0x66: {  	_ =	shalt  }
0x67: {  	_ =	shalt  }
0x68: {  	_ =	shalt  }
0x69: {  	_ =	shalt  }
0x6a: {  	_ =	shalt  }
0x6b: {  	_ =	shalt  }
0x6c: {  	_ =	shalt  }
0x6d: {  	_ =	shalt  }
0x6e: {  	_ =	shalt  }
0x6f: {  	_ =	shalt  }
0x70: {  	_ =	shalt  }
0x71: {  	_ =	shalt  }
0x72: {  	_ =	shalt  }
0x73: {  	_ =	shalt  }
0x74: {  	_ =	shalt  }
0x75: {  	_ =	shalt  }
0x76: {  	_ =	shalt  }
0x77: {  	_ =	shalt  }
0x78: {  	_ =	shalt  }
0x79: {  	_ =	shalt  }
0x7a: {  	_ =	shalt  }
0x7b: {  	_ =	shalt  }
0x7c: {  	_ =	shalt  }
0x7d: {  	_ =	shalt  }
0x7e: {  	_ =	shalt  }
0x7f: {  	_ =	shalt  }
0x80: {  	_ =	shalt  }
0x81: {  	_ =	shalt  }
0x82: {  	_ =	shalt  }
0x83: {  	_ =	shalt  }
0x84: {  	_ =	shalt  }
0x85: {  	_ =	shalt  }
0x86: {  	_ =	shalt  }
0x87: {  	_ =	shalt  }
.Lfunc_end0:
.L_simem_size_0:
called_computation.1_lowered:
.L_overlay_start_0:
0x88: {  	s2 =	sld [smem:$0x3FD9]  }
0x89: {  	s3 =	sld [smem:$0x3FFE];
	_ =	sdelay $0x1  }
0x8a: {  	s1 =	srdreg.scid  }
0x8b: {  	s0 =	sand.u32 $0x1, s1  }
0x8c: {  	s17 =	sshll.u32 s0, $0xA;
	s2 =	sadd.s32 s3, s2  }
0x8d: {  	s2 =	sadd.s32 s2, s17  }
0x8e: {  	[smem:$0x3FBD] =	sst s2  }
0x8f: {  	_ = 	snop  }
0x90: {  	s2 =	sld [smem:$0x3FD0];
	(tm) =	ssettm $0x1  }
0x91: {  	s18 =	sld [smem:$0x3FFB];
	_ =	sdelay $0x3  }
0x92: {  	_ =	strace s18  }
0x93: {  	s3 =	sld [smem:$0x3FFC];
	_ =	sdelay $0x3  }
0x94: {  	_ =	strace s3  }
0x95: {  	s3 =	sld [smem:$0x3FFD];
	_ =	sdelay $0x3  }
0x96: {  	_ =	strace s3  }
0x97: {  	_ =	strace $0x8FFFFFFF  }
0x98: {  	s19 =	sld [smem:$0x3FDB];
	_ =	sdelay $0x1  }
0x99: {  	s4 =	simm.s32 $_scs_section_size  }
0x9a: {  	s5 =	simm.s32 $_size__tile_overlayer_lowered;
	s6 =	simm.s32 $_tile_overlayer_lowered  }
0x9b: {  	s22 =	simm.s32 $0x1BFF;
	s21 =	sshll.u32 s6, $0x1;
	s3 =	sadd.s32 s4, s19  }
0x9c: {  	s7 =	simm.s32 $0x0;
	s20 =	sshll.u32 s5, $0x1;
	s5 =	sadd.s32 s21, s3  }
0x9d: {  	[timem:s7], [sflag:s22] =	dma.local [hbm:s5], s20  }
0x9e: {  	_ =	swait.ge [sflag:s22], s20  }
0x9f: {  	s4 =	ssub.s32 $0x0, s20;
	[sflag:s22] =	ssyncset.done $0x0  }
0xa0: {  	[sflag:s22] =	ssyncadd.s32 s4;
	_ =	sdelay $0x1  }
0xa1: {  	s23 =	simm.s32 $0x1B8B  }
0xa2: {  	_ =	swait.ge [sflag:s23], $0x1  }
0xa3: {  	[sflag:s23] =	ssyncset.done $0x0  }
0xa4: {  	s25 =	simm.s32 $0x1B8E;
	s24 =	sld [smem:$0x3FFE];
	[sflag:s23] =	ssyncadd.s32 $0xFFFFFFFF  }
0xa5: {  	s26 =	simm.s32 $execute0_lowered;
	[smem:$0x3FD2] =	sst s25  }
0xa6: {  	s5 =	sshll.u32 s26, $0x1;
	_ =	strace $0x80000049;
	[dreg:$0x1] =	wrdreg $0xFFFFFFFF  }
0xa7: {  	s28 =	simm.s32 $_size_execute0_lowered;
	s3 =	sadd.s32 s3, s5;
	[dreg:$0x0] =	wrdreg $0x0  }
0xa8: {  	s5 =	sshll.u32 s28, $0x1;
	[dreg:$0x2] =	wrdreg s3  }
0xa9: {  	[dreg:$0x3] =	wrdreg s5  }
0xaa: {  	[dreg:$0x4] =	wrdreg $0xC0  }
0xab: {  	_ =	task [dreg:s7], $0x5FFFF  }
0xac: {  	[dreg:$0x1] =	wrdreg $0xFFFFFFFF  }
0xad: {  	[dreg:$0x0] =	wrdreg $0x60  }
0xae: {  	[dreg:$0x2] =	wrdreg s2  }
0xaf: {  	[dreg:$0x3] =	wrdreg s24  }
0xb0: {  	[dreg:$0x4] =	wrdreg $0xA8000  }
0xb1: {  	[dreg:$0x5] =	wrdreg $0x9  }
0xb2: {  	_ =	task.clear_ibuf [dreg:s7], $0x6FFFF;
	_ =	strace $0x90000049  }
0xb3: {  	s29 =	simm.s32 $0x9;
	_ =	strace $0x8000004B  }
0xb4: {  	_ =	swait.ge [sflag:s29], $0x1  }
0xb5: {  	[sflag:s29] =	ssyncadd.s32 $0xFFFFFFFF  }
0xb6: {  	_ =	strace $0x9000004B  }
0xb7: {  	_ =	sfence  }
0xb8: {  	s30 =	sld [smem:$0x0];
	_ =	sdelay $0x2  }
0xb9: {  	s31 =	sshll.u32 s1, $0xD;
	s1 =	sshrl.u32 s1, $0x2  }
0xba: {  	s3 =	sand.u32 $0x4000, s31;
	s1 =	sadd.s32 s1, s30  }
0xbb: {  	s0 =	sor.u32 s3, s0;
	s1 =	sshll.u32 s1, $0x11  }
0xbc: {  	s0 =	sor.u32 s1, s0  }
0xbd: {  	s0 =	sadd.s32 $0x8F2B, s0  }
0xbe: {  	[sflag:s0] =	ssyncadd.remote.s32 $0x1  }
0xbf: {  	_ =	sfence.sel $0xFFFF  }
0xc0: {  	[dreg:$0x0] =	wrdreg $0xFFFFFFFF;
	(pc) =	sbr.abs _section_cstart, $3  }
0xc1: {  	[dreg:$0x1] =	wrdreg $0xFFFFFFFF  }
0xc2: {  	_ =	task.clear_ibuf [dreg:s7], $0x2FFFF;
	_ =	strace $0x9FFFFFFF  }
0xc3: {  	(tm) =	ssettm $0x7FFFFFFF  }
tec
execute0_lowered:
.L_overlay_start_1:
0x0: {  	(tag) =	ssettag $0x1  }
0x1: {  	s2 =	rddreg [dreg:$0x0]  }
0x2: {  	s5 =	rddreg [dreg:$0x1]  }
0x3: {  	s3 =	rddreg [dreg:$0x2]  }
0x4: {  	s0 =	rddreg [dreg:$0x3];
	s1 =	stileid.u32  }
0x5: {  	s6 =	srdreg.scid;
	s4 =	simm.s32 $0x0;
	s16 =	simm.s32 $0x1400  }
0x6: {  	s17 =	simm.s32 $0x1;
	s18 =	simm.s32 $0x80;
	s19 =	simm.s32 $0x2800  }
0x7: {  	s20 =	simm.s32 $0x6800;
	s21 =	simm.s32 $0x2;
	s22 =	simm.s32 $0x0  }
0x8: {  	s7 =	smul.u32 $0x13800, s1;
	s6 =	sand.u32 $0x1, s6;
	[smem:$0x7FF] =	sst s4  }
0x9: {  	s9 =	sadd.s32 $0x3400, s5;
	s10 =	sadd.s32 $0xD400, s5;
	s12 =	smul.u32 $0x4E000, s1  }
0xa: {  	s8 =	smul.u32 $0x139000, s6;
	s25 =	sshll.u32 s6, $0x4;
	s6 =	ssub.s32 $0x2, s6  }
0xb: {  	_ =	strace $0x8000004A;
	s11 =	sshrl.u32 s7, $0x3;
	s26 =	sshrl.u32 s6, $0x1  }
0xc: {  	s29 =	sshrl.u32 s12, $0x2;
	s24 =	sadd.s32 s11, s5;
	s11 =	sor.u32 s1, s25  }
0xd: {  	s7 =	sadd.s32 s7, s8;
	s14 =	ssub.s32 s6, s26;
	s28 =	smul.u32 $0x2800, s11  }
0xe: {  	s15 =	sadd.s32 s29, s3;
	s7 =	sshrl.u32 s7, $0x3;
	s11 =	smul.u32 $0x500, s11  }
.Ltmp0:
0xf: {  	s12 =	smax.u32 s14, $0x1;
	s14 =	sshrl.u32 s15, $0x3;
	(pc) =	sbr.rel .LBB2_1-.Ltmp0, $4  }
0x10: {  	s15 =	simm.s32 $0x3;
	s13 =	sadd.s32 s7, s5;
	s30 =	sshrl.u32 s28, $0x3  }
0x11: {  	s6 =	sadd.s32 s9, s11;
	s7 =	sadd.s32 s10, s11;
	s31 =	sadd.s32 $0x280, s30  }
0x12: {  	s8 =	sadd.s32 s9, s31;
	s9 =	sadd.s32 s10, s31;
	s10 =	sshll.u32 s1, $0x6  }
0x13: {  	s5 =	sadd.s32 $0x17400, s24;
	s11 =	sadd.s32 $0x3E600, s13;
	s13 =	sor.u32 $0x1C01, s10  }
.LBB2_7:
0x14: {  	_ =	swait.ge [sflag:s21], $0x4000  }
0x15: {  	[sflag:s21] =	ssyncset.done $0x0  }
0x16: {  	[sflag:s21] =	ssyncadd.s32 $0xFFFFC000  }
0x17: {  	[spmem:s3] =	stream.indirect.scatter.add.f32 [tilespmem:s20], [sflag:$0x3], $0x80, s25, s18, $0xb8;
	[tilespmem:$0x1E100] =	vst v63  }
0x18: {  	_ =	swait.ge [sflag:s15], $0x4000  }
0x19: {  	s22 =	sadd.s32 $0x1, s22;
	[sflag:s15] =	ssyncset.done $0x0  }
0x1a: {  	p0 =	sne.s32 s22, s12;
	[sflag:s15] =	ssyncadd.s32 $0xFFFFC000  }
.Ltmp1:
0x1b: {  	s23 =	sor.u32 $0x1C03, s10;
	[bflag:$0x0] =	sbarrier.arrive $0xFFFF;
	(pc) =	sbr.rel @!p0 .LBB2_8-.Ltmp1, $4  }
0x1c: {  	[hbm:s11], [sflag:s23] =	dma.local [spmem:s14], $0x2900  }
0x1d: {  	_ =	swait.ge [sflag:s15], $0x2900  }
0x1e: {  	[sflag:s15] =	ssyncset.done $0x0  }
0x1f: {  	[sflag:s15] =	ssyncadd.s32 $0xFFFFD700  }
.LBB2_1:
0x20: {  	[bflag:$0x0] =	sbarrier.arrive $0xFFFF  }
0x21: {  	[spmem:s14], [sflag:s13] =	dma.local [hbm:s5], $0x2900  }
0x22: {  	[tilespmem:s4], [sflag:$0x3] =	stream.linear.gather [hbm4b:s6+s4], $0x1400, $0x38;
	[tilespmem:$0x1E100] =	vst v63  }
0x23: {  	_ =	swait.ge [sflag:s15], $0x1400  }
0x24: {  	[sflag:s15] =	ssyncset.done $0x0  }
0x25: {  	[sflag:s15] =	ssyncadd.s32 $0xFFFFEC00  }
0x26: {  	[tilespmem:s16], [sflag:$0x3] =	stream.linear.gather [hbm4b:s7+s4], $0x1400, $0x38;
	[tilespmem:$0x1E100] =	vst v63  }
0x27: {  	_ =	swait.ge [sflag:s15], $0x1400  }
0x28: {  	[sflag:s15] =	ssyncset.done $0x0  }
0x29: {  	[sflag:s15] =	ssyncadd.s32 $0xFFFFEC00  }
0x2a: {  	_ =	swait.ge [sflag:s17], $0x2900  }
0x2b: {  	[sflag:s17] =	ssyncset.done $0x0  }
0x2c: {  	[sflag:s17] =	ssyncadd.s32 $0xFFFFD700  }
0x2d: {  	[bflag:$0x0] =	sbarrier.arrive $0xFFFF  }
0x2e: {  	[tilespmem:s19], [sflag:$0x1] =	stream.indirect.gather [hbm4b:s2+s18], $0x80, s4, s18, $0xb8;
	[tilespmem:$0x1E100] =	vst v63  }
0x2f: {  	s23 =	simm.s32 $0x0  }
0x30: {  	[tilespmem:s20], [sflag:$0x2] =	stream.indirect.gather [hbm4b:s2+s18], $0x80, s18, s18, $0xb8;
	[tilespmem:$0x1E100] =	vst v63  }
.LBB2_2:
0x31: {  	_ =	swait.ge [sflag:s17], $0x4000  }
0x32: {  	s24 =	sshra.s32 s23, $0x2;
	[sflag:s17] =	ssyncset.done $0x0  }
0x33: {  	s25 =	sadd.s32 $0x1400, s24;
	[sflag:s17] =	ssyncadd.s32 $0xFFFFC000  }
0x34: {  	[spmem:s3] =	stream.indirect.scatter.add.f32 [tilespmem:s19], [sflag:$0x3], $0x80, s25, s18, $0xb8;
	[tilespmem:$0x1E100] =	vst v63  }
0x35: {  	_ =	swait.ge [sflag:s15], $0x4000  }
0x36: {  	[sflag:s15] =	ssyncset.done $0x0  }
0x37: {  	s30 =	sadd.s32 $0x100, s24;
	[sflag:s15] =	ssyncadd.s32 $0xFFFFC000  }
0x38: {  	[tilespmem:s19], [sflag:$0x1] =	stream.indirect.gather [hbm4b:s2+s18], $0x80, s30, s18, $0xb8;
	[tilespmem:$0x1E100] =	vst v63  }
0x39: {  	_ =	swait.ge [sflag:s21], $0x4000  }
0x3a: {  	[sflag:s21] =	ssyncset.done $0x0  }
0x3b: {  	s31 =	sadd.s32 $0x1480, s24;
	[sflag:s21] =	ssyncadd.s32 $0xFFFFC000  }
0x3c: {  	[spmem:s3] =	stream.indirect.scatter.add.f32 [tilespmem:s20], [sflag:$0x3], $0x80, s31, s18, $0xb8;
	[tilespmem:$0x1E100] =	vst v63  }
0x3d: {  	_ =	swait.ge [sflag:s15], $0x4000  }
0x3e: {  	[sflag:s15] =	ssyncset.done $0x0  }
0x3f: {  	s26 =	sadd.s32 $0x180, s24;
	[sflag:s15] =	ssyncadd.s32 $0xFFFFC000  }
0x40: {  	[tilespmem:s20], [sflag:$0x2] =	stream.indirect.gather [hbm4b:s2+s18], $0x80, s26, s18, $0xb8;
	[tilespmem:$0x1E100] =	vst v63  }
0x41: {  	_ =	swait.ge [sflag:s17], $0x4000  }
0x42: {  	[sflag:s17] =	ssyncset.done $0x0  }
0x43: {  	s28 =	sadd.s32 $0x1500, s24;
	[sflag:s17] =	ssyncadd.s32 $0xFFFFC000  }
0x44: {  	[spmem:s3] =	stream.indirect.scatter.add.f32 [tilespmem:s19], [sflag:$0x3], $0x80, s28, s18, $0xb8;
	[tilespmem:$0x1E100] =	vst v63  }
0x45: {  	_ =	swait.ge [sflag:s15], $0x4000  }
0x46: {  	[sflag:s15] =	ssyncset.done $0x0  }
0x47: {  	s29 =	sadd.s32 $0x200, s24;
	[sflag:s15] =	ssyncadd.s32 $0xFFFFC000  }
0x48: {  	[tilespmem:s19], [sflag:$0x1] =	stream.indirect.gather [hbm4b:s2+s18], $0x80, s29, s18, $0xb8;
	[tilespmem:$0x1E100] =	vst v63  }
0x49: {  	_ =	swait.ge [sflag:s21], $0x4000  }
0x4a: {  	[sflag:s21] =	ssyncset.done $0x0  }
0x4b: {  	s30 =	sadd.s32 $0x1580, s24;
	[sflag:s21] =	ssyncadd.s32 $0xFFFFC000  }
0x4c: {  	[spmem:s3] =	stream.indirect.scatter.add.f32 [tilespmem:s20], [sflag:$0x3], $0x80, s30, s18, $0xb8;
	[tilespmem:$0x1E100] =	vst v63  }
0x4d: {  	_ =	swait.ge [sflag:s15], $0x4000  }
0x4e: {  	[sflag:s15] =	ssyncset.done $0x0  }
0x4f: {  	s31 =	sadd.s32 $0x280, s24;
	[sflag:s15] =	ssyncadd.s32 $0xFFFFC000  }
0x50: {  	[tilespmem:s20], [sflag:$0x2] =	stream.indirect.gather [hbm4b:s2+s18], $0x80, s31, s18, $0xb8;
	[tilespmem:$0x1E100] =	vst v63  }
0x51: {  	_ =	swait.ge [sflag:s17], $0x4000  }
0x52: {  	[sflag:s17] =	ssyncset.done $0x0  }
0x53: {  	s26 =	sadd.s32 $0x1600, s24;
	[sflag:s17] =	ssyncadd.s32 $0xFFFFC000  }
0x54: {  	[spmem:s3] =	stream.indirect.scatter.add.f32 [tilespmem:s19], [sflag:$0x3], $0x80, s26, s18, $0xb8;
	[tilespmem:$0x1E100] =	vst v63  }
0x55: {  	_ =	swait.ge [sflag:s15], $0x4000  }
0x56: {  	[sflag:s15] =	ssyncset.done $0x0  }
0x57: {  	s28 =	sadd.s32 $0x300, s24;
	[sflag:s15] =	ssyncadd.s32 $0xFFFFC000  }
0x58: {  	[tilespmem:s19], [sflag:$0x1] =	stream.indirect.gather [hbm4b:s2+s18], $0x80, s28, s18, $0xb8;
	[tilespmem:$0x1E100] =	vst v63  }
0x59: {  	_ =	swait.ge [sflag:s21], $0x4000  }
0x5a: {  	[sflag:s21] =	ssyncset.done $0x0  }
0x5b: {  	s29 =	sadd.s32 $0x1680, s24;
	[sflag:s21] =	ssyncadd.s32 $0xFFFFC000  }
0x5c: {  	[spmem:s3] =	stream.indirect.scatter.add.f32 [tilespmem:s20], [sflag:$0x3], $0x80, s29, s18, $0xb8;
	[tilespmem:$0x1E100] =	vst v63  }
0x5d: {  	_ =	swait.ge [sflag:s15], $0x4000  }
0x5e: {  	[sflag:s15] =	ssyncset.done $0x0  }
0x5f: {  	s30 =	sadd.s32 $0x380, s24;
	[sflag:s15] =	ssyncadd.s32 $0xFFFFC000  }
0x60: {  	[tilespmem:s20], [sflag:$0x2] =	stream.indirect.gather [hbm4b:s2+s18], $0x80, s30, s18, $0xb8;
	[tilespmem:$0x1E100] =	vst v63  }
0x61: {  	_ =	swait.ge [sflag:s17], $0x4000  }
0x62: {  	p0 =	seq.s32 s23, $0x4000;
	[sflag:s17] =	ssyncset.done $0x0  }
.Ltmp2:
0x63: {  	s31 =	sadd.s32 $0x1700, s24;
	[sflag:s17] =	ssyncadd.s32 $0xFFFFC000;
	(pc) =	sbr.rel @p0 .LBB2_4-.Ltmp2, $4  }
0x64: {  	[spmem:s3] =	stream.indirect.scatter.add.f32 [tilespmem:s19], [sflag:$0x3], $0x80, s31, s18, $0xb8;
	[tilespmem:$0x1E100] =	vst v63  }
0x65: {  	_ =	swait.ge [sflag:s15], $0x4000  }
0x66: {  	[sflag:s15] =	ssyncset.done $0x0  }
0x67: {  	s25 =	sadd.s32 $0x1780, s24;
	[sflag:s15] =	ssyncadd.s32 $0xFFFFC000  }
0x68: {  	s26 =	sadd.s32 $0x400, s24  }
0x69: {  	[tilespmem:s19], [sflag:$0x1] =	stream.indirect.gather [hbm4b:s2+s18], $0x80, s26, s18, $0xb8;
	[tilespmem:$0x1E100] =	vst v63  }
0x6a: {  	_ =	swait.ge [sflag:s21], $0x4000  }
0x6b: {  	[sflag:s21] =	ssyncset.done $0x0  }
0x6c: {  	[sflag:s21] =	ssyncadd.s32 $0xFFFFC000  }
0x6d: {  	[spmem:s3] =	stream.indirect.scatter.add.f32 [tilespmem:s20], [sflag:$0x3], $0x80, s25, s18, $0xb8;
	[tilespmem:$0x1E100] =	vst v63  }
.Ltmp3:
0x6e: {  	_ = 	snop;
	(pc) =	sbr.rel .LBB2_2-.Ltmp3, $4  }
0x6f: {  	_ =	swait.ge [sflag:s15], $0x4000  }
0x70: {  	[sflag:s15] =	ssyncset.done $0x0  }
0x71: {  	s31 =	sadd.s32 $0x480, s24;
	s23 =	sadd.s32 $0x1000, s23;
	[sflag:s15] =	ssyncadd.s32 $0xFFFFC000  }
0x72: {  	[tilespmem:s20], [sflag:$0x2] =	stream.indirect.gather [hbm4b:s2+s18], $0x80, s31, s18, $0xb8;
	[tilespmem:$0x1E100] =	vst v63  }
.LBB2_4:
0x73: {  	_ =	swait.ge [sflag:s21], $0x4000  }
0x74: {  	[sflag:s21] =	ssyncset.done $0x0  }
0x75: {  	[sflag:s21] =	ssyncadd.s32 $0xFFFFC000  }
0x76: {  	[spmem:s3] =	stream.indirect.scatter.add.f32 [tilespmem:s20], [sflag:$0x3], $0x80, s25, s18, $0xb8;
	[tilespmem:$0x1E100] =	vst v63  }
0x77: {  	_ =	swait.ge [sflag:s15], $0x4000  }
0x78: {  	[sflag:s15] =	ssyncset.done $0x0  }
0x79: {  	s23 =	simm.s32 $0x0;
	[sflag:s15] =	ssyncadd.s32 $0xFFFFC000  }
0x7a: {  	[tilespmem:s23], [sflag:$0x3] =	stream.linear.gather [hbm4b:s8+s23], $0x1400, $0x38;
	[tilespmem:$0x1E100] =	vst v63  }
0x7b: {  	_ =	swait.ge [sflag:s15], $0x1400  }
0x7c: {  	[sflag:s15] =	ssyncset.done $0x0  }
0x7d: {  	[sflag:s15] =	ssyncadd.s32 $0xFFFFEC00  }
0x7e: {  	[tilespmem:s16], [sflag:$0x3] =	stream.linear.gather [hbm4b:s9+s23], $0x1400, $0x38;
	[tilespmem:$0x1E100] =	vst v63  }
0x7f: {  	_ =	swait.ge [sflag:s15], $0x1400  }
0x80: {  	[sflag:s15] =	ssyncset.done $0x0  }
0x81: {  	[sflag:s15] =	ssyncadd.s32 $0xFFFFEC00  }
0x82: {  	[tilespmem:s19], [sflag:$0x1] =	stream.indirect.gather [hbm4b:s2+s18], $0x80, s23, s18, $0xb8;
	[tilespmem:$0x1E100] =	vst v63  }
0x83: {  	_ = 	snop  }
0x84: {  	[tilespmem:s20], [sflag:$0x2] =	stream.indirect.gather [hbm4b:s2+s18], $0x80, s18, s18, $0xb8;
	[tilespmem:$0x1E100] =	vst v63  }
.LBB2_5:
0x85: {  	_ =	swait.ge [sflag:s17], $0x4000  }
0x86: {  	s24 =	sshra.s32 s23, $0x2;
	[sflag:s17] =	ssyncset.done $0x0  }
0x87: {  	s25 =	sadd.s32 $0x1400, s24;
	[sflag:s17] =	ssyncadd.s32 $0xFFFFC000  }
0x88: {  	[spmem:s3] =	stream.indirect.scatter.add.f32 [tilespmem:s19], [sflag:$0x3], $0x80, s25, s18, $0xb8;
	[tilespmem:$0x1E100] =	vst v63  }
0x89: {  	_ =	swait.ge [sflag:s15], $0x4000  }
0x8a: {  	[sflag:s15] =	ssyncset.done $0x0  }
0x8b: {  	s30 =	sadd.s32 $0x100, s24;
	[sflag:s15] =	ssyncadd.s32 $0xFFFFC000  }
0x8c: {  	[tilespmem:s19], [sflag:$0x1] =	stream.indirect.gather [hbm4b:s2+s18], $0x80, s30, s18, $0xb8;
	[tilespmem:$0x1E100] =	vst v63  }
0x8d: {  	_ =	swait.ge [sflag:s21], $0x4000  }
0x8e: {  	[sflag:s21] =	ssyncset.done $0x0  }
0x8f: {  	s31 =	sadd.s32 $0x1480, s24;
	[sflag:s21] =	ssyncadd.s32 $0xFFFFC000  }
0x90: {  	[spmem:s3] =	stream.indirect.scatter.add.f32 [tilespmem:s20], [sflag:$0x3], $0x80, s31, s18, $0xb8;
	[tilespmem:$0x1E100] =	vst v63  }
0x91: {  	_ =	swait.ge [sflag:s15], $0x4000  }
0x92: {  	[sflag:s15] =	ssyncset.done $0x0  }
0x93: {  	s26 =	sadd.s32 $0x180, s24;
	[sflag:s15] =	ssyncadd.s32 $0xFFFFC000  }
0x94: {  	[tilespmem:s20], [sflag:$0x2] =	stream.indirect.gather [hbm4b:s2+s18], $0x80, s26, s18, $0xb8;
	[tilespmem:$0x1E100] =	vst v63  }
0x95: {  	_ =	swait.ge [sflag:s17], $0x4000  }
0x96: {  	[sflag:s17] =	ssyncset.done $0x0  }
0x97: {  	s28 =	sadd.s32 $0x1500, s24;
	[sflag:s17] =	ssyncadd.s32 $0xFFFFC000  }
0x98: {  	[spmem:s3] =	stream.indirect.scatter.add.f32 [tilespmem:s19], [sflag:$0x3], $0x80, s28, s18, $0xb8;
	[tilespmem:$0x1E100] =	vst v63  }
0x99: {  	_ =	swait.ge [sflag:s15], $0x4000  }
0x9a: {  	[sflag:s15] =	ssyncset.done $0x0  }
0x9b: {  	s29 =	sadd.s32 $0x200, s24;
	[sflag:s15] =	ssyncadd.s32 $0xFFFFC000  }
0x9c: {  	[tilespmem:s19], [sflag:$0x1] =	stream.indirect.gather [hbm4b:s2+s18], $0x80, s29, s18, $0xb8;
	[tilespmem:$0x1E100] =	vst v63  }
0x9d: {  	_ =	swait.ge [sflag:s21], $0x4000  }
0x9e: {  	[sflag:s21] =	ssyncset.done $0x0  }
0x9f: {  	s30 =	sadd.s32 $0x1580, s24;
	[sflag:s21] =	ssyncadd.s32 $0xFFFFC000  }
0xa0: {  	[spmem:s3] =	stream.indirect.scatter.add.f32 [tilespmem:s20], [sflag:$0x3], $0x80, s30, s18, $0xb8;
	[tilespmem:$0x1E100] =	vst v63  }
0xa1: {  	_ =	swait.ge [sflag:s15], $0x4000  }
0xa2: {  	[sflag:s15] =	ssyncset.done $0x0  }
0xa3: {  	s31 =	sadd.s32 $0x280, s24;
	[sflag:s15] =	ssyncadd.s32 $0xFFFFC000  }
0xa4: {  	[tilespmem:s20], [sflag:$0x2] =	stream.indirect.gather [hbm4b:s2+s18], $0x80, s31, s18, $0xb8;
	[tilespmem:$0x1E100] =	vst v63  }
0xa5: {  	_ =	swait.ge [sflag:s17], $0x4000  }
0xa6: {  	[sflag:s17] =	ssyncset.done $0x0  }
0xa7: {  	s26 =	sadd.s32 $0x1600, s24;
	[sflag:s17] =	ssyncadd.s32 $0xFFFFC000  }
0xa8: {  	[spmem:s3] =	stream.indirect.scatter.add.f32 [tilespmem:s19], [sflag:$0x3], $0x80, s26, s18, $0xb8;
	[tilespmem:$0x1E100] =	vst v63  }
0xa9: {  	_ =	swait.ge [sflag:s15], $0x4000  }
0xaa: {  	[sflag:s15] =	ssyncset.done $0x0  }
0xab: {  	s28 =	sadd.s32 $0x300, s24;
	[sflag:s15] =	ssyncadd.s32 $0xFFFFC000  }
0xac: {  	[tilespmem:s19], [sflag:$0x1] =	stream.indirect.gather [hbm4b:s2+s18], $0x80, s28, s18, $0xb8;
	[tilespmem:$0x1E100] =	vst v63  }
0xad: {  	_ =	swait.ge [sflag:s21], $0x4000  }
0xae: {  	[sflag:s21] =	ssyncset.done $0x0  }
0xaf: {  	s29 =	sadd.s32 $0x1680, s24;
	[sflag:s21] =	ssyncadd.s32 $0xFFFFC000  }
0xb0: {  	[spmem:s3] =	stream.indirect.scatter.add.f32 [tilespmem:s20], [sflag:$0x3], $0x80, s29, s18, $0xb8;
	[tilespmem:$0x1E100] =	vst v63  }
0xb1: {  	_ =	swait.ge [sflag:s15], $0x4000  }
0xb2: {  	[sflag:s15] =	ssyncset.done $0x0  }
0xb3: {  	s30 =	sadd.s32 $0x380, s24;
	[sflag:s15] =	ssyncadd.s32 $0xFFFFC000  }
0xb4: {  	[tilespmem:s20], [sflag:$0x2] =	stream.indirect.gather [hbm4b:s2+s18], $0x80, s30, s18, $0xb8;
	[tilespmem:$0x1E100] =	vst v63  }
0xb5: {  	_ =	swait.ge [sflag:s17], $0x4000  }
0xb6: {  	p0 =	seq.s32 s23, $0x4000;
	[sflag:s17] =	ssyncset.done $0x0  }
.Ltmp4:
0xb7: {  	s31 =	sadd.s32 $0x1700, s24;
	[sflag:s17] =	ssyncadd.s32 $0xFFFFC000;
	(pc) =	sbr.rel @p0 .LBB2_7-.Ltmp4, $4  }
0xb8: {  	[spmem:s3] =	stream.indirect.scatter.add.f32 [tilespmem:s19], [sflag:$0x3], $0x80, s31, s18, $0xb8;
	[tilespmem:$0x1E100] =	vst v63  }
0xb9: {  	_ =	swait.ge [sflag:s15], $0x4000  }
0xba: {  	[sflag:s15] =	ssyncset.done $0x0  }
0xbb: {  	s25 =	sadd.s32 $0x1780, s24;
	[sflag:s15] =	ssyncadd.s32 $0xFFFFC000  }
0xbc: {  	s26 =	sadd.s32 $0x400, s24  }
0xbd: {  	[tilespmem:s19], [sflag:$0x1] =	stream.indirect.gather [hbm4b:s2+s18], $0x80, s26, s18, $0xb8;
	[tilespmem:$0x1E100] =	vst v63  }
0xbe: {  	_ =	swait.ge [sflag:s21], $0x4000  }
0xbf: {  	[sflag:s21] =	ssyncset.done $0x0  }
0xc0: {  	[sflag:s21] =	ssyncadd.s32 $0xFFFFC000  }
0xc1: {  	[spmem:s3] =	stream.indirect.scatter.add.f32 [tilespmem:s20], [sflag:$0x3], $0x80, s25, s18, $0xb8;
	[tilespmem:$0x1E100] =	vst v63  }
.Ltmp5:
0xc2: {  	_ = 	snop;
	(pc) =	sbr.rel .LBB2_5-.Ltmp5, $4  }
0xc3: {  	_ =	swait.ge [sflag:s15], $0x4000  }
0xc4: {  	[sflag:s15] =	ssyncset.done $0x0  }
0xc5: {  	s31 =	sadd.s32 $0x480, s24;
	s23 =	sadd.s32 $0x1000, s23;
	[sflag:s15] =	ssyncadd.s32 $0xFFFFC000  }
0xc6: {  	[tilespmem:s20], [sflag:$0x2] =	stream.indirect.gather [hbm4b:s2+s18], $0x80, s31, s18, $0xb8;
	[tilespmem:$0x1E100] =	vst v63  }
.LBB2_8:
0xc7: {  	_ =	sfence.sel $0x180000  }
0xc8: {  	[bflag:$0x0] =	sbarrier.arrive $0xFFFF  }
0xc9: {  	p0 =	sne.s32 s1, $0x0;
	_ =	strace $0x9000004A  }
0xca: {  	s0 =	sadd.s32 @!p0 $0x100000, s0;
	[bflag:$0x2] =	sbarrier.arrive $0xFFFF  }
0xcb: {  	[sflag:s0] =	ssyncadd.tile.s32 @!p0 $0x1;
	_ =	shalt  }
.Lfunc_end2:
_tile_overlayer_lowered:
.L_overlay_start_2:
0xcc: {  	(tag) =	ssettag $0x2  }
0xcd: {  	s0 =	rddreg [dreg:$0x0];
	s2 =	stileid.u32  }
0xce: {  	s1 =	rddreg [dreg:$0x1];
	p0 =	sne.s32 s2, $0x0  }
0xcf: {  	s3 =	rddreg [dreg:$0x2];
	[bflag:$0x3] =	sbarrier.arrive $0xFFFF;
	s2 =	simm.s32 @!p0 $0x1C03  }
0xd0: {  	[timem:s3], [sflag:s2] =	dma.local @!p0 [hbm:s0], s1  }
0xd1: {  	s0 =	simm.s32 @!p0 $0x3  }
0xd2: {  	_ =	swait.ge @!p0 [sflag:s0], s1  }
0xd3: {  	s1 =	ssub.s32 @!p0 $0x0, s1;
	[sflag:s0] =	ssyncset.done @!p0 $0x0  }
0xd4: {  	[sflag:s0] =	ssyncadd.s32 @!p0 s1  }
0xd5: {  	[bflag:$0x3] =	sbarrier.arrive $0xFFFF  }
0xd6: {  	_ =	shalt  }

</sc_bundles>
